<compile_context>
chip_gen: v7x
topology: tpu7x:2x2x1
jax: 0.10.2.dev20260603
libtpu: 0.0.44.dev20260713+nightly
codegen_flags: <defaults>
</compile_context>

<pallas_src>
import functools

import jax
import jax.numpy as jnp
from jax import lax
from jax.experimental import pallas as pl
from jax.experimental.pallas import tpu as pltpu
from jax.experimental.pallas import tpu_sc as plsc

VOCAB_SIZE = 1000000
HIDDEN = 32
BATCH = 4096
HIST = 200

NUM_CORES = 2
NUM_SUBCORES = 16
NW = NUM_CORES * NUM_SUBCORES
NBG = BATCH // 128
NHG = HIDDEN // 8


NCOL_FULL = 7812
COLS_PER_W = NCOL_FULL // NW
NBUF_F = 4


def _fmt_body(w3_hbm, wtail_hbm, w4_hbm, sbuf, rowbuf, tbuf, ssems, osems):
    w = lax.axis_index("s") * NUM_CORES + lax.axis_index("c")
    base = w * COLS_PER_W

    lane = lax.iota(jnp.int32, 16)
    hm_idx = lane & 7
    hg_sel = [lane >> 3, (lane >> 3) + 2]

    def start_stage(c, b):
        for hg in range(NHG):
            pltpu.async_copy(
                w3_hbm.at[hg, :, pl.ds(c * 128, 128)],
                sbuf.at[b, hg, :, pl.ds(0, 128)],
                ssems[b],
            )

    def wait_stage(c, b):
        for hg in range(NHG):
            pltpu.make_async_copy(
                w3_hbm.at[hg, :, pl.ds(c * 128, 128)],
                sbuf.at[b, hg, :, pl.ds(0, 128)],
                ssems[b],
            ).wait()

    def transpose_col(b):
        @plsc.parallel_loop(0, 128, 1, unroll=8)
        def _vm(vm):
            vm_vec = jnp.full((16,), 0, jnp.int32) + vm
            for hh in range(2):
                vals = plsc.load_gather(sbuf.at[b], [hg_sel[hh], hm_idx, vm_vec])
                rowbuf[b, vm >> 2, pl.ds((vm & 3) * 32 + hh * 16, 16)] = vals

    def out_dmas(b, c, start):
        src = rowbuf.at[b]
        dst = w4_hbm.at[pl.ds(32 * c, 32)]
        if start:
            pltpu.async_copy(src, dst, osems[b])
        else:
            pltpu.make_async_copy(src, dst, osems[b]).wait()

    for b in range(NBUF_F):
        start_stage(base + b, b)

    @pl.loop(0, COLS_PER_W, step=NBUF_F)
    def _c2(i0):
        for b in range(NBUF_F):
            c = base + i0 + b
            wait_stage(c, b)

            @pl.when(i0 + b >= NBUF_F)
            def _():
                out_dmas(b, c - NBUF_F, start=False)

            transpose_col(b)
            out_dmas(b, c, start=True)

            @pl.when(i0 + b + NBUF_F < COLS_PER_W)
            def _():
                start_stage(c + NBUF_F, b)

    for b in range(NBUF_F):
        out_dmas(b, base + COLS_PER_W - NBUF_F + b, start=False)

    @pl.when(w < 4)
    def _extra():
        c = NW * COLS_PER_W + w
        start_stage(c, 0)
        wait_stage(c, 0)
        transpose_col(0)
        out_dmas(0, c, start=True)
        out_dmas(0, c, start=False)

    @pl.when(w == 4)
    def _tail():
        pltpu.sync_copy(wtail_hbm, tbuf)
        pltpu.sync_copy(tbuf, w4_hbm.at[pl.ds(32 * NCOL_FULL, 16)])


def _gather_body(idx_hbm, table_hbm, out_hbm, idx_v, rbuf, obuf, gsems, osems):
    w = lax.axis_index("s") * NUM_CORES + lax.axis_index("c")
    pltpu.sync_copy(idx_hbm.at[:, w], idx_v)

    lane = lax.iota(jnp.int32, 16)
    hm_idx = lane & 7
    hg_sel = [lane >> 3, (lane >> 3) + 2]

    def start_gather(t, b):
        pltpu.async_copy(table_hbm.at[idx_v.at[t]], rbuf.at[b], gsems[b])

    start_gather(0, 0)
    start_gather(1, 1)

    def out_slice(t):
        return out_hbm.at[t, :, w]

    def obuf_slice(b):
        return obuf.at[b, :, :, pl.ds(0, 128)]

    @pl.loop(0, HIST, step=2)
    def _t2(t0):
        for b in range(2):
            t = t0 + b
            pltpu.make_async_copy(table_hbm.at[idx_v.at[t]], rbuf.at[b], gsems[b]).wait()
            @pl.when(t >= 2)
            def _():
                pltpu.make_async_copy(obuf_slice(b), out_slice(t), osems[b]).wait()

            @plsc.parallel_loop(0, 128, 1, unroll=8)
            def _bm(bm):
                bm_vec = jnp.full((16,), 0, jnp.int32) + bm
                for hh in range(2):
                    vals = rbuf[b, bm, pl.ds(hh * 16, 16)]
                    plsc.store_scatter(
                        obuf.at[b], [hg_sel[hh], hm_idx, bm_vec], vals
                    )

            pltpu.async_copy(obuf_slice(b), out_slice(t), osems[b])

            @pl.when(t + 2 < HIST)
            def _():
                start_gather(t + 2, b)

    for b in range(2):
        pltpu.make_async_copy(obuf_slice(b), out_slice(HIST - 2 + b), osems[b]).wait()


def _format_call(w3, wtail):
    mesh = plsc.VectorSubcoreMesh(core_axis_name="c", subcore_axis_name="s")
    k = functools.partial(
        pl.kernel,
        out_type=jax.ShapeDtypeStruct((250000, 128), jnp.float32),
        mesh=mesh,
        scratch_types=[
            pltpu.VMEM((NBUF_F, NHG, 8, 129), jnp.float32),
            pltpu.VMEM((NBUF_F, 32, 128), jnp.float32),
            pltpu.VMEM((16, 128), jnp.float32),
            [pltpu.SemaphoreType.DMA] * NBUF_F,
            [pltpu.SemaphoreType.DMA] * NBUF_F,
        ],
        compiler_params=pltpu.CompilerParams(
            use_tc_tiling_on_sc=True, needs_layout_passes=False
        ),
    )(_fmt_body)
    return k(w3, wtail)


def _gather_call(idx3, table):
    mesh = plsc.VectorSubcoreMesh(core_axis_name="c", subcore_axis_name="s")
    k = functools.partial(
        pl.kernel,
        out_type=jax.ShapeDtypeStruct((HIST, NHG, NBG, 8, 128), jnp.float32),
        mesh=mesh,
        scratch_types=[
            pltpu.VMEM((HIST, 128), jnp.int32),
            pltpu.VMEM((2, 128, HIDDEN), jnp.float32),
            pltpu.VMEM((2, NHG, 8, 129), jnp.float32),
            [pltpu.SemaphoreType.DMA] * 2,
            [pltpu.SemaphoreType.DMA] * 2,
        ],
        compiler_params=pltpu.CompilerParams(
            use_tc_tiling_on_sc=False, needs_layout_passes=False
        ),
    )(_gather_body)
    return k(idx3, table)


@jax.jit
def _run(x, weight):
    idx3 = jnp.transpose(x).reshape(HIST, NBG, 128).astype(jnp.int32)
    w3 = jnp.transpose(weight).reshape(NHG, 8, VOCAB_SIZE)
    wtail = weight[NCOL_FULL * 128:].reshape(16, 128)
    w4 = _format_call(w3, wtail)
    w5 = w4.reshape(VOCAB_SIZE, HIDDEN)
    out5 = _gather_call(idx3, w5)
    return out5.transpose(2, 4, 0, 1, 3).reshape(BATCH, HIST, HIDDEN)


def kernel(x, weight):
    return _run(x, weight)

# --- scband reference (transcript-rebuilt; emitter-appended) ---
"""Pipeline reference for scband-embedding-40338332844749 (READ-ONLY COPY).

The authoritative reference and input builder live on the scoring server;
editing this copy changes nothing except your own understanding.
"""

import jax, jax.numpy as jnp
import numpy as np

VOCAB_SIZE = 1000000
HIDDEN_SIZE = 32
BATCH = 4096
HIST_LEN = 200


def setup_inputs(seed: int = 0) -> dict:
    key = jax.random.key(seed)
    k_w, k_x = jax.random.split(key)
    weight = jax.random.normal(k_w, (VOCAB_SIZE, HIDDEN_SIZE), dtype=jnp.float32) * 0.02
    x = jax.random.randint(k_x, (BATCH, HIST_LEN), 0, VOCAB_SIZE, dtype=jnp.int64 if jax.config.jax_enable_x64 else jnp.int32)
    return {"x": x, "weight": weight}


def reference(x, weight):
    # Embedding.__call__: return self.weight[x]
    return weight[x]

if __name__ == "__main__":
    import jax
    _d = setup_inputs()
    print(jax.jit(kernel)(*tuple(_d.values())))

</pallas_src>

<mosaic_0001>
#map = affine_map<(d0, d1) -> (0, 0, 0)>
#map1 = affine_map<(d0, d1) -> (0, 0)>
#map2 = affine_map<(d0, d1) -> (0, 0, 0, 0, 0)>
module attributes {stable_mosaic.version = 14 : i64} {
  func.func @_gather_body(%arg0: i32, %arg1: i32, %arg2: memref<200x32x128xi32, #tpu.memory_space<hbm>>, %arg3: memref<1000000x32xf32, #tpu.memory_space<hbm>>, %arg4: memref<200x4x32x8x128xf32, #tpu.memory_space<hbm>>, %arg5: memref<200x128xi32, #tpu.memory_space<vmem>>, %arg6: memref<2x128x32xf32, #tpu.memory_space<vmem>>, %arg7: memref<2x4x8x129xf32, #tpu.memory_space<vmem>>, %arg8: memref<!tpu.dma_semaphore, #tpu.memory_space<semaphore_mem>>, %arg9: memref<!tpu.dma_semaphore, #tpu.memory_space<semaphore_mem>>, %arg10: memref<!tpu.dma_semaphore, #tpu.memory_space<semaphore_mem>>, %arg11: memref<!tpu.dma_semaphore, #tpu.memory_space<semaphore_mem>>) attributes {dimension_semantics = [#tpu.dimension_semantics<core_parallel>, #tpu.dimension_semantics<subcore_parallel>], iteration_bounds = array<i64: 2, 16>, scalar_prefetch = 0 : i64, scratch_operands = 7 : i64, tpu.core_type = #tpu.core_type<sc_vector_subcore>, window_params = [{transform_indices = #map}, {transform_indices = #map1}, {transform_indices = #map2}]} {
    %mul3A = arith.constant 2 : i32
    %mul3A_0 = arith.muli %arg1, %mul3A : i32
    %add3A = arith.addi %mul3A_0, %arg0 : i32
    "tpu.region"() ({
      %run_scoped3A = tpu.sem_alloc : memref<!tpu.dma_semaphore, #tpu.memory_space<semaphore_mem>>
      %dma_start3A_81 = arith.constant 0 : i32
      %dma_start3A_82 = arith.constant 0 : i32
      %dma_start3A_83 = tpu.memref_slice %arg2[%dma_start3A_81, %add3A, %dma_start3A_82] : memref<200x32x128xi32, #tpu.memory_space<hbm>> -> memref<200x1x128xi32, #tpu.memory_space<hbm>>
      %dma_start3A_84 = tpu.memref_squeeze %dma_start3A_83 : memref<200x1x128xi32, #tpu.memory_space<hbm>> -> memref<200x128xi32, #tpu.memory_space<hbm>>
      %dma_start3A_85 = arith.constant 0 : i32
      %dma_start3A_86 = arith.constant 0 : i32
      %dma_start3A_87 = tpu.memref_slice %arg2[%dma_start3A_85, %add3A, %dma_start3A_86] : memref<200x32x128xi32, #tpu.memory_space<hbm>> -> memref<200x1x128xi32, #tpu.memory_space<hbm>>
      %dma_start3A_88 = tpu.memref_squeeze %dma_start3A_87 : memref<200x1x128xi32, #tpu.memory_space<hbm>> -> memref<200x128xi32, #tpu.memory_space<hbm>>
      tpu.enqueue_dma source(%dma_start3A_88 : memref<200x128xi32, #tpu.memory_space<hbm>>) target(%arg5 : memref<200x128xi32, #tpu.memory_space<vmem>>) target_semaphore(%run_scoped3A : memref<!tpu.dma_semaphore, #tpu.memory_space<semaphore_mem>>)
      %dma_wait3A_89 = arith.constant 0 : i32
      %dma_wait3A_90 = arith.constant 0 : i32
      %dma_wait3A_91 = tpu.memref_slice %arg2[%dma_wait3A_89, %add3A, %dma_wait3A_90] : memref<200x32x128xi32, #tpu.memory_space<hbm>> -> memref<200x1x128xi32, #tpu.memory_space<hbm>>
      %dma_wait3A_92 = tpu.memref_squeeze %dma_wait3A_91 : memref<200x1x128xi32, #tpu.memory_space<hbm>> -> memref<200x128xi32, #tpu.memory_space<hbm>>
      %dma_wait3A_93 = arith.constant 0 : i32
      %dma_wait3A_94 = arith.constant 0 : i32
      %dma_wait3A_95 = tpu.memref_slice %arg2[%dma_wait3A_93, %add3A, %dma_wait3A_94] : memref<200x32x128xi32, #tpu.memory_space<hbm>> -> memref<200x1x128xi32, #tpu.memory_space<hbm>>
      %dma_wait3A_96 = tpu.memref_squeeze %dma_wait3A_95 : memref<200x1x128xi32, #tpu.memory_space<hbm>> -> memref<200x128xi32, #tpu.memory_space<hbm>>
      tpu.wait_dma2 semaphore(%run_scoped3A : memref<!tpu.dma_semaphore, #tpu.memory_space<semaphore_mem>>) src(%dma_wait3A_96 : memref<200x128xi32, #tpu.memory_space<hbm>>) dst(%arg5 : memref<200x128xi32, #tpu.memory_space<vmem>>)
      tpu.yield
    }) : () -> ()
    %iota3A = tpu.iota {dimensions = array<i32: 0>} : vector<16xi32>
    %and3A = arith.constant 7 : i32
    %and3A_1 = vector.broadcast %and3A : i32 to vector<16xi32>
    %and3A_2 = arith.andi %iota3A, %and3A_1 : vector<16xi32>
    %shift_right_arithmetic3A = arith.constant 3 : i32
    %shift_right_arithmetic3A_3 = vector.broadcast %shift_right_arithmetic3A : i32 to vector<16xi32>
    %shift_right_arithmetic3A_4 = arith.shrsi %iota3A, %shift_right_arithmetic3A_3 : vector<16xi32>
    %shift_right_arithmetic3A_5 = arith.constant 3 : i32
    %shift_right_arithmetic3A_6 = vector.broadcast %shift_right_arithmetic3A_5 : i32 to vector<16xi32>
    %shift_right_arithmetic3A_7 = arith.shrsi %iota3A, %shift_right_arithmetic3A_6 : vector<16xi32>
    %add3A_8 = arith.constant 2 : i32
    %add3A_9 = vector.broadcast %add3A_8 : i32 to vector<16xi32>
    %add3A_10 = arith.addi %shift_right_arithmetic3A_7, %add3A_9 : vector<16xi32>
    %dma_start3A = arith.constant 0 : i32
    %dma_start3A_11 = arith.constant 0 : i32
    %dma_start3A_12 = arith.constant 0 : i32
    %dma_start3A_13 = arith.constant 0 : i32
    %dma_start3A_14 = tpu.memref_slice %arg6[%dma_start3A_11, %dma_start3A_12, %dma_start3A_13] : memref<2x128x32xf32, #tpu.memory_space<vmem>> -> memref<1x128x32xf32, #tpu.memory_space<vmem>>
    %dma_start3A_15 = tpu.memref_squeeze %dma_start3A_14 : memref<1x128x32xf32, #tpu.memory_space<vmem>> -> memref<128x32xf32, #tpu.memory_space<vmem>>
    %dma_start3A_16 = arith.constant 0 : i32
    %dma_start3A_17 = tpu.memref_slice %arg5[%dma_start3A, %dma_start3A_16] : memref<200x128xi32, #tpu.memory_space<vmem>> -> memref<1x128xi32, #tpu.memory_space<vmem>>
    %dma_start3A_18 = tpu.memref_squeeze %dma_start3A_17 : memref<1x128xi32, #tpu.memory_space<vmem>> -> memref<128xi32, #tpu.memory_space<vmem>>
    %dma_start3A_19 = arith.constant 0 : i32
    %dma_start3A_20 = arith.constant 0 : i32
    %dma_start3A_21 = tpu.memref_slice %arg3[%dma_start3A_19, %dma_start3A_20] : memref<1000000x32xf32, #tpu.memory_space<hbm>> -> memref<1000000x32xf32, #tpu.memory_space<hbm>>
    tpu.enqueue_indirect_dma source(%dma_start3A_21 : memref<1000000x32xf32, #tpu.memory_space<hbm>>) target(%dma_start3A_15 : memref<128x32xf32, #tpu.memory_space<vmem>>) offsets(%dma_start3A_18 : memref<128xi32, #tpu.memory_space<vmem>>) semaphore(%arg8 : memref<!tpu.dma_semaphore, #tpu.memory_space<semaphore_mem>>)
    %dma_start3A_22 = arith.constant 1 : i32
    %dma_start3A_23 = arith.constant 1 : i32
    %dma_start3A_24 = arith.constant 0 : i32
    %dma_start3A_25 = arith.constant 0 : i32
    %dma_start3A_26 = tpu.memref_slice %arg6[%dma_start3A_23, %dma_start3A_24, %dma_start3A_25] : memref<2x128x32xf32, #tpu.memory_space<vmem>> -> memref<1x128x32xf32, #tpu.memory_space<vmem>>
    %dma_start3A_27 = tpu.memref_squeeze %dma_start3A_26 : memref<1x128x32xf32, #tpu.memory_space<vmem>> -> memref<128x32xf32, #tpu.memory_space<vmem>>
    %dma_start3A_28 = arith.constant 0 : i32
    %dma_start3A_29 = tpu.memref_slice %arg5[%dma_start3A_22, %dma_start3A_28] : memref<200x128xi32, #tpu.memory_space<vmem>> -> memref<1x128xi32, #tpu.memory_space<vmem>>
    %dma_start3A_30 = tpu.memref_squeeze %dma_start3A_29 : memref<1x128xi32, #tpu.memory_space<vmem>> -> memref<128xi32, #tpu.memory_space<vmem>>
    %dma_start3A_31 = arith.constant 0 : i32
    %dma_start3A_32 = arith.constant 0 : i32
    %dma_start3A_33 = tpu.memref_slice %arg3[%dma_start3A_31, %dma_start3A_32] : memref<1000000x32xf32, #tpu.memory_space<hbm>> -> memref<1000000x32xf32, #tpu.memory_space<hbm>>
    tpu.enqueue_indirect_dma source(%dma_start3A_33 : memref<1000000x32xf32, #tpu.memory_space<hbm>>) target(%dma_start3A_27 : memref<128x32xf32, #tpu.memory_space<vmem>>) offsets(%dma_start3A_30 : memref<128xi32, #tpu.memory_space<vmem>>) semaphore(%arg9 : memref<!tpu.dma_semaphore, #tpu.memory_space<semaphore_mem>>)
    %scan3A = arith.constant 0 : i32
    %scan3A_34 = arith.constant 100 : i32
    %scan3A_35 = arith.addi %scan3A, %scan3A_34 : i32
    %scan3A_36 = arith.constant 1 : i32
    scf.for %scan3A_81 = %scan3A to %scan3A_35 step %scan3A_36  : i32 {
      %mul3A_82 = arith.constant 2 : i32
      %mul3A_83 = arith.muli %scan3A_81, %mul3A_82 : i32
      %add3A_84 = arith.constant 0 : i32
      %add3A_85 = arith.addi %add3A_84, %mul3A_83 : i32
      %add3A_86 = arith.constant 0 : i32
      %add3A_87 = arith.addi %add3A_85, %add3A_86 : i32
      %dma_wait3A_88 = arith.constant 0 : i32
      %dma_wait3A_89 = arith.constant 0 : i32
      %dma_wait3A_90 = arith.constant 0 : i32
      %dma_wait3A_91 = tpu.memref_slice %arg6[%dma_wait3A_88, %dma_wait3A_89, %dma_wait3A_90] : memref<2x128x32xf32, #tpu.memory_space<vmem>> -> memref<1x128x32xf32, #tpu.memory_space<vmem>>
      %dma_wait3A_92 = tpu.memref_squeeze %dma_wait3A_91 : memref<1x128x32xf32, #tpu.memory_space<vmem>> -> memref<128x32xf32, #tpu.memory_space<vmem>>
      %dma_wait3A_93 = arith.constant 0 : i32
      %dma_wait3A_94 = tpu.memref_slice %arg5[%add3A_87, %dma_wait3A_93] : memref<200x128xi32, #tpu.memory_space<vmem>> -> memref<1x128xi32, #tpu.memory_space<vmem>>
      %dma_wait3A_95 = tpu.memref_squeeze %dma_wait3A_94 : memref<1x128xi32, #tpu.memory_space<vmem>> -> memref<128xi32, #tpu.memory_space<vmem>>
      %dma_wait3A_96 = arith.constant 0 : i32
      %dma_wait3A_97 = arith.constant 0 : i32
      %dma_wait3A_98 = tpu.memref_slice %arg3[%dma_wait3A_96, %dma_wait3A_97] : memref<1000000x32xf32, #tpu.memory_space<hbm>> -> memref<1000000x32xf32, #tpu.memory_space<hbm>>
      tpu.wait_indirect_dma semaphore(%arg8 : memref<!tpu.dma_semaphore, #tpu.memory_space<semaphore_mem>>) src(%dma_wait3A_98 : memref<1000000x32xf32, #tpu.memory_space<hbm>>) dst(%dma_wait3A_92 : memref<128x32xf32, #tpu.memory_space<vmem>>)
      %ge3A = arith.constant 2 : i32
      %ge3A_99 = arith.cmpi sge, %add3A_87, %ge3A : i32
      %convert_element_type3A = arith.extui %ge3A_99 : i1 to i32
      %cond3A = arith.constant 0 : i32
      %cond3A_100 = arith.cmpi ne, %convert_element_type3A, %cond3A : i32
      scf.if %cond3A_100 {
        %dma_wait3A_179 = arith.constant 0 : i32
        %dma_wait3A_180 = arith.constant 0 : i32
        %dma_wait3A_181 = arith.constant 0 : i32
        %dma_wait3A_182 = arith.constant 0 : i32
        %dma_wait3A_183 = tpu.memref_slice %arg7[%dma_wait3A_179, %dma_wait3A_180, %dma_wait3A_181, %dma_wait3A_182] : memref<2x4x8x129xf32, #tpu.memory_space<vmem>> -> memref<1x4x8x128xf32, #tpu.memory_space<vmem>>
        %dma_wait3A_184 = tpu.memref_squeeze %dma_wait3A_183 : memref<1x4x8x128xf32, #tpu.memory_space<vmem>> -> memref<4x8x128xf32, #tpu.memory_space<vmem>>
        %dma_wait3A_185 = arith.constant 0 : i32
        %dma_wait3A_186 = arith.constant 0 : i32
        %dma_wait3A_187 = arith.constant 0 : i32
        %dma_wait3A_188 = tpu.memref_slice %arg4[%add3A_87, %dma_wait3A_185, %add3A, %dma_wait3A_186, %dma_wait3A_187] : memref<200x4x32x8x128xf32, #tpu.memory_space<hbm>> -> memref<1x4x1x8x128xf32, #tpu.memory_space<hbm>>
        %dma_wait3A_189 = tpu.memref_squeeze %dma_wait3A_188 : memref<1x4x1x8x128xf32, #tpu.memory_space<hbm>> -> memref<4x8x128xf32, #tpu.memory_space<hbm>>
        %dma_wait3A_190 = arith.constant 0 : i32
        %dma_wait3A_191 = arith.constant 0 : i32
        %dma_wait3A_192 = arith.constant 0 : i32
        %dma_wait3A_193 = tpu.memref_slice %arg4[%add3A_87, %dma_wait3A_190, %add3A, %dma_wait3A_191, %dma_wait3A_192] : memref<200x4x32x8x128xf32, #tpu.memory_space<hbm>> -> memref<1x4x1x8x128xf32, #tpu.memory_space<hbm>>
        %dma_wait3A_194 = tpu.memref_squeeze %dma_wait3A_193 : memref<1x4x1x8x128xf32, #tpu.memory_space<hbm>> -> memref<4x8x128xf32, #tpu.memory_space<hbm>>
        %dma_wait3A_195 = arith.constant 0 : i32
        %dma_wait3A_196 = arith.constant 0 : i32
        %dma_wait3A_197 = arith.constant 0 : i32
        %dma_wait3A_198 = tpu.memref_slice %arg7[%dma_wait3A_179, %dma_wait3A_195, %dma_wait3A_196, %dma_wait3A_197] : memref<2x4x8x129xf32, #tpu.memory_space<vmem>> -> memref<1x4x8x128xf32, #tpu.memory_space<vmem>>
        %dma_wait3A_199 = tpu.memref_squeeze %dma_wait3A_198 : memref<1x4x8x128xf32, #tpu.memory_space<vmem>> -> memref<4x8x128xf32, #tpu.memory_space<vmem>>
        tpu.wait_dma2 semaphore(%arg10 : memref<!tpu.dma_semaphore, #tpu.memory_space<semaphore_mem>>) src(%dma_wait3A_199 : memref<4x8x128xf32, #tpu.memory_space<vmem>>) dst(%dma_wait3A_194 : memref<4x8x128xf32, #tpu.memory_space<hbm>>)
      } else {
      }
      %parallel_loop3A = arith.constant 0 : i32
      %parallel_loop3A_101 = arith.constant 128 : i32
      %parallel_loop3A_102 = arith.constant 1 : i32
      scf.for %parallel_loop3A_179 = %parallel_loop3A to %parallel_loop3A_101 step %parallel_loop3A_102  : i32 {
        %parallel_loop3A_180 = arith.constant 0 : i32
        %parallel_loop3A_181 = vector.broadcast %parallel_loop3A_180 : i32 to vector<16xi32>
        %parallel_loop3A_182 = vector.broadcast %parallel_loop3A_179 : i32 to vector<16xi32>
        %parallel_loop3A_183 = arith.addi %parallel_loop3A_181, %parallel_loop3A_182 : vector<16xi32>
        %parallel_loop3A_184 = arith.constant 0 : i32
        %parallel_loop3A_185 = arith.index_cast %parallel_loop3A_184 : i32 to index
        %parallel_loop3A_186 = arith.index_cast %parallel_loop3A_179 : i32 to index
        %parallel_loop3A_187 = arith.constant 0 : index
        %parallel_loop3A_188 = tpu.vector_load %arg6[%parallel_loop3A_185, %parallel_loop3A_186, %parallel_loop3A_187] {strides = array<i32>} : memref<2x128x32xf32, #tpu.memory_space<vmem>>, vector<16xf32>,
        %parallel_loop3A_189 = arith.constant 0 : i32
        %parallel_loop3A_190 = arith.constant 0 : i32
        %parallel_loop3A_191 = arith.constant 0 : i32
        %parallel_loop3A_192 = arith.constant 0 : i32
        %parallel_loop3A_193 = tpu.memref_slice %arg7[%parallel_loop3A_189, %parallel_loop3A_190, %parallel_loop3A_191, %parallel_loop3A_192] : memref<2x4x8x129xf32, #tpu.memory_space<vmem>> -> memref<1x4x8x129xf32, #tpu.memory_space<vmem>>
        %parallel_loop3A_194 = tpu.memref_squeeze %parallel_loop3A_193 : memref<1x4x8x129xf32, #tpu.memory_space<vmem>> -> memref<4x8x129xf32, #tpu.memory_space<vmem>>
        tpu.vector_store_idx %parallel_loop3A_194[%shift_right_arithmetic3A_4, %and3A_2, %parallel_loop3A_183], %parallel_loop3A_188 : memref<4x8x129xf32, #tpu.memory_space<vmem>>[vector<16xi32>, vector<16xi32>, vector<16xi32>], vector<16xf32>,
        %parallel_loop3A_195 = arith.constant 0 : i32
        %parallel_loop3A_196 = arith.index_cast %parallel_loop3A_195 : i32 to index
        %parallel_loop3A_197 = arith.index_cast %parallel_loop3A_179 : i32 to index
        %parallel_loop3A_198 = arith.constant 16 : index
        %parallel_loop3A_199 = tpu.vector_load %arg6[%parallel_loop3A_196, %parallel_loop3A_197, %parallel_loop3A_198] {strides = array<i32>} : memref<2x128x32xf32, #tpu.memory_space<vmem>>, vector<16xf32>,
        %parallel_loop3A_200 = arith.constant 0 : i32
        %parallel_loop3A_201 = arith.constant 0 : i32
        %parallel_loop3A_202 = arith.constant 0 : i32
        %parallel_loop3A_203 = arith.constant 0 : i32
        %parallel_loop3A_204 = tpu.memref_slice %arg7[%parallel_loop3A_200, %parallel_loop3A_201, %parallel_loop3A_202, %parallel_loop3A_203] : memref<2x4x8x129xf32, #tpu.memory_space<vmem>> -> memref<1x4x8x129xf32, #tpu.memory_space<vmem>>
        %parallel_loop3A_205 = tpu.memref_squeeze %parallel_loop3A_204 : memref<1x4x8x129xf32, #tpu.memory_space<vmem>> -> memref<4x8x129xf32, #tpu.memory_space<vmem>>
        tpu.vector_store_idx %parallel_loop3A_205[%add3A_10, %and3A_2, %parallel_loop3A_183], %parallel_loop3A_199 : memref<4x8x129xf32, #tpu.memory_space<vmem>>[vector<16xi32>, vector<16xi32>, vector<16xi32>], vector<16xf32>,
      } {sc.loop_unroll_factor = 8 : i64, sc.parallel_access}
      %dma_start3A_103 = arith.constant 0 : i32
      %dma_start3A_104 = arith.constant 0 : i32
      %dma_start3A_105 = arith.constant 0 : i32
      %dma_start3A_106 = arith.constant 0 : i32
      %dma_start3A_107 = tpu.memref_slice %arg7[%dma_start3A_103, %dma_start3A_104, %dma_start3A_105, %dma_start3A_106] : memref<2x4x8x129xf32, #tpu.memory_space<vmem>> -> memref<1x4x8x128xf32, #tpu.memory_space<vmem>>
      %dma_start3A_108 = tpu.memref_squeeze %dma_start3A_107 : memref<1x4x8x128xf32, #tpu.memory_space<vmem>> -> memref<4x8x128xf32, #tpu.memory_space<vmem>>
      %dma_start3A_109 = arith.constant 0 : i32
      %dma_start3A_110 = arith.constant 0 : i32
      %dma_start3A_111 = arith.constant 0 : i32
      %dma_start3A_112 = tpu.memref_slice %arg4[%add3A_87, %dma_start3A_109, %add3A, %dma_start3A_110, %dma_start3A_111] : memref<200x4x32x8x128xf32, #tpu.memory_space<hbm>> -> memref<1x4x1x8x128xf32, #tpu.memory_space<hbm>>
      %dma_start3A_113 = tpu.memref_squeeze %dma_start3A_112 : memref<1x4x1x8x128xf32, #tpu.memory_space<hbm>> -> memref<4x8x128xf32, #tpu.memory_space<hbm>>
      %dma_start3A_114 = arith.constant 0 : i32
      %dma_start3A_115 = arith.constant 0 : i32
      %dma_start3A_116 = arith.constant 0 : i32
      %dma_start3A_117 = tpu.memref_slice %arg4[%add3A_87, %dma_start3A_114, %add3A, %dma_start3A_115, %dma_start3A_116] : memref<200x4x32x8x128xf32, #tpu.memory_space<hbm>> -> memref<1x4x1x8x128xf32, #tpu.memory_space<hbm>>
      %dma_start3A_118 = tpu.memref_squeeze %dma_start3A_117 : memref<1x4x1x8x128xf32, #tpu.memory_space<hbm>> -> memref<4x8x128xf32, #tpu.memory_space<hbm>>
      %dma_start3A_119 = arith.constant 0 : i32
      %dma_start3A_120 = arith.constant 0 : i32
      %dma_start3A_121 = arith.constant 0 : i32
      %dma_start3A_122 = tpu.memref_slice %arg7[%dma_start3A_103, %dma_start3A_119, %dma_start3A_120, %dma_start3A_121] : memref<2x4x8x129xf32, #tpu.memory_space<vmem>> -> memref<1x4x8x128xf32, #tpu.memory_space<vmem>>
      %dma_start3A_123 = tpu.memref_squeeze %dma_start3A_122 : memref<1x4x8x128xf32, #tpu.memory_space<vmem>> -> memref<4x8x128xf32, #tpu.memory_space<vmem>>
      tpu.enqueue_dma source(%dma_start3A_123 : memref<4x8x128xf32, #tpu.memory_space<vmem>>) target(%dma_start3A_118 : memref<4x8x128xf32, #tpu.memory_space<hbm>>) target_semaphore(%arg10 : memref<!tpu.dma_semaphore, #tpu.memory_space<semaphore_mem>>)
      %add3A_124 = arith.constant 2 : i32
      %add3A_125 = arith.addi %add3A_87, %add3A_124 : i32
      %lt3A = arith.constant 200 : i32
      %lt3A_126 = arith.cmpi slt, %add3A_125, %lt3A : i32
      %convert_element_type3A_127 = arith.extui %lt3A_126 : i1 to i32
      %cond3A_128 = arith.constant 0 : i32
      %cond3A_129 = arith.cmpi ne, %convert_element_type3A_127, %cond3A_128 : i32
      scf.if %cond3A_129 {
        %add3A_179 = arith.constant 2 : i32
        %add3A_180 = arith.addi %add3A_87, %add3A_179 : i32
        %dma_start3A_181 = arith.constant 0 : i32
        %dma_start3A_182 = arith.constant 0 : i32
        %dma_start3A_183 = arith.constant 0 : i32
        %dma_start3A_184 = tpu.memref_slice %arg6[%dma_start3A_181, %dma_start3A_182, %dma_start3A_183] : memref<2x128x32xf32, #tpu.memory_space<vmem>> -> memref<1x128x32xf32, #tpu.memory_space<vmem>>
        %dma_start3A_185 = tpu.memref_squeeze %dma_start3A_184 : memref<1x128x32xf32, #tpu.memory_space<vmem>> -> memref<128x32xf32, #tpu.memory_space<vmem>>
        %dma_start3A_186 = arith.constant 0 : i32
        %dma_start3A_187 = tpu.memref_slice %arg5[%add3A_180, %dma_start3A_186] : memref<200x128xi32, #tpu.memory_space<vmem>> -> memref<1x128xi32, #tpu.memory_space<vmem>>
        %dma_start3A_188 = tpu.memref_squeeze %dma_start3A_187 : memref<1x128xi32, #tpu.memory_space<vmem>> -> memref<128xi32, #tpu.memory_space<vmem>>
        %dma_start3A_189 = arith.constant 0 : i32
        %dma_start3A_190 = arith.constant 0 : i32
        %dma_start3A_191 = tpu.memref_slice %arg3[%dma_start3A_189, %dma_start3A_190] : memref<1000000x32xf32, #tpu.memory_space<hbm>> -> memref<1000000x32xf32, #tpu.memory_space<hbm>>
        tpu.enqueue_indirect_dma source(%dma_start3A_191 : memref<1000000x32xf32, #tpu.memory_space<hbm>>) target(%dma_start3A_185 : memref<128x32xf32, #tpu.memory_space<vmem>>) offsets(%dma_start3A_188 : memref<128xi32, #tpu.memory_space<vmem>>) semaphore(%arg8 : memref<!tpu.dma_semaphore, #tpu.memory_space<semaphore_mem>>)
      } else {
      }
      %add3A_130 = arith.constant 1 : i32
      %add3A_131 = arith.addi %add3A_85, %add3A_130 : i32
      %dma_wait3A_132 = arith.constant 1 : i32
      %dma_wait3A_133 = arith.constant 0 : i32
      %dma_wait3A_134 = arith.constant 0 : i32
      %dma_wait3A_135 = tpu.memref_slice %arg6[%dma_wait3A_132, %dma_wait3A_133, %dma_wait3A_134] : memref<2x128x32xf32, #tpu.memory_space<vmem>> -> memref<1x128x32xf32, #tpu.memory_space<vmem>>
      %dma_wait3A_136 = tpu.memref_squeeze %dma_wait3A_135 : memref<1x128x32xf32, #tpu.memory_space<vmem>> -> memref<128x32xf32, #tpu.memory_space<vmem>>
      %dma_wait3A_137 = arith.constant 0 : i32
      %dma_wait3A_138 = tpu.memref_slice %arg5[%add3A_131, %dma_wait3A_137] : memref<200x128xi32, #tpu.memory_space<vmem>> -> memref<1x128xi32, #tpu.memory_space<vmem>>
      %dma_wait3A_139 = tpu.memref_squeeze %dma_wait3A_138 : memref<1x128xi32, #tpu.memory_space<vmem>> -> memref<128xi32, #tpu.memory_space<vmem>>
      %dma_wait3A_140 = arith.constant 0 : i32
      %dma_wait3A_141 = arith.constant 0 : i32
      %dma_wait3A_142 = tpu.memref_slice %arg3[%dma_wait3A_140, %dma_wait3A_141] : memref<1000000x32xf32, #tpu.memory_space<hbm>> -> memref<1000000x32xf32, #tpu.memory_space<hbm>>
      tpu.wait_indirect_dma semaphore(%arg9 : memref<!tpu.dma_semaphore, #tpu.memory_space<semaphore_mem>>) src(%dma_wait3A_142 : memref<1000000x32xf32, #tpu.memory_space<hbm>>) dst(%dma_wait3A_136 : memref<128x32xf32, #tpu.memory_space<vmem>>)
      %ge3A_143 = arith.constant 2 : i32
      %ge3A_144 = arith.cmpi sge, %add3A_131, %ge3A_143 : i32
      %convert_element_type3A_145 = arith.extui %ge3A_144 : i1 to i32
      %cond3A_146 = arith.constant 0 : i32
      %cond3A_147 = arith.cmpi ne, %convert_element_type3A_145, %cond3A_146 : i32
      scf.if %cond3A_147 {
        %dma_wait3A_179 = arith.constant 1 : i32
        %dma_wait3A_180 = arith.constant 0 : i32
        %dma_wait3A_181 = arith.constant 0 : i32
        %dma_wait3A_182 = arith.constant 0 : i32
        %dma_wait3A_183 = tpu.memref_slice %arg7[%dma_wait3A_179, %dma_wait3A_180, %dma_wait3A_181, %dma_wait3A_182] : memref<2x4x8x129xf32, #tpu.memory_space<vmem>> -> memref<1x4x8x128xf32, #tpu.memory_space<vmem>>
        %dma_wait3A_184 = tpu.memref_squeeze %dma_wait3A_183 : memref<1x4x8x128xf32, #tpu.memory_space<vmem>> -> memref<4x8x128xf32, #tpu.memory_space<vmem>>
        %dma_wait3A_185 = arith.constant 0 : i32
        %dma_wait3A_186 = arith.constant 0 : i32
        %dma_wait3A_187 = arith.constant 0 : i32
        %dma_wait3A_188 = tpu.memref_slice %arg4[%add3A_131, %dma_wait3A_185, %add3A, %dma_wait3A_186, %dma_wait3A_187] : memref<200x4x32x8x128xf32, #tpu.memory_space<hbm>> -> memref<1x4x1x8x128xf32, #tpu.memory_space<hbm>>
        %dma_wait3A_189 = tpu.memref_squeeze %dma_wait3A_188 : memref<1x4x1x8x128xf32, #tpu.memory_space<hbm>> -> memref<4x8x128xf32, #tpu.memory_space<hbm>>
        %dma_wait3A_190 = arith.constant 0 : i32
        %dma_wait3A_191 = arith.constant 0 : i32
        %dma_wait3A_192 = arith.constant 0 : i32
        %dma_wait3A_193 = tpu.memref_slice %arg4[%add3A_131, %dma_wait3A_190, %add3A, %dma_wait3A_191, %dma_wait3A_192] : memref<200x4x32x8x128xf32, #tpu.memory_space<hbm>> -> memref<1x4x1x8x128xf32, #tpu.memory_space<hbm>>
        %dma_wait3A_194 = tpu.memref_squeeze %dma_wait3A_193 : memref<1x4x1x8x128xf32, #tpu.memory_space<hbm>> -> memref<4x8x128xf32, #tpu.memory_space<hbm>>
        %dma_wait3A_195 = arith.constant 0 : i32
        %dma_wait3A_196 = arith.constant 0 : i32
        %dma_wait3A_197 = arith.constant 0 : i32
        %dma_wait3A_198 = tpu.memref_slice %arg7[%dma_wait3A_179, %dma_wait3A_195, %dma_wait3A_196, %dma_wait3A_197] : memref<2x4x8x129xf32, #tpu.memory_space<vmem>> -> memref<1x4x8x128xf32, #tpu.memory_space<vmem>>
        %dma_wait3A_199 = tpu.memref_squeeze %dma_wait3A_198 : memref<1x4x8x128xf32, #tpu.memory_space<vmem>> -> memref<4x8x128xf32, #tpu.memory_space<vmem>>
        tpu.wait_dma2 semaphore(%arg11 : memref<!tpu.dma_semaphore, #tpu.memory_space<semaphore_mem>>) src(%dma_wait3A_199 : memref<4x8x128xf32, #tpu.memory_space<vmem>>) dst(%dma_wait3A_194 : memref<4x8x128xf32, #tpu.memory_space<hbm>>)
      } else {
      }
      %parallel_loop3A_148 = arith.constant 0 : i32
      %parallel_loop3A_149 = arith.constant 128 : i32
      %parallel_loop3A_150 = arith.constant 1 : i32
      scf.for %parallel_loop3A_179 = %parallel_loop3A_148 to %parallel_loop3A_149 step %parallel_loop3A_150  : i32 {
        %parallel_loop3A_180 = arith.constant 0 : i32
        %parallel_loop3A_181 = vector.broadcast %parallel_loop3A_180 : i32 to vector<16xi32>
        %parallel_loop3A_182 = vector.broadcast %parallel_loop3A_179 : i32 to vector<16xi32>
        %parallel_loop3A_183 = arith.addi %parallel_loop3A_181, %parallel_loop3A_182 : vector<16xi32>
        %parallel_loop3A_184 = arith.constant 1 : i32
        %parallel_loop3A_185 = arith.index_cast %parallel_loop3A_184 : i32 to index
        %parallel_loop3A_186 = arith.index_cast %parallel_loop3A_179 : i32 to index
        %parallel_loop3A_187 = arith.constant 0 : index
        %parallel_loop3A_188 = tpu.vector_load %arg6[%parallel_loop3A_185, %parallel_loop3A_186, %parallel_loop3A_187] {strides = array<i32>} : memref<2x128x32xf32, #tpu.memory_space<vmem>>, vector<16xf32>,
        %parallel_loop3A_189 = arith.constant 1 : i32
        %parallel_loop3A_190 = arith.constant 0 : i32
        %parallel_loop3A_191 = arith.constant 0 : i32
        %parallel_loop3A_192 = arith.constant 0 : i32
        %parallel_loop3A_193 = tpu.memref_slice %arg7[%parallel_loop3A_189, %parallel_loop3A_190, %parallel_loop3A_191, %parallel_loop3A_192] : memref<2x4x8x129xf32, #tpu.memory_space<vmem>> -> memref<1x4x8x129xf32, #tpu.memory_space<vmem>>
        %parallel_loop3A_194 = tpu.memref_squeeze %parallel_loop3A_193 : memref<1x4x8x129xf32, #tpu.memory_space<vmem>> -> memref<4x8x129xf32, #tpu.memory_space<vmem>>
        tpu.vector_store_idx %parallel_loop3A_194[%shift_right_arithmetic3A_4, %and3A_2, %parallel_loop3A_183], %parallel_loop3A_188 : memref<4x8x129xf32, #tpu.memory_space<vmem>>[vector<16xi32>, vector<16xi32>, vector<16xi32>], vector<16xf32>,
        %parallel_loop3A_195 = arith.constant 1 : i32
        %parallel_loop3A_196 = arith.index_cast %parallel_loop3A_195 : i32 to index
        %parallel_loop3A_197 = arith.index_cast %parallel_loop3A_179 : i32 to index
        %parallel_loop3A_198 = arith.constant 16 : index
        %parallel_loop3A_199 = tpu.vector_load %arg6[%parallel_loop3A_196, %parallel_loop3A_197, %parallel_loop3A_198] {strides = array<i32>} : memref<2x128x32xf32, #tpu.memory_space<vmem>>, vector<16xf32>,
        %parallel_loop3A_200 = arith.constant 1 : i32
        %parallel_loop3A_201 = arith.constant 0 : i32
        %parallel_loop3A_202 = arith.constant 0 : i32
        %parallel_loop3A_203 = arith.constant 0 : i32
        %parallel_loop3A_204 = tpu.memref_slice %arg7[%parallel_loop3A_200, %parallel_loop3A_201, %parallel_loop3A_202, %parallel_loop3A_203] : memref<2x4x8x129xf32, #tpu.memory_space<vmem>> -> memref<1x4x8x129xf32, #tpu.memory_space<vmem>>
        %parallel_loop3A_205 = tpu.memref_squeeze %parallel_loop3A_204 : memref<1x4x8x129xf32, #tpu.memory_space<vmem>> -> memref<4x8x129xf32, #tpu.memory_space<vmem>>
        tpu.vector_store_idx %parallel_loop3A_205[%add3A_10, %and3A_2, %parallel_loop3A_183], %parallel_loop3A_199 : memref<4x8x129xf32, #tpu.memory_space<vmem>>[vector<16xi32>, vector<16xi32>, vector<16xi32>], vector<16xf32>,
      } {sc.loop_unroll_factor = 8 : i64, sc.parallel_access}
      %dma_start3A_151 = arith.constant 1 : i32
      %dma_start3A_152 = arith.constant 0 : i32
      %dma_start3A_153 = arith.constant 0 : i32
      %dma_start3A_154 = arith.constant 0 : i32
      %dma_start3A_155 = tpu.memref_slice %arg7[%dma_start3A_151, %dma_start3A_152, %dma_start3A_153, %dma_start3A_154] : memref<2x4x8x129xf32, #tpu.memory_space<vmem>> -> memref<1x4x8x128xf32, #tpu.memory_space<vmem>>
      %dma_start3A_156 = tpu.memref_squeeze %dma_start3A_155 : memref<1x4x8x128xf32, #tpu.memory_space<vmem>> -> memref<4x8x128xf32, #tpu.memory_space<vmem>>
      %dma_start3A_157 = arith.constant 0 : i32
      %dma_start3A_158 = arith.constant 0 : i32
      %dma_start3A_159 = arith.constant 0 : i32
      %dma_start3A_160 = tpu.memref_slice %arg4[%add3A_131, %dma_start3A_157, %add3A, %dma_start3A_158, %dma_start3A_159] : memref<200x4x32x8x128xf32, #tpu.memory_space<hbm>> -> memref<1x4x1x8x128xf32, #tpu.memory_space<hbm>>
      %dma_start3A_161 = tpu.memref_squeeze %dma_start3A_160 : memref<1x4x1x8x128xf32, #tpu.memory_space<hbm>> -> memref<4x8x128xf32, #tpu.memory_space<hbm>>
      %dma_start3A_162 = arith.constant 0 : i32
      %dma_start3A_163 = arith.constant 0 : i32
      %dma_start3A_164 = arith.constant 0 : i32
      %dma_start3A_165 = tpu.memref_slice %arg4[%add3A_131, %dma_start3A_162, %add3A, %dma_start3A_163, %dma_start3A_164] : memref<200x4x32x8x128xf32, #tpu.memory_space<hbm>> -> memref<1x4x1x8x128xf32, #tpu.memory_space<hbm>>
      %dma_start3A_166 = tpu.memref_squeeze %dma_start3A_165 : memref<1x4x1x8x128xf32, #tpu.memory_space<hbm>> -> memref<4x8x128xf32, #tpu.memory_space<hbm>>
      %dma_start3A_167 = arith.constant 0 : i32
      %dma_start3A_168 = arith.constant 0 : i32
      %dma_start3A_169 = arith.constant 0 : i32
      %dma_start3A_170 = tpu.memref_slice %arg7[%dma_start3A_151, %dma_start3A_167, %dma_start3A_168, %dma_start3A_169] : memref<2x4x8x129xf32, #tpu.memory_space<vmem>> -> memref<1x4x8x128xf32, #tpu.memory_space<vmem>>
      %dma_start3A_171 = tpu.memref_squeeze %dma_start3A_170 : memref<1x4x8x128xf32, #tpu.memory_space<vmem>> -> memref<4x8x128xf32, #tpu.memory_space<vmem>>
      tpu.enqueue_dma source(%dma_start3A_171 : memref<4x8x128xf32, #tpu.memory_space<vmem>>) target(%dma_start3A_166 : memref<4x8x128xf32, #tpu.memory_space<hbm>>) target_semaphore(%arg11 : memref<!tpu.dma_semaphore, #tpu.memory_space<semaphore_mem>>)
      %add3A_172 = arith.constant 2 : i32
      %add3A_173 = arith.addi %add3A_131, %add3A_172 : i32
      %lt3A_174 = arith.constant 200 : i32
      %lt3A_175 = arith.cmpi slt, %add3A_173, %lt3A_174 : i32
      %convert_element_type3A_176 = arith.extui %lt3A_175 : i1 to i32
      %cond3A_177 = arith.constant 0 : i32
      %cond3A_178 = arith.cmpi ne, %convert_element_type3A_176, %cond3A_177 : i32
      scf.if %cond3A_178 {
        %add3A_179 = arith.constant 2 : i32
        %add3A_180 = arith.addi %add3A_131, %add3A_179 : i32
        %dma_start3A_181 = arith.constant 1 : i32
        %dma_start3A_182 = arith.constant 0 : i32
        %dma_start3A_183 = arith.constant 0 : i32
        %dma_start3A_184 = tpu.memref_slice %arg6[%dma_start3A_181, %dma_start3A_182, %dma_start3A_183] : memref<2x128x32xf32, #tpu.memory_space<vmem>> -> memref<1x128x32xf32, #tpu.memory_space<vmem>>
        %dma_start3A_185 = tpu.memref_squeeze %dma_start3A_184 : memref<1x128x32xf32, #tpu.memory_space<vmem>> -> memref<128x32xf32, #tpu.memory_space<vmem>>
        %dma_start3A_186 = arith.constant 0 : i32
        %dma_start3A_187 = tpu.memref_slice %arg5[%add3A_180, %dma_start3A_186] : memref<200x128xi32, #tpu.memory_space<vmem>> -> memref<1x128xi32, #tpu.memory_space<vmem>>
        %dma_start3A_188 = tpu.memref_squeeze %dma_start3A_187 : memref<1x128xi32, #tpu.memory_space<vmem>> -> memref<128xi32, #tpu.memory_space<vmem>>
        %dma_start3A_189 = arith.constant 0 : i32
        %dma_start3A_190 = arith.constant 0 : i32
        %dma_start3A_191 = tpu.memref_slice %arg3[%dma_start3A_189, %dma_start3A_190] : memref<1000000x32xf32, #tpu.memory_space<hbm>> -> memref<1000000x32xf32, #tpu.memory_space<hbm>>
        tpu.enqueue_indirect_dma source(%dma_start3A_191 : memref<1000000x32xf32, #tpu.memory_space<hbm>>) target(%dma_start3A_185 : memref<128x32xf32, #tpu.memory_space<vmem>>) offsets(%dma_start3A_188 : memref<128xi32, #tpu.memory_space<vmem>>) semaphore(%arg9 : memref<!tpu.dma_semaphore, #tpu.memory_space<semaphore_mem>>)
      } else {
      }
    }
    %scan3A_37 = arith.constant 100 : i32
    %dma_wait3A = arith.constant 0 : i32
    %dma_wait3A_38 = arith.constant 198 : i32
    %dma_wait3A_39 = arith.constant 0 : i32
    %dma_wait3A_40 = arith.constant 0 : i32
    %dma_wait3A_41 = arith.constant 0 : i32
    %dma_wait3A_42 = tpu.memref_slice %arg7[%dma_wait3A, %dma_wait3A_39, %dma_wait3A_40, %dma_wait3A_41] : memref<2x4x8x129xf32, #tpu.memory_space<vmem>> -> memref<1x4x8x128xf32, #tpu.memory_space<vmem>>
    %dma_wait3A_43 = tpu.memref_squeeze %dma_wait3A_42 : memref<1x4x8x128xf32, #tpu.memory_space<vmem>> -> memref<4x8x128xf32, #tpu.memory_space<vmem>>
    %dma_wait3A_44 = arith.constant 0 : i32
    %dma_wait3A_45 = arith.constant 0 : i32
    %dma_wait3A_46 = arith.constant 0 : i32
    %dma_wait3A_47 = tpu.memref_slice %arg4[%dma_wait3A_38, %dma_wait3A_44, %add3A, %dma_wait3A_45, %dma_wait3A_46] : memref<200x4x32x8x128xf32, #tpu.memory_space<hbm>> -> memref<1x4x1x8x128xf32, #tpu.memory_space<hbm>>
    %dma_wait3A_48 = tpu.memref_squeeze %dma_wait3A_47 : memref<1x4x1x8x128xf32, #tpu.memory_space<hbm>> -> memref<4x8x128xf32, #tpu.memory_space<hbm>>
    %dma_wait3A_49 = arith.constant 0 : i32
    %dma_wait3A_50 = arith.constant 0 : i32
    %dma_wait3A_51 = arith.constant 0 : i32
    %dma_wait3A_52 = tpu.memref_slice %arg4[%dma_wait3A_38, %dma_wait3A_49, %add3A, %dma_wait3A_50, %dma_wait3A_51] : memref<200x4x32x8x128xf32, #tpu.memory_space<hbm>> -> memref<1x4x1x8x128xf32, #tpu.memory_space<hbm>>
    %dma_wait3A_53 = tpu.memref_squeeze %dma_wait3A_52 : memref<1x4x1x8x128xf32, #tpu.memory_space<hbm>> -> memref<4x8x128xf32, #tpu.memory_space<hbm>>
    %dma_wait3A_54 = arith.constant 0 : i32
    %dma_wait3A_55 = arith.constant 0 : i32
    %dma_wait3A_56 = arith.constant 0 : i32
    %dma_wait3A_57 = tpu.memref_slice %arg7[%dma_wait3A, %dma_wait3A_54, %dma_wait3A_55, %dma_wait3A_56] : memref<2x4x8x129xf32, #tpu.memory_space<vmem>> -> memref<1x4x8x128xf32, #tpu.memory_space<vmem>>
    %dma_wait3A_58 = tpu.memref_squeeze %dma_wait3A_57 : memref<1x4x8x128xf32, #tpu.memory_space<vmem>> -> memref<4x8x128xf32, #tpu.memory_space<vmem>>
    tpu.wait_dma2 semaphore(%arg10 : memref<!tpu.dma_semaphore, #tpu.memory_space<semaphore_mem>>) src(%dma_wait3A_58 : memref<4x8x128xf32, #tpu.memory_space<vmem>>) dst(%dma_wait3A_53 : memref<4x8x128xf32, #tpu.memory_space<hbm>>)
    %dma_wait3A_59 = arith.constant 1 : i32
    %dma_wait3A_60 = arith.constant 199 : i32
    %dma_wait3A_61 = arith.constant 0 : i32
    %dma_wait3A_62 = arith.constant 0 : i32
    %dma_wait3A_63 = arith.constant 0 : i32
    %dma_wait3A_64 = tpu.memref_slice %arg7[%dma_wait3A_59, %dma_wait3A_61, %dma_wait3A_62, %dma_wait3A_63] : memref<2x4x8x129xf32, #tpu.memory_space<vmem>> -> memref<1x4x8x128xf32, #tpu.memory_space<vmem>>
    %dma_wait3A_65 = tpu.memref_squeeze %dma_wait3A_64 : memref<1x4x8x128xf32, #tpu.memory_space<vmem>> -> memref<4x8x128xf32, #tpu.memory_space<vmem>>
    %dma_wait3A_66 = arith.constant 0 : i32
    %dma_wait3A_67 = arith.constant 0 : i32
    %dma_wait3A_68 = arith.constant 0 : i32
    %dma_wait3A_69 = tpu.memref_slice %arg4[%dma_wait3A_60, %dma_wait3A_66, %add3A, %dma_wait3A_67, %dma_wait3A_68] : memref<200x4x32x8x128xf32, #tpu.memory_space<hbm>> -> memref<1x4x1x8x128xf32, #tpu.memory_space<hbm>>
    %dma_wait3A_70 = tpu.memref_squeeze %dma_wait3A_69 : memref<1x4x1x8x128xf32, #tpu.memory_space<hbm>> -> memref<4x8x128xf32, #tpu.memory_space<hbm>>
    %dma_wait3A_71 = arith.constant 0 : i32
    %dma_wait3A_72 = arith.constant 0 : i32
    %dma_wait3A_73 = arith.constant 0 : i32
    %dma_wait3A_74 = tpu.memref_slice %arg4[%dma_wait3A_60, %dma_wait3A_71, %add3A, %dma_wait3A_72, %dma_wait3A_73] : memref<200x4x32x8x128xf32, #tpu.memory_space<hbm>> -> memref<1x4x1x8x128xf32, #tpu.memory_space<hbm>>
    %dma_wait3A_75 = tpu.memref_squeeze %dma_wait3A_74 : memref<1x4x1x8x128xf32, #tpu.memory_space<hbm>> -> memref<4x8x128xf32, #tpu.memory_space<hbm>>
    %dma_wait3A_76 = arith.constant 0 : i32
    %dma_wait3A_77 = arith.constant 0 : i32
    %dma_wait3A_78 = arith.constant 0 : i32
    %dma_wait3A_79 = tpu.memref_slice %arg7[%dma_wait3A_59, %dma_wait3A_76, %dma_wait3A_77, %dma_wait3A_78] : memref<2x4x8x129xf32, #tpu.memory_space<vmem>> -> memref<1x4x8x128xf32, #tpu.memory_space<vmem>>
    %dma_wait3A_80 = tpu.memref_squeeze %dma_wait3A_79 : memref<1x4x8x128xf32, #tpu.memory_space<vmem>> -> memref<4x8x128xf32, #tpu.memory_space<vmem>>
    tpu.wait_dma2 semaphore(%arg11 : memref<!tpu.dma_semaphore, #tpu.memory_space<semaphore_mem>>) src(%dma_wait3A_80 : memref<4x8x128xf32, #tpu.memory_space<vmem>>) dst(%dma_wait3A_75 : memref<4x8x128xf32, #tpu.memory_space<hbm>>)
    return
  }
}

#map = affine_map<(d0, d1) -> (0, 0, 0)>
#map1 = affine_map<(d0, d1) -> (0, 0)>
module attributes {stable_mosaic.version = 14 : i64} {
  func.func @_fmt_body(%arg0: i32, %arg1: i32, %arg2: memref<4x8x1000000xf32, #tpu.memory_space<hbm>>, %arg3: memref<16x128xf32, #tpu.memory_space<hbm>>, %arg4: memref<250000x128xf32, #tpu.memory_space<hbm>>, %arg5: memref<4x4x8x129xf32, #tpu.memory_space<vmem>>, %arg6: memref<4x32x128xf32, #tpu.memory_space<vmem>>, %arg7: memref<16x128xf32, #tpu.memory_space<vmem>>, %arg8: memref<!tpu.dma_semaphore, #tpu.memory_space<semaphore_mem>>, %arg9: memref<!tpu.dma_semaphore, #tpu.memory_space<semaphore_mem>>, %arg10: memref<!tpu.dma_semaphore, #tpu.memory_space<semaphore_mem>>, %arg11: memref<!tpu.dma_semaphore, #tpu.memory_space<semaphore_mem>>, %arg12: memref<!tpu.dma_semaphore, #tpu.memory_space<semaphore_mem>>, %arg13: memref<!tpu.dma_semaphore, #tpu.memory_space<semaphore_mem>>, %arg14: memref<!tpu.dma_semaphore, #tpu.memory_space<semaphore_mem>>, %arg15: memref<!tpu.dma_semaphore, #tpu.memory_space<semaphore_mem>>) attributes {dimension_semantics = [#tpu.dimension_semantics<core_parallel>, #tpu.dimension_semantics<subcore_parallel>], iteration_bounds = array<i64: 2, 16>, scalar_prefetch = 0 : i64, scratch_operands = 11 : i64, tpu.core_type = #tpu.core_type<sc_vector_subcore>, window_params = [{transform_indices = #map}, {transform_indices = #map1}, {transform_indices = #map1}]} {
    %mul3A = arith.constant 2 : i32
    %mul3A_0 = arith.muli %arg1, %mul3A : i32
    %add3A = arith.addi %mul3A_0, %arg0 : i32
    %mul3A_1 = arith.constant 244 : i32
    %mul3A_2 = arith.muli %add3A, %mul3A_1 : i32
    %iota3A = tpu.iota {dimensions = array<i32: 0>} : vector<16xi32>
    %and3A = arith.constant 7 : i32
    %and3A_3 = vector.broadcast %and3A : i32 to vector<16xi32>
    %and3A_4 = arith.andi %iota3A, %and3A_3 : vector<16xi32>
    %shift_right_arithmetic3A = arith.constant 3 : i32
    %shift_right_arithmetic3A_5 = vector.broadcast %shift_right_arithmetic3A : i32 to vector<16xi32>
    %shift_right_arithmetic3A_6 = arith.shrsi %iota3A, %shift_right_arithmetic3A_5 : vector<16xi32>
    %shift_right_arithmetic3A_7 = arith.constant 3 : i32
    %shift_right_arithmetic3A_8 = vector.broadcast %shift_right_arithmetic3A_7 : i32 to vector<16xi32>
    %shift_right_arithmetic3A_9 = arith.shrsi %iota3A, %shift_right_arithmetic3A_8 : vector<16xi32>
    %add3A_10 = arith.constant 2 : i32
    %add3A_11 = vector.broadcast %add3A_10 : i32 to vector<16xi32>
    %add3A_12 = arith.addi %shift_right_arithmetic3A_9, %add3A_11 : vector<16xi32>
    %add3A_13 = arith.constant 0 : i32
    %add3A_14 = arith.addi %mul3A_2, %add3A_13 : i32
    %mul3A_15 = arith.constant 128 : i32
    %mul3A_16 = arith.muli %add3A_14, %mul3A_15 : i32
    %dma_start3A = arith.constant 0 : i32
    %dma_start3A_17 = arith.constant 0 : i32
    %dma_start3A_18 = arith.constant 0 : i32
    %dma_start3A_19 = arith.constant 0 : i32
    %dma_start3A_20 = arith.constant 0 : i32
    %dma_start3A_21 = tpu.memref_slice %arg5[%dma_start3A_17, %dma_start3A_18, %dma_start3A_19, %dma_start3A_20] : memref<4x4x8x129xf32, #tpu.memory_space<vmem>> -> memref<1x1x8x128xf32, #tpu.memory_space<vmem>>
    %dma_start3A_22 = tpu.memref_squeeze %dma_start3A_21 : memref<1x1x8x128xf32, #tpu.memory_space<vmem>> -> memref<8x128xf32, #tpu.memory_space<vmem>>
    %dma_start3A_23 = arith.constant 0 : i32
    %dma_start3A_24 = tpu.memref_slice %arg2[%dma_start3A, %dma_start3A_23, %mul3A_16] : memref<4x8x1000000xf32, #tpu.memory_space<hbm>> -> memref<1x8x128xf32, #tpu.memory_space<hbm>>
    %dma_start3A_25 = tpu.memref_squeeze %dma_start3A_24 : memref<1x8x128xf32, #tpu.memory_space<hbm>> -> memref<8x128xf32, #tpu.memory_space<hbm>>
    %dma_start3A_26 = arith.constant 0 : i32
    %dma_start3A_27 = arith.constant 0 : i32
    %dma_start3A_28 = tpu.memref_slice %arg5[%dma_start3A_17, %dma_start3A_18, %dma_start3A_26, %dma_start3A_27] : memref<4x4x8x129xf32, #tpu.memory_space<vmem>> -> memref<1x1x8x128xf32, #tpu.memory_space<vmem>>
    %dma_start3A_29 = tpu.memref_squeeze %dma_start3A_28 : memref<1x1x8x128xf32, #tpu.memory_space<vmem>> -> memref<8x128xf32, #tpu.memory_space<vmem>>
    %dma_start3A_30 = arith.constant 0 : i32
    %dma_start3A_31 = tpu.memref_slice %arg2[%dma_start3A, %dma_start3A_30, %mul3A_16] : memref<4x8x1000000xf32, #tpu.memory_space<hbm>> -> memref<1x8x128xf32, #tpu.memory_space<hbm>>
    %dma_start3A_32 = tpu.memref_squeeze %dma_start3A_31 : memref<1x8x128xf32, #tpu.memory_space<hbm>> -> memref<8x128xf32, #tpu.memory_space<hbm>>
    tpu.enqueue_dma source(%dma_start3A_32 : memref<8x128xf32, #tpu.memory_space<hbm>>) target(%dma_start3A_29 : memref<8x128xf32, #tpu.memory_space<vmem>>) target_semaphore(%arg8 : memref<!tpu.dma_semaphore, #tpu.memory_space<semaphore_mem>>)
    %mul3A_33 = arith.constant 128 : i32
    %mul3A_34 = arith.muli %add3A_14, %mul3A_33 : i32
    %dma_start3A_35 = arith.constant 1 : i32
    %dma_start3A_36 = arith.constant 0 : i32
    %dma_start3A_37 = arith.constant 1 : i32
    %dma_start3A_38 = arith.constant 0 : i32
    %dma_start3A_39 = arith.constant 0 : i32
    %dma_start3A_40 = tpu.memref_slice %arg5[%dma_start3A_36, %dma_start3A_37, %dma_start3A_38, %dma_start3A_39] : memref<4x4x8x129xf32, #tpu.memory_space<vmem>> -> memref<1x1x8x128xf32, #tpu.memory_space<vmem>>
    %dma_start3A_41 = tpu.memref_squeeze %dma_start3A_40 : memref<1x1x8x128xf32, #tpu.memory_space<vmem>> -> memref<8x128xf32, #tpu.memory_space<vmem>>
    %dma_start3A_42 = arith.constant 0 : i32
    %dma_start3A_43 = tpu.memref_slice %arg2[%dma_start3A_35, %dma_start3A_42, %mul3A_34] : memref<4x8x1000000xf32, #tpu.memory_space<hbm>> -> memref<1x8x128xf32, #tpu.memory_space<hbm>>
    %dma_start3A_44 = tpu.memref_squeeze %dma_start3A_43 : memref<1x8x128xf32, #tpu.memory_space<hbm>> -> memref<8x128xf32, #tpu.memory_space<hbm>>
    %dma_start3A_45 = arith.constant 0 : i32
    %dma_start3A_46 = arith.constant 0 : i32
    %dma_start3A_47 = tpu.memref_slice %arg5[%dma_start3A_36, %dma_start3A_37, %dma_start3A_45, %dma_start3A_46] : memref<4x4x8x129xf32, #tpu.memory_space<vmem>> -> memref<1x1x8x128xf32, #tpu.memory_space<vmem>>
    %dma_start3A_48 = tpu.memref_squeeze %dma_start3A_47 : memref<1x1x8x128xf32, #tpu.memory_space<vmem>> -> memref<8x128xf32, #tpu.memory_space<vmem>>
    %dma_start3A_49 = arith.constant 0 : i32
    %dma_start3A_50 = tpu.memref_slice %arg2[%dma_start3A_35, %dma_start3A_49, %mul3A_34] : memref<4x8x1000000xf32, #tpu.memory_space<hbm>> -> memref<1x8x128xf32, #tpu.memory_space<hbm>>
    %dma_start3A_51 = tpu.memref_squeeze %dma_start3A_50 : memref<1x8x128xf32, #tpu.memory_space<hbm>> -> memref<8x128xf32, #tpu.memory_space<hbm>>
    tpu.enqueue_dma source(%dma_start3A_51 : memref<8x128xf32, #tpu.memory_space<hbm>>) target(%dma_start3A_48 : memref<8x128xf32, #tpu.memory_space<vmem>>) target_semaphore(%arg8 : memref<!tpu.dma_semaphore, #tpu.memory_space<semaphore_mem>>)
    %mul3A_52 = arith.constant 128 : i32
    %mul3A_53 = arith.muli %add3A_14, %mul3A_52 : i32
    %dma_start3A_54 = arith.constant 2 : i32
    %dma_start3A_55 = arith.constant 0 : i32
    %dma_start3A_56 = arith.constant 2 : i32
    %dma_start3A_57 = arith.constant 0 : i32
    %dma_start3A_58 = arith.constant 0 : i32
    %dma_start3A_59 = tpu.memref_slice %arg5[%dma_start3A_55, %dma_start3A_56, %dma_start3A_57, %dma_start3A_58] : memref<4x4x8x129xf32, #tpu.memory_space<vmem>> -> memref<1x1x8x128xf32, #tpu.memory_space<vmem>>
    %dma_start3A_60 = tpu.memref_squeeze %dma_start3A_59 : memref<1x1x8x128xf32, #tpu.memory_space<vmem>> -> memref<8x128xf32, #tpu.memory_space<vmem>>
    %dma_start3A_61 = arith.constant 0 : i32
    %dma_start3A_62 = tpu.memref_slice %arg2[%dma_start3A_54, %dma_start3A_61, %mul3A_53] : memref<4x8x1000000xf32, #tpu.memory_space<hbm>> -> memref<1x8x128xf32, #tpu.memory_space<hbm>>
    %dma_start3A_63 = tpu.memref_squeeze %dma_start3A_62 : memref<1x8x128xf32, #tpu.memory_space<hbm>> -> memref<8x128xf32, #tpu.memory_space<hbm>>
    %dma_start3A_64 = arith.constant 0 : i32
    %dma_start3A_65 = arith.constant 0 : i32
    %dma_start3A_66 = tpu.memref_slice %arg5[%dma_start3A_55, %dma_start3A_56, %dma_start3A_64, %dma_start3A_65] : memref<4x4x8x129xf32, #tpu.memory_space<vmem>> -> memref<1x1x8x128xf32, #tpu.memory_space<vmem>>
    %dma_start3A_67 = tpu.memref_squeeze %dma_start3A_66 : memref<1x1x8x128xf32, #tpu.memory_space<vmem>> -> memref<8x128xf32, #tpu.memory_space<vmem>>
    %dma_start3A_68 = arith.constant 0 : i32
    %dma_start3A_69 = tpu.memref_slice %arg2[%dma_start3A_54, %dma_start3A_68, %mul3A_53] : memref<4x8x1000000xf32, #tpu.memory_space<hbm>> -> memref<1x8x128xf32, #tpu.memory_space<hbm>>
    %dma_start3A_70 = tpu.memref_squeeze %dma_start3A_69 : memref<1x8x128xf32, #tpu.memory_space<hbm>> -> memref<8x128xf32, #tpu.memory_space<hbm>>
    tpu.enqueue_dma source(%dma_start3A_70 : memref<8x128xf32, #tpu.memory_space<hbm>>) target(%dma_start3A_67 : memref<8x128xf32, #tpu.memory_space<vmem>>) target_semaphore(%arg8 : memref<!tpu.dma_semaphore, #tpu.memory_space<semaphore_mem>>)
    %mul3A_71 = arith.constant 128 : i32
    %mul3A_72 = arith.muli %add3A_14, %mul3A_71 : i32
    %dma_start3A_73 = arith.constant 3 : i32
    %dma_start3A_74 = arith.constant 0 : i32
    %dma_start3A_75 = arith.constant 3 : i32
    %dma_start3A_76 = arith.constant 0 : i32
    %dma_start3A_77 = arith.constant 0 : i32
    %dma_start3A_78 = tpu.memref_slice %arg5[%dma_start3A_74, %dma_start3A_75, %dma_start3A_76, %dma_start3A_77] : memref<4x4x8x129xf32, #tpu.memory_space<vmem>> -> memref<1x1x8x128xf32, #tpu.memory_space<vmem>>
    %dma_start3A_79 = tpu.memref_squeeze %dma_start3A_78 : memref<1x1x8x128xf32, #tpu.memory_space<vmem>> -> memref<8x128xf32, #tpu.memory_space<vmem>>
    %dma_start3A_80 = arith.constant 0 : i32
    %dma_start3A_81 = tpu.memref_slice %arg2[%dma_start3A_73, %dma_start3A_80, %mul3A_72] : memref<4x8x1000000xf32, #tpu.memory_space<hbm>> -> memref<1x8x128xf32, #tpu.memory_space<hbm>>
    %dma_start3A_82 = tpu.memref_squeeze %dma_start3A_81 : memref<1x8x128xf32, #tpu.memory_space<hbm>> -> memref<8x128xf32, #tpu.memory_space<hbm>>
    %dma_start3A_83 = arith.constant 0 : i32
    %dma_start3A_84 = arith.constant 0 : i32
    %dma_start3A_85 = tpu.memref_slice %arg5[%dma_start3A_74, %dma_start3A_75, %dma_start3A_83, %dma_start3A_84] : memref<4x4x8x129xf32, #tpu.memory_space<vmem>> -> memref<1x1x8x128xf32, #tpu.memory_space<vmem>>
    %dma_start3A_86 = tpu.memref_squeeze %dma_start3A_85 : memref<1x1x8x128xf32, #tpu.memory_space<vmem>> -> memref<8x128xf32, #tpu.memory_space<vmem>>
    %dma_start3A_87 = arith.constant 0 : i32
    %dma_start3A_88 = tpu.memref_slice %arg2[%dma_start3A_73, %dma_start3A_87, %mul3A_72] : memref<4x8x1000000xf32, #tpu.memory_space<hbm>> -> memref<1x8x128xf32, #tpu.memory_space<hbm>>
    %dma_start3A_89 = tpu.memref_squeeze %dma_start3A_88 : memref<1x8x128xf32, #tpu.memory_space<hbm>> -> memref<8x128xf32, #tpu.memory_space<hbm>>
    tpu.enqueue_dma source(%dma_start3A_89 : memref<8x128xf32, #tpu.memory_space<hbm>>) target(%dma_start3A_86 : memref<8x128xf32, #tpu.memory_space<vmem>>) target_semaphore(%arg8 : memref<!tpu.dma_semaphore, #tpu.memory_space<semaphore_mem>>)
    %add3A_90 = arith.constant 1 : i32
    %add3A_91 = arith.addi %mul3A_2, %add3A_90 : i32
    %mul3A_92 = arith.constant 128 : i32
    %mul3A_93 = arith.muli %add3A_91, %mul3A_92 : i32
    %dma_start3A_94 = arith.constant 0 : i32
    %dma_start3A_95 = arith.constant 1 : i32
    %dma_start3A_96 = arith.constant 0 : i32
    %dma_start3A_97 = arith.constant 0 : i32
    %dma_start3A_98 = arith.constant 0 : i32
    %dma_start3A_99 = tpu.memref_slice %arg5[%dma_start3A_95, %dma_start3A_96, %dma_start3A_97, %dma_start3A_98] : memref<4x4x8x129xf32, #tpu.memory_space<vmem>> -> memref<1x1x8x128xf32, #tpu.memory_space<vmem>>
    %dma_start3A_100 = tpu.memref_squeeze %dma_start3A_99 : memref<1x1x8x128xf32, #tpu.memory_space<vmem>> -> memref<8x128xf32, #tpu.memory_space<vmem>>
    %dma_start3A_101 = arith.constant 0 : i32
    %dma_start3A_102 = tpu.memref_slice %arg2[%dma_start3A_94, %dma_start3A_101, %mul3A_93] : memref<4x8x1000000xf32, #tpu.memory_space<hbm>> -> memref<1x8x128xf32, #tpu.memory_space<hbm>>
    %dma_start3A_103 = tpu.memref_squeeze %dma_start3A_102 : memref<1x8x128xf32, #tpu.memory_space<hbm>> -> memref<8x128xf32, #tpu.memory_space<hbm>>
    %dma_start3A_104 = arith.constant 0 : i32
    %dma_start3A_105 = arith.constant 0 : i32
    %dma_start3A_106 = tpu.memref_slice %arg5[%dma_start3A_95, %dma_start3A_96, %dma_start3A_104, %dma_start3A_105] : memref<4x4x8x129xf32, #tpu.memory_space<vmem>> -> memref<1x1x8x128xf32, #tpu.memory_space<vmem>>
    %dma_start3A_107 = tpu.memref_squeeze %dma_start3A_106 : memref<1x1x8x128xf32, #tpu.memory_space<vmem>> -> memref<8x128xf32, #tpu.memory_space<vmem>>
    %dma_start3A_108 = arith.constant 0 : i32
    %dma_start3A_109 = tpu.memref_slice %arg2[%dma_start3A_94, %dma_start3A_108, %mul3A_93] : memref<4x8x1000000xf32, #tpu.memory_space<hbm>> -> memref<1x8x128xf32, #tpu.memory_space<hbm>>
    %dma_start3A_110 = tpu.memref_squeeze %dma_start3A_109 : memref<1x8x128xf32, #tpu.memory_space<hbm>> -> memref<8x128xf32, #tpu.memory_space<hbm>>
    tpu.enqueue_dma source(%dma_start3A_110 : memref<8x128xf32, #tpu.memory_space<hbm>>) target(%dma_start3A_107 : memref<8x128xf32, #tpu.memory_space<vmem>>) target_semaphore(%arg9 : memref<!tpu.dma_semaphore, #tpu.memory_space<semaphore_mem>>)
    %mul3A_111 = arith.constant 128 : i32
    %mul3A_112 = arith.muli %add3A_91, %mul3A_111 : i32
    %dma_start3A_113 = arith.constant 1 : i32
    %dma_start3A_114 = arith.constant 1 : i32
    %dma_start3A_115 = arith.constant 1 : i32
    %dma_start3A_116 = arith.constant 0 : i32
    %dma_start3A_117 = arith.constant 0 : i32
    %dma_start3A_118 = tpu.memref_slice %arg5[%dma_start3A_114, %dma_start3A_115, %dma_start3A_116, %dma_start3A_117] : memref<4x4x8x129xf32, #tpu.memory_space<vmem>> -> memref<1x1x8x128xf32, #tpu.memory_space<vmem>>
    %dma_start3A_119 = tpu.memref_squeeze %dma_start3A_118 : memref<1x1x8x128xf32, #tpu.memory_space<vmem>> -> memref<8x128xf32, #tpu.memory_space<vmem>>
    %dma_start3A_120 = arith.constant 0 : i32
    %dma_start3A_121 = tpu.memref_slice %arg2[%dma_start3A_113, %dma_start3A_120, %mul3A_112] : memref<4x8x1000000xf32, #tpu.memory_space<hbm>> -> memref<1x8x128xf32, #tpu.memory_space<hbm>>
    %dma_start3A_122 = tpu.memref_squeeze %dma_start3A_121 : memref<1x8x128xf32, #tpu.memory_space<hbm>> -> memref<8x128xf32, #tpu.memory_space<hbm>>
    %dma_start3A_123 = arith.constant 0 : i32
    %dma_start3A_124 = arith.constant 0 : i32
    %dma_start3A_125 = tpu.memref_slice %arg5[%dma_start3A_114, %dma_start3A_115, %dma_start3A_123, %dma_start3A_124] : memref<4x4x8x129xf32, #tpu.memory_space<vmem>> -> memref<1x1x8x128xf32, #tpu.memory_space<vmem>>
    %dma_start3A_126 = tpu.memref_squeeze %dma_start3A_125 : memref<1x1x8x128xf32, #tpu.memory_space<vmem>> -> memref<8x128xf32, #tpu.memory_space<vmem>>
    %dma_start3A_127 = arith.constant 0 : i32
    %dma_start3A_128 = tpu.memref_slice %arg2[%dma_start3A_113, %dma_start3A_127, %mul3A_112] : memref<4x8x1000000xf32, #tpu.memory_space<hbm>> -> memref<1x8x128xf32, #tpu.memory_space<hbm>>
    %dma_start3A_129 = tpu.memref_squeeze %dma_start3A_128 : memref<1x8x128xf32, #tpu.memory_space<hbm>> -> memref<8x128xf32, #tpu.memory_space<hbm>>
    tpu.enqueue_dma source(%dma_start3A_129 : memref<8x128xf32, #tpu.memory_space<hbm>>) target(%dma_start3A_126 : memref<8x128xf32, #tpu.memory_space<vmem>>) target_semaphore(%arg9 : memref<!tpu.dma_semaphore, #tpu.memory_space<semaphore_mem>>)
    %mul3A_130 = arith.constant 128 : i32
    %mul3A_131 = arith.muli %add3A_91, %mul3A_130 : i32
    %dma_start3A_132 = arith.constant 2 : i32
    %dma_start3A_133 = arith.constant 1 : i32
    %dma_start3A_134 = arith.constant 2 : i32
    %dma_start3A_135 = arith.constant 0 : i32
    %dma_start3A_136 = arith.constant 0 : i32
    %dma_start3A_137 = tpu.memref_slice %arg5[%dma_start3A_133, %dma_start3A_134, %dma_start3A_135, %dma_start3A_136] : memref<4x4x8x129xf32, #tpu.memory_space<vmem>> -> memref<1x1x8x128xf32, #tpu.memory_space<vmem>>
    %dma_start3A_138 = tpu.memref_squeeze %dma_start3A_137 : memref<1x1x8x128xf32, #tpu.memory_space<vmem>> -> memref<8x128xf32, #tpu.memory_space<vmem>>
    %dma_start3A_139 = arith.constant 0 : i32
    %dma_start3A_140 = tpu.memref_slice %arg2[%dma_start3A_132, %dma_start3A_139, %mul3A_131] : memref<4x8x1000000xf32, #tpu.memory_space<hbm>> -> memref<1x8x128xf32, #tpu.memory_space<hbm>>
    %dma_start3A_141 = tpu.memref_squeeze %dma_start3A_140 : memref<1x8x128xf32, #tpu.memory_space<hbm>> -> memref<8x128xf32, #tpu.memory_space<hbm>>
    %dma_start3A_142 = arith.constant 0 : i32
    %dma_start3A_143 = arith.constant 0 : i32
    %dma_start3A_144 = tpu.memref_slice %arg5[%dma_start3A_133, %dma_start3A_134, %dma_start3A_142, %dma_start3A_143] : memref<4x4x8x129xf32, #tpu.memory_space<vmem>> -> memref<1x1x8x128xf32, #tpu.memory_space<vmem>>
    %dma_start3A_145 = tpu.memref_squeeze %dma_start3A_144 : memref<1x1x8x128xf32, #tpu.memory_space<vmem>> -> memref<8x128xf32, #tpu.memory_space<vmem>>
    %dma_start3A_146 = arith.constant 0 : i32
    %dma_start3A_147 = tpu.memref_slice %arg2[%dma_start3A_132, %dma_start3A_146, %mul3A_131] : memref<4x8x1000000xf32, #tpu.memory_space<hbm>> -> memref<1x8x128xf32, #tpu.memory_space<hbm>>
    %dma_start3A_148 = tpu.memref_squeeze %dma_start3A_147 : memref<1x8x128xf32, #tpu.memory_space<hbm>> -> memref<8x128xf32, #tpu.memory_space<hbm>>
    tpu.enqueue_dma source(%dma_start3A_148 : memref<8x128xf32, #tpu.memory_space<hbm>>) target(%dma_start3A_145 : memref<8x128xf32, #tpu.memory_space<vmem>>) target_semaphore(%arg9 : memref<!tpu.dma_semaphore, #tpu.memory_space<semaphore_mem>>)
    %mul3A_149 = arith.constant 128 : i32
    %mul3A_150 = arith.muli %add3A_91, %mul3A_149 : i32
    %dma_start3A_151 = arith.constant 3 : i32
    %dma_start3A_152 = arith.constant 1 : i32
    %dma_start3A_153 = arith.constant 3 : i32
    %dma_start3A_154 = arith.constant 0 : i32
    %dma_start3A_155 = arith.constant 0 : i32
    %dma_start3A_156 = tpu.memref_slice %arg5[%dma_start3A_152, %dma_start3A_153, %dma_start3A_154, %dma_start3A_155] : memref<4x4x8x129xf32, #tpu.memory_space<vmem>> -> memref<1x1x8x128xf32, #tpu.memory_space<vmem>>
    %dma_start3A_157 = tpu.memref_squeeze %dma_start3A_156 : memref<1x1x8x128xf32, #tpu.memory_space<vmem>> -> memref<8x128xf32, #tpu.memory_space<vmem>>
    %dma_start3A_158 = arith.constant 0 : i32
    %dma_start3A_159 = tpu.memref_slice %arg2[%dma_start3A_151, %dma_start3A_158, %mul3A_150] : memref<4x8x1000000xf32, #tpu.memory_space<hbm>> -> memref<1x8x128xf32, #tpu.memory_space<hbm>>
    %dma_start3A_160 = tpu.memref_squeeze %dma_start3A_159 : memref<1x8x128xf32, #tpu.memory_space<hbm>> -> memref<8x128xf32, #tpu.memory_space<hbm>>
    %dma_start3A_161 = arith.constant 0 : i32
    %dma_start3A_162 = arith.constant 0 : i32
    %dma_start3A_163 = tpu.memref_slice %arg5[%dma_start3A_152, %dma_start3A_153, %dma_start3A_161, %dma_start3A_162] : memref<4x4x8x129xf32, #tpu.memory_space<vmem>> -> memref<1x1x8x128xf32, #tpu.memory_space<vmem>>
    %dma_start3A_164 = tpu.memref_squeeze %dma_start3A_163 : memref<1x1x8x128xf32, #tpu.memory_space<vmem>> -> memref<8x128xf32, #tpu.memory_space<vmem>>
    %dma_start3A_165 = arith.constant 0 : i32
    %dma_start3A_166 = tpu.memref_slice %arg2[%dma_start3A_151, %dma_start3A_165, %mul3A_150] : memref<4x8x1000000xf32, #tpu.memory_space<hbm>> -> memref<1x8x128xf32, #tpu.memory_space<hbm>>
    %dma_start3A_167 = tpu.memref_squeeze %dma_start3A_166 : memref<1x8x128xf32, #tpu.memory_space<hbm>> -> memref<8x128xf32, #tpu.memory_space<hbm>>
    tpu.enqueue_dma source(%dma_start3A_167 : memref<8x128xf32, #tpu.memory_space<hbm>>) target(%dma_start3A_164 : memref<8x128xf32, #tpu.memory_space<vmem>>) target_semaphore(%arg9 : memref<!tpu.dma_semaphore, #tpu.memory_space<semaphore_mem>>)
    %add3A_168 = arith.constant 2 : i32
    %add3A_169 = arith.addi %mul3A_2, %add3A_168 : i32
    %mul3A_170 = arith.constant 128 : i32
    %mul3A_171 = arith.muli %add3A_169, %mul3A_170 : i32
    %dma_start3A_172 = arith.constant 0 : i32
    %dma_start3A_173 = arith.constant 2 : i32
    %dma_start3A_174 = arith.constant 0 : i32
    %dma_start3A_175 = arith.constant 0 : i32
    %dma_start3A_176 = arith.constant 0 : i32
    %dma_start3A_177 = tpu.memref_slice %arg5[%dma_start3A_173, %dma_start3A_174, %dma_start3A_175, %dma_start3A_176] : memref<4x4x8x129xf32, #tpu.memory_space<vmem>> -> memref<1x1x8x128xf32, #tpu.memory_space<vmem>>
    %dma_start3A_178 = tpu.memref_squeeze %dma_start3A_177 : memref<1x1x8x128xf32, #tpu.memory_space<vmem>> -> memref<8x128xf32, #tpu.memory_space<vmem>>
    %dma_start3A_179 = arith.constant 0 : i32
    %dma_start3A_180 = tpu.memref_slice %arg2[%dma_start3A_172, %dma_start3A_179, %mul3A_171] : memref<4x8x1000000xf32, #tpu.memory_space<hbm>> -> memref<1x8x128xf32, #tpu.memory_space<hbm>>
    %dma_start3A_181 = tpu.memref_squeeze %dma_start3A_180 : memref<1x8x128xf32, #tpu.memory_space<hbm>> -> memref<8x128xf32, #tpu.memory_space<hbm>>
    %dma_start3A_182 = arith.constant 0 : i32
    %dma_start3A_183 = arith.constant 0 : i32
    %dma_start3A_184 = tpu.memref_slice %arg5[%dma_start3A_173, %dma_start3A_174, %dma_start3A_182, %dma_start3A_183] : memref<4x4x8x129xf32, #tpu.memory_space<vmem>> -> memref<1x1x8x128xf32, #tpu.memory_space<vmem>>
    %dma_start3A_185 = tpu.memref_squeeze %dma_start3A_184 : memref<1x1x8x128xf32, #tpu.memory_space<vmem>> -> memref<8x128xf32, #tpu.memory_space<vmem>>
    %dma_start3A_186 = arith.constant 0 : i32
    %dma_start3A_187 = tpu.memref_slice %arg2[%dma_start3A_172, %dma_start3A_186, %mul3A_171] : memref<4x8x1000000xf32, #tpu.memory_space<hbm>> -> memref<1x8x128xf32, #tpu.memory_space<hbm>>
    %dma_start3A_188 = tpu.memref_squeeze %dma_start3A_187 : memref<1x8x128xf32, #tpu.memory_space<hbm>> -> memref<8x128xf32, #tpu.memory_space<hbm>>
    tpu.enqueue_dma source(%dma_start3A_188 : memref<8x128xf32, #tpu.memory_space<hbm>>) target(%dma_start3A_185 : memref<8x128xf32, #tpu.memory_space<vmem>>) target_semaphore(%arg10 : memref<!tpu.dma_semaphore, #tpu.memory_space<semaphore_mem>>)
    %mul3A_189 = arith.constant 128 : i32
    %mul3A_190 = arith.muli %add3A_169, %mul3A_189 : i32
    %dma_start3A_191 = arith.constant 1 : i32
    %dma_start3A_192 = arith.constant 2 : i32
    %dma_start3A_193 = arith.constant 1 : i32
    %dma_start3A_194 = arith.constant 0 : i32
    %dma_start3A_195 = arith.constant 0 : i32
    %dma_start3A_196 = tpu.memref_slice %arg5[%dma_start3A_192, %dma_start3A_193, %dma_start3A_194, %dma_start3A_195] : memref<4x4x8x129xf32, #tpu.memory_space<vmem>> -> memref<1x1x8x128xf32, #tpu.memory_space<vmem>>
    %dma_start3A_197 = tpu.memref_squeeze %dma_start3A_196 : memref<1x1x8x128xf32, #tpu.memory_space<vmem>> -> memref<8x128xf32, #tpu.memory_space<vmem>>
    %dma_start3A_198 = arith.constant 0 : i32
    %dma_start3A_199 = tpu.memref_slice %arg2[%dma_start3A_191, %dma_start3A_198, %mul3A_190] : memref<4x8x1000000xf32, #tpu.memory_space<hbm>> -> memref<1x8x128xf32, #tpu.memory_space<hbm>>
    %dma_start3A_200 = tpu.memref_squeeze %dma_start3A_199 : memref<1x8x128xf32, #tpu.memory_space<hbm>> -> memref<8x128xf32, #tpu.memory_space<hbm>>
    %dma_start3A_201 = arith.constant 0 : i32
    %dma_start3A_202 = arith.constant 0 : i32
    %dma_start3A_203 = tpu.memref_slice %arg5[%dma_start3A_192, %dma_start3A_193, %dma_start3A_201, %dma_start3A_202] : memref<4x4x8x129xf32, #tpu.memory_space<vmem>> -> memref<1x1x8x128xf32, #tpu.memory_space<vmem>>
    %dma_start3A_204 = tpu.memref_squeeze %dma_start3A_203 : memref<1x1x8x128xf32, #tpu.memory_space<vmem>> -> memref<8x128xf32, #tpu.memory_space<vmem>>
    %dma_start3A_205 = arith.constant 0 : i32
    %dma_start3A_206 = tpu.memref_slice %arg2[%dma_start3A_191, %dma_start3A_205, %mul3A_190] : memref<4x8x1000000xf32, #tpu.memory_space<hbm>> -> memref<1x8x128xf32, #tpu.memory_space<hbm>>
    %dma_start3A_207 = tpu.memref_squeeze %dma_start3A_206 : memref<1x8x128xf32, #tpu.memory_space<hbm>> -> memref<8x128xf32, #tpu.memory_space<hbm>>
    tpu.enqueue_dma source(%dma_start3A_207 : memref<8x128xf32, #tpu.memory_space<hbm>>) target(%dma_start3A_204 : memref<8x128xf32, #tpu.memory_space<vmem>>) target_semaphore(%arg10 : memref<!tpu.dma_semaphore, #tpu.memory_space<semaphore_mem>>)
    %mul3A_208 = arith.constant 128 : i32
    %mul3A_209 = arith.muli %add3A_169, %mul3A_208 : i32
    %dma_start3A_210 = arith.constant 2 : i32
    %dma_start3A_211 = arith.constant 2 : i32
    %dma_start3A_212 = arith.constant 2 : i32
    %dma_start3A_213 = arith.constant 0 : i32
    %dma_start3A_214 = arith.constant 0 : i32
    %dma_start3A_215 = tpu.memref_slice %arg5[%dma_start3A_211, %dma_start3A_212, %dma_start3A_213, %dma_start3A_214] : memref<4x4x8x129xf32, #tpu.memory_space<vmem>> -> memref<1x1x8x128xf32, #tpu.memory_space<vmem>>
    %dma_start3A_216 = tpu.memref_squeeze %dma_start3A_215 : memref<1x1x8x128xf32, #tpu.memory_space<vmem>> -> memref<8x128xf32, #tpu.memory_space<vmem>>
    %dma_start3A_217 = arith.constant 0 : i32
    %dma_start3A_218 = tpu.memref_slice %arg2[%dma_start3A_210, %dma_start3A_217, %mul3A_209] : memref<4x8x1000000xf32, #tpu.memory_space<hbm>> -> memref<1x8x128xf32, #tpu.memory_space<hbm>>
    %dma_start3A_219 = tpu.memref_squeeze %dma_start3A_218 : memref<1x8x128xf32, #tpu.memory_space<hbm>> -> memref<8x128xf32, #tpu.memory_space<hbm>>
    %dma_start3A_220 = arith.constant 0 : i32
    %dma_start3A_221 = arith.constant 0 : i32
    %dma_start3A_222 = tpu.memref_slice %arg5[%dma_start3A_211, %dma_start3A_212, %dma_start3A_220, %dma_start3A_221] : memref<4x4x8x129xf32, #tpu.memory_space<vmem>> -> memref<1x1x8x128xf32, #tpu.memory_space<vmem>>
    %dma_start3A_223 = tpu.memref_squeeze %dma_start3A_222 : memref<1x1x8x128xf32, #tpu.memory_space<vmem>> -> memref<8x128xf32, #tpu.memory_space<vmem>>
    %dma_start3A_224 = arith.constant 0 : i32
    %dma_start3A_225 = tpu.memref_slice %arg2[%dma_start3A_210, %dma_start3A_224, %mul3A_209] : memref<4x8x1000000xf32, #tpu.memory_space<hbm>> -> memref<1x8x128xf32, #tpu.memory_space<hbm>>
    %dma_start3A_226 = tpu.memref_squeeze %dma_start3A_225 : memref<1x8x128xf32, #tpu.memory_space<hbm>> -> memref<8x128xf32, #tpu.memory_space<hbm>>
    tpu.enqueue_dma source(%dma_start3A_226 : memref<8x128xf32, #tpu.memory_space<hbm>>) target(%dma_start3A_223 : memref<8x128xf32, #tpu.memory_space<vmem>>) target_semaphore(%arg10 : memref<!tpu.dma_semaphore, #tpu.memory_space<semaphore_mem>>)
    %mul3A_227 = arith.constant 128 : i32
    %mul3A_228 = arith.muli %add3A_169, %mul3A_227 : i32
    %dma_start3A_229 = arith.constant 3 : i32
    %dma_start3A_230 = arith.constant 2 : i32
    %dma_start3A_231 = arith.constant 3 : i32
    %dma_start3A_232 = arith.constant 0 : i32
    %dma_start3A_233 = arith.constant 0 : i32
    %dma_start3A_234 = tpu.memref_slice %arg5[%dma_start3A_230, %dma_start3A_231, %dma_start3A_232, %dma_start3A_233] : memref<4x4x8x129xf32, #tpu.memory_space<vmem>> -> memref<1x1x8x128xf32, #tpu.memory_space<vmem>>
    %dma_start3A_235 = tpu.memref_squeeze %dma_start3A_234 : memref<1x1x8x128xf32, #tpu.memory_space<vmem>> -> memref<8x128xf32, #tpu.memory_space<vmem>>
    %dma_start3A_236 = arith.constant 0 : i32
    %dma_start3A_237 = tpu.memref_slice %arg2[%dma_start3A_229, %dma_start3A_236, %mul3A_228] : memref<4x8x1000000xf32, #tpu.memory_space<hbm>> -> memref<1x8x128xf32, #tpu.memory_space<hbm>>
    %dma_start3A_238 = tpu.memref_squeeze %dma_start3A_237 : memref<1x8x128xf32, #tpu.memory_space<hbm>> -> memref<8x128xf32, #tpu.memory_space<hbm>>
    %dma_start3A_239 = arith.constant 0 : i32
    %dma_start3A_240 = arith.constant 0 : i32
    %dma_start3A_241 = tpu.memref_slice %arg5[%dma_start3A_230, %dma_start3A_231, %dma_start3A_239, %dma_start3A_240] : memref<4x4x8x129xf32, #tpu.memory_space<vmem>> -> memref<1x1x8x128xf32, #tpu.memory_space<vmem>>
    %dma_start3A_242 = tpu.memref_squeeze %dma_start3A_241 : memref<1x1x8x128xf32, #tpu.memory_space<vmem>> -> memref<8x128xf32, #tpu.memory_space<vmem>>
    %dma_start3A_243 = arith.constant 0 : i32
    %dma_start3A_244 = tpu.memref_slice %arg2[%dma_start3A_229, %dma_start3A_243, %mul3A_228] : memref<4x8x1000000xf32, #tpu.memory_space<hbm>> -> memref<1x8x128xf32, #tpu.memory_space<hbm>>
    %dma_start3A_245 = tpu.memref_squeeze %dma_start3A_244 : memref<1x8x128xf32, #tpu.memory_space<hbm>> -> memref<8x128xf32, #tpu.memory_space<hbm>>
    tpu.enqueue_dma source(%dma_start3A_245 : memref<8x128xf32, #tpu.memory_space<hbm>>) target(%dma_start3A_242 : memref<8x128xf32, #tpu.memory_space<vmem>>) target_semaphore(%arg10 : memref<!tpu.dma_semaphore, #tpu.memory_space<semaphore_mem>>)
    %add3A_246 = arith.constant 3 : i32
    %add3A_247 = arith.addi %mul3A_2, %add3A_246 : i32
    %mul3A_248 = arith.constant 128 : i32
    %mul3A_249 = arith.muli %add3A_247, %mul3A_248 : i32
    %dma_start3A_250 = arith.constant 0 : i32
    %dma_start3A_251 = arith.constant 3 : i32
    %dma_start3A_252 = arith.constant 0 : i32
    %dma_start3A_253 = arith.constant 0 : i32
    %dma_start3A_254 = arith.constant 0 : i32
    %dma_start3A_255 = tpu.memref_slice %arg5[%dma_start3A_251, %dma_start3A_252, %dma_start3A_253, %dma_start3A_254] : memref<4x4x8x129xf32, #tpu.memory_space<vmem>> -> memref<1x1x8x128xf32, #tpu.memory_space<vmem>>
    %dma_start3A_256 = tpu.memref_squeeze %dma_start3A_255 : memref<1x1x8x128xf32, #tpu.memory_space<vmem>> -> memref<8x128xf32, #tpu.memory_space<vmem>>
    %dma_start3A_257 = arith.constant 0 : i32
    %dma_start3A_258 = tpu.memref_slice %arg2[%dma_start3A_250, %dma_start3A_257, %mul3A_249] : memref<4x8x1000000xf32, #tpu.memory_space<hbm>> -> memref<1x8x128xf32, #tpu.memory_space<hbm>>
    %dma_start3A_259 = tpu.memref_squeeze %dma_start3A_258 : memref<1x8x128xf32, #tpu.memory_space<hbm>> -> memref<8x128xf32, #tpu.memory_space<hbm>>
    %dma_start3A_260 = arith.constant 0 : i32
    %dma_start3A_261 = arith.constant 0 : i32
    %dma_start3A_262 = tpu.memref_slice %arg5[%dma_start3A_251, %dma_start3A_252, %dma_start3A_260, %dma_start3A_261] : memref<4x4x8x129xf32, #tpu.memory_space<vmem>> -> memref<1x1x8x128xf32, #tpu.memory_space<vmem>>
    %dma_start3A_263 = tpu.memref_squeeze %dma_start3A_262 : memref<1x1x8x128xf32, #tpu.memory_space<vmem>> -> memref<8x128xf32, #tpu.memory_space<vmem>>
    %dma_start3A_264 = arith.constant 0 : i32
    %dma_start3A_265 = tpu.memref_slice %arg2[%dma_start3A_250, %dma_start3A_264, %mul3A_249] : memref<4x8x1000000xf32, #tpu.memory_space<hbm>> -> memref<1x8x128xf32, #tpu.memory_space<hbm>>
    %dma_start3A_266 = tpu.memref_squeeze %dma_start3A_265 : memref<1x8x128xf32, #tpu.memory_space<hbm>> -> memref<8x128xf32, #tpu.memory_space<hbm>>
    tpu.enqueue_dma source(%dma_start3A_266 : memref<8x128xf32, #tpu.memory_space<hbm>>) target(%dma_start3A_263 : memref<8x128xf32, #tpu.memory_space<vmem>>) target_semaphore(%arg11 : memref<!tpu.dma_semaphore, #tpu.memory_space<semaphore_mem>>)
    %mul3A_267 = arith.constant 128 : i32
    %mul3A_268 = arith.muli %add3A_247, %mul3A_267 : i32
    %dma_start3A_269 = arith.constant 1 : i32
    %dma_start3A_270 = arith.constant 3 : i32
    %dma_start3A_271 = arith.constant 1 : i32
    %dma_start3A_272 = arith.constant 0 : i32
    %dma_start3A_273 = arith.constant 0 : i32
    %dma_start3A_274 = tpu.memref_slice %arg5[%dma_start3A_270, %dma_start3A_271, %dma_start3A_272, %dma_start3A_273] : memref<4x4x8x129xf32, #tpu.memory_space<vmem>> -> memref<1x1x8x128xf32, #tpu.memory_space<vmem>>
    %dma_start3A_275 = tpu.memref_squeeze %dma_start3A_274 : memref<1x1x8x128xf32, #tpu.memory_space<vmem>> -> memref<8x128xf32, #tpu.memory_space<vmem>>
    %dma_start3A_276 = arith.constant 0 : i32
    %dma_start3A_277 = tpu.memref_slice %arg2[%dma_start3A_269, %dma_start3A_276, %mul3A_268] : memref<4x8x1000000xf32, #tpu.memory_space<hbm>> -> memref<1x8x128xf32, #tpu.memory_space<hbm>>
    %dma_start3A_278 = tpu.memref_squeeze %dma_start3A_277 : memref<1x8x128xf32, #tpu.memory_space<hbm>> -> memref<8x128xf32, #tpu.memory_space<hbm>>
    %dma_start3A_279 = arith.constant 0 : i32
    %dma_start3A_280 = arith.constant 0 : i32
    %dma_start3A_281 = tpu.memref_slice %arg5[%dma_start3A_270, %dma_start3A_271, %dma_start3A_279, %dma_start3A_280] : memref<4x4x8x129xf32, #tpu.memory_space<vmem>> -> memref<1x1x8x128xf32, #tpu.memory_space<vmem>>
    %dma_start3A_282 = tpu.memref_squeeze %dma_start3A_281 : memref<1x1x8x128xf32, #tpu.memory_space<vmem>> -> memref<8x128xf32, #tpu.memory_space<vmem>>
    %dma_start3A_283 = arith.constant 0 : i32
    %dma_start3A_284 = tpu.memref_slice %arg2[%dma_start3A_269, %dma_start3A_283, %mul3A_268] : memref<4x8x1000000xf32, #tpu.memory_space<hbm>> -> memref<1x8x128xf32, #tpu.memory_space<hbm>>
    %dma_start3A_285 = tpu.memref_squeeze %dma_start3A_284 : memref<1x8x128xf32, #tpu.memory_space<hbm>> -> memref<8x128xf32, #tpu.memory_space<hbm>>
    tpu.enqueue_dma source(%dma_start3A_285 : memref<8x128xf32, #tpu.memory_space<hbm>>) target(%dma_start3A_282 : memref<8x128xf32, #tpu.memory_space<vmem>>) target_semaphore(%arg11 : memref<!tpu.dma_semaphore, #tpu.memory_space<semaphore_mem>>)
    %mul3A_286 = arith.constant 128 : i32
    %mul3A_287 = arith.muli %add3A_247, %mul3A_286 : i32
    %dma_start3A_288 = arith.constant 2 : i32
    %dma_start3A_289 = arith.constant 3 : i32
    %dma_start3A_290 = arith.constant 2 : i32
    %dma_start3A_291 = arith.constant 0 : i32
    %dma_start3A_292 = arith.constant 0 : i32
    %dma_start3A_293 = tpu.memref_slice %arg5[%dma_start3A_289, %dma_start3A_290, %dma_start3A_291, %dma_start3A_292] : memref<4x4x8x129xf32, #tpu.memory_space<vmem>> -> memref<1x1x8x128xf32, #tpu.memory_space<vmem>>
    %dma_start3A_294 = tpu.memref_squeeze %dma_start3A_293 : memref<1x1x8x128xf32, #tpu.memory_space<vmem>> -> memref<8x128xf32, #tpu.memory_space<vmem>>
    %dma_start3A_295 = arith.constant 0 : i32
    %dma_start3A_296 = tpu.memref_slice %arg2[%dma_start3A_288, %dma_start3A_295, %mul3A_287] : memref<4x8x1000000xf32, #tpu.memory_space<hbm>> -> memref<1x8x128xf32, #tpu.memory_space<hbm>>
    %dma_start3A_297 = tpu.memref_squeeze %dma_start3A_296 : memref<1x8x128xf32, #tpu.memory_space<hbm>> -> memref<8x128xf32, #tpu.memory_space<hbm>>
    %dma_start3A_298 = arith.constant 0 : i32
    %dma_start3A_299 = arith.constant 0 : i32
    %dma_start3A_300 = tpu.memref_slice %arg5[%dma_start3A_289, %dma_start3A_290, %dma_start3A_298, %dma_start3A_299] : memref<4x4x8x129xf32, #tpu.memory_space<vmem>> -> memref<1x1x8x128xf32, #tpu.memory_space<vmem>>
    %dma_start3A_301 = tpu.memref_squeeze %dma_start3A_300 : memref<1x1x8x128xf32, #tpu.memory_space<vmem>> -> memref<8x128xf32, #tpu.memory_space<vmem>>
    %dma_start3A_302 = arith.constant 0 : i32
    %dma_start3A_303 = tpu.memref_slice %arg2[%dma_start3A_288, %dma_start3A_302, %mul3A_287] : memref<4x8x1000000xf32, #tpu.memory_space<hbm>> -> memref<1x8x128xf32, #tpu.memory_space<hbm>>
    %dma_start3A_304 = tpu.memref_squeeze %dma_start3A_303 : memref<1x8x128xf32, #tpu.memory_space<hbm>> -> memref<8x128xf32, #tpu.memory_space<hbm>>
    tpu.enqueue_dma source(%dma_start3A_304 : memref<8x128xf32, #tpu.memory_space<hbm>>) target(%dma_start3A_301 : memref<8x128xf32, #tpu.memory_space<vmem>>) target_semaphore(%arg11 : memref<!tpu.dma_semaphore, #tpu.memory_space<semaphore_mem>>)
    %mul3A_305 = arith.constant 128 : i32
    %mul3A_306 = arith.muli %add3A_247, %mul3A_305 : i32
    %dma_start3A_307 = arith.constant 3 : i32
    %dma_start3A_308 = arith.constant 3 : i32
    %dma_start3A_309 = arith.constant 3 : i32
    %dma_start3A_310 = arith.constant 0 : i32
    %dma_start3A_311 = arith.constant 0 : i32
    %dma_start3A_312 = tpu.memref_slice %arg5[%dma_start3A_308, %dma_start3A_309, %dma_start3A_310, %dma_start3A_311] : memref<4x4x8x129xf32, #tpu.memory_space<vmem>> -> memref<1x1x8x128xf32, #tpu.memory_space<vmem>>
    %dma_start3A_313 = tpu.memref_squeeze %dma_start3A_312 : memref<1x1x8x128xf32, #tpu.memory_space<vmem>> -> memref<8x128xf32, #tpu.memory_space<vmem>>
    %dma_start3A_314 = arith.constant 0 : i32
    %dma_start3A_315 = tpu.memref_slice %arg2[%dma_start3A_307, %dma_start3A_314, %mul3A_306] : memref<4x8x1000000xf32, #tpu.memory_space<hbm>> -> memref<1x8x128xf32, #tpu.memory_space<hbm>>
    %dma_start3A_316 = tpu.memref_squeeze %dma_start3A_315 : memref<1x8x128xf32, #tpu.memory_space<hbm>> -> memref<8x128xf32, #tpu.memory_space<hbm>>
    %dma_start3A_317 = arith.constant 0 : i32
    %dma_start3A_318 = arith.constant 0 : i32
    %dma_start3A_319 = tpu.memref_slice %arg5[%dma_start3A_308, %dma_start3A_309, %dma_start3A_317, %dma_start3A_318] : memref<4x4x8x129xf32, #tpu.memory_space<vmem>> -> memref<1x1x8x128xf32, #tpu.memory_space<vmem>>
    %dma_start3A_320 = tpu.memref_squeeze %dma_start3A_319 : memref<1x1x8x128xf32, #tpu.memory_space<vmem>> -> memref<8x128xf32, #tpu.memory_space<vmem>>
    %dma_start3A_321 = arith.constant 0 : i32
    %dma_start3A_322 = tpu.memref_slice %arg2[%dma_start3A_307, %dma_start3A_321, %mul3A_306] : memref<4x8x1000000xf32, #tpu.memory_space<hbm>> -> memref<1x8x128xf32, #tpu.memory_space<hbm>>
    %dma_start3A_323 = tpu.memref_squeeze %dma_start3A_322 : memref<1x8x128xf32, #tpu.memory_space<hbm>> -> memref<8x128xf32, #tpu.memory_space<hbm>>
    tpu.enqueue_dma source(%dma_start3A_323 : memref<8x128xf32, #tpu.memory_space<hbm>>) target(%dma_start3A_320 : memref<8x128xf32, #tpu.memory_space<vmem>>) target_semaphore(%arg11 : memref<!tpu.dma_semaphore, #tpu.memory_space<semaphore_mem>>)
    %scan3A = arith.constant 0 : i32
    %scan3A_324 = arith.constant 61 : i32
    %scan3A_325 = arith.addi %scan3A, %scan3A_324 : i32
    %scan3A_326 = arith.constant 1 : i32
    scf.for %scan3A_416 = %scan3A to %scan3A_325 step %scan3A_326  : i32 {
      %mul3A_417 = arith.constant 4 : i32
      %mul3A_418 = arith.muli %scan3A_416, %mul3A_417 : i32
      %add3A_419 = arith.constant 0 : i32
      %add3A_420 = arith.addi %add3A_419, %mul3A_418 : i32
      %add3A_421 = arith.addi %mul3A_2, %add3A_420 : i32
      %add3A_422 = arith.constant 0 : i32
      %add3A_423 = arith.addi %add3A_421, %add3A_422 : i32
      %mul3A_424 = arith.constant 128 : i32
      %mul3A_425 = arith.muli %add3A_423, %mul3A_424 : i32
      %dma_wait3A_426 = arith.constant 0 : i32
      %dma_wait3A_427 = arith.constant 0 : i32
      %dma_wait3A_428 = arith.constant 0 : i32
      %dma_wait3A_429 = arith.constant 0 : i32
      %dma_wait3A_430 = arith.constant 0 : i32
      %dma_wait3A_431 = tpu.memref_slice %arg5[%dma_wait3A_427, %dma_wait3A_428, %dma_wait3A_429, %dma_wait3A_430] : memref<4x4x8x129xf32, #tpu.memory_space<vmem>> -> memref<1x1x8x128xf32, #tpu.memory_space<vmem>>
      %dma_wait3A_432 = tpu.memref_squeeze %dma_wait3A_431 : memref<1x1x8x128xf32, #tpu.memory_space<vmem>> -> memref<8x128xf32, #tpu.memory_space<vmem>>
      %dma_wait3A_433 = arith.constant 0 : i32
      %dma_wait3A_434 = tpu.memref_slice %arg2[%dma_wait3A_426, %dma_wait3A_433, %mul3A_425] : memref<4x8x1000000xf32, #tpu.memory_space<hbm>> -> memref<1x8x128xf32, #tpu.memory_space<hbm>>
      %dma_wait3A_435 = tpu.memref_squeeze %dma_wait3A_434 : memref<1x8x128xf32, #tpu.memory_space<hbm>> -> memref<8x128xf32, #tpu.memory_space<hbm>>
      %dma_wait3A_436 = arith.constant 0 : i32
      %dma_wait3A_437 = arith.constant 0 : i32
      %dma_wait3A_438 = tpu.memref_slice %arg5[%dma_wait3A_427, %dma_wait3A_428, %dma_wait3A_436, %dma_wait3A_437] : memref<4x4x8x129xf32, #tpu.memory_space<vmem>> -> memref<1x1x8x128xf32, #tpu.memory_space<vmem>>
      %dma_wait3A_439 = tpu.memref_squeeze %dma_wait3A_438 : memref<1x1x8x128xf32, #tpu.memory_space<vmem>> -> memref<8x128xf32, #tpu.memory_space<vmem>>
      %dma_wait3A_440 = arith.constant 0 : i32
      %dma_wait3A_441 = tpu.memref_slice %arg2[%dma_wait3A_426, %dma_wait3A_440, %mul3A_425] : memref<4x8x1000000xf32, #tpu.memory_space<hbm>> -> memref<1x8x128xf32, #tpu.memory_space<hbm>>
      %dma_wait3A_442 = tpu.memref_squeeze %dma_wait3A_441 : memref<1x8x128xf32, #tpu.memory_space<hbm>> -> memref<8x128xf32, #tpu.memory_space<hbm>>
      tpu.wait_dma2 semaphore(%arg8 : memref<!tpu.dma_semaphore, #tpu.memory_space<semaphore_mem>>) src(%dma_wait3A_442 : memref<8x128xf32, #tpu.memory_space<hbm>>) dst(%dma_wait3A_439 : memref<8x128xf32, #tpu.memory_space<vmem>>)
      %mul3A_443 = arith.constant 128 : i32
      %mul3A_444 = arith.muli %add3A_423, %mul3A_443 : i32
      %dma_wait3A_445 = arith.constant 1 : i32
      %dma_wait3A_446 = arith.constant 0 : i32
      %dma_wait3A_447 = arith.constant 1 : i32
      %dma_wait3A_448 = arith.constant 0 : i32
      %dma_wait3A_449 = arith.constant 0 : i32
      %dma_wait3A_450 = tpu.memref_slice %arg5[%dma_wait3A_446, %dma_wait3A_447, %dma_wait3A_448, %dma_wait3A_449] : memref<4x4x8x129xf32, #tpu.memory_space<vmem>> -> memref<1x1x8x128xf32, #tpu.memory_space<vmem>>
      %dma_wait3A_451 = tpu.memref_squeeze %dma_wait3A_450 : memref<1x1x8x128xf32, #tpu.memory_space<vmem>> -> memref<8x128xf32, #tpu.memory_space<vmem>>
      %dma_wait3A_452 = arith.constant 0 : i32
      %dma_wait3A_453 = tpu.memref_slice %arg2[%dma_wait3A_445, %dma_wait3A_452, %mul3A_444] : memref<4x8x1000000xf32, #tpu.memory_space<hbm>> -> memref<1x8x128xf32, #tpu.memory_space<hbm>>
      %dma_wait3A_454 = tpu.memref_squeeze %dma_wait3A_453 : memref<1x8x128xf32, #tpu.memory_space<hbm>> -> memref<8x128xf32, #tpu.memory_space<hbm>>
      %dma_wait3A_455 = arith.constant 0 : i32
      %dma_wait3A_456 = arith.constant 0 : i32
      %dma_wait3A_457 = tpu.memref_slice %arg5[%dma_wait3A_446, %dma_wait3A_447, %dma_wait3A_455, %dma_wait3A_456] : memref<4x4x8x129xf32, #tpu.memory_space<vmem>> -> memref<1x1x8x128xf32, #tpu.memory_space<vmem>>
      %dma_wait3A_458 = tpu.memref_squeeze %dma_wait3A_457 : memref<1x1x8x128xf32, #tpu.memory_space<vmem>> -> memref<8x128xf32, #tpu.memory_space<vmem>>
      %dma_wait3A_459 = arith.constant 0 : i32
      %dma_wait3A_460 = tpu.memref_slice %arg2[%dma_wait3A_445, %dma_wait3A_459, %mul3A_444] : memref<4x8x1000000xf32, #tpu.memory_space<hbm>> -> memref<1x8x128xf32, #tpu.memory_space<hbm>>
      %dma_wait3A_461 = tpu.memref_squeeze %dma_wait3A_460 : memref<1x8x128xf32, #tpu.memory_space<hbm>> -> memref<8x128xf32, #tpu.memory_space<hbm>>
      tpu.wait_dma2 semaphore(%arg8 : memref<!tpu.dma_semaphore, #tpu.memory_space<semaphore_mem>>) src(%dma_wait3A_461 : memref<8x128xf32, #tpu.memory_space<hbm>>) dst(%dma_wait3A_458 : memref<8x128xf32, #tpu.memory_space<vmem>>)
      %mul3A_462 = arith.constant 128 : i32
      %mul3A_463 = arith.muli %add3A_423, %mul3A_462 : i32
      %dma_wait3A_464 = arith.constant 2 : i32
      %dma_wait3A_465 = arith.constant 0 : i32
      %dma_wait3A_466 = arith.constant 2 : i32
      %dma_wait3A_467 = arith.constant 0 : i32
      %dma_wait3A_468 = arith.constant 0 : i32
      %dma_wait3A_469 = tpu.memref_slice %arg5[%dma_wait3A_465, %dma_wait3A_466, %dma_wait3A_467, %dma_wait3A_468] : memref<4x4x8x129xf32, #tpu.memory_space<vmem>> -> memref<1x1x8x128xf32, #tpu.memory_space<vmem>>
      %dma_wait3A_470 = tpu.memref_squeeze %dma_wait3A_469 : memref<1x1x8x128xf32, #tpu.memory_space<vmem>> -> memref<8x128xf32, #tpu.memory_space<vmem>>
      %dma_wait3A_471 = arith.constant 0 : i32
      %dma_wait3A_472 = tpu.memref_slice %arg2[%dma_wait3A_464, %dma_wait3A_471, %mul3A_463] : memref<4x8x1000000xf32, #tpu.memory_space<hbm>> -> memref<1x8x128xf32, #tpu.memory_space<hbm>>
      %dma_wait3A_473 = tpu.memref_squeeze %dma_wait3A_472 : memref<1x8x128xf32, #tpu.memory_space<hbm>> -> memref<8x128xf32, #tpu.memory_space<hbm>>
      %dma_wait3A_474 = arith.constant 0 : i32
      %dma_wait3A_475 = arith.constant 0 : i32
      %dma_wait3A_476 = tpu.memref_slice %arg5[%dma_wait3A_465, %dma_wait3A_466, %dma_wait3A_474, %dma_wait3A_475] : memref<4x4x8x129xf32, #tpu.memory_space<vmem>> -> memref<1x1x8x128xf32, #tpu.memory_space<vmem>>
      %dma_wait3A_477 = tpu.memref_squeeze %dma_wait3A_476 : memref<1x1x8x128xf32, #tpu.memory_space<vmem>> -> memref<8x128xf32, #tpu.memory_space<vmem>>
      %dma_wait3A_478 = arith.constant 0 : i32
      %dma_wait3A_479 = tpu.memref_slice %arg2[%dma_wait3A_464, %dma_wait3A_478, %mul3A_463] : memref<4x8x1000000xf32, #tpu.memory_space<hbm>> -> memref<1x8x128xf32, #tpu.memory_space<hbm>>
      %dma_wait3A_480 = tpu.memref_squeeze %dma_wait3A_479 : memref<1x8x128xf32, #tpu.memory_space<hbm>> -> memref<8x128xf32, #tpu.memory_space<hbm>>
      tpu.wait_dma2 semaphore(%arg8 : memref<!tpu.dma_semaphore, #tpu.memory_space<semaphore_mem>>) src(%dma_wait3A_480 : memref<8x128xf32, #tpu.memory_space<hbm>>) dst(%dma_wait3A_477 : memref<8x128xf32, #tpu.memory_space<vmem>>)
      %mul3A_481 = arith.constant 128 : i32
      %mul3A_482 = arith.muli %add3A_423, %mul3A_481 : i32
      %dma_wait3A_483 = arith.constant 3 : i32
      %dma_wait3A_484 = arith.constant 0 : i32
      %dma_wait3A_485 = arith.constant 3 : i32
      %dma_wait3A_486 = arith.constant 0 : i32
      %dma_wait3A_487 = arith.constant 0 : i32
      %dma_wait3A_488 = tpu.memref_slice %arg5[%dma_wait3A_484, %dma_wait3A_485, %dma_wait3A_486, %dma_wait3A_487] : memref<4x4x8x129xf32, #tpu.memory_space<vmem>> -> memref<1x1x8x128xf32, #tpu.memory_space<vmem>>
      %dma_wait3A_489 = tpu.memref_squeeze %dma_wait3A_488 : memref<1x1x8x128xf32, #tpu.memory_space<vmem>> -> memref<8x128xf32, #tpu.memory_space<vmem>>
      %dma_wait3A_490 = arith.constant 0 : i32
      %dma_wait3A_491 = tpu.memref_slice %arg2[%dma_wait3A_483, %dma_wait3A_490, %mul3A_482] : memref<4x8x1000000xf32, #tpu.memory_space<hbm>> -> memref<1x8x128xf32, #tpu.memory_space<hbm>>
      %dma_wait3A_492 = tpu.memref_squeeze %dma_wait3A_491 : memref<1x8x128xf32, #tpu.memory_space<hbm>> -> memref<8x128xf32, #tpu.memory_space<hbm>>
      %dma_wait3A_493 = arith.constant 0 : i32
      %dma_wait3A_494 = arith.constant 0 : i32
      %dma_wait3A_495 = tpu.memref_slice %arg5[%dma_wait3A_484, %dma_wait3A_485, %dma_wait3A_493, %dma_wait3A_494] : memref<4x4x8x129xf32, #tpu.memory_space<vmem>> -> memref<1x1x8x128xf32, #tpu.memory_space<vmem>>
      %dma_wait3A_496 = tpu.memref_squeeze %dma_wait3A_495 : memref<1x1x8x128xf32, #tpu.memory_space<vmem>> -> memref<8x128xf32, #tpu.memory_space<vmem>>
      %dma_wait3A_497 = arith.constant 0 : i32
      %dma_wait3A_498 = tpu.memref_slice %arg2[%dma_wait3A_483, %dma_wait3A_497, %mul3A_482] : memref<4x8x1000000xf32, #tpu.memory_space<hbm>> -> memref<1x8x128xf32, #tpu.memory_space<hbm>>
      %dma_wait3A_499 = tpu.memref_squeeze %dma_wait3A_498 : memref<1x8x128xf32, #tpu.memory_space<hbm>> -> memref<8x128xf32, #tpu.memory_space<hbm>>
      tpu.wait_dma2 semaphore(%arg8 : memref<!tpu.dma_semaphore, #tpu.memory_space<semaphore_mem>>) src(%dma_wait3A_499 : memref<8x128xf32, #tpu.memory_space<hbm>>) dst(%dma_wait3A_496 : memref<8x128xf32, #tpu.memory_space<vmem>>)
      %add3A_500 = arith.constant 0 : i32
      %add3A_501 = arith.addi %add3A_420, %add3A_500 : i32
      %ge3A = arith.constant 4 : i32
      %ge3A_502 = arith.cmpi sge, %add3A_501, %ge3A : i32
      %convert_element_type3A_503 = arith.extui %ge3A_502 : i1 to i32
      %cond3A_504 = arith.constant 0 : i32
      %cond3A_505 = arith.cmpi ne, %convert_element_type3A_503, %cond3A_504 : i32
      scf.if %cond3A_505 {
        %sub3A_871 = arith.constant 4 : i32
        %sub3A_872 = arith.subi %add3A_423, %sub3A_871 : i32
        %mul3A_873 = arith.constant 32 : i32
        %mul3A_874 = arith.muli %mul3A_873, %sub3A_872 : i32
        %dma_wait3A_875 = arith.constant 0 : i32
        %dma_wait3A_876 = arith.constant 0 : i32
        %dma_wait3A_877 = arith.constant 0 : i32
        %dma_wait3A_878 = tpu.memref_slice %arg6[%dma_wait3A_875, %dma_wait3A_876, %dma_wait3A_877] : memref<4x32x128xf32, #tpu.memory_space<vmem>> -> memref<1x32x128xf32, #tpu.memory_space<vmem>>
        %dma_wait3A_879 = tpu.memref_squeeze %dma_wait3A_878 : memref<1x32x128xf32, #tpu.memory_space<vmem>> -> memref<32x128xf32, #tpu.memory_space<vmem>>
        %dma_wait3A_880 = arith.constant 0 : i32
        %dma_wait3A_881 = tpu.memref_slice %arg4[%mul3A_874, %dma_wait3A_880] : memref<250000x128xf32, #tpu.memory_space<hbm>> -> memref<32x128xf32, #tpu.memory_space<hbm>>
        %dma_wait3A_882 = arith.constant 0 : i32
        %dma_wait3A_883 = tpu.memref_slice %arg4[%mul3A_874, %dma_wait3A_882] : memref<250000x128xf32, #tpu.memory_space<hbm>> -> memref<32x128xf32, #tpu.memory_space<hbm>>
        %dma_wait3A_884 = arith.constant 0 : i32
        %dma_wait3A_885 = arith.constant 0 : i32
        %dma_wait3A_886 = tpu.memref_slice %arg6[%dma_wait3A_875, %dma_wait3A_884, %dma_wait3A_885] : memref<4x32x128xf32, #tpu.memory_space<vmem>> -> memref<1x32x128xf32, #tpu.memory_space<vmem>>
        %dma_wait3A_887 = tpu.memref_squeeze %dma_wait3A_886 : memref<1x32x128xf32, #tpu.memory_space<vmem>> -> memref<32x128xf32, #tpu.memory_space<vmem>>
        tpu.wait_dma2 semaphore(%arg12 : memref<!tpu.dma_semaphore, #tpu.memory_space<semaphore_mem>>) src(%dma_wait3A_887 : memref<32x128xf32, #tpu.memory_space<vmem>>) dst(%dma_wait3A_883 : memref<32x128xf32, #tpu.memory_space<hbm>>)
      } else {
      }
      %parallel_loop3A = arith.constant 0 : i32
      %parallel_loop3A_506 = arith.constant 128 : i32
      %parallel_loop3A_507 = arith.constant 1 : i32
      scf.for %parallel_loop3A_871 = %parallel_loop3A to %parallel_loop3A_506 step %parallel_loop3A_507  : i32 {
        %parallel_loop3A_872 = arith.constant 0 : i32
        %parallel_loop3A_873 = vector.broadcast %parallel_loop3A_872 : i32 to vector<16xi32>
        %parallel_loop3A_874 = vector.broadcast %parallel_loop3A_871 : i32 to vector<16xi32>
        %parallel_loop3A_875 = arith.addi %parallel_loop3A_873, %parallel_loop3A_874 : vector<16xi32>
        %parallel_loop3A_876 = arith.constant 0 : i32
        %parallel_loop3A_877 = arith.constant 0 : i32
        %parallel_loop3A_878 = arith.constant 0 : i32
        %parallel_loop3A_879 = arith.constant 0 : i32
        %parallel_loop3A_880 = tpu.memref_slice %arg5[%parallel_loop3A_876, %parallel_loop3A_877, %parallel_loop3A_878, %parallel_loop3A_879] : memref<4x4x8x129xf32, #tpu.memory_space<vmem>> -> memref<1x4x8x129xf32, #tpu.memory_space<vmem>>
        %parallel_loop3A_881 = tpu.memref_squeeze %parallel_loop3A_880 : memref<1x4x8x129xf32, #tpu.memory_space<vmem>> -> memref<4x8x129xf32, #tpu.memory_space<vmem>>
        %parallel_loop3A_882 = tpu.vector_load_idx %parallel_loop3A_881[%shift_right_arithmetic3A_6, %and3A_4, %parallel_loop3A_875] : memref<4x8x129xf32, #tpu.memory_space<vmem>>[vector<16xi32>, vector<16xi32>, vector<16xi32>], vector<16xf32>,
        %parallel_loop3A_883 = arith.constant 2 : i32
        %parallel_loop3A_884 = arith.shrsi %parallel_loop3A_871, %parallel_loop3A_883 : i32
        %parallel_loop3A_885 = arith.constant 3 : i32
        %parallel_loop3A_886 = arith.andi %parallel_loop3A_871, %parallel_loop3A_885 : i32
        %parallel_loop3A_887 = arith.constant 32 : i32
        %parallel_loop3A_888 = arith.muli %parallel_loop3A_886, %parallel_loop3A_887 : i32
        %parallel_loop3A_889 = arith.constant 0 : i32
        %parallel_loop3A_890 = arith.addi %parallel_loop3A_888, %parallel_loop3A_889 : i32
        %parallel_loop3A_891 = arith.constant 0 : i32
        %parallel_loop3A_892 = arith.index_cast %parallel_loop3A_891 : i32 to index
        %parallel_loop3A_893 = arith.index_cast %parallel_loop3A_884 : i32 to index
        %parallel_loop3A_894 = arith.index_cast %parallel_loop3A_890 : i32 to index
        %parallel_loop3A_895 = tpu.vector_load %arg6[%parallel_loop3A_892, %parallel_loop3A_893, %parallel_loop3A_894] {strides = array<i32>} : memref<4x32x128xf32, #tpu.memory_space<vmem>>, vector<16xf32>,
        tpu.vector_store %arg6[%parallel_loop3A_892, %parallel_loop3A_893, %parallel_loop3A_894], %parallel_loop3A_882 {strides = array<i32>} : memref<4x32x128xf32, #tpu.memory_space<vmem>>, vector<16xf32>,
        %parallel_loop3A_896 = arith.constant 0 : i32
        %parallel_loop3A_897 = arith.constant 0 : i32
        %parallel_loop3A_898 = arith.constant 0 : i32
        %parallel_loop3A_899 = arith.constant 0 : i32
        %parallel_loop3A_900 = tpu.memref_slice %arg5[%parallel_loop3A_896, %parallel_loop3A_897, %parallel_loop3A_898, %parallel_loop3A_899] : memref<4x4x8x129xf32, #tpu.memory_space<vmem>> -> memref<1x4x8x129xf32, #tpu.memory_space<vmem>>
        %parallel_loop3A_901 = tpu.memref_squeeze %parallel_loop3A_900 : memref<1x4x8x129xf32, #tpu.memory_space<vmem>> -> memref<4x8x129xf32, #tpu.memory_space<vmem>>
        %parallel_loop3A_902 = tpu.vector_load_idx %parallel_loop3A_901[%add3A_12, %and3A_4, %parallel_loop3A_875] : memref<4x8x129xf32, #tpu.memory_space<vmem>>[vector<16xi32>, vector<16xi32>, vector<16xi32>], vector<16xf32>,
        %parallel_loop3A_903 = arith.constant 2 : i32
        %parallel_loop3A_904 = arith.shrsi %parallel_loop3A_871, %parallel_loop3A_903 : i32
        %parallel_loop3A_905 = arith.constant 3 : i32
        %parallel_loop3A_906 = arith.andi %parallel_loop3A_871, %parallel_loop3A_905 : i32
        %parallel_loop3A_907 = arith.constant 32 : i32
        %parallel_loop3A_908 = arith.muli %parallel_loop3A_906, %parallel_loop3A_907 : i32
        %parallel_loop3A_909 = arith.constant 16 : i32
        %parallel_loop3A_910 = arith.addi %parallel_loop3A_908, %parallel_loop3A_909 : i32
        %parallel_loop3A_911 = arith.constant 0 : i32
        %parallel_loop3A_912 = arith.index_cast %parallel_loop3A_911 : i32 to index
        %parallel_loop3A_913 = arith.index_cast %parallel_loop3A_904 : i32 to index
        %parallel_loop3A_914 = arith.index_cast %parallel_loop3A_910 : i32 to index
        %parallel_loop3A_915 = tpu.vector_load %arg6[%parallel_loop3A_912, %parallel_loop3A_913, %parallel_loop3A_914] {strides = array<i32>} : memref<4x32x128xf32, #tpu.memory_space<vmem>>, vector<16xf32>,
        tpu.vector_store %arg6[%parallel_loop3A_912, %parallel_loop3A_913, %parallel_loop3A_914], %parallel_loop3A_902 {strides = array<i32>} : memref<4x32x128xf32, #tpu.memory_space<vmem>>, vector<16xf32>,
      } {sc.loop_unroll_factor = 8 : i64, sc.parallel_access}
      %mul3A_508 = arith.constant 32 : i32
      %mul3A_509 = arith.muli %mul3A_508, %add3A_423 : i32
      %dma_start3A_510 = arith.constant 0 : i32
      %dma_start3A_511 = arith.constant 0 : i32
      %dma_start3A_512 = arith.constant 0 : i32
      %dma_start3A_513 = tpu.memref_slice %arg6[%dma_start3A_510, %dma_start3A_511, %dma_start3A_512] : memref<4x32x128xf32, #tpu.memory_space<vmem>> -> memref<1x32x128xf32, #tpu.memory_space<vmem>>
      %dma_start3A_514 = tpu.memref_squeeze %dma_start3A_513 : memref<1x32x128xf32, #tpu.memory_space<vmem>> -> memref<32x128xf32, #tpu.memory_space<vmem>>
      %dma_start3A_515 = arith.constant 0 : i32
      %dma_start3A_516 = tpu.memref_slice %arg4[%mul3A_509, %dma_start3A_515] : memref<250000x128xf32, #tpu.memory_space<hbm>> -> memref<32x128xf32, #tpu.memory_space<hbm>>
      %dma_start3A_517 = arith.constant 0 : i32
      %dma_start3A_518 = tpu.memref_slice %arg4[%mul3A_509, %dma_start3A_517] : memref<250000x128xf32, #tpu.memory_space<hbm>> -> memref<32x128xf32, #tpu.memory_space<hbm>>
      %dma_start3A_519 = arith.constant 0 : i32
      %dma_start3A_520 = arith.constant 0 : i32
      %dma_start3A_521 = tpu.memref_slice %arg6[%dma_start3A_510, %dma_start3A_519, %dma_start3A_520] : memref<4x32x128xf32, #tpu.memory_space<vmem>> -> memref<1x32x128xf32, #tpu.memory_space<vmem>>
      %dma_start3A_522 = tpu.memref_squeeze %dma_start3A_521 : memref<1x32x128xf32, #tpu.memory_space<vmem>> -> memref<32x128xf32, #tpu.memory_space<vmem>>
      tpu.enqueue_dma source(%dma_start3A_522 : memref<32x128xf32, #tpu.memory_space<vmem>>) target(%dma_start3A_518 : memref<32x128xf32, #tpu.memory_space<hbm>>) target_semaphore(%arg12 : memref<!tpu.dma_semaphore, #tpu.memory_space<semaphore_mem>>)
      %add3A_523 = arith.constant 0 : i32
      %add3A_524 = arith.addi %add3A_420, %add3A_523 : i32
      %add3A_525 = arith.constant 4 : i32
      %add3A_526 = arith.addi %add3A_524, %add3A_525 : i32
      %lt3A_527 = arith.constant 244 : i32
      %lt3A_528 = arith.cmpi slt, %add3A_526, %lt3A_527 : i32
      %convert_element_type3A_529 = arith.extui %lt3A_528 : i1 to i32
      %cond3A_530 = arith.constant 0 : i32
      %cond3A_531 = arith.cmpi ne, %convert_element_type3A_529, %cond3A_530 : i32
      scf.if %cond3A_531 {
        %add3A_871 = arith.constant 4 : i32
        %add3A_872 = arith.addi %add3A_423, %add3A_871 : i32
        %mul3A_873 = arith.constant 128 : i32
        %mul3A_874 = arith.muli %add3A_872, %mul3A_873 : i32
        %dma_start3A_875 = arith.constant 0 : i32
        %dma_start3A_876 = arith.constant 0 : i32
        %dma_start3A_877 = arith.constant 0 : i32
        %dma_start3A_878 = arith.constant 0 : i32
        %dma_start3A_879 = arith.constant 0 : i32
        %dma_start3A_880 = tpu.memref_slice %arg5[%dma_start3A_876, %dma_start3A_877, %dma_start3A_878, %dma_start3A_879] : memref<4x4x8x129xf32, #tpu.memory_space<vmem>> -> memref<1x1x8x128xf32, #tpu.memory_space<vmem>>
        %dma_start3A_881 = tpu.memref_squeeze %dma_start3A_880 : memref<1x1x8x128xf32, #tpu.memory_space<vmem>> -> memref<8x128xf32, #tpu.memory_space<vmem>>
        %dma_start3A_882 = arith.constant 0 : i32
        %dma_start3A_883 = tpu.memref_slice %arg2[%dma_start3A_875, %dma_start3A_882, %mul3A_874] : memref<4x8x1000000xf32, #tpu.memory_space<hbm>> -> memref<1x8x128xf32, #tpu.memory_space<hbm>>
        %dma_start3A_884 = tpu.memref_squeeze %dma_start3A_883 : memref<1x8x128xf32, #tpu.memory_space<hbm>> -> memref<8x128xf32, #tpu.memory_space<hbm>>
        %dma_start3A_885 = arith.constant 0 : i32
        %dma_start3A_886 = arith.constant 0 : i32
        %dma_start3A_887 = tpu.memref_slice %arg5[%dma_start3A_876, %dma_start3A_877, %dma_start3A_885, %dma_start3A_886] : memref<4x4x8x129xf32, #tpu.memory_space<vmem>> -> memref<1x1x8x128xf32, #tpu.memory_space<vmem>>
        %dma_start3A_888 = tpu.memref_squeeze %dma_start3A_887 : memref<1x1x8x128xf32, #tpu.memory_space<vmem>> -> memref<8x128xf32, #tpu.memory_space<vmem>>
        %dma_start3A_889 = arith.constant 0 : i32
        %dma_start3A_890 = tpu.memref_slice %arg2[%dma_start3A_875, %dma_start3A_889, %mul3A_874] : memref<4x8x1000000xf32, #tpu.memory_space<hbm>> -> memref<1x8x128xf32, #tpu.memory_space<hbm>>
        %dma_start3A_891 = tpu.memref_squeeze %dma_start3A_890 : memref<1x8x128xf32, #tpu.memory_space<hbm>> -> memref<8x128xf32, #tpu.memory_space<hbm>>
        tpu.enqueue_dma source(%dma_start3A_891 : memref<8x128xf32, #tpu.memory_space<hbm>>) target(%dma_start3A_888 : memref<8x128xf32, #tpu.memory_space<vmem>>) target_semaphore(%arg8 : memref<!tpu.dma_semaphore, #tpu.memory_space<semaphore_mem>>)
        %mul3A_892 = arith.constant 128 : i32
        %mul3A_893 = arith.muli %add3A_872, %mul3A_892 : i32
        %dma_start3A_894 = arith.constant 1 : i32
        %dma_start3A_895 = arith.constant 0 : i32
        %dma_start3A_896 = arith.constant 1 : i32
        %dma_start3A_897 = arith.constant 0 : i32
        %dma_start3A_898 = arith.constant 0 : i32
        %dma_start3A_899 = tpu.memref_slice %arg5[%dma_start3A_895, %dma_start3A_896, %dma_start3A_897, %dma_start3A_898] : memref<4x4x8x129xf32, #tpu.memory_space<vmem>> -> memref<1x1x8x128xf32, #tpu.memory_space<vmem>>
        %dma_start3A_900 = tpu.memref_squeeze %dma_start3A_899 : memref<1x1x8x128xf32, #tpu.memory_space<vmem>> -> memref<8x128xf32, #tpu.memory_space<vmem>>
        %dma_start3A_901 = arith.constant 0 : i32
        %dma_start3A_902 = tpu.memref_slice %arg2[%dma_start3A_894, %dma_start3A_901, %mul3A_893] : memref<4x8x1000000xf32, #tpu.memory_space<hbm>> -> memref<1x8x128xf32, #tpu.memory_space<hbm>>
        %dma_start3A_903 = tpu.memref_squeeze %dma_start3A_902 : memref<1x8x128xf32, #tpu.memory_space<hbm>> -> memref<8x128xf32, #tpu.memory_space<hbm>>
        %dma_start3A_904 = arith.constant 0 : i32
        %dma_start3A_905 = arith.constant 0 : i32
        %dma_start3A_906 = tpu.memref_slice %arg5[%dma_start3A_895, %dma_start3A_896, %dma_start3A_904, %dma_start3A_905] : memref<4x4x8x129xf32, #tpu.memory_space<vmem>> -> memref<1x1x8x128xf32, #tpu.memory_space<vmem>>
        %dma_start3A_907 = tpu.memref_squeeze %dma_start3A_906 : memref<1x1x8x128xf32, #tpu.memory_space<vmem>> -> memref<8x128xf32, #tpu.memory_space<vmem>>
        %dma_start3A_908 = arith.constant 0 : i32
        %dma_start3A_909 = tpu.memref_slice %arg2[%dma_start3A_894, %dma_start3A_908, %mul3A_893] : memref<4x8x1000000xf32, #tpu.memory_space<hbm>> -> memref<1x8x128xf32, #tpu.memory_space<hbm>>
        %dma_start3A_910 = tpu.memref_squeeze %dma_start3A_909 : memref<1x8x128xf32, #tpu.memory_space<hbm>> -> memref<8x128xf32, #tpu.memory_space<hbm>>
        tpu.enqueue_dma source(%dma_start3A_910 : memref<8x128xf32, #tpu.memory_space<hbm>>) target(%dma_start3A_907 : memref<8x128xf32, #tpu.memory_space<vmem>>) target_semaphore(%arg8 : memref<!tpu.dma_semaphore, #tpu.memory_space<semaphore_mem>>)
        %mul3A_911 = arith.constant 128 : i32
        %mul3A_912 = arith.muli %add3A_872, %mul3A_911 : i32
        %dma_start3A_913 = arith.constant 2 : i32
        %dma_start3A_914 = arith.constant 0 : i32
        %dma_start3A_915 = arith.constant 2 : i32
        %dma_start3A_916 = arith.constant 0 : i32
        %dma_start3A_917 = arith.constant 0 : i32
        %dma_start3A_918 = tpu.memref_slice %arg5[%dma_start3A_914, %dma_start3A_915, %dma_start3A_916, %dma_start3A_917] : memref<4x4x8x129xf32, #tpu.memory_space<vmem>> -> memref<1x1x8x128xf32, #tpu.memory_space<vmem>>
        %dma_start3A_919 = tpu.memref_squeeze %dma_start3A_918 : memref<1x1x8x128xf32, #tpu.memory_space<vmem>> -> memref<8x128xf32, #tpu.memory_space<vmem>>
        %dma_start3A_920 = arith.constant 0 : i32
        %dma_start3A_921 = tpu.memref_slice %arg2[%dma_start3A_913, %dma_start3A_920, %mul3A_912] : memref<4x8x1000000xf32, #tpu.memory_space<hbm>> -> memref<1x8x128xf32, #tpu.memory_space<hbm>>
        %dma_start3A_922 = tpu.memref_squeeze %dma_start3A_921 : memref<1x8x128xf32, #tpu.memory_space<hbm>> -> memref<8x128xf32, #tpu.memory_space<hbm>>
        %dma_start3A_923 = arith.constant 0 : i32
        %dma_start3A_924 = arith.constant 0 : i32
        %dma_start3A_925 = tpu.memref_slice %arg5[%dma_start3A_914, %dma_start3A_915, %dma_start3A_923, %dma_start3A_924] : memref<4x4x8x129xf32, #tpu.memory_space<vmem>> -> memref<1x1x8x128xf32, #tpu.memory_space<vmem>>
        %dma_start3A_926 = tpu.memref_squeeze %dma_start3A_925 : memref<1x1x8x128xf32, #tpu.memory_space<vmem>> -> memref<8x128xf32, #tpu.memory_space<vmem>>
        %dma_start3A_927 = arith.constant 0 : i32
        %dma_start3A_928 = tpu.memref_slice %arg2[%dma_start3A_913, %dma_start3A_927, %mul3A_912] : memref<4x8x1000000xf32, #tpu.memory_space<hbm>> -> memref<1x8x128xf32, #tpu.memory_space<hbm>>
        %dma_start3A_929 = tpu.memref_squeeze %dma_start3A_928 : memref<1x8x128xf32, #tpu.memory_space<hbm>> -> memref<8x128xf32, #tpu.memory_space<hbm>>
        tpu.enqueue_dma source(%dma_start3A_929 : memref<8x128xf32, #tpu.memory_space<hbm>>) target(%dma_start3A_926 : memref<8x128xf32, #tpu.memory_space<vmem>>) target_semaphore(%arg8 : memref<!tpu.dma_semaphore, #tpu.memory_space<semaphore_mem>>)
        %mul3A_930 = arith.constant 128 : i32
        %mul3A_931 = arith.muli %add3A_872, %mul3A_930 : i32
        %dma_start3A_932 = arith.constant 3 : i32
        %dma_start3A_933 = arith.constant 0 : i32
        %dma_start3A_934 = arith.constant 3 : i32
        %dma_start3A_935 = arith.constant 0 : i32
        %dma_start3A_936 = arith.constant 0 : i32
        %dma_start3A_937 = tpu.memref_slice %arg5[%dma_start3A_933, %dma_start3A_934, %dma_start3A_935, %dma_start3A_936] : memref<4x4x8x129xf32, #tpu.memory_space<vmem>> -> memref<1x1x8x128xf32, #tpu.memory_space<vmem>>
        %dma_start3A_938 = tpu.memref_squeeze %dma_start3A_937 : memref<1x1x8x128xf32, #tpu.memory_space<vmem>> -> memref<8x128xf32, #tpu.memory_space<vmem>>
        %dma_start3A_939 = arith.constant 0 : i32
        %dma_start3A_940 = tpu.memref_slice %arg2[%dma_start3A_932, %dma_start3A_939, %mul3A_931] : memref<4x8x1000000xf32, #tpu.memory_space<hbm>> -> memref<1x8x128xf32, #tpu.memory_space<hbm>>
        %dma_start3A_941 = tpu.memref_squeeze %dma_start3A_940 : memref<1x8x128xf32, #tpu.memory_space<hbm>> -> memref<8x128xf32, #tpu.memory_space<hbm>>
        %dma_start3A_942 = arith.constant 0 : i32
        %dma_start3A_943 = arith.constant 0 : i32
        %dma_start3A_944 = tpu.memref_slice %arg5[%dma_start3A_933, %dma_start3A_934, %dma_start3A_942, %dma_start3A_943] : memref<4x4x8x129xf32, #tpu.memory_space<vmem>> -> memref<1x1x8x128xf32, #tpu.memory_space<vmem>>
        %dma_start3A_945 = tpu.memref_squeeze %dma_start3A_944 : memref<1x1x8x128xf32, #tpu.memory_space<vmem>> -> memref<8x128xf32, #tpu.memory_space<vmem>>
        %dma_start3A_946 = arith.constant 0 : i32
        %dma_start3A_947 = tpu.memref_slice %arg2[%dma_start3A_932, %dma_start3A_946, %mul3A_931] : memref<4x8x1000000xf32, #tpu.memory_space<hbm>> -> memref<1x8x128xf32, #tpu.memory_space<hbm>>
        %dma_start3A_948 = tpu.memref_squeeze %dma_start3A_947 : memref<1x8x128xf32, #tpu.memory_space<hbm>> -> memref<8x128xf32, #tpu.memory_space<hbm>>
        tpu.enqueue_dma source(%dma_start3A_948 : memref<8x128xf32, #tpu.memory_space<hbm>>) target(%dma_start3A_945 : memref<8x128xf32, #tpu.memory_space<vmem>>) target_semaphore(%arg8 : memref<!tpu.dma_semaphore, #tpu.memory_space<semaphore_mem>>)
      } else {
      }
      %add3A_532 = arith.addi %mul3A_2, %add3A_420 : i32
      %add3A_533 = arith.constant 1 : i32
      %add3A_534 = arith.addi %add3A_532, %add3A_533 : i32
      %mul3A_535 = arith.constant 128 : i32
      %mul3A_536 = arith.muli %add3A_534, %mul3A_535 : i32
      %dma_wait3A_537 = arith.constant 0 : i32
      %dma_wait3A_538 = arith.constant 1 : i32
      %dma_wait3A_539 = arith.constant 0 : i32
      %dma_wait3A_540 = arith.constant 0 : i32
      %dma_wait3A_541 = arith.constant 0 : i32
      %dma_wait3A_542 = tpu.memref_slice %arg5[%dma_wait3A_538, %dma_wait3A_539, %dma_wait3A_540, %dma_wait3A_541] : memref<4x4x8x129xf32, #tpu.memory_space<vmem>> -> memref<1x1x8x128xf32, #tpu.memory_space<vmem>>
      %dma_wait3A_543 = tpu.memref_squeeze %dma_wait3A_542 : memref<1x1x8x128xf32, #tpu.memory_space<vmem>> -> memref<8x128xf32, #tpu.memory_space<vmem>>
      %dma_wait3A_544 = arith.constant 0 : i32
      %dma_wait3A_545 = tpu.memref_slice %arg2[%dma_wait3A_537, %dma_wait3A_544, %mul3A_536] : memref<4x8x1000000xf32, #tpu.memory_space<hbm>> -> memref<1x8x128xf32, #tpu.memory_space<hbm>>
      %dma_wait3A_546 = tpu.memref_squeeze %dma_wait3A_545 : memref<1x8x128xf32, #tpu.memory_space<hbm>> -> memref<8x128xf32, #tpu.memory_space<hbm>>
      %dma_wait3A_547 = arith.constant 0 : i32
      %dma_wait3A_548 = arith.constant 0 : i32
      %dma_wait3A_549 = tpu.memref_slice %arg5[%dma_wait3A_538, %dma_wait3A_539, %dma_wait3A_547, %dma_wait3A_548] : memref<4x4x8x129xf32, #tpu.memory_space<vmem>> -> memref<1x1x8x128xf32, #tpu.memory_space<vmem>>
      %dma_wait3A_550 = tpu.memref_squeeze %dma_wait3A_549 : memref<1x1x8x128xf32, #tpu.memory_space<vmem>> -> memref<8x128xf32, #tpu.memory_space<vmem>>
      %dma_wait3A_551 = arith.constant 0 : i32
      %dma_wait3A_552 = tpu.memref_slice %arg2[%dma_wait3A_537, %dma_wait3A_551, %mul3A_536] : memref<4x8x1000000xf32, #tpu.memory_space<hbm>> -> memref<1x8x128xf32, #tpu.memory_space<hbm>>
      %dma_wait3A_553 = tpu.memref_squeeze %dma_wait3A_552 : memref<1x8x128xf32, #tpu.memory_space<hbm>> -> memref<8x128xf32, #tpu.memory_space<hbm>>
      tpu.wait_dma2 semaphore(%arg9 : memref<!tpu.dma_semaphore, #tpu.memory_space<semaphore_mem>>) src(%dma_wait3A_553 : memref<8x128xf32, #tpu.memory_space<hbm>>) dst(%dma_wait3A_550 : memref<8x128xf32, #tpu.memory_space<vmem>>)
      %mul3A_554 = arith.constant 128 : i32
      %mul3A_555 = arith.muli %add3A_534, %mul3A_554 : i32
      %dma_wait3A_556 = arith.constant 1 : i32
      %dma_wait3A_557 = arith.constant 1 : i32
      %dma_wait3A_558 = arith.constant 1 : i32
      %dma_wait3A_559 = arith.constant 0 : i32
      %dma_wait3A_560 = arith.constant 0 : i32
      %dma_wait3A_561 = tpu.memref_slice %arg5[%dma_wait3A_557, %dma_wait3A_558, %dma_wait3A_559, %dma_wait3A_560] : memref<4x4x8x129xf32, #tpu.memory_space<vmem>> -> memref<1x1x8x128xf32, #tpu.memory_space<vmem>>
      %dma_wait3A_562 = tpu.memref_squeeze %dma_wait3A_561 : memref<1x1x8x128xf32, #tpu.memory_space<vmem>> -> memref<8x128xf32, #tpu.memory_space<vmem>>
      %dma_wait3A_563 = arith.constant 0 : i32
      %dma_wait3A_564 = tpu.memref_slice %arg2[%dma_wait3A_556, %dma_wait3A_563, %mul3A_555] : memref<4x8x1000000xf32, #tpu.memory_space<hbm>> -> memref<1x8x128xf32, #tpu.memory_space<hbm>>
      %dma_wait3A_565 = tpu.memref_squeeze %dma_wait3A_564 : memref<1x8x128xf32, #tpu.memory_space<hbm>> -> memref<8x128xf32, #tpu.memory_space<hbm>>
      %dma_wait3A_566 = arith.constant 0 : i32
      %dma_wait3A_567 = arith.constant 0 : i32
      %dma_wait3A_568 = tpu.memref_slice %arg5[%dma_wait3A_557, %dma_wait3A_558, %dma_wait3A_566, %dma_wait3A_567] : memref<4x4x8x129xf32, #tpu.memory_space<vmem>> -> memref<1x1x8x128xf32, #tpu.memory_space<vmem>>
      %dma_wait3A_569 = tpu.memref_squeeze %dma_wait3A_568 : memref<1x1x8x128xf32, #tpu.memory_space<vmem>> -> memref<8x128xf32, #tpu.memory_space<vmem>>
      %dma_wait3A_570 = arith.constant 0 : i32
      %dma_wait3A_571 = tpu.memref_slice %arg2[%dma_wait3A_556, %dma_wait3A_570, %mul3A_555] : memref<4x8x1000000xf32, #tpu.memory_space<hbm>> -> memref<1x8x128xf32, #tpu.memory_space<hbm>>
      %dma_wait3A_572 = tpu.memref_squeeze %dma_wait3A_571 : memref<1x8x128xf32, #tpu.memory_space<hbm>> -> memref<8x128xf32, #tpu.memory_space<hbm>>
      tpu.wait_dma2 semaphore(%arg9 : memref<!tpu.dma_semaphore, #tpu.memory_space<semaphore_mem>>) src(%dma_wait3A_572 : memref<8x128xf32, #tpu.memory_space<hbm>>) dst(%dma_wait3A_569 : memref<8x128xf32, #tpu.memory_space<vmem>>)
      %mul3A_573 = arith.constant 128 : i32
      %mul3A_574 = arith.muli %add3A_534, %mul3A_573 : i32
      %dma_wait3A_575 = arith.constant 2 : i32
      %dma_wait3A_576 = arith.constant 1 : i32
      %dma_wait3A_577 = arith.constant 2 : i32
      %dma_wait3A_578 = arith.constant 0 : i32
      %dma_wait3A_579 = arith.constant 0 : i32
      %dma_wait3A_580 = tpu.memref_slice %arg5[%dma_wait3A_576, %dma_wait3A_577, %dma_wait3A_578, %dma_wait3A_579] : memref<4x4x8x129xf32, #tpu.memory_space<vmem>> -> memref<1x1x8x128xf32, #tpu.memory_space<vmem>>
      %dma_wait3A_581 = tpu.memref_squeeze %dma_wait3A_580 : memref<1x1x8x128xf32, #tpu.memory_space<vmem>> -> memref<8x128xf32, #tpu.memory_space<vmem>>
      %dma_wait3A_582 = arith.constant 0 : i32
      %dma_wait3A_583 = tpu.memref_slice %arg2[%dma_wait3A_575, %dma_wait3A_582, %mul3A_574] : memref<4x8x1000000xf32, #tpu.memory_space<hbm>> -> memref<1x8x128xf32, #tpu.memory_space<hbm>>
      %dma_wait3A_584 = tpu.memref_squeeze %dma_wait3A_583 : memref<1x8x128xf32, #tpu.memory_space<hbm>> -> memref<8x128xf32, #tpu.memory_space<hbm>>
      %dma_wait3A_585 = arith.constant 0 : i32
      %dma_wait3A_586 = arith.constant 0 : i32
      %dma_wait3A_587 = tpu.memref_slice %arg5[%dma_wait3A_576, %dma_wait3A_577, %dma_wait3A_585, %dma_wait3A_586] : memref<4x4x8x129xf32, #tpu.memory_space<vmem>> -> memref<1x1x8x128xf32, #tpu.memory_space<vmem>>
      %dma_wait3A_588 = tpu.memref_squeeze %dma_wait3A_587 : memref<1x1x8x128xf32, #tpu.memory_space<vmem>> -> memref<8x128xf32, #tpu.memory_space<vmem>>
      %dma_wait3A_589 = arith.constant 0 : i32
      %dma_wait3A_590 = tpu.memref_slice %arg2[%dma_wait3A_575, %dma_wait3A_589, %mul3A_574] : memref<4x8x1000000xf32, #tpu.memory_space<hbm>> -> memref<1x8x128xf32, #tpu.memory_space<hbm>>
      %dma_wait3A_591 = tpu.memref_squeeze %dma_wait3A_590 : memref<1x8x128xf32, #tpu.memory_space<hbm>> -> memref<8x128xf32, #tpu.memory_space<hbm>>
      tpu.wait_dma2 semaphore(%arg9 : memref<!tpu.dma_semaphore, #tpu.memory_space<semaphore_mem>>) src(%dma_wait3A_591 : memref<8x128xf32, #tpu.memory_space<hbm>>) dst(%dma_wait3A_588 : memref<8x128xf32, #tpu.memory_space<vmem>>)
      %mul3A_592 = arith.constant 128 : i32
      %mul3A_593 = arith.muli %add3A_534, %mul3A_592 : i32
      %dma_wait3A_594 = arith.constant 3 : i32
      %dma_wait3A_595 = arith.constant 1 : i32
      %dma_wait3A_596 = arith.constant 3 : i32
      %dma_wait3A_597 = arith.constant 0 : i32
      %dma_wait3A_598 = arith.constant 0 : i32
      %dma_wait3A_599 = tpu.memref_slice %arg5[%dma_wait3A_595, %dma_wait3A_596, %dma_wait3A_597, %dma_wait3A_598] : memref<4x4x8x129xf32, #tpu.memory_space<vmem>> -> memref<1x1x8x128xf32, #tpu.memory_space<vmem>>
      %dma_wait3A_600 = tpu.memref_squeeze %dma_wait3A_599 : memref<1x1x8x128xf32, #tpu.memory_space<vmem>> -> memref<8x128xf32, #tpu.memory_space<vmem>>
      %dma_wait3A_601 = arith.constant 0 : i32
      %dma_wait3A_602 = tpu.memref_slice %arg2[%dma_wait3A_594, %dma_wait3A_601, %mul3A_593] : memref<4x8x1000000xf32, #tpu.memory_space<hbm>> -> memref<1x8x128xf32, #tpu.memory_space<hbm>>
      %dma_wait3A_603 = tpu.memref_squeeze %dma_wait3A_602 : memref<1x8x128xf32, #tpu.memory_space<hbm>> -> memref<8x128xf32, #tpu.memory_space<hbm>>
      %dma_wait3A_604 = arith.constant 0 : i32
      %dma_wait3A_605 = arith.constant 0 : i32
      %dma_wait3A_606 = tpu.memref_slice %arg5[%dma_wait3A_595, %dma_wait3A_596, %dma_wait3A_604, %dma_wait3A_605] : memref<4x4x8x129xf32, #tpu.memory_space<vmem>> -> memref<1x1x8x128xf32, #tpu.memory_space<vmem>>
      %dma_wait3A_607 = tpu.memref_squeeze %dma_wait3A_606 : memref<1x1x8x128xf32, #tpu.memory_space<vmem>> -> memref<8x128xf32, #tpu.memory_space<vmem>>
      %dma_wait3A_608 = arith.constant 0 : i32
      %dma_wait3A_609 = tpu.memref_slice %arg2[%dma_wait3A_594, %dma_wait3A_608, %mul3A_593] : memref<4x8x1000000xf32, #tpu.memory_space<hbm>> -> memref<1x8x128xf32, #tpu.memory_space<hbm>>
      %dma_wait3A_610 = tpu.memref_squeeze %dma_wait3A_609 : memref<1x8x128xf32, #tpu.memory_space<hbm>> -> memref<8x128xf32, #tpu.memory_space<hbm>>
      tpu.wait_dma2 semaphore(%arg9 : memref<!tpu.dma_semaphore, #tpu.memory_space<semaphore_mem>>) src(%dma_wait3A_610 : memref<8x128xf32, #tpu.memory_space<hbm>>) dst(%dma_wait3A_607 : memref<8x128xf32, #tpu.memory_space<vmem>>)
      %add3A_611 = arith.constant 1 : i32
      %add3A_612 = arith.addi %add3A_420, %add3A_611 : i32
      %ge3A_613 = arith.constant 4 : i32
      %ge3A_614 = arith.cmpi sge, %add3A_612, %ge3A_613 : i32
      %convert_element_type3A_615 = arith.extui %ge3A_614 : i1 to i32
      %cond3A_616 = arith.constant 0 : i32
      %cond3A_617 = arith.cmpi ne, %convert_element_type3A_615, %cond3A_616 : i32
      scf.if %cond3A_617 {
        %sub3A_871 = arith.constant 4 : i32
        %sub3A_872 = arith.subi %add3A_534, %sub3A_871 : i32
        %mul3A_873 = arith.constant 32 : i32
        %mul3A_874 = arith.muli %mul3A_873, %sub3A_872 : i32
        %dma_wait3A_875 = arith.constant 1 : i32
        %dma_wait3A_876 = arith.constant 0 : i32
        %dma_wait3A_877 = arith.constant 0 : i32
        %dma_wait3A_878 = tpu.memref_slice %arg6[%dma_wait3A_875, %dma_wait3A_876, %dma_wait3A_877] : memref<4x32x128xf32, #tpu.memory_space<vmem>> -> memref<1x32x128xf32, #tpu.memory_space<vmem>>
        %dma_wait3A_879 = tpu.memref_squeeze %dma_wait3A_878 : memref<1x32x128xf32, #tpu.memory_space<vmem>> -> memref<32x128xf32, #tpu.memory_space<vmem>>
        %dma_wait3A_880 = arith.constant 0 : i32
        %dma_wait3A_881 = tpu.memref_slice %arg4[%mul3A_874, %dma_wait3A_880] : memref<250000x128xf32, #tpu.memory_space<hbm>> -> memref<32x128xf32, #tpu.memory_space<hbm>>
        %dma_wait3A_882 = arith.constant 0 : i32
        %dma_wait3A_883 = tpu.memref_slice %arg4[%mul3A_874, %dma_wait3A_882] : memref<250000x128xf32, #tpu.memory_space<hbm>> -> memref<32x128xf32, #tpu.memory_space<hbm>>
        %dma_wait3A_884 = arith.constant 0 : i32
        %dma_wait3A_885 = arith.constant 0 : i32
        %dma_wait3A_886 = tpu.memref_slice %arg6[%dma_wait3A_875, %dma_wait3A_884, %dma_wait3A_885] : memref<4x32x128xf32, #tpu.memory_space<vmem>> -> memref<1x32x128xf32, #tpu.memory_space<vmem>>
        %dma_wait3A_887 = tpu.memref_squeeze %dma_wait3A_886 : memref<1x32x128xf32, #tpu.memory_space<vmem>> -> memref<32x128xf32, #tpu.memory_space<vmem>>
        tpu.wait_dma2 semaphore(%arg13 : memref<!tpu.dma_semaphore, #tpu.memory_space<semaphore_mem>>) src(%dma_wait3A_887 : memref<32x128xf32, #tpu.memory_space<vmem>>) dst(%dma_wait3A_883 : memref<32x128xf32, #tpu.memory_space<hbm>>)
      } else {
      }
      %parallel_loop3A_618 = arith.constant 0 : i32
      %parallel_loop3A_619 = arith.constant 128 : i32
      %parallel_loop3A_620 = arith.constant 1 : i32
      scf.for %parallel_loop3A_871 = %parallel_loop3A_618 to %parallel_loop3A_619 step %parallel_loop3A_620  : i32 {
        %parallel_loop3A_872 = arith.constant 0 : i32
        %parallel_loop3A_873 = vector.broadcast %parallel_loop3A_872 : i32 to vector<16xi32>
        %parallel_loop3A_874 = vector.broadcast %parallel_loop3A_871 : i32 to vector<16xi32>
        %parallel_loop3A_875 = arith.addi %parallel_loop3A_873, %parallel_loop3A_874 : vector<16xi32>
        %parallel_loop3A_876 = arith.constant 1 : i32
        %parallel_loop3A_877 = arith.constant 0 : i32
        %parallel_loop3A_878 = arith.constant 0 : i32
        %parallel_loop3A_879 = arith.constant 0 : i32
        %parallel_loop3A_880 = tpu.memref_slice %arg5[%parallel_loop3A_876, %parallel_loop3A_877, %parallel_loop3A_878, %parallel_loop3A_879] : memref<4x4x8x129xf32, #tpu.memory_space<vmem>> -> memref<1x4x8x129xf32, #tpu.memory_space<vmem>>
        %parallel_loop3A_881 = tpu.memref_squeeze %parallel_loop3A_880 : memref<1x4x8x129xf32, #tpu.memory_space<vmem>> -> memref<4x8x129xf32, #tpu.memory_space<vmem>>
        %parallel_loop3A_882 = tpu.vector_load_idx %parallel_loop3A_881[%shift_right_arithmetic3A_6, %and3A_4, %parallel_loop3A_875] : memref<4x8x129xf32, #tpu.memory_space<vmem>>[vector<16xi32>, vector<16xi32>, vector<16xi32>], vector<16xf32>,
        %parallel_loop3A_883 = arith.constant 2 : i32
        %parallel_loop3A_884 = arith.shrsi %parallel_loop3A_871, %parallel_loop3A_883 : i32
        %parallel_loop3A_885 = arith.constant 3 : i32
        %parallel_loop3A_886 = arith.andi %parallel_loop3A_871, %parallel_loop3A_885 : i32
        %parallel_loop3A_887 = arith.constant 32 : i32
        %parallel_loop3A_888 = arith.muli %parallel_loop3A_886, %parallel_loop3A_887 : i32
        %parallel_loop3A_889 = arith.constant 0 : i32
        %parallel_loop3A_890 = arith.addi %parallel_loop3A_888, %parallel_loop3A_889 : i32
        %parallel_loop3A_891 = arith.constant 1 : i32
        %parallel_loop3A_892 = arith.index_cast %parallel_loop3A_891 : i32 to index
        %parallel_loop3A_893 = arith.index_cast %parallel_loop3A_884 : i32 to index
        %parallel_loop3A_894 = arith.index_cast %parallel_loop3A_890 : i32 to index
        %parallel_loop3A_895 = tpu.vector_load %arg6[%parallel_loop3A_892, %parallel_loop3A_893, %parallel_loop3A_894] {strides = array<i32>} : memref<4x32x128xf32, #tpu.memory_space<vmem>>, vector<16xf32>,
        tpu.vector_store %arg6[%parallel_loop3A_892, %parallel_loop3A_893, %parallel_loop3A_894], %parallel_loop3A_882 {strides = array<i32>} : memref<4x32x128xf32, #tpu.memory_space<vmem>>, vector<16xf32>,
        %parallel_loop3A_896 = arith.constant 1 : i32
        %parallel_loop3A_897 = arith.constant 0 : i32
        %parallel_loop3A_898 = arith.constant 0 : i32
        %parallel_loop3A_899 = arith.constant 0 : i32
        %parallel_loop3A_900 = tpu.memref_slice %arg5[%parallel_loop3A_896, %parallel_loop3A_897, %parallel_loop3A_898, %parallel_loop3A_899] : memref<4x4x8x129xf32, #tpu.memory_space<vmem>> -> memref<1x4x8x129xf32, #tpu.memory_space<vmem>>
        %parallel_loop3A_901 = tpu.memref_squeeze %parallel_loop3A_900 : memref<1x4x8x129xf32, #tpu.memory_space<vmem>> -> memref<4x8x129xf32, #tpu.memory_space<vmem>>
        %parallel_loop3A_902 = tpu.vector_load_idx %parallel_loop3A_901[%add3A_12, %and3A_4, %parallel_loop3A_875] : memref<4x8x129xf32, #tpu.memory_space<vmem>>[vector<16xi32>, vector<16xi32>, vector<16xi32>], vector<16xf32>,
        %parallel_loop3A_903 = arith.constant 2 : i32
        %parallel_loop3A_904 = arith.shrsi %parallel_loop3A_871, %parallel_loop3A_903 : i32
        %parallel_loop3A_905 = arith.constant 3 : i32
        %parallel_loop3A_906 = arith.andi %parallel_loop3A_871, %parallel_loop3A_905 : i32
        %parallel_loop3A_907 = arith.constant 32 : i32
        %parallel_loop3A_908 = arith.muli %parallel_loop3A_906, %parallel_loop3A_907 : i32
        %parallel_loop3A_909 = arith.constant 16 : i32
        %parallel_loop3A_910 = arith.addi %parallel_loop3A_908, %parallel_loop3A_909 : i32
        %parallel_loop3A_911 = arith.constant 1 : i32
        %parallel_loop3A_912 = arith.index_cast %parallel_loop3A_911 : i32 to index
        %parallel_loop3A_913 = arith.index_cast %parallel_loop3A_904 : i32 to index
        %parallel_loop3A_914 = arith.index_cast %parallel_loop3A_910 : i32 to index
        %parallel_loop3A_915 = tpu.vector_load %arg6[%parallel_loop3A_912, %parallel_loop3A_913, %parallel_loop3A_914] {strides = array<i32>} : memref<4x32x128xf32, #tpu.memory_space<vmem>>, vector<16xf32>,
        tpu.vector_store %arg6[%parallel_loop3A_912, %parallel_loop3A_913, %parallel_loop3A_914], %parallel_loop3A_902 {strides = array<i32>} : memref<4x32x128xf32, #tpu.memory_space<vmem>>, vector<16xf32>,
      } {sc.loop_unroll_factor = 8 : i64, sc.parallel_access}
      %mul3A_621 = arith.constant 32 : i32
      %mul3A_622 = arith.muli %mul3A_621, %add3A_534 : i32
      %dma_start3A_623 = arith.constant 1 : i32
      %dma_start3A_624 = arith.constant 0 : i32
      %dma_start3A_625 = arith.constant 0 : i32
      %dma_start3A_626 = tpu.memref_slice %arg6[%dma_start3A_623, %dma_start3A_624, %dma_start3A_625] : memref<4x32x128xf32, #tpu.memory_space<vmem>> -> memref<1x32x128xf32, #tpu.memory_space<vmem>>
      %dma_start3A_627 = tpu.memref_squeeze %dma_start3A_626 : memref<1x32x128xf32, #tpu.memory_space<vmem>> -> memref<32x128xf32, #tpu.memory_space<vmem>>
      %dma_start3A_628 = arith.constant 0 : i32
      %dma_start3A_629 = tpu.memref_slice %arg4[%mul3A_622, %dma_start3A_628] : memref<250000x128xf32, #tpu.memory_space<hbm>> -> memref<32x128xf32, #tpu.memory_space<hbm>>
      %dma_start3A_630 = arith.constant 0 : i32
      %dma_start3A_631 = tpu.memref_slice %arg4[%mul3A_622, %dma_start3A_630] : memref<250000x128xf32, #tpu.memory_space<hbm>> -> memref<32x128xf32, #tpu.memory_space<hbm>>
      %dma_start3A_632 = arith.constant 0 : i32
      %dma_start3A_633 = arith.constant 0 : i32
      %dma_start3A_634 = tpu.memref_slice %arg6[%dma_start3A_623, %dma_start3A_632, %dma_start3A_633] : memref<4x32x128xf32, #tpu.memory_space<vmem>> -> memref<1x32x128xf32, #tpu.memory_space<vmem>>
      %dma_start3A_635 = tpu.memref_squeeze %dma_start3A_634 : memref<1x32x128xf32, #tpu.memory_space<vmem>> -> memref<32x128xf32, #tpu.memory_space<vmem>>
      tpu.enqueue_dma source(%dma_start3A_635 : memref<32x128xf32, #tpu.memory_space<vmem>>) target(%dma_start3A_631 : memref<32x128xf32, #tpu.memory_space<hbm>>) target_semaphore(%arg13 : memref<!tpu.dma_semaphore, #tpu.memory_space<semaphore_mem>>)
      %add3A_636 = arith.constant 1 : i32
      %add3A_637 = arith.addi %add3A_420, %add3A_636 : i32
      %add3A_638 = arith.constant 4 : i32
      %add3A_639 = arith.addi %add3A_637, %add3A_638 : i32
      %lt3A_640 = arith.constant 244 : i32
      %lt3A_641 = arith.cmpi slt, %add3A_639, %lt3A_640 : i32
      %convert_element_type3A_642 = arith.extui %lt3A_641 : i1 to i32
      %cond3A_643 = arith.constant 0 : i32
      %cond3A_644 = arith.cmpi ne, %convert_element_type3A_642, %cond3A_643 : i32
      scf.if %cond3A_644 {
        %add3A_871 = arith.constant 4 : i32
        %add3A_872 = arith.addi %add3A_534, %add3A_871 : i32
        %mul3A_873 = arith.constant 128 : i32
        %mul3A_874 = arith.muli %add3A_872, %mul3A_873 : i32
        %dma_start3A_875 = arith.constant 0 : i32
        %dma_start3A_876 = arith.constant 1 : i32
        %dma_start3A_877 = arith.constant 0 : i32
        %dma_start3A_878 = arith.constant 0 : i32
        %dma_start3A_879 = arith.constant 0 : i32
        %dma_start3A_880 = tpu.memref_slice %arg5[%dma_start3A_876, %dma_start3A_877, %dma_start3A_878, %dma_start3A_879] : memref<4x4x8x129xf32, #tpu.memory_space<vmem>> -> memref<1x1x8x128xf32, #tpu.memory_space<vmem>>
        %dma_start3A_881 = tpu.memref_squeeze %dma_start3A_880 : memref<1x1x8x128xf32, #tpu.memory_space<vmem>> -> memref<8x128xf32, #tpu.memory_space<vmem>>
        %dma_start3A_882 = arith.constant 0 : i32
        %dma_start3A_883 = tpu.memref_slice %arg2[%dma_start3A_875, %dma_start3A_882, %mul3A_874] : memref<4x8x1000000xf32, #tpu.memory_space<hbm>> -> memref<1x8x128xf32, #tpu.memory_space<hbm>>
        %dma_start3A_884 = tpu.memref_squeeze %dma_start3A_883 : memref<1x8x128xf32, #tpu.memory_space<hbm>> -> memref<8x128xf32, #tpu.memory_space<hbm>>
        %dma_start3A_885 = arith.constant 0 : i32
        %dma_start3A_886 = arith.constant 0 : i32
        %dma_start3A_887 = tpu.memref_slice %arg5[%dma_start3A_876, %dma_start3A_877, %dma_start3A_885, %dma_start3A_886] : memref<4x4x8x129xf32, #tpu.memory_space<vmem>> -> memref<1x1x8x128xf32, #tpu.memory_space<vmem>>
        %dma_start3A_888 = tpu.memref_squeeze %dma_start3A_887 : memref<1x1x8x128xf32, #tpu.memory_space<vmem>> -> memref<8x128xf32, #tpu.memory_space<vmem>>
        %dma_start3A_889 = arith.constant 0 : i32
        %dma_start3A_890 = tpu.memref_slice %arg2[%dma_start3A_875, %dma_start3A_889, %mul3A_874] : memref<4x8x1000000xf32, #tpu.memory_space<hbm>> -> memref<1x8x128xf32, #tpu.memory_space<hbm>>
        %dma_start3A_891 = tpu.memref_squeeze %dma_start3A_890 : memref<1x8x128xf32, #tpu.memory_space<hbm>> -> memref<8x128xf32, #tpu.memory_space<hbm>>
        tpu.enqueue_dma source(%dma_start3A_891 : memref<8x128xf32, #tpu.memory_space<hbm>>) target(%dma_start3A_888 : memref<8x128xf32, #tpu.memory_space<vmem>>) target_semaphore(%arg9 : memref<!tpu.dma_semaphore, #tpu.memory_space<semaphore_mem>>)
        %mul3A_892 = arith.constant 128 : i32
        %mul3A_893 = arith.muli %add3A_872, %mul3A_892 : i32
        %dma_start3A_894 = arith.constant 1 : i32
        %dma_start3A_895 = arith.constant 1 : i32
        %dma_start3A_896 = arith.constant 1 : i32
        %dma_start3A_897 = arith.constant 0 : i32
        %dma_start3A_898 = arith.constant 0 : i32
        %dma_start3A_899 = tpu.memref_slice %arg5[%dma_start3A_895, %dma_start3A_896, %dma_start3A_897, %dma_start3A_898] : memref<4x4x8x129xf32, #tpu.memory_space<vmem>> -> memref<1x1x8x128xf32, #tpu.memory_space<vmem>>
        %dma_start3A_900 = tpu.memref_squeeze %dma_start3A_899 : memref<1x1x8x128xf32, #tpu.memory_space<vmem>> -> memref<8x128xf32, #tpu.memory_space<vmem>>
        %dma_start3A_901 = arith.constant 0 : i32
        %dma_start3A_902 = tpu.memref_slice %arg2[%dma_start3A_894, %dma_start3A_901, %mul3A_893] : memref<4x8x1000000xf32, #tpu.memory_space<hbm>> -> memref<1x8x128xf32, #tpu.memory_space<hbm>>
        %dma_start3A_903 = tpu.memref_squeeze %dma_start3A_902 : memref<1x8x128xf32, #tpu.memory_space<hbm>> -> memref<8x128xf32, #tpu.memory_space<hbm>>
        %dma_start3A_904 = arith.constant 0 : i32
        %dma_start3A_905 = arith.constant 0 : i32
        %dma_start3A_906 = tpu.memref_slice %arg5[%dma_start3A_895, %dma_start3A_896, %dma_start3A_904, %dma_start3A_905] : memref<4x4x8x129xf32, #tpu.memory_space<vmem>> -> memref<1x1x8x128xf32, #tpu.memory_space<vmem>>
        %dma_start3A_907 = tpu.memref_squeeze %dma_start3A_906 : memref<1x1x8x128xf32, #tpu.memory_space<vmem>> -> memref<8x128xf32, #tpu.memory_space<vmem>>
        %dma_start3A_908 = arith.constant 0 : i32
        %dma_start3A_909 = tpu.memref_slice %arg2[%dma_start3A_894, %dma_start3A_908, %mul3A_893] : memref<4x8x1000000xf32, #tpu.memory_space<hbm>> -> memref<1x8x128xf32, #tpu.memory_space<hbm>>
        %dma_start3A_910 = tpu.memref_squeeze %dma_start3A_909 : memref<1x8x128xf32, #tpu.memory_space<hbm>> -> memref<8x128xf32, #tpu.memory_space<hbm>>
        tpu.enqueue_dma source(%dma_start3A_910 : memref<8x128xf32, #tpu.memory_space<hbm>>) target(%dma_start3A_907 : memref<8x128xf32, #tpu.memory_space<vmem>>) target_semaphore(%arg9 : memref<!tpu.dma_semaphore, #tpu.memory_space<semaphore_mem>>)
        %mul3A_911 = arith.constant 128 : i32
        %mul3A_912 = arith.muli %add3A_872, %mul3A_911 : i32
        %dma_start3A_913 = arith.constant 2 : i32
        %dma_start3A_914 = arith.constant 1 : i32
        %dma_start3A_915 = arith.constant 2 : i32
        %dma_start3A_916 = arith.constant 0 : i32
        %dma_start3A_917 = arith.constant 0 : i32
        %dma_start3A_918 = tpu.memref_slice %arg5[%dma_start3A_914, %dma_start3A_915, %dma_start3A_916, %dma_start3A_917] : memref<4x4x8x129xf32, #tpu.memory_space<vmem>> -> memref<1x1x8x128xf32, #tpu.memory_space<vmem>>
        %dma_start3A_919 = tpu.memref_squeeze %dma_start3A_918 : memref<1x1x8x128xf32, #tpu.memory_space<vmem>> -> memref<8x128xf32, #tpu.memory_space<vmem>>
        %dma_start3A_920 = arith.constant 0 : i32
        %dma_start3A_921 = tpu.memref_slice %arg2[%dma_start3A_913, %dma_start3A_920, %mul3A_912] : memref<4x8x1000000xf32, #tpu.memory_space<hbm>> -> memref<1x8x128xf32, #tpu.memory_space<hbm>>
        %dma_start3A_922 = tpu.memref_squeeze %dma_start3A_921 : memref<1x8x128xf32, #tpu.memory_space<hbm>> -> memref<8x128xf32, #tpu.memory_space<hbm>>
        %dma_start3A_923 = arith.constant 0 : i32
        %dma_start3A_924 = arith.constant 0 : i32
        %dma_start3A_925 = tpu.memref_slice %arg5[%dma_start3A_914, %dma_start3A_915, %dma_start3A_923, %dma_start3A_924] : memref<4x4x8x129xf32, #tpu.memory_space<vmem>> -> memref<1x1x8x128xf32, #tpu.memory_space<vmem>>
        %dma_start3A_926 = tpu.memref_squeeze %dma_start3A_925 : memref<1x1x8x128xf32, #tpu.memory_space<vmem>> -> memref<8x128xf32, #tpu.memory_space<vmem>>
        %dma_start3A_927 = arith.constant 0 : i32
        %dma_start3A_928 = tpu.memref_slice %arg2[%dma_start3A_913, %dma_start3A_927, %mul3A_912] : memref<4x8x1000000xf32, #tpu.memory_space<hbm>> -> memref<1x8x128xf32, #tpu.memory_space<hbm>>
        %dma_start3A_929 = tpu.memref_squeeze %dma_start3A_928 : memref<1x8x128xf32, #tpu.memory_space<hbm>> -> memref<8x128xf32, #tpu.memory_space<hbm>>
        tpu.enqueue_dma source(%dma_start3A_929 : memref<8x128xf32, #tpu.memory_space<hbm>>) target(%dma_start3A_926 : memref<8x128xf32, #tpu.memory_space<vmem>>) target_semaphore(%arg9 : memref<!tpu.dma_semaphore, #tpu.memory_space<semaphore_mem>>)
        %mul3A_930 = arith.constant 128 : i32
        %mul3A_931 = arith.muli %add3A_872, %mul3A_930 : i32
        %dma_start3A_932 = arith.constant 3 : i32
        %dma_start3A_933 = arith.constant 1 : i32
        %dma_start3A_934 = arith.constant 3 : i32
        %dma_start3A_935 = arith.constant 0 : i32
        %dma_start3A_936 = arith.constant 0 : i32
        %dma_start3A_937 = tpu.memref_slice %arg5[%dma_start3A_933, %dma_start3A_934, %dma_start3A_935, %dma_start3A_936] : memref<4x4x8x129xf32, #tpu.memory_space<vmem>> -> memref<1x1x8x128xf32, #tpu.memory_space<vmem>>
        %dma_start3A_938 = tpu.memref_squeeze %dma_start3A_937 : memref<1x1x8x128xf32, #tpu.memory_space<vmem>> -> memref<8x128xf32, #tpu.memory_space<vmem>>
        %dma_start3A_939 = arith.constant 0 : i32
        %dma_start3A_940 = tpu.memref_slice %arg2[%dma_start3A_932, %dma_start3A_939, %mul3A_931] : memref<4x8x1000000xf32, #tpu.memory_space<hbm>> -> memref<1x8x128xf32, #tpu.memory_space<hbm>>
        %dma_start3A_941 = tpu.memref_squeeze %dma_start3A_940 : memref<1x8x128xf32, #tpu.memory_space<hbm>> -> memref<8x128xf32, #tpu.memory_space<hbm>>
        %dma_start3A_942 = arith.constant 0 : i32
        %dma_start3A_943 = arith.constant 0 : i32
        %dma_start3A_944 = tpu.memref_slice %arg5[%dma_start3A_933, %dma_start3A_934, %dma_start3A_942, %dma_start3A_943] : memref<4x4x8x129xf32, #tpu.memory_space<vmem>> -> memref<1x1x8x128xf32, #tpu.memory_space<vmem>>
        %dma_start3A_945 = tpu.memref_squeeze %dma_start3A_944 : memref<1x1x8x128xf32, #tpu.memory_space<vmem>> -> memref<8x128xf32, #tpu.memory_space<vmem>>
        %dma_start3A_946 = arith.constant 0 : i32
        %dma_start3A_947 = tpu.memref_slice %arg2[%dma_start3A_932, %dma_start3A_946, %mul3A_931] : memref<4x8x1000000xf32, #tpu.memory_space<hbm>> -> memref<1x8x128xf32, #tpu.memory_space<hbm>>
        %dma_start3A_948 = tpu.memref_squeeze %dma_start3A_947 : memref<1x8x128xf32, #tpu.memory_space<hbm>> -> memref<8x128xf32, #tpu.memory_space<hbm>>
        tpu.enqueue_dma source(%dma_start3A_948 : memref<8x128xf32, #tpu.memory_space<hbm>>) target(%dma_start3A_945 : memref<8x128xf32, #tpu.memory_space<vmem>>) target_semaphore(%arg9 : memref<!tpu.dma_semaphore, #tpu.memory_space<semaphore_mem>>)
      } else {
      }
      %add3A_645 = arith.addi %mul3A_2, %add3A_420 : i32
      %add3A_646 = arith.constant 2 : i32
      %add3A_647 = arith.addi %add3A_645, %add3A_646 : i32
      %mul3A_648 = arith.constant 128 : i32
      %mul3A_649 = arith.muli %add3A_647, %mul3A_648 : i32
      %dma_wait3A_650 = arith.constant 0 : i32
      %dma_wait3A_651 = arith.constant 2 : i32
      %dma_wait3A_652 = arith.constant 0 : i32
      %dma_wait3A_653 = arith.constant 0 : i32
      %dma_wait3A_654 = arith.constant 0 : i32
      %dma_wait3A_655 = tpu.memref_slice %arg5[%dma_wait3A_651, %dma_wait3A_652, %dma_wait3A_653, %dma_wait3A_654] : memref<4x4x8x129xf32, #tpu.memory_space<vmem>> -> memref<1x1x8x128xf32, #tpu.memory_space<vmem>>
      %dma_wait3A_656 = tpu.memref_squeeze %dma_wait3A_655 : memref<1x1x8x128xf32, #tpu.memory_space<vmem>> -> memref<8x128xf32, #tpu.memory_space<vmem>>
      %dma_wait3A_657 = arith.constant 0 : i32
      %dma_wait3A_658 = tpu.memref_slice %arg2[%dma_wait3A_650, %dma_wait3A_657, %mul3A_649] : memref<4x8x1000000xf32, #tpu.memory_space<hbm>> -> memref<1x8x128xf32, #tpu.memory_space<hbm>>
      %dma_wait3A_659 = tpu.memref_squeeze %dma_wait3A_658 : memref<1x8x128xf32, #tpu.memory_space<hbm>> -> memref<8x128xf32, #tpu.memory_space<hbm>>
      %dma_wait3A_660 = arith.constant 0 : i32
      %dma_wait3A_661 = arith.constant 0 : i32
      %dma_wait3A_662 = tpu.memref_slice %arg5[%dma_wait3A_651, %dma_wait3A_652, %dma_wait3A_660, %dma_wait3A_661] : memref<4x4x8x129xf32, #tpu.memory_space<vmem>> -> memref<1x1x8x128xf32, #tpu.memory_space<vmem>>
      %dma_wait3A_663 = tpu.memref_squeeze %dma_wait3A_662 : memref<1x1x8x128xf32, #tpu.memory_space<vmem>> -> memref<8x128xf32, #tpu.memory_space<vmem>>
      %dma_wait3A_664 = arith.constant 0 : i32
      %dma_wait3A_665 = tpu.memref_slice %arg2[%dma_wait3A_650, %dma_wait3A_664, %mul3A_649] : memref<4x8x1000000xf32, #tpu.memory_space<hbm>> -> memref<1x8x128xf32, #tpu.memory_space<hbm>>
      %dma_wait3A_666 = tpu.memref_squeeze %dma_wait3A_665 : memref<1x8x128xf32, #tpu.memory_space<hbm>> -> memref<8x128xf32, #tpu.memory_space<hbm>>
      tpu.wait_dma2 semaphore(%arg10 : memref<!tpu.dma_semaphore, #tpu.memory_space<semaphore_mem>>) src(%dma_wait3A_666 : memref<8x128xf32, #tpu.memory_space<hbm>>) dst(%dma_wait3A_663 : memref<8x128xf32, #tpu.memory_space<vmem>>)
      %mul3A_667 = arith.constant 128 : i32
      %mul3A_668 = arith.muli %add3A_647, %mul3A_667 : i32
      %dma_wait3A_669 = arith.constant 1 : i32
      %dma_wait3A_670 = arith.constant 2 : i32
      %dma_wait3A_671 = arith.constant 1 : i32
      %dma_wait3A_672 = arith.constant 0 : i32
      %dma_wait3A_673 = arith.constant 0 : i32
      %dma_wait3A_674 = tpu.memref_slice %arg5[%dma_wait3A_670, %dma_wait3A_671, %dma_wait3A_672, %dma_wait3A_673] : memref<4x4x8x129xf32, #tpu.memory_space<vmem>> -> memref<1x1x8x128xf32, #tpu.memory_space<vmem>>
      %dma_wait3A_675 = tpu.memref_squeeze %dma_wait3A_674 : memref<1x1x8x128xf32, #tpu.memory_space<vmem>> -> memref<8x128xf32, #tpu.memory_space<vmem>>
      %dma_wait3A_676 = arith.constant 0 : i32
      %dma_wait3A_677 = tpu.memref_slice %arg2[%dma_wait3A_669, %dma_wait3A_676, %mul3A_668] : memref<4x8x1000000xf32, #tpu.memory_space<hbm>> -> memref<1x8x128xf32, #tpu.memory_space<hbm>>
      %dma_wait3A_678 = tpu.memref_squeeze %dma_wait3A_677 : memref<1x8x128xf32, #tpu.memory_space<hbm>> -> memref<8x128xf32, #tpu.memory_space<hbm>>
      %dma_wait3A_679 = arith.constant 0 : i32
      %dma_wait3A_680 = arith.constant 0 : i32
      %dma_wait3A_681 = tpu.memref_slice %arg5[%dma_wait3A_670, %dma_wait3A_671, %dma_wait3A_679, %dma_wait3A_680] : memref<4x4x8x129xf32, #tpu.memory_space<vmem>> -> memref<1x1x8x128xf32, #tpu.memory_space<vmem>>
      %dma_wait3A_682 = tpu.memref_squeeze %dma_wait3A_681 : memref<1x1x8x128xf32, #tpu.memory_space<vmem>> -> memref<8x128xf32, #tpu.memory_space<vmem>>
      %dma_wait3A_683 = arith.constant 0 : i32
      %dma_wait3A_684 = tpu.memref_slice %arg2[%dma_wait3A_669, %dma_wait3A_683, %mul3A_668] : memref<4x8x1000000xf32, #tpu.memory_space<hbm>> -> memref<1x8x128xf32, #tpu.memory_space<hbm>>
      %dma_wait3A_685 = tpu.memref_squeeze %dma_wait3A_684 : memref<1x8x128xf32, #tpu.memory_space<hbm>> -> memref<8x128xf32, #tpu.memory_space<hbm>>
      tpu.wait_dma2 semaphore(%arg10 : memref<!tpu.dma_semaphore, #tpu.memory_space<semaphore_mem>>) src(%dma_wait3A_685 : memref<8x128xf32, #tpu.memory_space<hbm>>) dst(%dma_wait3A_682 : memref<8x128xf32, #tpu.memory_space<vmem>>)
      %mul3A_686 = arith.constant 128 : i32
      %mul3A_687 = arith.muli %add3A_647, %mul3A_686 : i32
      %dma_wait3A_688 = arith.constant 2 : i32
      %dma_wait3A_689 = arith.constant 2 : i32
      %dma_wait3A_690 = arith.constant 2 : i32
      %dma_wait3A_691 = arith.constant 0 : i32
      %dma_wait3A_692 = arith.constant 0 : i32
      %dma_wait3A_693 = tpu.memref_slice %arg5[%dma_wait3A_689, %dma_wait3A_690, %dma_wait3A_691, %dma_wait3A_692] : memref<4x4x8x129xf32, #tpu.memory_space<vmem>> -> memref<1x1x8x128xf32, #tpu.memory_space<vmem>>
      %dma_wait3A_694 = tpu.memref_squeeze %dma_wait3A_693 : memref<1x1x8x128xf32, #tpu.memory_space<vmem>> -> memref<8x128xf32, #tpu.memory_space<vmem>>
      %dma_wait3A_695 = arith.constant 0 : i32
      %dma_wait3A_696 = tpu.memref_slice %arg2[%dma_wait3A_688, %dma_wait3A_695, %mul3A_687] : memref<4x8x1000000xf32, #tpu.memory_space<hbm>> -> memref<1x8x128xf32, #tpu.memory_space<hbm>>
      %dma_wait3A_697 = tpu.memref_squeeze %dma_wait3A_696 : memref<1x8x128xf32, #tpu.memory_space<hbm>> -> memref<8x128xf32, #tpu.memory_space<hbm>>
      %dma_wait3A_698 = arith.constant 0 : i32
      %dma_wait3A_699 = arith.constant 0 : i32
      %dma_wait3A_700 = tpu.memref_slice %arg5[%dma_wait3A_689, %dma_wait3A_690, %dma_wait3A_698, %dma_wait3A_699] : memref<4x4x8x129xf32, #tpu.memory_space<vmem>> -> memref<1x1x8x128xf32, #tpu.memory_space<vmem>>
      %dma_wait3A_701 = tpu.memref_squeeze %dma_wait3A_700 : memref<1x1x8x128xf32, #tpu.memory_space<vmem>> -> memref<8x128xf32, #tpu.memory_space<vmem>>
      %dma_wait3A_702 = arith.constant 0 : i32
      %dma_wait3A_703 = tpu.memref_slice %arg2[%dma_wait3A_688, %dma_wait3A_702, %mul3A_687] : memref<4x8x1000000xf32, #tpu.memory_space<hbm>> -> memref<1x8x128xf32, #tpu.memory_space<hbm>>
      %dma_wait3A_704 = tpu.memref_squeeze %dma_wait3A_703 : memref<1x8x128xf32, #tpu.memory_space<hbm>> -> memref<8x128xf32, #tpu.memory_space<hbm>>
      tpu.wait_dma2 semaphore(%arg10 : memref<!tpu.dma_semaphore, #tpu.memory_space<semaphore_mem>>) src(%dma_wait3A_704 : memref<8x128xf32, #tpu.memory_space<hbm>>) dst(%dma_wait3A_701 : memref<8x128xf32, #tpu.memory_space<vmem>>)
      %mul3A_705 = arith.constant 128 : i32
      %mul3A_706 = arith.muli %add3A_647, %mul3A_705 : i32
      %dma_wait3A_707 = arith.constant 3 : i32
      %dma_wait3A_708 = arith.constant 2 : i32
      %dma_wait3A_709 = arith.constant 3 : i32
      %dma_wait3A_710 = arith.constant 0 : i32
      %dma_wait3A_711 = arith.constant 0 : i32
      %dma_wait3A_712 = tpu.memref_slice %arg5[%dma_wait3A_708, %dma_wait3A_709, %dma_wait3A_710, %dma_wait3A_711] : memref<4x4x8x129xf32, #tpu.memory_space<vmem>> -> memref<1x1x8x128xf32, #tpu.memory_space<vmem>>
      %dma_wait3A_713 = tpu.memref_squeeze %dma_wait3A_712 : memref<1x1x8x128xf32, #tpu.memory_space<vmem>> -> memref<8x128xf32, #tpu.memory_space<vmem>>
      %dma_wait3A_714 = arith.constant 0 : i32
      %dma_wait3A_715 = tpu.memref_slice %arg2[%dma_wait3A_707, %dma_wait3A_714, %mul3A_706] : memref<4x8x1000000xf32, #tpu.memory_space<hbm>> -> memref<1x8x128xf32, #tpu.memory_space<hbm>>
      %dma_wait3A_716 = tpu.memref_squeeze %dma_wait3A_715 : memref<1x8x128xf32, #tpu.memory_space<hbm>> -> memref<8x128xf32, #tpu.memory_space<hbm>>
      %dma_wait3A_717 = arith.constant 0 : i32
      %dma_wait3A_718 = arith.constant 0 : i32
      %dma_wait3A_719 = tpu.memref_slice %arg5[%dma_wait3A_708, %dma_wait3A_709, %dma_wait3A_717, %dma_wait3A_718] : memref<4x4x8x129xf32, #tpu.memory_space<vmem>> -> memref<1x1x8x128xf32, #tpu.memory_space<vmem>>
      %dma_wait3A_720 = tpu.memref_squeeze %dma_wait3A_719 : memref<1x1x8x128xf32, #tpu.memory_space<vmem>> -> memref<8x128xf32, #tpu.memory_space<vmem>>
      %dma_wait3A_721 = arith.constant 0 : i32
      %dma_wait3A_722 = tpu.memref_slice %arg2[%dma_wait3A_707, %dma_wait3A_721, %mul3A_706] : memref<4x8x1000000xf32, #tpu.memory_space<hbm>> -> memref<1x8x128xf32, #tpu.memory_space<hbm>>
      %dma_wait3A_723 = tpu.memref_squeeze %dma_wait3A_722 : memref<1x8x128xf32, #tpu.memory_space<hbm>> -> memref<8x128xf32, #tpu.memory_space<hbm>>
      tpu.wait_dma2 semaphore(%arg10 : memref<!tpu.dma_semaphore, #tpu.memory_space<semaphore_mem>>) src(%dma_wait3A_723 : memref<8x128xf32, #tpu.memory_space<hbm>>) dst(%dma_wait3A_720 : memref<8x128xf32, #tpu.memory_space<vmem>>)
      %add3A_724 = arith.constant 2 : i32
      %add3A_725 = arith.addi %add3A_420, %add3A_724 : i32
      %ge3A_726 = arith.constant 4 : i32
      %ge3A_727 = arith.cmpi sge, %add3A_725, %ge3A_726 : i32
      %convert_element_type3A_728 = arith.extui %ge3A_727 : i1 to i32
      %cond3A_729 = arith.constant 0 : i32
      %cond3A_730 = arith.cmpi ne, %convert_element_type3A_728, %cond3A_729 : i32
      scf.if %cond3A_730 {
        %sub3A_871 = arith.constant 4 : i32
        %sub3A_872 = arith.subi %add3A_647, %sub3A_871 : i32
        %mul3A_873 = arith.constant 32 : i32
        %mul3A_874 = arith.muli %mul3A_873, %sub3A_872 : i32
        %dma_wait3A_875 = arith.constant 2 : i32
        %dma_wait3A_876 = arith.constant 0 : i32
        %dma_wait3A_877 = arith.constant 0 : i32
        %dma_wait3A_878 = tpu.memref_slice %arg6[%dma_wait3A_875, %dma_wait3A_876, %dma_wait3A_877] : memref<4x32x128xf32, #tpu.memory_space<vmem>> -> memref<1x32x128xf32, #tpu.memory_space<vmem>>
        %dma_wait3A_879 = tpu.memref_squeeze %dma_wait3A_878 : memref<1x32x128xf32, #tpu.memory_space<vmem>> -> memref<32x128xf32, #tpu.memory_space<vmem>>
        %dma_wait3A_880 = arith.constant 0 : i32
        %dma_wait3A_881 = tpu.memref_slice %arg4[%mul3A_874, %dma_wait3A_880] : memref<250000x128xf32, #tpu.memory_space<hbm>> -> memref<32x128xf32, #tpu.memory_space<hbm>>
        %dma_wait3A_882 = arith.constant 0 : i32
        %dma_wait3A_883 = tpu.memref_slice %arg4[%mul3A_874, %dma_wait3A_882] : memref<250000x128xf32, #tpu.memory_space<hbm>> -> memref<32x128xf32, #tpu.memory_space<hbm>>
        %dma_wait3A_884 = arith.constant 0 : i32
        %dma_wait3A_885 = arith.constant 0 : i32
        %dma_wait3A_886 = tpu.memref_slice %arg6[%dma_wait3A_875, %dma_wait3A_884, %dma_wait3A_885] : memref<4x32x128xf32, #tpu.memory_space<vmem>> -> memref<1x32x128xf32, #tpu.memory_space<vmem>>
        %dma_wait3A_887 = tpu.memref_squeeze %dma_wait3A_886 : memref<1x32x128xf32, #tpu.memory_space<vmem>> -> memref<32x128xf32, #tpu.memory_space<vmem>>
        tpu.wait_dma2 semaphore(%arg14 : memref<!tpu.dma_semaphore, #tpu.memory_space<semaphore_mem>>) src(%dma_wait3A_887 : memref<32x128xf32, #tpu.memory_space<vmem>>) dst(%dma_wait3A_883 : memref<32x128xf32, #tpu.memory_space<hbm>>)
      } else {
      }
      %parallel_loop3A_731 = arith.constant 0 : i32
      %parallel_loop3A_732 = arith.constant 128 : i32
      %parallel_loop3A_733 = arith.constant 1 : i32
      scf.for %parallel_loop3A_871 = %parallel_loop3A_731 to %parallel_loop3A_732 step %parallel_loop3A_733  : i32 {
        %parallel_loop3A_872 = arith.constant 0 : i32
        %parallel_loop3A_873 = vector.broadcast %parallel_loop3A_872 : i32 to vector<16xi32>
        %parallel_loop3A_874 = vector.broadcast %parallel_loop3A_871 : i32 to vector<16xi32>
        %parallel_loop3A_875 = arith.addi %parallel_loop3A_873, %parallel_loop3A_874 : vector<16xi32>
        %parallel_loop3A_876 = arith.constant 2 : i32
        %parallel_loop3A_877 = arith.constant 0 : i32
        %parallel_loop3A_878 = arith.constant 0 : i32
        %parallel_loop3A_879 = arith.constant 0 : i32
        %parallel_loop3A_880 = tpu.memref_slice %arg5[%parallel_loop3A_876, %parallel_loop3A_877, %parallel_loop3A_878, %parallel_loop3A_879] : memref<4x4x8x129xf32, #tpu.memory_space<vmem>> -> memref<1x4x8x129xf32, #tpu.memory_space<vmem>>
        %parallel_loop3A_881 = tpu.memref_squeeze %parallel_loop3A_880 : memref<1x4x8x129xf32, #tpu.memory_space<vmem>> -> memref<4x8x129xf32, #tpu.memory_space<vmem>>
        %parallel_loop3A_882 = tpu.vector_load_idx %parallel_loop3A_881[%shift_right_arithmetic3A_6, %and3A_4, %parallel_loop3A_875] : memref<4x8x129xf32, #tpu.memory_space<vmem>>[vector<16xi32>, vector<16xi32>, vector<16xi32>], vector<16xf32>,
        %parallel_loop3A_883 = arith.constant 2 : i32
        %parallel_loop3A_884 = arith.shrsi %parallel_loop3A_871, %parallel_loop3A_883 : i32
        %parallel_loop3A_885 = arith.constant 3 : i32
        %parallel_loop3A_886 = arith.andi %parallel_loop3A_871, %parallel_loop3A_885 : i32
        %parallel_loop3A_887 = arith.constant 32 : i32
        %parallel_loop3A_888 = arith.muli %parallel_loop3A_886, %parallel_loop3A_887 : i32
        %parallel_loop3A_889 = arith.constant 0 : i32
        %parallel_loop3A_890 = arith.addi %parallel_loop3A_888, %parallel_loop3A_889 : i32
        %parallel_loop3A_891 = arith.constant 2 : i32
        %parallel_loop3A_892 = arith.index_cast %parallel_loop3A_891 : i32 to index
        %parallel_loop3A_893 = arith.index_cast %parallel_loop3A_884 : i32 to index
        %parallel_loop3A_894 = arith.index_cast %parallel_loop3A_890 : i32 to index
        %parallel_loop3A_895 = tpu.vector_load %arg6[%parallel_loop3A_892, %parallel_loop3A_893, %parallel_loop3A_894] {strides = array<i32>} : memref<4x32x128xf32, #tpu.memory_space<vmem>>, vector<16xf32>,
        tpu.vector_store %arg6[%parallel_loop3A_892, %parallel_loop3A_893, %parallel_loop3A_894], %parallel_loop3A_882 {strides = array<i32>} : memref<4x32x128xf32, #tpu.memory_space<vmem>>, vector<16xf32>,
        %parallel_loop3A_896 = arith.constant 2 : i32
        %parallel_loop3A_897 = arith.constant 0 : i32
        %parallel_loop3A_898 = arith.constant 0 : i32
        %parallel_loop3A_899 = arith.constant 0 : i32
        %parallel_loop3A_900 = tpu.memref_slice %arg5[%parallel_loop3A_896, %parallel_loop3A_897, %parallel_loop3A_898, %parallel_loop3A_899] : memref<4x4x8x129xf32, #tpu.memory_space<vmem>> -> memref<1x4x8x129xf32, #tpu.memory_space<vmem>>
        %parallel_loop3A_901 = tpu.memref_squeeze %parallel_loop3A_900 : memref<1x4x8x129xf32, #tpu.memory_space<vmem>> -> memref<4x8x129xf32, #tpu.memory_space<vmem>>
        %parallel_loop3A_902 = tpu.vector_load_idx %parallel_loop3A_901[%add3A_12, %and3A_4, %parallel_loop3A_875] : memref<4x8x129xf32, #tpu.memory_space<vmem>>[vector<16xi32>, vector<16xi32>, vector<16xi32>], vector<16xf32>,
        %parallel_loop3A_903 = arith.constant 2 : i32
        %parallel_loop3A_904 = arith.shrsi %parallel_loop3A_871, %parallel_loop3A_903 : i32
        %parallel_loop3A_905 = arith.constant 3 : i32
        %parallel_loop3A_906 = arith.andi %parallel_loop3A_871, %parallel_loop3A_905 : i32
        %parallel_loop3A_907 = arith.constant 32 : i32
        %parallel_loop3A_908 = arith.muli %parallel_loop3A_906, %parallel_loop3A_907 : i32
        %parallel_loop3A_909 = arith.constant 16 : i32
        %parallel_loop3A_910 = arith.addi %parallel_loop3A_908, %parallel_loop3A_909 : i32
        %parallel_loop3A_911 = arith.constant 2 : i32
        %parallel_loop3A_912 = arith.index_cast %parallel_loop3A_911 : i32 to index
        %parallel_loop3A_913 = arith.index_cast %parallel_loop3A_904 : i32 to index
        %parallel_loop3A_914 = arith.index_cast %parallel_loop3A_910 : i32 to index
        %parallel_loop3A_915 = tpu.vector_load %arg6[%parallel_loop3A_912, %parallel_loop3A_913, %parallel_loop3A_914] {strides = array<i32>} : memref<4x32x128xf32, #tpu.memory_space<vmem>>, vector<16xf32>,
        tpu.vector_store %arg6[%parallel_loop3A_912, %parallel_loop3A_913, %parallel_loop3A_914], %parallel_loop3A_902 {strides = array<i32>} : memref<4x32x128xf32, #tpu.memory_space<vmem>>, vector<16xf32>,
      } {sc.loop_unroll_factor = 8 : i64, sc.parallel_access}
      %mul3A_734 = arith.constant 32 : i32
      %mul3A_735 = arith.muli %mul3A_734, %add3A_647 : i32
      %dma_start3A_736 = arith.constant 2 : i32
      %dma_start3A_737 = arith.constant 0 : i32
      %dma_start3A_738 = arith.constant 0 : i32
      %dma_start3A_739 = tpu.memref_slice %arg6[%dma_start3A_736, %dma_start3A_737, %dma_start3A_738] : memref<4x32x128xf32, #tpu.memory_space<vmem>> -> memref<1x32x128xf32, #tpu.memory_space<vmem>>
      %dma_start3A_740 = tpu.memref_squeeze %dma_start3A_739 : memref<1x32x128xf32, #tpu.memory_space<vmem>> -> memref<32x128xf32, #tpu.memory_space<vmem>>
      %dma_start3A_741 = arith.constant 0 : i32
      %dma_start3A_742 = tpu.memref_slice %arg4[%mul3A_735, %dma_start3A_741] : memref<250000x128xf32, #tpu.memory_space<hbm>> -> memref<32x128xf32, #tpu.memory_space<hbm>>
      %dma_start3A_743 = arith.constant 0 : i32
      %dma_start3A_744 = tpu.memref_slice %arg4[%mul3A_735, %dma_start3A_743] : memref<250000x128xf32, #tpu.memory_space<hbm>> -> memref<32x128xf32, #tpu.memory_space<hbm>>
      %dma_start3A_745 = arith.constant 0 : i32
      %dma_start3A_746 = arith.constant 0 : i32
      %dma_start3A_747 = tpu.memref_slice %arg6[%dma_start3A_736, %dma_start3A_745, %dma_start3A_746] : memref<4x32x128xf32, #tpu.memory_space<vmem>> -> memref<1x32x128xf32, #tpu.memory_space<vmem>>
      %dma_start3A_748 = tpu.memref_squeeze %dma_start3A_747 : memref<1x32x128xf32, #tpu.memory_space<vmem>> -> memref<32x128xf32, #tpu.memory_space<vmem>>
      tpu.enqueue_dma source(%dma_start3A_748 : memref<32x128xf32, #tpu.memory_space<vmem>>) target(%dma_start3A_744 : memref<32x128xf32, #tpu.memory_space<hbm>>) target_semaphore(%arg14 : memref<!tpu.dma_semaphore, #tpu.memory_space<semaphore_mem>>)
      %add3A_749 = arith.constant 2 : i32
      %add3A_750 = arith.addi %add3A_420, %add3A_749 : i32
      %add3A_751 = arith.constant 4 : i32
      %add3A_752 = arith.addi %add3A_750, %add3A_751 : i32
      %lt3A_753 = arith.constant 244 : i32
      %lt3A_754 = arith.cmpi slt, %add3A_752, %lt3A_753 : i32
      %convert_element_type3A_755 = arith.extui %lt3A_754 : i1 to i32
      %cond3A_756 = arith.constant 0 : i32
      %cond3A_757 = arith.cmpi ne, %convert_element_type3A_755, %cond3A_756 : i32
      scf.if %cond3A_757 {
        %add3A_871 = arith.constant 4 : i32
        %add3A_872 = arith.addi %add3A_647, %add3A_871 : i32
        %mul3A_873 = arith.constant 128 : i32
        %mul3A_874 = arith.muli %add3A_872, %mul3A_873 : i32
        %dma_start3A_875 = arith.constant 0 : i32
        %dma_start3A_876 = arith.constant 2 : i32
        %dma_start3A_877 = arith.constant 0 : i32
        %dma_start3A_878 = arith.constant 0 : i32
        %dma_start3A_879 = arith.constant 0 : i32
        %dma_start3A_880 = tpu.memref_slice %arg5[%dma_start3A_876, %dma_start3A_877, %dma_start3A_878, %dma_start3A_879] : memref<4x4x8x129xf32, #tpu.memory_space<vmem>> -> memref<1x1x8x128xf32, #tpu.memory_space<vmem>>
        %dma_start3A_881 = tpu.memref_squeeze %dma_start3A_880 : memref<1x1x8x128xf32, #tpu.memory_space<vmem>> -> memref<8x128xf32, #tpu.memory_space<vmem>>
        %dma_start3A_882 = arith.constant 0 : i32
        %dma_start3A_883 = tpu.memref_slice %arg2[%dma_start3A_875, %dma_start3A_882, %mul3A_874] : memref<4x8x1000000xf32, #tpu.memory_space<hbm>> -> memref<1x8x128xf32, #tpu.memory_space<hbm>>
        %dma_start3A_884 = tpu.memref_squeeze %dma_start3A_883 : memref<1x8x128xf32, #tpu.memory_space<hbm>> -> memref<8x128xf32, #tpu.memory_space<hbm>>
        %dma_start3A_885 = arith.constant 0 : i32
        %dma_start3A_886 = arith.constant 0 : i32
        %dma_start3A_887 = tpu.memref_slice %arg5[%dma_start3A_876, %dma_start3A_877, %dma_start3A_885, %dma_start3A_886] : memref<4x4x8x129xf32, #tpu.memory_space<vmem>> -> memref<1x1x8x128xf32, #tpu.memory_space<vmem>>
        %dma_start3A_888 = tpu.memref_squeeze %dma_start3A_887 : memref<1x1x8x128xf32, #tpu.memory_space<vmem>> -> memref<8x128xf32, #tpu.memory_space<vmem>>
        %dma_start3A_889 = arith.constant 0 : i32
        %dma_start3A_890 = tpu.memref_slice %arg2[%dma_start3A_875, %dma_start3A_889, %mul3A_874] : memref<4x8x1000000xf32, #tpu.memory_space<hbm>> -> memref<1x8x128xf32, #tpu.memory_space<hbm>>
        %dma_start3A_891 = tpu.memref_squeeze %dma_start3A_890 : memref<1x8x128xf32, #tpu.memory_space<hbm>> -> memref<8x128xf32, #tpu.memory_space<hbm>>
        tpu.enqueue_dma source(%dma_start3A_891 : memref<8x128xf32, #tpu.memory_space<hbm>>) target(%dma_start3A_888 : memref<8x128xf32, #tpu.memory_space<vmem>>) target_semaphore(%arg10 : memref<!tpu.dma_semaphore, #tpu.memory_space<semaphore_mem>>)
        %mul3A_892 = arith.constant 128 : i32
        %mul3A_893 = arith.muli %add3A_872, %mul3A_892 : i32
        %dma_start3A_894 = arith.constant 1 : i32
        %dma_start3A_895 = arith.constant 2 : i32
        %dma_start3A_896 = arith.constant 1 : i32
        %dma_start3A_897 = arith.constant 0 : i32
        %dma_start3A_898 = arith.constant 0 : i32
        %dma_start3A_899 = tpu.memref_slice %arg5[%dma_start3A_895, %dma_start3A_896, %dma_start3A_897, %dma_start3A_898] : memref<4x4x8x129xf32, #tpu.memory_space<vmem>> -> memref<1x1x8x128xf32, #tpu.memory_space<vmem>>
        %dma_start3A_900 = tpu.memref_squeeze %dma_start3A_899 : memref<1x1x8x128xf32, #tpu.memory_space<vmem>> -> memref<8x128xf32, #tpu.memory_space<vmem>>
        %dma_start3A_901 = arith.constant 0 : i32
        %dma_start3A_902 = tpu.memref_slice %arg2[%dma_start3A_894, %dma_start3A_901, %mul3A_893] : memref<4x8x1000000xf32, #tpu.memory_space<hbm>> -> memref<1x8x128xf32, #tpu.memory_space<hbm>>
        %dma_start3A_903 = tpu.memref_squeeze %dma_start3A_902 : memref<1x8x128xf32, #tpu.memory_space<hbm>> -> memref<8x128xf32, #tpu.memory_space<hbm>>
        %dma_start3A_904 = arith.constant 0 : i32
        %dma_start3A_905 = arith.constant 0 : i32
        %dma_start3A_906 = tpu.memref_slice %arg5[%dma_start3A_895, %dma_start3A_896, %dma_start3A_904, %dma_start3A_905] : memref<4x4x8x129xf32, #tpu.memory_space<vmem>> -> memref<1x1x8x128xf32, #tpu.memory_space<vmem>>
        %dma_start3A_907 = tpu.memref_squeeze %dma_start3A_906 : memref<1x1x8x128xf32, #tpu.memory_space<vmem>> -> memref<8x128xf32, #tpu.memory_space<vmem>>
        %dma_start3A_908 = arith.constant 0 : i32
        %dma_start3A_909 = tpu.memref_slice %arg2[%dma_start3A_894, %dma_start3A_908, %mul3A_893] : memref<4x8x1000000xf32, #tpu.memory_space<hbm>> -> memref<1x8x128xf32, #tpu.memory_space<hbm>>
        %dma_start3A_910 = tpu.memref_squeeze %dma_start3A_909 : memref<1x8x128xf32, #tpu.memory_space<hbm>> -> memref<8x128xf32, #tpu.memory_space<hbm>>
        tpu.enqueue_dma source(%dma_start3A_910 : memref<8x128xf32, #tpu.memory_space<hbm>>) target(%dma_start3A_907 : memref<8x128xf32, #tpu.memory_space<vmem>>) target_semaphore(%arg10 : memref<!tpu.dma_semaphore, #tpu.memory_space<semaphore_mem>>)
        %mul3A_911 = arith.constant 128 : i32
        %mul3A_912 = arith.muli %add3A_872, %mul3A_911 : i32
        %dma_start3A_913 = arith.constant 2 : i32
        %dma_start3A_914 = arith.constant 2 : i32
        %dma_start3A_915 = arith.constant 2 : i32
        %dma_start3A_916 = arith.constant 0 : i32
        %dma_start3A_917 = arith.constant 0 : i32
        %dma_start3A_918 = tpu.memref_slice %arg5[%dma_start3A_914, %dma_start3A_915, %dma_start3A_916, %dma_start3A_917] : memref<4x4x8x129xf32, #tpu.memory_space<vmem>> -> memref<1x1x8x128xf32, #tpu.memory_space<vmem>>
        %dma_start3A_919 = tpu.memref_squeeze %dma_start3A_918 : memref<1x1x8x128xf32, #tpu.memory_space<vmem>> -> memref<8x128xf32, #tpu.memory_space<vmem>>
        %dma_start3A_920 = arith.constant 0 : i32
        %dma_start3A_921 = tpu.memref_slice %arg2[%dma_start3A_913, %dma_start3A_920, %mul3A_912] : memref<4x8x1000000xf32, #tpu.memory_space<hbm>> -> memref<1x8x128xf32, #tpu.memory_space<hbm>>
        %dma_start3A_922 = tpu.memref_squeeze %dma_start3A_921 : memref<1x8x128xf32, #tpu.memory_space<hbm>> -> memref<8x128xf32, #tpu.memory_space<hbm>>
        %dma_start3A_923 = arith.constant 0 : i32
        %dma_start3A_924 = arith.constant 0 : i32
        %dma_start3A_925 = tpu.memref_slice %arg5[%dma_start3A_914, %dma_start3A_915, %dma_start3A_923, %dma_start3A_924] : memref<4x4x8x129xf32, #tpu.memory_space<vmem>> -> memref<1x1x8x128xf32, #tpu.memory_space<vmem>>
        %dma_start3A_926 = tpu.memref_squeeze %dma_start3A_925 : memref<1x1x8x128xf32, #tpu.memory_space<vmem>> -> memref<8x128xf32, #tpu.memory_space<vmem>>
        %dma_start3A_927 = arith.constant 0 : i32
        %dma_start3A_928 = tpu.memref_slice %arg2[%dma_start3A_913, %dma_start3A_927, %mul3A_912] : memref<4x8x1000000xf32, #tpu.memory_space<hbm>> -> memref<1x8x128xf32, #tpu.memory_space<hbm>>
        %dma_start3A_929 = tpu.memref_squeeze %dma_start3A_928 : memref<1x8x128xf32, #tpu.memory_space<hbm>> -> memref<8x128xf32, #tpu.memory_space<hbm>>
        tpu.enqueue_dma source(%dma_start3A_929 : memref<8x128xf32, #tpu.memory_space<hbm>>) target(%dma_start3A_926 : memref<8x128xf32, #tpu.memory_space<vmem>>) target_semaphore(%arg10 : memref<!tpu.dma_semaphore, #tpu.memory_space<semaphore_mem>>)
        %mul3A_930 = arith.constant 128 : i32
        %mul3A_931 = arith.muli %add3A_872, %mul3A_930 : i32
        %dma_start3A_932 = arith.constant 3 : i32
        %dma_start3A_933 = arith.constant 2 : i32
        %dma_start3A_934 = arith.constant 3 : i32
        %dma_start3A_935 = arith.constant 0 : i32
        %dma_start3A_936 = arith.constant 0 : i32
        %dma_start3A_937 = tpu.memref_slice %arg5[%dma_start3A_933, %dma_start3A_934, %dma_start3A_935, %dma_start3A_936] : memref<4x4x8x129xf32, #tpu.memory_space<vmem>> -> memref<1x1x8x128xf32, #tpu.memory_space<vmem>>
        %dma_start3A_938 = tpu.memref_squeeze %dma_start3A_937 : memref<1x1x8x128xf32, #tpu.memory_space<vmem>> -> memref<8x128xf32, #tpu.memory_space<vmem>>
        %dma_start3A_939 = arith.constant 0 : i32
        %dma_start3A_940 = tpu.memref_slice %arg2[%dma_start3A_932, %dma_start3A_939, %mul3A_931] : memref<4x8x1000000xf32, #tpu.memory_space<hbm>> -> memref<1x8x128xf32, #tpu.memory_space<hbm>>
        %dma_start3A_941 = tpu.memref_squeeze %dma_start3A_940 : memref<1x8x128xf32, #tpu.memory_space<hbm>> -> memref<8x128xf32, #tpu.memory_space<hbm>>
        %dma_start3A_942 = arith.constant 0 : i32
        %dma_start3A_943 = arith.constant 0 : i32
        %dma_start3A_944 = tpu.memref_slice %arg5[%dma_start3A_933, %dma_start3A_934, %dma_start3A_942, %dma_start3A_943] : memref<4x4x8x129xf32, #tpu.memory_space<vmem>> -> memref<1x1x8x128xf32, #tpu.memory_space<vmem>>
        %dma_start3A_945 = tpu.memref_squeeze %dma_start3A_944 : memref<1x1x8x128xf32, #tpu.memory_space<vmem>> -> memref<8x128xf32, #tpu.memory_space<vmem>>
        %dma_start3A_946 = arith.constant 0 : i32
        %dma_start3A_947 = tpu.memref_slice %arg2[%dma_start3A_932, %dma_start3A_946, %mul3A_931] : memref<4x8x1000000xf32, #tpu.memory_space<hbm>> -> memref<1x8x128xf32, #tpu.memory_space<hbm>>
        %dma_start3A_948 = tpu.memref_squeeze %dma_start3A_947 : memref<1x8x128xf32, #tpu.memory_space<hbm>> -> memref<8x128xf32, #tpu.memory_space<hbm>>
        tpu.enqueue_dma source(%dma_start3A_948 : memref<8x128xf32, #tpu.memory_space<hbm>>) target(%dma_start3A_945 : memref<8x128xf32, #tpu.memory_space<vmem>>) target_semaphore(%arg10 : memref<!tpu.dma_semaphore, #tpu.memory_space<semaphore_mem>>)
      } else {
      }
      %add3A_758 = arith.addi %mul3A_2, %add3A_420 : i32
      %add3A_759 = arith.constant 3 : i32
      %add3A_760 = arith.addi %add3A_758, %add3A_759 : i32
      %mul3A_761 = arith.constant 128 : i32
      %mul3A_762 = arith.muli %add3A_760, %mul3A_761 : i32
      %dma_wait3A_763 = arith.constant 0 : i32
      %dma_wait3A_764 = arith.constant 3 : i32
      %dma_wait3A_765 = arith.constant 0 : i32
      %dma_wait3A_766 = arith.constant 0 : i32
      %dma_wait3A_767 = arith.constant 0 : i32
      %dma_wait3A_768 = tpu.memref_slice %arg5[%dma_wait3A_764, %dma_wait3A_765, %dma_wait3A_766, %dma_wait3A_767] : memref<4x4x8x129xf32, #tpu.memory_space<vmem>> -> memref<1x1x8x128xf32, #tpu.memory_space<vmem>>
      %dma_wait3A_769 = tpu.memref_squeeze %dma_wait3A_768 : memref<1x1x8x128xf32, #tpu.memory_space<vmem>> -> memref<8x128xf32, #tpu.memory_space<vmem>>
      %dma_wait3A_770 = arith.constant 0 : i32
      %dma_wait3A_771 = tpu.memref_slice %arg2[%dma_wait3A_763, %dma_wait3A_770, %mul3A_762] : memref<4x8x1000000xf32, #tpu.memory_space<hbm>> -> memref<1x8x128xf32, #tpu.memory_space<hbm>>
      %dma_wait3A_772 = tpu.memref_squeeze %dma_wait3A_771 : memref<1x8x128xf32, #tpu.memory_space<hbm>> -> memref<8x128xf32, #tpu.memory_space<hbm>>
      %dma_wait3A_773 = arith.constant 0 : i32
      %dma_wait3A_774 = arith.constant 0 : i32
      %dma_wait3A_775 = tpu.memref_slice %arg5[%dma_wait3A_764, %dma_wait3A_765, %dma_wait3A_773, %dma_wait3A_774] : memref<4x4x8x129xf32, #tpu.memory_space<vmem>> -> memref<1x1x8x128xf32, #tpu.memory_space<vmem>>
      %dma_wait3A_776 = tpu.memref_squeeze %dma_wait3A_775 : memref<1x1x8x128xf32, #tpu.memory_space<vmem>> -> memref<8x128xf32, #tpu.memory_space<vmem>>
      %dma_wait3A_777 = arith.constant 0 : i32
      %dma_wait3A_778 = tpu.memref_slice %arg2[%dma_wait3A_763, %dma_wait3A_777, %mul3A_762] : memref<4x8x1000000xf32, #tpu.memory_space<hbm>> -> memref<1x8x128xf32, #tpu.memory_space<hbm>>
      %dma_wait3A_779 = tpu.memref_squeeze %dma_wait3A_778 : memref<1x8x128xf32, #tpu.memory_space<hbm>> -> memref<8x128xf32, #tpu.memory_space<hbm>>
      tpu.wait_dma2 semaphore(%arg11 : memref<!tpu.dma_semaphore, #tpu.memory_space<semaphore_mem>>) src(%dma_wait3A_779 : memref<8x128xf32, #tpu.memory_space<hbm>>) dst(%dma_wait3A_776 : memref<8x128xf32, #tpu.memory_space<vmem>>)
      %mul3A_780 = arith.constant 128 : i32
      %mul3A_781 = arith.muli %add3A_760, %mul3A_780 : i32
      %dma_wait3A_782 = arith.constant 1 : i32
      %dma_wait3A_783 = arith.constant 3 : i32
      %dma_wait3A_784 = arith.constant 1 : i32
      %dma_wait3A_785 = arith.constant 0 : i32
      %dma_wait3A_786 = arith.constant 0 : i32
      %dma_wait3A_787 = tpu.memref_slice %arg5[%dma_wait3A_783, %dma_wait3A_784, %dma_wait3A_785, %dma_wait3A_786] : memref<4x4x8x129xf32, #tpu.memory_space<vmem>> -> memref<1x1x8x128xf32, #tpu.memory_space<vmem>>
      %dma_wait3A_788 = tpu.memref_squeeze %dma_wait3A_787 : memref<1x1x8x128xf32, #tpu.memory_space<vmem>> -> memref<8x128xf32, #tpu.memory_space<vmem>>
      %dma_wait3A_789 = arith.constant 0 : i32
      %dma_wait3A_790 = tpu.memref_slice %arg2[%dma_wait3A_782, %dma_wait3A_789, %mul3A_781] : memref<4x8x1000000xf32, #tpu.memory_space<hbm>> -> memref<1x8x128xf32, #tpu.memory_space<hbm>>
      %dma_wait3A_791 = tpu.memref_squeeze %dma_wait3A_790 : memref<1x8x128xf32, #tpu.memory_space<hbm>> -> memref<8x128xf32, #tpu.memory_space<hbm>>
      %dma_wait3A_792 = arith.constant 0 : i32
      %dma_wait3A_793 = arith.constant 0 : i32
      %dma_wait3A_794 = tpu.memref_slice %arg5[%dma_wait3A_783, %dma_wait3A_784, %dma_wait3A_792, %dma_wait3A_793] : memref<4x4x8x129xf32, #tpu.memory_space<vmem>> -> memref<1x1x8x128xf32, #tpu.memory_space<vmem>>
      %dma_wait3A_795 = tpu.memref_squeeze %dma_wait3A_794 : memref<1x1x8x128xf32, #tpu.memory_space<vmem>> -> memref<8x128xf32, #tpu.memory_space<vmem>>
      %dma_wait3A_796 = arith.constant 0 : i32
      %dma_wait3A_797 = tpu.memref_slice %arg2[%dma_wait3A_782, %dma_wait3A_796, %mul3A_781] : memref<4x8x1000000xf32, #tpu.memory_space<hbm>> -> memref<1x8x128xf32, #tpu.memory_space<hbm>>
      %dma_wait3A_798 = tpu.memref_squeeze %dma_wait3A_797 : memref<1x8x128xf32, #tpu.memory_space<hbm>> -> memref<8x128xf32, #tpu.memory_space<hbm>>
      tpu.wait_dma2 semaphore(%arg11 : memref<!tpu.dma_semaphore, #tpu.memory_space<semaphore_mem>>) src(%dma_wait3A_798 : memref<8x128xf32, #tpu.memory_space<hbm>>) dst(%dma_wait3A_795 : memref<8x128xf32, #tpu.memory_space<vmem>>)
      %mul3A_799 = arith.constant 128 : i32
      %mul3A_800 = arith.muli %add3A_760, %mul3A_799 : i32
      %dma_wait3A_801 = arith.constant 2 : i32
      %dma_wait3A_802 = arith.constant 3 : i32
      %dma_wait3A_803 = arith.constant 2 : i32
      %dma_wait3A_804 = arith.constant 0 : i32
      %dma_wait3A_805 = arith.constant 0 : i32
      %dma_wait3A_806 = tpu.memref_slice %arg5[%dma_wait3A_802, %dma_wait3A_803, %dma_wait3A_804, %dma_wait3A_805] : memref<4x4x8x129xf32, #tpu.memory_space<vmem>> -> memref<1x1x8x128xf32, #tpu.memory_space<vmem>>
      %dma_wait3A_807 = tpu.memref_squeeze %dma_wait3A_806 : memref<1x1x8x128xf32, #tpu.memory_space<vmem>> -> memref<8x128xf32, #tpu.memory_space<vmem>>
      %dma_wait3A_808 = arith.constant 0 : i32
      %dma_wait3A_809 = tpu.memref_slice %arg2[%dma_wait3A_801, %dma_wait3A_808, %mul3A_800] : memref<4x8x1000000xf32, #tpu.memory_space<hbm>> -> memref<1x8x128xf32, #tpu.memory_space<hbm>>
      %dma_wait3A_810 = tpu.memref_squeeze %dma_wait3A_809 : memref<1x8x128xf32, #tpu.memory_space<hbm>> -> memref<8x128xf32, #tpu.memory_space<hbm>>
      %dma_wait3A_811 = arith.constant 0 : i32
      %dma_wait3A_812 = arith.constant 0 : i32
      %dma_wait3A_813 = tpu.memref_slice %arg5[%dma_wait3A_802, %dma_wait3A_803, %dma_wait3A_811, %dma_wait3A_812] : memref<4x4x8x129xf32, #tpu.memory_space<vmem>> -> memref<1x1x8x128xf32, #tpu.memory_space<vmem>>
      %dma_wait3A_814 = tpu.memref_squeeze %dma_wait3A_813 : memref<1x1x8x128xf32, #tpu.memory_space<vmem>> -> memref<8x128xf32, #tpu.memory_space<vmem>>
      %dma_wait3A_815 = arith.constant 0 : i32
      %dma_wait3A_816 = tpu.memref_slice %arg2[%dma_wait3A_801, %dma_wait3A_815, %mul3A_800] : memref<4x8x1000000xf32, #tpu.memory_space<hbm>> -> memref<1x8x128xf32, #tpu.memory_space<hbm>>
      %dma_wait3A_817 = tpu.memref_squeeze %dma_wait3A_816 : memref<1x8x128xf32, #tpu.memory_space<hbm>> -> memref<8x128xf32, #tpu.memory_space<hbm>>
      tpu.wait_dma2 semaphore(%arg11 : memref<!tpu.dma_semaphore, #tpu.memory_space<semaphore_mem>>) src(%dma_wait3A_817 : memref<8x128xf32, #tpu.memory_space<hbm>>) dst(%dma_wait3A_814 : memref<8x128xf32, #tpu.memory_space<vmem>>)
      %mul3A_818 = arith.constant 128 : i32
      %mul3A_819 = arith.muli %add3A_760, %mul3A_818 : i32
      %dma_wait3A_820 = arith.constant 3 : i32
      %dma_wait3A_821 = arith.constant 3 : i32
      %dma_wait3A_822 = arith.constant 3 : i32
      %dma_wait3A_823 = arith.constant 0 : i32
      %dma_wait3A_824 = arith.constant 0 : i32
      %dma_wait3A_825 = tpu.memref_slice %arg5[%dma_wait3A_821, %dma_wait3A_822, %dma_wait3A_823, %dma_wait3A_824] : memref<4x4x8x129xf32, #tpu.memory_space<vmem>> -> memref<1x1x8x128xf32, #tpu.memory_space<vmem>>
      %dma_wait3A_826 = tpu.memref_squeeze %dma_wait3A_825 : memref<1x1x8x128xf32, #tpu.memory_space<vmem>> -> memref<8x128xf32, #tpu.memory_space<vmem>>
      %dma_wait3A_827 = arith.constant 0 : i32
      %dma_wait3A_828 = tpu.memref_slice %arg2[%dma_wait3A_820, %dma_wait3A_827, %mul3A_819] : memref<4x8x1000000xf32, #tpu.memory_space<hbm>> -> memref<1x8x128xf32, #tpu.memory_space<hbm>>
      %dma_wait3A_829 = tpu.memref_squeeze %dma_wait3A_828 : memref<1x8x128xf32, #tpu.memory_space<hbm>> -> memref<8x128xf32, #tpu.memory_space<hbm>>
      %dma_wait3A_830 = arith.constant 0 : i32
      %dma_wait3A_831 = arith.constant 0 : i32
      %dma_wait3A_832 = tpu.memref_slice %arg5[%dma_wait3A_821, %dma_wait3A_822, %dma_wait3A_830, %dma_wait3A_831] : memref<4x4x8x129xf32, #tpu.memory_space<vmem>> -> memref<1x1x8x128xf32, #tpu.memory_space<vmem>>
      %dma_wait3A_833 = tpu.memref_squeeze %dma_wait3A_832 : memref<1x1x8x128xf32, #tpu.memory_space<vmem>> -> memref<8x128xf32, #tpu.memory_space<vmem>>
      %dma_wait3A_834 = arith.constant 0 : i32
      %dma_wait3A_835 = tpu.memref_slice %arg2[%dma_wait3A_820, %dma_wait3A_834, %mul3A_819] : memref<4x8x1000000xf32, #tpu.memory_space<hbm>> -> memref<1x8x128xf32, #tpu.memory_space<hbm>>
      %dma_wait3A_836 = tpu.memref_squeeze %dma_wait3A_835 : memref<1x8x128xf32, #tpu.memory_space<hbm>> -> memref<8x128xf32, #tpu.memory_space<hbm>>
      tpu.wait_dma2 semaphore(%arg11 : memref<!tpu.dma_semaphore, #tpu.memory_space<semaphore_mem>>) src(%dma_wait3A_836 : memref<8x128xf32, #tpu.memory_space<hbm>>) dst(%dma_wait3A_833 : memref<8x128xf32, #tpu.memory_space<vmem>>)
      %add3A_837 = arith.constant 3 : i32
      %add3A_838 = arith.addi %add3A_420, %add3A_837 : i32
      %ge3A_839 = arith.constant 4 : i32
      %ge3A_840 = arith.cmpi sge, %add3A_838, %ge3A_839 : i32
      %convert_element_type3A_841 = arith.extui %ge3A_840 : i1 to i32
      %cond3A_842 = arith.constant 0 : i32
      %cond3A_843 = arith.cmpi ne, %convert_element_type3A_841, %cond3A_842 : i32
      scf.if %cond3A_843 {
        %sub3A_871 = arith.constant 4 : i32
        %sub3A_872 = arith.subi %add3A_760, %sub3A_871 : i32
        %mul3A_873 = arith.constant 32 : i32
        %mul3A_874 = arith.muli %mul3A_873, %sub3A_872 : i32
        %dma_wait3A_875 = arith.constant 3 : i32
        %dma_wait3A_876 = arith.constant 0 : i32
        %dma_wait3A_877 = arith.constant 0 : i32
        %dma_wait3A_878 = tpu.memref_slice %arg6[%dma_wait3A_875, %dma_wait3A_876, %dma_wait3A_877] : memref<4x32x128xf32, #tpu.memory_space<vmem>> -> memref<1x32x128xf32, #tpu.memory_space<vmem>>
        %dma_wait3A_879 = tpu.memref_squeeze %dma_wait3A_878 : memref<1x32x128xf32, #tpu.memory_space<vmem>> -> memref<32x128xf32, #tpu.memory_space<vmem>>
        %dma_wait3A_880 = arith.constant 0 : i32
        %dma_wait3A_881 = tpu.memref_slice %arg4[%mul3A_874, %dma_wait3A_880] : memref<250000x128xf32, #tpu.memory_space<hbm>> -> memref<32x128xf32, #tpu.memory_space<hbm>>
        %dma_wait3A_882 = arith.constant 0 : i32
        %dma_wait3A_883 = tpu.memref_slice %arg4[%mul3A_874, %dma_wait3A_882] : memref<250000x128xf32, #tpu.memory_space<hbm>> -> memref<32x128xf32, #tpu.memory_space<hbm>>
        %dma_wait3A_884 = arith.constant 0 : i32
        %dma_wait3A_885 = arith.constant 0 : i32
        %dma_wait3A_886 = tpu.memref_slice %arg6[%dma_wait3A_875, %dma_wait3A_884, %dma_wait3A_885] : memref<4x32x128xf32, #tpu.memory_space<vmem>> -> memref<1x32x128xf32, #tpu.memory_space<vmem>>
        %dma_wait3A_887 = tpu.memref_squeeze %dma_wait3A_886 : memref<1x32x128xf32, #tpu.memory_space<vmem>> -> memref<32x128xf32, #tpu.memory_space<vmem>>
        tpu.wait_dma2 semaphore(%arg15 : memref<!tpu.dma_semaphore, #tpu.memory_space<semaphore_mem>>) src(%dma_wait3A_887 : memref<32x128xf32, #tpu.memory_space<vmem>>) dst(%dma_wait3A_883 : memref<32x128xf32, #tpu.memory_space<hbm>>)
      } else {
      }
      %parallel_loop3A_844 = arith.constant 0 : i32
      %parallel_loop3A_845 = arith.constant 128 : i32
      %parallel_loop3A_846 = arith.constant 1 : i32
      scf.for %parallel_loop3A_871 = %parallel_loop3A_844 to %parallel_loop3A_845 step %parallel_loop3A_846  : i32 {
        %parallel_loop3A_872 = arith.constant 0 : i32
        %parallel_loop3A_873 = vector.broadcast %parallel_loop3A_872 : i32 to vector<16xi32>
        %parallel_loop3A_874 = vector.broadcast %parallel_loop3A_871 : i32 to vector<16xi32>
        %parallel_loop3A_875 = arith.addi %parallel_loop3A_873, %parallel_loop3A_874 : vector<16xi32>
        %parallel_loop3A_876 = arith.constant 3 : i32
        %parallel_loop3A_877 = arith.constant 0 : i32
        %parallel_loop3A_878 = arith.constant 0 : i32
        %parallel_loop3A_879 = arith.constant 0 : i32
        %parallel_loop3A_880 = tpu.memref_slice %arg5[%parallel_loop3A_876, %parallel_loop3A_877, %parallel_loop3A_878, %parallel_loop3A_879] : memref<4x4x8x129xf32, #tpu.memory_space<vmem>> -> memref<1x4x8x129xf32, #tpu.memory_space<vmem>>
        %parallel_loop3A_881 = tpu.memref_squeeze %parallel_loop3A_880 : memref<1x4x8x129xf32, #tpu.memory_space<vmem>> -> memref<4x8x129xf32, #tpu.memory_space<vmem>>
        %parallel_loop3A_882 = tpu.vector_load_idx %parallel_loop3A_881[%shift_right_arithmetic3A_6, %and3A_4, %parallel_loop3A_875] : memref<4x8x129xf32, #tpu.memory_space<vmem>>[vector<16xi32>, vector<16xi32>, vector<16xi32>], vector<16xf32>,
        %parallel_loop3A_883 = arith.constant 2 : i32
        %parallel_loop3A_884 = arith.shrsi %parallel_loop3A_871, %parallel_loop3A_883 : i32
        %parallel_loop3A_885 = arith.constant 3 : i32
        %parallel_loop3A_886 = arith.andi %parallel_loop3A_871, %parallel_loop3A_885 : i32
        %parallel_loop3A_887 = arith.constant 32 : i32
        %parallel_loop3A_888 = arith.muli %parallel_loop3A_886, %parallel_loop3A_887 : i32
        %parallel_loop3A_889 = arith.constant 0 : i32
        %parallel_loop3A_890 = arith.addi %parallel_loop3A_888, %parallel_loop3A_889 : i32
        %parallel_loop3A_891 = arith.constant 3 : i32
        %parallel_loop3A_892 = arith.index_cast %parallel_loop3A_891 : i32 to index
        %parallel_loop3A_893 = arith.index_cast %parallel_loop3A_884 : i32 to index
        %parallel_loop3A_894 = arith.index_cast %parallel_loop3A_890 : i32 to index
        %parallel_loop3A_895 = tpu.vector_load %arg6[%parallel_loop3A_892, %parallel_loop3A_893, %parallel_loop3A_894] {strides = array<i32>} : memref<4x32x128xf32, #tpu.memory_space<vmem>>, vector<16xf32>,
        tpu.vector_store %arg6[%parallel_loop3A_892, %parallel_loop3A_893, %parallel_loop3A_894], %parallel_loop3A_882 {strides = array<i32>} : memref<4x32x128xf32, #tpu.memory_space<vmem>>, vector<16xf32>,
        %parallel_loop3A_896 = arith.constant 3 : i32
        %parallel_loop3A_897 = arith.constant 0 : i32
        %parallel_loop3A_898 = arith.constant 0 : i32
        %parallel_loop3A_899 = arith.constant 0 : i32
        %parallel_loop3A_900 = tpu.memref_slice %arg5[%parallel_loop3A_896, %parallel_loop3A_897, %parallel_loop3A_898, %parallel_loop3A_899] : memref<4x4x8x129xf32, #tpu.memory_space<vmem>> -> memref<1x4x8x129xf32, #tpu.memory_space<vmem>>
        %parallel_loop3A_901 = tpu.memref_squeeze %parallel_loop3A_900 : memref<1x4x8x129xf32, #tpu.memory_space<vmem>> -> memref<4x8x129xf32, #tpu.memory_space<vmem>>
        %parallel_loop3A_902 = tpu.vector_load_idx %parallel_loop3A_901[%add3A_12, %and3A_4, %parallel_loop3A_875] : memref<4x8x129xf32, #tpu.memory_space<vmem>>[vector<16xi32>, vector<16xi32>, vector<16xi32>], vector<16xf32>,
        %parallel_loop3A_903 = arith.constant 2 : i32
        %parallel_loop3A_904 = arith.shrsi %parallel_loop3A_871, %parallel_loop3A_903 : i32
        %parallel_loop3A_905 = arith.constant 3 : i32
        %parallel_loop3A_906 = arith.andi %parallel_loop3A_871, %parallel_loop3A_905 : i32
        %parallel_loop3A_907 = arith.constant 32 : i32
        %parallel_loop3A_908 = arith.muli %parallel_loop3A_906, %parallel_loop3A_907 : i32
        %parallel_loop3A_909 = arith.constant 16 : i32
        %parallel_loop3A_910 = arith.addi %parallel_loop3A_908, %parallel_loop3A_909 : i32
        %parallel_loop3A_911 = arith.constant 3 : i32
        %parallel_loop3A_912 = arith.index_cast %parallel_loop3A_911 : i32 to index
        %parallel_loop3A_913 = arith.index_cast %parallel_loop3A_904 : i32 to index
        %parallel_loop3A_914 = arith.index_cast %parallel_loop3A_910 : i32 to index
        %parallel_loop3A_915 = tpu.vector_load %arg6[%parallel_loop3A_912, %parallel_loop3A_913, %parallel_loop3A_914] {strides = array<i32>} : memref<4x32x128xf32, #tpu.memory_space<vmem>>, vector<16xf32>,
        tpu.vector_store %arg6[%parallel_loop3A_912, %parallel_loop3A_913, %parallel_loop3A_914], %parallel_loop3A_902 {strides = array<i32>} : memref<4x32x128xf32, #tpu.memory_space<vmem>>, vector<16xf32>,
      } {sc.loop_unroll_factor = 8 : i64, sc.parallel_access}
      %mul3A_847 = arith.constant 32 : i32
      %mul3A_848 = arith.muli %mul3A_847, %add3A_760 : i32
      %dma_start3A_849 = arith.constant 3 : i32
      %dma_start3A_850 = arith.constant 0 : i32
      %dma_start3A_851 = arith.constant 0 : i32
      %dma_start3A_852 = tpu.memref_slice %arg6[%dma_start3A_849, %dma_start3A_850, %dma_start3A_851] : memref<4x32x128xf32, #tpu.memory_space<vmem>> -> memref<1x32x128xf32, #tpu.memory_space<vmem>>
      %dma_start3A_853 = tpu.memref_squeeze %dma_start3A_852 : memref<1x32x128xf32, #tpu.memory_space<vmem>> -> memref<32x128xf32, #tpu.memory_space<vmem>>
      %dma_start3A_854 = arith.constant 0 : i32
      %dma_start3A_855 = tpu.memref_slice %arg4[%mul3A_848, %dma_start3A_854] : memref<250000x128xf32, #tpu.memory_space<hbm>> -> memref<32x128xf32, #tpu.memory_space<hbm>>
      %dma_start3A_856 = arith.constant 0 : i32
      %dma_start3A_857 = tpu.memref_slice %arg4[%mul3A_848, %dma_start3A_856] : memref<250000x128xf32, #tpu.memory_space<hbm>> -> memref<32x128xf32, #tpu.memory_space<hbm>>
      %dma_start3A_858 = arith.constant 0 : i32
      %dma_start3A_859 = arith.constant 0 : i32
      %dma_start3A_860 = tpu.memref_slice %arg6[%dma_start3A_849, %dma_start3A_858, %dma_start3A_859] : memref<4x32x128xf32, #tpu.memory_space<vmem>> -> memref<1x32x128xf32, #tpu.memory_space<vmem>>
      %dma_start3A_861 = tpu.memref_squeeze %dma_start3A_860 : memref<1x32x128xf32, #tpu.memory_space<vmem>> -> memref<32x128xf32, #tpu.memory_space<vmem>>
      tpu.enqueue_dma source(%dma_start3A_861 : memref<32x128xf32, #tpu.memory_space<vmem>>) target(%dma_start3A_857 : memref<32x128xf32, #tpu.memory_space<hbm>>) target_semaphore(%arg15 : memref<!tpu.dma_semaphore, #tpu.memory_space<semaphore_mem>>)
      %add3A_862 = arith.constant 3 : i32
      %add3A_863 = arith.addi %add3A_420, %add3A_862 : i32
      %add3A_864 = arith.constant 4 : i32
      %add3A_865 = arith.addi %add3A_863, %add3A_864 : i32
      %lt3A_866 = arith.constant 244 : i32
      %lt3A_867 = arith.cmpi slt, %add3A_865, %lt3A_866 : i32
      %convert_element_type3A_868 = arith.extui %lt3A_867 : i1 to i32
      %cond3A_869 = arith.constant 0 : i32
      %cond3A_870 = arith.cmpi ne, %convert_element_type3A_868, %cond3A_869 : i32
      scf.if %cond3A_870 {
        %add3A_871 = arith.constant 4 : i32
        %add3A_872 = arith.addi %add3A_760, %add3A_871 : i32
        %mul3A_873 = arith.constant 128 : i32
        %mul3A_874 = arith.muli %add3A_872, %mul3A_873 : i32
        %dma_start3A_875 = arith.constant 0 : i32
        %dma_start3A_876 = arith.constant 3 : i32
        %dma_start3A_877 = arith.constant 0 : i32
        %dma_start3A_878 = arith.constant 0 : i32
        %dma_start3A_879 = arith.constant 0 : i32
        %dma_start3A_880 = tpu.memref_slice %arg5[%dma_start3A_876, %dma_start3A_877, %dma_start3A_878, %dma_start3A_879] : memref<4x4x8x129xf32, #tpu.memory_space<vmem>> -> memref<1x1x8x128xf32, #tpu.memory_space<vmem>>
        %dma_start3A_881 = tpu.memref_squeeze %dma_start3A_880 : memref<1x1x8x128xf32, #tpu.memory_space<vmem>> -> memref<8x128xf32, #tpu.memory_space<vmem>>
        %dma_start3A_882 = arith.constant 0 : i32
        %dma_start3A_883 = tpu.memref_slice %arg2[%dma_start3A_875, %dma_start3A_882, %mul3A_874] : memref<4x8x1000000xf32, #tpu.memory_space<hbm>> -> memref<1x8x128xf32, #tpu.memory_space<hbm>>
        %dma_start3A_884 = tpu.memref_squeeze %dma_start3A_883 : memref<1x8x128xf32, #tpu.memory_space<hbm>> -> memref<8x128xf32, #tpu.memory_space<hbm>>
        %dma_start3A_885 = arith.constant 0 : i32
        %dma_start3A_886 = arith.constant 0 : i32
        %dma_start3A_887 = tpu.memref_slice %arg5[%dma_start3A_876, %dma_start3A_877, %dma_start3A_885, %dma_start3A_886] : memref<4x4x8x129xf32, #tpu.memory_space<vmem>> -> memref<1x1x8x128xf32, #tpu.memory_space<vmem>>
        %dma_start3A_888 = tpu.memref_squeeze %dma_start3A_887 : memref<1x1x8x128xf32, #tpu.memory_space<vmem>> -> memref<8x128xf32, #tpu.memory_space<vmem>>
        %dma_start3A_889 = arith.constant 0 : i32
        %dma_start3A_890 = tpu.memref_slice %arg2[%dma_start3A_875, %dma_start3A_889, %mul3A_874] : memref<4x8x1000000xf32, #tpu.memory_space<hbm>> -> memref<1x8x128xf32, #tpu.memory_space<hbm>>
        %dma_start3A_891 = tpu.memref_squeeze %dma_start3A_890 : memref<1x8x128xf32, #tpu.memory_space<hbm>> -> memref<8x128xf32, #tpu.memory_space<hbm>>
        tpu.enqueue_dma source(%dma_start3A_891 : memref<8x128xf32, #tpu.memory_space<hbm>>) target(%dma_start3A_888 : memref<8x128xf32, #tpu.memory_space<vmem>>) target_semaphore(%arg11 : memref<!tpu.dma_semaphore, #tpu.memory_space<semaphore_mem>>)
        %mul3A_892 = arith.constant 128 : i32
        %mul3A_893 = arith.muli %add3A_872, %mul3A_892 : i32
        %dma_start3A_894 = arith.constant 1 : i32
        %dma_start3A_895 = arith.constant 3 : i32
        %dma_start3A_896 = arith.constant 1 : i32
        %dma_start3A_897 = arith.constant 0 : i32
        %dma_start3A_898 = arith.constant 0 : i32
        %dma_start3A_899 = tpu.memref_slice %arg5[%dma_start3A_895, %dma_start3A_896, %dma_start3A_897, %dma_start3A_898] : memref<4x4x8x129xf32, #tpu.memory_space<vmem>> -> memref<1x1x8x128xf32, #tpu.memory_space<vmem>>
        %dma_start3A_900 = tpu.memref_squeeze %dma_start3A_899 : memref<1x1x8x128xf32, #tpu.memory_space<vmem>> -> memref<8x128xf32, #tpu.memory_space<vmem>>
        %dma_start3A_901 = arith.constant 0 : i32
        %dma_start3A_902 = tpu.memref_slice %arg2[%dma_start3A_894, %dma_start3A_901, %mul3A_893] : memref<4x8x1000000xf32, #tpu.memory_space<hbm>> -> memref<1x8x128xf32, #tpu.memory_space<hbm>>
        %dma_start3A_903 = tpu.memref_squeeze %dma_start3A_902 : memref<1x8x128xf32, #tpu.memory_space<hbm>> -> memref<8x128xf32, #tpu.memory_space<hbm>>
        %dma_start3A_904 = arith.constant 0 : i32
        %dma_start3A_905 = arith.constant 0 : i32
        %dma_start3A_906 = tpu.memref_slice %arg5[%dma_start3A_895, %dma_start3A_896, %dma_start3A_904, %dma_start3A_905] : memref<4x4x8x129xf32, #tpu.memory_space<vmem>> -> memref<1x1x8x128xf32, #tpu.memory_space<vmem>>
        %dma_start3A_907 = tpu.memref_squeeze %dma_start3A_906 : memref<1x1x8x128xf32, #tpu.memory_space<vmem>> -> memref<8x128xf32, #tpu.memory_space<vmem>>
        %dma_start3A_908 = arith.constant 0 : i32
        %dma_start3A_909 = tpu.memref_slice %arg2[%dma_start3A_894, %dma_start3A_908, %mul3A_893] : memref<4x8x1000000xf32, #tpu.memory_space<hbm>> -> memref<1x8x128xf32, #tpu.memory_space<hbm>>
        %dma_start3A_910 = tpu.memref_squeeze %dma_start3A_909 : memref<1x8x128xf32, #tpu.memory_space<hbm>> -> memref<8x128xf32, #tpu.memory_space<hbm>>
        tpu.enqueue_dma source(%dma_start3A_910 : memref<8x128xf32, #tpu.memory_space<hbm>>) target(%dma_start3A_907 : memref<8x128xf32, #tpu.memory_space<vmem>>) target_semaphore(%arg11 : memref<!tpu.dma_semaphore, #tpu.memory_space<semaphore_mem>>)
        %mul3A_911 = arith.constant 128 : i32
        %mul3A_912 = arith.muli %add3A_872, %mul3A_911 : i32
        %dma_start3A_913 = arith.constant 2 : i32
        %dma_start3A_914 = arith.constant 3 : i32
        %dma_start3A_915 = arith.constant 2 : i32
        %dma_start3A_916 = arith.constant 0 : i32
        %dma_start3A_917 = arith.constant 0 : i32
        %dma_start3A_918 = tpu.memref_slice %arg5[%dma_start3A_914, %dma_start3A_915, %dma_start3A_916, %dma_start3A_917] : memref<4x4x8x129xf32, #tpu.memory_space<vmem>> -> memref<1x1x8x128xf32, #tpu.memory_space<vmem>>
        %dma_start3A_919 = tpu.memref_squeeze %dma_start3A_918 : memref<1x1x8x128xf32, #tpu.memory_space<vmem>> -> memref<8x128xf32, #tpu.memory_space<vmem>>
        %dma_start3A_920 = arith.constant 0 : i32
        %dma_start3A_921 = tpu.memref_slice %arg2[%dma_start3A_913, %dma_start3A_920, %mul3A_912] : memref<4x8x1000000xf32, #tpu.memory_space<hbm>> -> memref<1x8x128xf32, #tpu.memory_space<hbm>>
        %dma_start3A_922 = tpu.memref_squeeze %dma_start3A_921 : memref<1x8x128xf32, #tpu.memory_space<hbm>> -> memref<8x128xf32, #tpu.memory_space<hbm>>
        %dma_start3A_923 = arith.constant 0 : i32
        %dma_start3A_924 = arith.constant 0 : i32
        %dma_start3A_925 = tpu.memref_slice %arg5[%dma_start3A_914, %dma_start3A_915, %dma_start3A_923, %dma_start3A_924] : memref<4x4x8x129xf32, #tpu.memory_space<vmem>> -> memref<1x1x8x128xf32, #tpu.memory_space<vmem>>
        %dma_start3A_926 = tpu.memref_squeeze %dma_start3A_925 : memref<1x1x8x128xf32, #tpu.memory_space<vmem>> -> memref<8x128xf32, #tpu.memory_space<vmem>>
        %dma_start3A_927 = arith.constant 0 : i32
        %dma_start3A_928 = tpu.memref_slice %arg2[%dma_start3A_913, %dma_start3A_927, %mul3A_912] : memref<4x8x1000000xf32, #tpu.memory_space<hbm>> -> memref<1x8x128xf32, #tpu.memory_space<hbm>>
        %dma_start3A_929 = tpu.memref_squeeze %dma_start3A_928 : memref<1x8x128xf32, #tpu.memory_space<hbm>> -> memref<8x128xf32, #tpu.memory_space<hbm>>
        tpu.enqueue_dma source(%dma_start3A_929 : memref<8x128xf32, #tpu.memory_space<hbm>>) target(%dma_start3A_926 : memref<8x128xf32, #tpu.memory_space<vmem>>) target_semaphore(%arg11 : memref<!tpu.dma_semaphore, #tpu.memory_space<semaphore_mem>>)
        %mul3A_930 = arith.constant 128 : i32
        %mul3A_931 = arith.muli %add3A_872, %mul3A_930 : i32
        %dma_start3A_932 = arith.constant 3 : i32
        %dma_start3A_933 = arith.constant 3 : i32
        %dma_start3A_934 = arith.constant 3 : i32
        %dma_start3A_935 = arith.constant 0 : i32
        %dma_start3A_936 = arith.constant 0 : i32
        %dma_start3A_937 = tpu.memref_slice %arg5[%dma_start3A_933, %dma_start3A_934, %dma_start3A_935, %dma_start3A_936] : memref<4x4x8x129xf32, #tpu.memory_space<vmem>> -> memref<1x1x8x128xf32, #tpu.memory_space<vmem>>
        %dma_start3A_938 = tpu.memref_squeeze %dma_start3A_937 : memref<1x1x8x128xf32, #tpu.memory_space<vmem>> -> memref<8x128xf32, #tpu.memory_space<vmem>>
        %dma_start3A_939 = arith.constant 0 : i32
        %dma_start3A_940 = tpu.memref_slice %arg2[%dma_start3A_932, %dma_start3A_939, %mul3A_931] : memref<4x8x1000000xf32, #tpu.memory_space<hbm>> -> memref<1x8x128xf32, #tpu.memory_space<hbm>>
        %dma_start3A_941 = tpu.memref_squeeze %dma_start3A_940 : memref<1x8x128xf32, #tpu.memory_space<hbm>> -> memref<8x128xf32, #tpu.memory_space<hbm>>
        %dma_start3A_942 = arith.constant 0 : i32
        %dma_start3A_943 = arith.constant 0 : i32
        %dma_start3A_944 = tpu.memref_slice %arg5[%dma_start3A_933, %dma_start3A_934, %dma_start3A_942, %dma_start3A_943] : memref<4x4x8x129xf32, #tpu.memory_space<vmem>> -> memref<1x1x8x128xf32, #tpu.memory_space<vmem>>
        %dma_start3A_945 = tpu.memref_squeeze %dma_start3A_944 : memref<1x1x8x128xf32, #tpu.memory_space<vmem>> -> memref<8x128xf32, #tpu.memory_space<vmem>>
        %dma_start3A_946 = arith.constant 0 : i32
        %dma_start3A_947 = tpu.memref_slice %arg2[%dma_start3A_932, %dma_start3A_946, %mul3A_931] : memref<4x8x1000000xf32, #tpu.memory_space<hbm>> -> memref<1x8x128xf32, #tpu.memory_space<hbm>>
        %dma_start3A_948 = tpu.memref_squeeze %dma_start3A_947 : memref<1x8x128xf32, #tpu.memory_space<hbm>> -> memref<8x128xf32, #tpu.memory_space<hbm>>
        tpu.enqueue_dma source(%dma_start3A_948 : memref<8x128xf32, #tpu.memory_space<hbm>>) target(%dma_start3A_945 : memref<8x128xf32, #tpu.memory_space<vmem>>) target_semaphore(%arg11 : memref<!tpu.dma_semaphore, #tpu.memory_space<semaphore_mem>>)
      } else {
      }
    }
    %scan3A_327 = arith.constant 61 : i32
    %add3A_328 = arith.constant 244 : i32
    %add3A_329 = arith.addi %mul3A_2, %add3A_328 : i32
    %sub3A = arith.constant 4 : i32
    %sub3A_330 = arith.subi %add3A_329, %sub3A : i32
    %add3A_331 = arith.constant 0 : i32
    %add3A_332 = arith.addi %sub3A_330, %add3A_331 : i32
    %mul3A_333 = arith.constant 32 : i32
    %mul3A_334 = arith.muli %mul3A_333, %add3A_332 : i32
    %dma_wait3A = arith.constant 0 : i32
    %dma_wait3A_335 = arith.constant 0 : i32
    %dma_wait3A_336 = arith.constant 0 : i32
    %dma_wait3A_337 = tpu.memref_slice %arg6[%dma_wait3A, %dma_wait3A_335, %dma_wait3A_336] : memref<4x32x128xf32, #tpu.memory_space<vmem>> -> memref<1x32x128xf32, #tpu.memory_space<vmem>>
    %dma_wait3A_338 = tpu.memref_squeeze %dma_wait3A_337 : memref<1x32x128xf32, #tpu.memory_space<vmem>> -> memref<32x128xf32, #tpu.memory_space<vmem>>
    %dma_wait3A_339 = arith.constant 0 : i32
    %dma_wait3A_340 = tpu.memref_slice %arg4[%mul3A_334, %dma_wait3A_339] : memref<250000x128xf32, #tpu.memory_space<hbm>> -> memref<32x128xf32, #tpu.memory_space<hbm>>
    %dma_wait3A_341 = arith.constant 0 : i32
    %dma_wait3A_342 = tpu.memref_slice %arg4[%mul3A_334, %dma_wait3A_341] : memref<250000x128xf32, #tpu.memory_space<hbm>> -> memref<32x128xf32, #tpu.memory_space<hbm>>
    %dma_wait3A_343 = arith.constant 0 : i32
    %dma_wait3A_344 = arith.constant 0 : i32
    %dma_wait3A_345 = tpu.memref_slice %arg6[%dma_wait3A, %dma_wait3A_343, %dma_wait3A_344] : memref<4x32x128xf32, #tpu.memory_space<vmem>> -> memref<1x32x128xf32, #tpu.memory_space<vmem>>
    %dma_wait3A_346 = tpu.memref_squeeze %dma_wait3A_345 : memref<1x32x128xf32, #tpu.memory_space<vmem>> -> memref<32x128xf32, #tpu.memory_space<vmem>>
    tpu.wait_dma2 semaphore(%arg12 : memref<!tpu.dma_semaphore, #tpu.memory_space<semaphore_mem>>) src(%dma_wait3A_346 : memref<32x128xf32, #tpu.memory_space<vmem>>) dst(%dma_wait3A_342 : memref<32x128xf32, #tpu.memory_space<hbm>>)
    %add3A_347 = arith.constant 244 : i32
    %add3A_348 = arith.addi %mul3A_2, %add3A_347 : i32
    %sub3A_349 = arith.constant 4 : i32
    %sub3A_350 = arith.subi %add3A_348, %sub3A_349 : i32
    %add3A_351 = arith.constant 1 : i32
    %add3A_352 = arith.addi %sub3A_350, %add3A_351 : i32
    %mul3A_353 = arith.constant 32 : i32
    %mul3A_354 = arith.muli %mul3A_353, %add3A_352 : i32
    %dma_wait3A_355 = arith.constant 1 : i32
    %dma_wait3A_356 = arith.constant 0 : i32
    %dma_wait3A_357 = arith.constant 0 : i32
    %dma_wait3A_358 = tpu.memref_slice %arg6[%dma_wait3A_355, %dma_wait3A_356, %dma_wait3A_357] : memref<4x32x128xf32, #tpu.memory_space<vmem>> -> memref<1x32x128xf32, #tpu.memory_space<vmem>>
    %dma_wait3A_359 = tpu.memref_squeeze %dma_wait3A_358 : memref<1x32x128xf32, #tpu.memory_space<vmem>> -> memref<32x128xf32, #tpu.memory_space<vmem>>
    %dma_wait3A_360 = arith.constant 0 : i32
    %dma_wait3A_361 = tpu.memref_slice %arg4[%mul3A_354, %dma_wait3A_360] : memref<250000x128xf32, #tpu.memory_space<hbm>> -> memref<32x128xf32, #tpu.memory_space<hbm>>
    %dma_wait3A_362 = arith.constant 0 : i32
    %dma_wait3A_363 = tpu.memref_slice %arg4[%mul3A_354, %dma_wait3A_362] : memref<250000x128xf32, #tpu.memory_space<hbm>> -> memref<32x128xf32, #tpu.memory_space<hbm>>
    %dma_wait3A_364 = arith.constant 0 : i32
    %dma_wait3A_365 = arith.constant 0 : i32
    %dma_wait3A_366 = tpu.memref_slice %arg6[%dma_wait3A_355, %dma_wait3A_364, %dma_wait3A_365] : memref<4x32x128xf32, #tpu.memory_space<vmem>> -> memref<1x32x128xf32, #tpu.memory_space<vmem>>
    %dma_wait3A_367 = tpu.memref_squeeze %dma_wait3A_366 : memref<1x32x128xf32, #tpu.memory_space<vmem>> -> memref<32x128xf32, #tpu.memory_space<vmem>>
    tpu.wait_dma2 semaphore(%arg13 : memref<!tpu.dma_semaphore, #tpu.memory_space<semaphore_mem>>) src(%dma_wait3A_367 : memref<32x128xf32, #tpu.memory_space<vmem>>) dst(%dma_wait3A_363 : memref<32x128xf32, #tpu.memory_space<hbm>>)
    %add3A_368 = arith.constant 244 : i32
    %add3A_369 = arith.addi %mul3A_2, %add3A_368 : i32
    %sub3A_370 = arith.constant 4 : i32
    %sub3A_371 = arith.subi %add3A_369, %sub3A_370 : i32
    %add3A_372 = arith.constant 2 : i32
    %add3A_373 = arith.addi %sub3A_371, %add3A_372 : i32
    %mul3A_374 = arith.constant 32 : i32
    %mul3A_375 = arith.muli %mul3A_374, %add3A_373 : i32
    %dma_wait3A_376 = arith.constant 2 : i32
    %dma_wait3A_377 = arith.constant 0 : i32
    %dma_wait3A_378 = arith.constant 0 : i32
    %dma_wait3A_379 = tpu.memref_slice %arg6[%dma_wait3A_376, %dma_wait3A_377, %dma_wait3A_378] : memref<4x32x128xf32, #tpu.memory_space<vmem>> -> memref<1x32x128xf32, #tpu.memory_space<vmem>>
    %dma_wait3A_380 = tpu.memref_squeeze %dma_wait3A_379 : memref<1x32x128xf32, #tpu.memory_space<vmem>> -> memref<32x128xf32, #tpu.memory_space<vmem>>
    %dma_wait3A_381 = arith.constant 0 : i32
    %dma_wait3A_382 = tpu.memref_slice %arg4[%mul3A_375, %dma_wait3A_381] : memref<250000x128xf32, #tpu.memory_space<hbm>> -> memref<32x128xf32, #tpu.memory_space<hbm>>
    %dma_wait3A_383 = arith.constant 0 : i32
    %dma_wait3A_384 = tpu.memref_slice %arg4[%mul3A_375, %dma_wait3A_383] : memref<250000x128xf32, #tpu.memory_space<hbm>> -> memref<32x128xf32, #tpu.memory_space<hbm>>
    %dma_wait3A_385 = arith.constant 0 : i32
    %dma_wait3A_386 = arith.constant 0 : i32
    %dma_wait3A_387 = tpu.memref_slice %arg6[%dma_wait3A_376, %dma_wait3A_385, %dma_wait3A_386] : memref<4x32x128xf32, #tpu.memory_space<vmem>> -> memref<1x32x128xf32, #tpu.memory_space<vmem>>
    %dma_wait3A_388 = tpu.memref_squeeze %dma_wait3A_387 : memref<1x32x128xf32, #tpu.memory_space<vmem>> -> memref<32x128xf32, #tpu.memory_space<vmem>>
    tpu.wait_dma2 semaphore(%arg14 : memref<!tpu.dma_semaphore, #tpu.memory_space<semaphore_mem>>) src(%dma_wait3A_388 : memref<32x128xf32, #tpu.memory_space<vmem>>) dst(%dma_wait3A_384 : memref<32x128xf32, #tpu.memory_space<hbm>>)
    %add3A_389 = arith.constant 244 : i32
    %add3A_390 = arith.addi %mul3A_2, %add3A_389 : i32
    %sub3A_391 = arith.constant 4 : i32
    %sub3A_392 = arith.subi %add3A_390, %sub3A_391 : i32
    %add3A_393 = arith.constant 3 : i32
    %add3A_394 = arith.addi %sub3A_392, %add3A_393 : i32
    %mul3A_395 = arith.constant 32 : i32
    %mul3A_396 = arith.muli %mul3A_395, %add3A_394 : i32
    %dma_wait3A_397 = arith.constant 3 : i32
    %dma_wait3A_398 = arith.constant 0 : i32
    %dma_wait3A_399 = arith.constant 0 : i32
    %dma_wait3A_400 = tpu.memref_slice %arg6[%dma_wait3A_397, %dma_wait3A_398, %dma_wait3A_399] : memref<4x32x128xf32, #tpu.memory_space<vmem>> -> memref<1x32x128xf32, #tpu.memory_space<vmem>>
    %dma_wait3A_401 = tpu.memref_squeeze %dma_wait3A_400 : memref<1x32x128xf32, #tpu.memory_space<vmem>> -> memref<32x128xf32, #tpu.memory_space<vmem>>
    %dma_wait3A_402 = arith.constant 0 : i32
    %dma_wait3A_403 = tpu.memref_slice %arg4[%mul3A_396, %dma_wait3A_402] : memref<250000x128xf32, #tpu.memory_space<hbm>> -> memref<32x128xf32, #tpu.memory_space<hbm>>
    %dma_wait3A_404 = arith.constant 0 : i32
    %dma_wait3A_405 = tpu.memref_slice %arg4[%mul3A_396, %dma_wait3A_404] : memref<250000x128xf32, #tpu.memory_space<hbm>> -> memref<32x128xf32, #tpu.memory_space<hbm>>
    %dma_wait3A_406 = arith.constant 0 : i32
    %dma_wait3A_407 = arith.constant 0 : i32
    %dma_wait3A_408 = tpu.memref_slice %arg6[%dma_wait3A_397, %dma_wait3A_406, %dma_wait3A_407] : memref<4x32x128xf32, #tpu.memory_space<vmem>> -> memref<1x32x128xf32, #tpu.memory_space<vmem>>
    %dma_wait3A_409 = tpu.memref_squeeze %dma_wait3A_408 : memref<1x32x128xf32, #tpu.memory_space<vmem>> -> memref<32x128xf32, #tpu.memory_space<vmem>>
    tpu.wait_dma2 semaphore(%arg15 : memref<!tpu.dma_semaphore, #tpu.memory_space<semaphore_mem>>) src(%dma_wait3A_409 : memref<32x128xf32, #tpu.memory_space<vmem>>) dst(%dma_wait3A_405 : memref<32x128xf32, #tpu.memory_space<hbm>>)
    %lt3A = arith.constant 4 : i32
    %lt3A_410 = arith.cmpi slt, %add3A, %lt3A : i32
    %convert_element_type3A = arith.extui %lt3A_410 : i1 to i32
    %cond3A = arith.constant 0 : i32
    %cond3A_411 = arith.cmpi ne, %convert_element_type3A, %cond3A : i32
    scf.if %cond3A_411 {
      %add3A_416 = arith.constant 7808 : i32
      %add3A_417 = arith.addi %add3A_416, %add3A : i32
      %mul3A_418 = arith.constant 128 : i32
      %mul3A_419 = arith.muli %add3A_417, %mul3A_418 : i32
      %dma_start3A_420 = arith.constant 0 : i32
      %dma_start3A_421 = arith.constant 0 : i32
      %dma_start3A_422 = arith.constant 0 : i32
      %dma_start3A_423 = arith.constant 0 : i32
      %dma_start3A_424 = arith.constant 0 : i32
      %dma_start3A_425 = tpu.memref_slice %arg5[%dma_start3A_421, %dma_start3A_422, %dma_start3A_423, %dma_start3A_424] : memref<4x4x8x129xf32, #tpu.memory_space<vmem>> -> memref<1x1x8x128xf32, #tpu.memory_space<vmem>>
      %dma_start3A_426 = tpu.memref_squeeze %dma_start3A_425 : memref<1x1x8x128xf32, #tpu.memory_space<vmem>> -> memref<8x128xf32, #tpu.memory_space<vmem>>
      %dma_start3A_427 = arith.constant 0 : i32
      %dma_start3A_428 = tpu.memref_slice %arg2[%dma_start3A_420, %dma_start3A_427, %mul3A_419] : memref<4x8x1000000xf32, #tpu.memory_space<hbm>> -> memref<1x8x128xf32, #tpu.memory_space<hbm>>
      %dma_start3A_429 = tpu.memref_squeeze %dma_start3A_428 : memref<1x8x128xf32, #tpu.memory_space<hbm>> -> memref<8x128xf32, #tpu.memory_space<hbm>>
      %dma_start3A_430 = arith.constant 0 : i32
      %dma_start3A_431 = arith.constant 0 : i32
      %dma_start3A_432 = tpu.memref_slice %arg5[%dma_start3A_421, %dma_start3A_422, %dma_start3A_430, %dma_start3A_431] : memref<4x4x8x129xf32, #tpu.memory_space<vmem>> -> memref<1x1x8x128xf32, #tpu.memory_space<vmem>>
      %dma_start3A_433 = tpu.memref_squeeze %dma_start3A_432 : memref<1x1x8x128xf32, #tpu.memory_space<vmem>> -> memref<8x128xf32, #tpu.memory_space<vmem>>
      %dma_start3A_434 = arith.constant 0 : i32
      %dma_start3A_435 = tpu.memref_slice %arg2[%dma_start3A_420, %dma_start3A_434, %mul3A_419] : memref<4x8x1000000xf32, #tpu.memory_space<hbm>> -> memref<1x8x128xf32, #tpu.memory_space<hbm>>
      %dma_start3A_436 = tpu.memref_squeeze %dma_start3A_435 : memref<1x8x128xf32, #tpu.memory_space<hbm>> -> memref<8x128xf32, #tpu.memory_space<hbm>>
      tpu.enqueue_dma source(%dma_start3A_436 : memref<8x128xf32, #tpu.memory_space<hbm>>) target(%dma_start3A_433 : memref<8x128xf32, #tpu.memory_space<vmem>>) target_semaphore(%arg8 : memref<!tpu.dma_semaphore, #tpu.memory_space<semaphore_mem>>)
      %mul3A_437 = arith.constant 128 : i32
      %mul3A_438 = arith.muli %add3A_417, %mul3A_437 : i32
      %dma_start3A_439 = arith.constant 1 : i32
      %dma_start3A_440 = arith.constant 0 : i32
      %dma_start3A_441 = arith.constant 1 : i32
      %dma_start3A_442 = arith.constant 0 : i32
      %dma_start3A_443 = arith.constant 0 : i32
      %dma_start3A_444 = tpu.memref_slice %arg5[%dma_start3A_440, %dma_start3A_441, %dma_start3A_442, %dma_start3A_443] : memref<4x4x8x129xf32, #tpu.memory_space<vmem>> -> memref<1x1x8x128xf32, #tpu.memory_space<vmem>>
      %dma_start3A_445 = tpu.memref_squeeze %dma_start3A_444 : memref<1x1x8x128xf32, #tpu.memory_space<vmem>> -> memref<8x128xf32, #tpu.memory_space<vmem>>
      %dma_start3A_446 = arith.constant 0 : i32
      %dma_start3A_447 = tpu.memref_slice %arg2[%dma_start3A_439, %dma_start3A_446, %mul3A_438] : memref<4x8x1000000xf32, #tpu.memory_space<hbm>> -> memref<1x8x128xf32, #tpu.memory_space<hbm>>
      %dma_start3A_448 = tpu.memref_squeeze %dma_start3A_447 : memref<1x8x128xf32, #tpu.memory_space<hbm>> -> memref<8x128xf32, #tpu.memory_space<hbm>>
      %dma_start3A_449 = arith.constant 0 : i32
      %dma_start3A_450 = arith.constant 0 : i32
      %dma_start3A_451 = tpu.memref_slice %arg5[%dma_start3A_440, %dma_start3A_441, %dma_start3A_449, %dma_start3A_450] : memref<4x4x8x129xf32, #tpu.memory_space<vmem>> -> memref<1x1x8x128xf32, #tpu.memory_space<vmem>>
      %dma_start3A_452 = tpu.memref_squeeze %dma_start3A_451 : memref<1x1x8x128xf32, #tpu.memory_space<vmem>> -> memref<8x128xf32, #tpu.memory_space<vmem>>
      %dma_start3A_453 = arith.constant 0 : i32
      %dma_start3A_454 = tpu.memref_slice %arg2[%dma_start3A_439, %dma_start3A_453, %mul3A_438] : memref<4x8x1000000xf32, #tpu.memory_space<hbm>> -> memref<1x8x128xf32, #tpu.memory_space<hbm>>
      %dma_start3A_455 = tpu.memref_squeeze %dma_start3A_454 : memref<1x8x128xf32, #tpu.memory_space<hbm>> -> memref<8x128xf32, #tpu.memory_space<hbm>>
      tpu.enqueue_dma source(%dma_start3A_455 : memref<8x128xf32, #tpu.memory_space<hbm>>) target(%dma_start3A_452 : memref<8x128xf32, #tpu.memory_space<vmem>>) target_semaphore(%arg8 : memref<!tpu.dma_semaphore, #tpu.memory_space<semaphore_mem>>)
      %mul3A_456 = arith.constant 128 : i32
      %mul3A_457 = arith.muli %add3A_417, %mul3A_456 : i32
      %dma_start3A_458 = arith.constant 2 : i32
      %dma_start3A_459 = arith.constant 0 : i32
      %dma_start3A_460 = arith.constant 2 : i32
      %dma_start3A_461 = arith.constant 0 : i32
      %dma_start3A_462 = arith.constant 0 : i32
      %dma_start3A_463 = tpu.memref_slice %arg5[%dma_start3A_459, %dma_start3A_460, %dma_start3A_461, %dma_start3A_462] : memref<4x4x8x129xf32, #tpu.memory_space<vmem>> -> memref<1x1x8x128xf32, #tpu.memory_space<vmem>>
      %dma_start3A_464 = tpu.memref_squeeze %dma_start3A_463 : memref<1x1x8x128xf32, #tpu.memory_space<vmem>> -> memref<8x128xf32, #tpu.memory_space<vmem>>
      %dma_start3A_465 = arith.constant 0 : i32
      %dma_start3A_466 = tpu.memref_slice %arg2[%dma_start3A_458, %dma_start3A_465, %mul3A_457] : memref<4x8x1000000xf32, #tpu.memory_space<hbm>> -> memref<1x8x128xf32, #tpu.memory_space<hbm>>
      %dma_start3A_467 = tpu.memref_squeeze %dma_start3A_466 : memref<1x8x128xf32, #tpu.memory_space<hbm>> -> memref<8x128xf32, #tpu.memory_space<hbm>>
      %dma_start3A_468 = arith.constant 0 : i32
      %dma_start3A_469 = arith.constant 0 : i32
      %dma_start3A_470 = tpu.memref_slice %arg5[%dma_start3A_459, %dma_start3A_460, %dma_start3A_468, %dma_start3A_469] : memref<4x4x8x129xf32, #tpu.memory_space<vmem>> -> memref<1x1x8x128xf32, #tpu.memory_space<vmem>>
      %dma_start3A_471 = tpu.memref_squeeze %dma_start3A_470 : memref<1x1x8x128xf32, #tpu.memory_space<vmem>> -> memref<8x128xf32, #tpu.memory_space<vmem>>
      %dma_start3A_472 = arith.constant 0 : i32
      %dma_start3A_473 = tpu.memref_slice %arg2[%dma_start3A_458, %dma_start3A_472, %mul3A_457] : memref<4x8x1000000xf32, #tpu.memory_space<hbm>> -> memref<1x8x128xf32, #tpu.memory_space<hbm>>
      %dma_start3A_474 = tpu.memref_squeeze %dma_start3A_473 : memref<1x8x128xf32, #tpu.memory_space<hbm>> -> memref<8x128xf32, #tpu.memory_space<hbm>>
      tpu.enqueue_dma source(%dma_start3A_474 : memref<8x128xf32, #tpu.memory_space<hbm>>) target(%dma_start3A_471 : memref<8x128xf32, #tpu.memory_space<vmem>>) target_semaphore(%arg8 : memref<!tpu.dma_semaphore, #tpu.memory_space<semaphore_mem>>)
      %mul3A_475 = arith.constant 128 : i32
      %mul3A_476 = arith.muli %add3A_417, %mul3A_475 : i32
      %dma_start3A_477 = arith.constant 3 : i32
      %dma_start3A_478 = arith.constant 0 : i32
      %dma_start3A_479 = arith.constant 3 : i32
      %dma_start3A_480 = arith.constant 0 : i32
      %dma_start3A_481 = arith.constant 0 : i32
      %dma_start3A_482 = tpu.memref_slice %arg5[%dma_start3A_478, %dma_start3A_479, %dma_start3A_480, %dma_start3A_481] : memref<4x4x8x129xf32, #tpu.memory_space<vmem>> -> memref<1x1x8x128xf32, #tpu.memory_space<vmem>>
      %dma_start3A_483 = tpu.memref_squeeze %dma_start3A_482 : memref<1x1x8x128xf32, #tpu.memory_space<vmem>> -> memref<8x128xf32, #tpu.memory_space<vmem>>
      %dma_start3A_484 = arith.constant 0 : i32
      %dma_start3A_485 = tpu.memref_slice %arg2[%dma_start3A_477, %dma_start3A_484, %mul3A_476] : memref<4x8x1000000xf32, #tpu.memory_space<hbm>> -> memref<1x8x128xf32, #tpu.memory_space<hbm>>
      %dma_start3A_486 = tpu.memref_squeeze %dma_start3A_485 : memref<1x8x128xf32, #tpu.memory_space<hbm>> -> memref<8x128xf32, #tpu.memory_space<hbm>>
      %dma_start3A_487 = arith.constant 0 : i32
      %dma_start3A_488 = arith.constant 0 : i32
      %dma_start3A_489 = tpu.memref_slice %arg5[%dma_start3A_478, %dma_start3A_479, %dma_start3A_487, %dma_start3A_488] : memref<4x4x8x129xf32, #tpu.memory_space<vmem>> -> memref<1x1x8x128xf32, #tpu.memory_space<vmem>>
      %dma_start3A_490 = tpu.memref_squeeze %dma_start3A_489 : memref<1x1x8x128xf32, #tpu.memory_space<vmem>> -> memref<8x128xf32, #tpu.memory_space<vmem>>
      %dma_start3A_491 = arith.constant 0 : i32
      %dma_start3A_492 = tpu.memref_slice %arg2[%dma_start3A_477, %dma_start3A_491, %mul3A_476] : memref<4x8x1000000xf32, #tpu.memory_space<hbm>> -> memref<1x8x128xf32, #tpu.memory_space<hbm>>
      %dma_start3A_493 = tpu.memref_squeeze %dma_start3A_492 : memref<1x8x128xf32, #tpu.memory_space<hbm>> -> memref<8x128xf32, #tpu.memory_space<hbm>>
      tpu.enqueue_dma source(%dma_start3A_493 : memref<8x128xf32, #tpu.memory_space<hbm>>) target(%dma_start3A_490 : memref<8x128xf32, #tpu.memory_space<vmem>>) target_semaphore(%arg8 : memref<!tpu.dma_semaphore, #tpu.memory_space<semaphore_mem>>)
      %mul3A_494 = arith.constant 128 : i32
      %mul3A_495 = arith.muli %add3A_417, %mul3A_494 : i32
      %dma_wait3A_496 = arith.constant 0 : i32
      %dma_wait3A_497 = arith.constant 0 : i32
      %dma_wait3A_498 = arith.constant 0 : i32
      %dma_wait3A_499 = arith.constant 0 : i32
      %dma_wait3A_500 = arith.constant 0 : i32
      %dma_wait3A_501 = tpu.memref_slice %arg5[%dma_wait3A_497, %dma_wait3A_498, %dma_wait3A_499, %dma_wait3A_500] : memref<4x4x8x129xf32, #tpu.memory_space<vmem>> -> memref<1x1x8x128xf32, #tpu.memory_space<vmem>>
      %dma_wait3A_502 = tpu.memref_squeeze %dma_wait3A_501 : memref<1x1x8x128xf32, #tpu.memory_space<vmem>> -> memref<8x128xf32, #tpu.memory_space<vmem>>
      %dma_wait3A_503 = arith.constant 0 : i32
      %dma_wait3A_504 = tpu.memref_slice %arg2[%dma_wait3A_496, %dma_wait3A_503, %mul3A_495] : memref<4x8x1000000xf32, #tpu.memory_space<hbm>> -> memref<1x8x128xf32, #tpu.memory_space<hbm>>
      %dma_wait3A_505 = tpu.memref_squeeze %dma_wait3A_504 : memref<1x8x128xf32, #tpu.memory_space<hbm>> -> memref<8x128xf32, #tpu.memory_space<hbm>>
      %dma_wait3A_506 = arith.constant 0 : i32
      %dma_wait3A_507 = arith.constant 0 : i32
      %dma_wait3A_508 = tpu.memref_slice %arg5[%dma_wait3A_497, %dma_wait3A_498, %dma_wait3A_506, %dma_wait3A_507] : memref<4x4x8x129xf32, #tpu.memory_space<vmem>> -> memref<1x1x8x128xf32, #tpu.memory_space<vmem>>
      %dma_wait3A_509 = tpu.memref_squeeze %dma_wait3A_508 : memref<1x1x8x128xf32, #tpu.memory_space<vmem>> -> memref<8x128xf32, #tpu.memory_space<vmem>>
      %dma_wait3A_510 = arith.constant 0 : i32
      %dma_wait3A_511 = tpu.memref_slice %arg2[%dma_wait3A_496, %dma_wait3A_510, %mul3A_495] : memref<4x8x1000000xf32, #tpu.memory_space<hbm>> -> memref<1x8x128xf32, #tpu.memory_space<hbm>>
      %dma_wait3A_512 = tpu.memref_squeeze %dma_wait3A_511 : memref<1x8x128xf32, #tpu.memory_space<hbm>> -> memref<8x128xf32, #tpu.memory_space<hbm>>
      tpu.wait_dma2 semaphore(%arg8 : memref<!tpu.dma_semaphore, #tpu.memory_space<semaphore_mem>>) src(%dma_wait3A_512 : memref<8x128xf32, #tpu.memory_space<hbm>>) dst(%dma_wait3A_509 : memref<8x128xf32, #tpu.memory_space<vmem>>)
      %mul3A_513 = arith.constant 128 : i32
      %mul3A_514 = arith.muli %add3A_417, %mul3A_513 : i32
      %dma_wait3A_515 = arith.constant 1 : i32
      %dma_wait3A_516 = arith.constant 0 : i32
      %dma_wait3A_517 = arith.constant 1 : i32
      %dma_wait3A_518 = arith.constant 0 : i32
      %dma_wait3A_519 = arith.constant 0 : i32
      %dma_wait3A_520 = tpu.memref_slice %arg5[%dma_wait3A_516, %dma_wait3A_517, %dma_wait3A_518, %dma_wait3A_519] : memref<4x4x8x129xf32, #tpu.memory_space<vmem>> -> memref<1x1x8x128xf32, #tpu.memory_space<vmem>>
      %dma_wait3A_521 = tpu.memref_squeeze %dma_wait3A_520 : memref<1x1x8x128xf32, #tpu.memory_space<vmem>> -> memref<8x128xf32, #tpu.memory_space<vmem>>
      %dma_wait3A_522 = arith.constant 0 : i32
      %dma_wait3A_523 = tpu.memref_slice %arg2[%dma_wait3A_515, %dma_wait3A_522, %mul3A_514] : memref<4x8x1000000xf32, #tpu.memory_space<hbm>> -> memref<1x8x128xf32, #tpu.memory_space<hbm>>
      %dma_wait3A_524 = tpu.memref_squeeze %dma_wait3A_523 : memref<1x8x128xf32, #tpu.memory_space<hbm>> -> memref<8x128xf32, #tpu.memory_space<hbm>>
      %dma_wait3A_525 = arith.constant 0 : i32
      %dma_wait3A_526 = arith.constant 0 : i32
      %dma_wait3A_527 = tpu.memref_slice %arg5[%dma_wait3A_516, %dma_wait3A_517, %dma_wait3A_525, %dma_wait3A_526] : memref<4x4x8x129xf32, #tpu.memory_space<vmem>> -> memref<1x1x8x128xf32, #tpu.memory_space<vmem>>
      %dma_wait3A_528 = tpu.memref_squeeze %dma_wait3A_527 : memref<1x1x8x128xf32, #tpu.memory_space<vmem>> -> memref<8x128xf32, #tpu.memory_space<vmem>>
      %dma_wait3A_529 = arith.constant 0 : i32
      %dma_wait3A_530 = tpu.memref_slice %arg2[%dma_wait3A_515, %dma_wait3A_529, %mul3A_514] : memref<4x8x1000000xf32, #tpu.memory_space<hbm>> -> memref<1x8x128xf32, #tpu.memory_space<hbm>>
      %dma_wait3A_531 = tpu.memref_squeeze %dma_wait3A_530 : memref<1x8x128xf32, #tpu.memory_space<hbm>> -> memref<8x128xf32, #tpu.memory_space<hbm>>
      tpu.wait_dma2 semaphore(%arg8 : memref<!tpu.dma_semaphore, #tpu.memory_space<semaphore_mem>>) src(%dma_wait3A_531 : memref<8x128xf32, #tpu.memory_space<hbm>>) dst(%dma_wait3A_528 : memref<8x128xf32, #tpu.memory_space<vmem>>)
      %mul3A_532 = arith.constant 128 : i32
      %mul3A_533 = arith.muli %add3A_417, %mul3A_532 : i32
      %dma_wait3A_534 = arith.constant 2 : i32
      %dma_wait3A_535 = arith.constant 0 : i32
      %dma_wait3A_536 = arith.constant 2 : i32
      %dma_wait3A_537 = arith.constant 0 : i32
      %dma_wait3A_538 = arith.constant 0 : i32
      %dma_wait3A_539 = tpu.memref_slice %arg5[%dma_wait3A_535, %dma_wait3A_536, %dma_wait3A_537, %dma_wait3A_538] : memref<4x4x8x129xf32, #tpu.memory_space<vmem>> -> memref<1x1x8x128xf32, #tpu.memory_space<vmem>>
      %dma_wait3A_540 = tpu.memref_squeeze %dma_wait3A_539 : memref<1x1x8x128xf32, #tpu.memory_space<vmem>> -> memref<8x128xf32, #tpu.memory_space<vmem>>
      %dma_wait3A_541 = arith.constant 0 : i32
      %dma_wait3A_542 = tpu.memref_slice %arg2[%dma_wait3A_534, %dma_wait3A_541, %mul3A_533] : memref<4x8x1000000xf32, #tpu.memory_space<hbm>> -> memref<1x8x128xf32, #tpu.memory_space<hbm>>
      %dma_wait3A_543 = tpu.memref_squeeze %dma_wait3A_542 : memref<1x8x128xf32, #tpu.memory_space<hbm>> -> memref<8x128xf32, #tpu.memory_space<hbm>>
      %dma_wait3A_544 = arith.constant 0 : i32
      %dma_wait3A_545 = arith.constant 0 : i32
      %dma_wait3A_546 = tpu.memref_slice %arg5[%dma_wait3A_535, %dma_wait3A_536, %dma_wait3A_544, %dma_wait3A_545] : memref<4x4x8x129xf32, #tpu.memory_space<vmem>> -> memref<1x1x8x128xf32, #tpu.memory_space<vmem>>
      %dma_wait3A_547 = tpu.memref_squeeze %dma_wait3A_546 : memref<1x1x8x128xf32, #tpu.memory_space<vmem>> -> memref<8x128xf32, #tpu.memory_space<vmem>>
      %dma_wait3A_548 = arith.constant 0 : i32
      %dma_wait3A_549 = tpu.memref_slice %arg2[%dma_wait3A_534, %dma_wait3A_548, %mul3A_533] : memref<4x8x1000000xf32, #tpu.memory_space<hbm>> -> memref<1x8x128xf32, #tpu.memory_space<hbm>>
      %dma_wait3A_550 = tpu.memref_squeeze %dma_wait3A_549 : memref<1x8x128xf32, #tpu.memory_space<hbm>> -> memref<8x128xf32, #tpu.memory_space<hbm>>
      tpu.wait_dma2 semaphore(%arg8 : memref<!tpu.dma_semaphore, #tpu.memory_space<semaphore_mem>>) src(%dma_wait3A_550 : memref<8x128xf32, #tpu.memory_space<hbm>>) dst(%dma_wait3A_547 : memref<8x128xf32, #tpu.memory_space<vmem>>)
      %mul3A_551 = arith.constant 128 : i32
      %mul3A_552 = arith.muli %add3A_417, %mul3A_551 : i32
      %dma_wait3A_553 = arith.constant 3 : i32
      %dma_wait3A_554 = arith.constant 0 : i32
      %dma_wait3A_555 = arith.constant 3 : i32
      %dma_wait3A_556 = arith.constant 0 : i32
      %dma_wait3A_557 = arith.constant 0 : i32
      %dma_wait3A_558 = tpu.memref_slice %arg5[%dma_wait3A_554, %dma_wait3A_555, %dma_wait3A_556, %dma_wait3A_557] : memref<4x4x8x129xf32, #tpu.memory_space<vmem>> -> memref<1x1x8x128xf32, #tpu.memory_space<vmem>>
      %dma_wait3A_559 = tpu.memref_squeeze %dma_wait3A_558 : memref<1x1x8x128xf32, #tpu.memory_space<vmem>> -> memref<8x128xf32, #tpu.memory_space<vmem>>
      %dma_wait3A_560 = arith.constant 0 : i32
      %dma_wait3A_561 = tpu.memref_slice %arg2[%dma_wait3A_553, %dma_wait3A_560, %mul3A_552] : memref<4x8x1000000xf32, #tpu.memory_space<hbm>> -> memref<1x8x128xf32, #tpu.memory_space<hbm>>
      %dma_wait3A_562 = tpu.memref_squeeze %dma_wait3A_561 : memref<1x8x128xf32, #tpu.memory_space<hbm>> -> memref<8x128xf32, #tpu.memory_space<hbm>>
      %dma_wait3A_563 = arith.constant 0 : i32
      %dma_wait3A_564 = arith.constant 0 : i32
      %dma_wait3A_565 = tpu.memref_slice %arg5[%dma_wait3A_554, %dma_wait3A_555, %dma_wait3A_563, %dma_wait3A_564] : memref<4x4x8x129xf32, #tpu.memory_space<vmem>> -> memref<1x1x8x128xf32, #tpu.memory_space<vmem>>
      %dma_wait3A_566 = tpu.memref_squeeze %dma_wait3A_565 : memref<1x1x8x128xf32, #tpu.memory_space<vmem>> -> memref<8x128xf32, #tpu.memory_space<vmem>>
      %dma_wait3A_567 = arith.constant 0 : i32
      %dma_wait3A_568 = tpu.memref_slice %arg2[%dma_wait3A_553, %dma_wait3A_567, %mul3A_552] : memref<4x8x1000000xf32, #tpu.memory_space<hbm>> -> memref<1x8x128xf32, #tpu.memory_space<hbm>>
      %dma_wait3A_569 = tpu.memref_squeeze %dma_wait3A_568 : memref<1x8x128xf32, #tpu.memory_space<hbm>> -> memref<8x128xf32, #tpu.memory_space<hbm>>
      tpu.wait_dma2 semaphore(%arg8 : memref<!tpu.dma_semaphore, #tpu.memory_space<semaphore_mem>>) src(%dma_wait3A_569 : memref<8x128xf32, #tpu.memory_space<hbm>>) dst(%dma_wait3A_566 : memref<8x128xf32, #tpu.memory_space<vmem>>)
      %parallel_loop3A = arith.constant 0 : i32
      %parallel_loop3A_570 = arith.constant 128 : i32
      %parallel_loop3A_571 = arith.constant 1 : i32
      scf.for %parallel_loop3A_602 = %parallel_loop3A to %parallel_loop3A_570 step %parallel_loop3A_571  : i32 {
        %parallel_loop3A_603 = arith.constant 0 : i32
        %parallel_loop3A_604 = vector.broadcast %parallel_loop3A_603 : i32 to vector<16xi32>
        %parallel_loop3A_605 = vector.broadcast %parallel_loop3A_602 : i32 to vector<16xi32>
        %parallel_loop3A_606 = arith.addi %parallel_loop3A_604, %parallel_loop3A_605 : vector<16xi32>
        %parallel_loop3A_607 = arith.constant 0 : i32
        %parallel_loop3A_608 = arith.constant 0 : i32
        %parallel_loop3A_609 = arith.constant 0 : i32
        %parallel_loop3A_610 = arith.constant 0 : i32
        %parallel_loop3A_611 = tpu.memref_slice %arg5[%parallel_loop3A_607, %parallel_loop3A_608, %parallel_loop3A_609, %parallel_loop3A_610] : memref<4x4x8x129xf32, #tpu.memory_space<vmem>> -> memref<1x4x8x129xf32, #tpu.memory_space<vmem>>
        %parallel_loop3A_612 = tpu.memref_squeeze %parallel_loop3A_611 : memref<1x4x8x129xf32, #tpu.memory_space<vmem>> -> memref<4x8x129xf32, #tpu.memory_space<vmem>>
        %parallel_loop3A_613 = tpu.vector_load_idx %parallel_loop3A_612[%shift_right_arithmetic3A_6, %and3A_4, %parallel_loop3A_606] : memref<4x8x129xf32, #tpu.memory_space<vmem>>[vector<16xi32>, vector<16xi32>, vector<16xi32>], vector<16xf32>,
        %parallel_loop3A_614 = arith.constant 2 : i32
        %parallel_loop3A_615 = arith.shrsi %parallel_loop3A_602, %parallel_loop3A_614 : i32
        %parallel_loop3A_616 = arith.constant 3 : i32
        %parallel_loop3A_617 = arith.andi %parallel_loop3A_602, %parallel_loop3A_616 : i32
        %parallel_loop3A_618 = arith.constant 32 : i32
        %parallel_loop3A_619 = arith.muli %parallel_loop3A_617, %parallel_loop3A_618 : i32
        %parallel_loop3A_620 = arith.constant 0 : i32
        %parallel_loop3A_621 = arith.addi %parallel_loop3A_619, %parallel_loop3A_620 : i32
        %parallel_loop3A_622 = arith.constant 0 : i32
        %parallel_loop3A_623 = arith.index_cast %parallel_loop3A_622 : i32 to index
        %parallel_loop3A_624 = arith.index_cast %parallel_loop3A_615 : i32 to index
        %parallel_loop3A_625 = arith.index_cast %parallel_loop3A_621 : i32 to index
        %parallel_loop3A_626 = tpu.vector_load %arg6[%parallel_loop3A_623, %parallel_loop3A_624, %parallel_loop3A_625] {strides = array<i32>} : memref<4x32x128xf32, #tpu.memory_space<vmem>>, vector<16xf32>,
        tpu.vector_store %arg6[%parallel_loop3A_623, %parallel_loop3A_624, %parallel_loop3A_625], %parallel_loop3A_613 {strides = array<i32>} : memref<4x32x128xf32, #tpu.memory_space<vmem>>, vector<16xf32>,
        %parallel_loop3A_627 = arith.constant 0 : i32
        %parallel_loop3A_628 = arith.constant 0 : i32
        %parallel_loop3A_629 = arith.constant 0 : i32
        %parallel_loop3A_630 = arith.constant 0 : i32
        %parallel_loop3A_631 = tpu.memref_slice %arg5[%parallel_loop3A_627, %parallel_loop3A_628, %parallel_loop3A_629, %parallel_loop3A_630] : memref<4x4x8x129xf32, #tpu.memory_space<vmem>> -> memref<1x4x8x129xf32, #tpu.memory_space<vmem>>
        %parallel_loop3A_632 = tpu.memref_squeeze %parallel_loop3A_631 : memref<1x4x8x129xf32, #tpu.memory_space<vmem>> -> memref<4x8x129xf32, #tpu.memory_space<vmem>>
        %parallel_loop3A_633 = tpu.vector_load_idx %parallel_loop3A_632[%add3A_12, %and3A_4, %parallel_loop3A_606] : memref<4x8x129xf32, #tpu.memory_space<vmem>>[vector<16xi32>, vector<16xi32>, vector<16xi32>], vector<16xf32>,
        %parallel_loop3A_634 = arith.constant 2 : i32
        %parallel_loop3A_635 = arith.shrsi %parallel_loop3A_602, %parallel_loop3A_634 : i32
        %parallel_loop3A_636 = arith.constant 3 : i32
        %parallel_loop3A_637 = arith.andi %parallel_loop3A_602, %parallel_loop3A_636 : i32
        %parallel_loop3A_638 = arith.constant 32 : i32
        %parallel_loop3A_639 = arith.muli %parallel_loop3A_637, %parallel_loop3A_638 : i32
        %parallel_loop3A_640 = arith.constant 16 : i32
        %parallel_loop3A_641 = arith.addi %parallel_loop3A_639, %parallel_loop3A_640 : i32
        %parallel_loop3A_642 = arith.constant 0 : i32
        %parallel_loop3A_643 = arith.index_cast %parallel_loop3A_642 : i32 to index
        %parallel_loop3A_644 = arith.index_cast %parallel_loop3A_635 : i32 to index
        %parallel_loop3A_645 = arith.index_cast %parallel_loop3A_641 : i32 to index
        %parallel_loop3A_646 = tpu.vector_load %arg6[%parallel_loop3A_643, %parallel_loop3A_644, %parallel_loop3A_645] {strides = array<i32>} : memref<4x32x128xf32, #tpu.memory_space<vmem>>, vector<16xf32>,
        tpu.vector_store %arg6[%parallel_loop3A_643, %parallel_loop3A_644, %parallel_loop3A_645], %parallel_loop3A_633 {strides = array<i32>} : memref<4x32x128xf32, #tpu.memory_space<vmem>>, vector<16xf32>,
      } {sc.loop_unroll_factor = 8 : i64, sc.parallel_access}
      %mul3A_572 = arith.constant 32 : i32
      %mul3A_573 = arith.muli %mul3A_572, %add3A_417 : i32
      %dma_start3A_574 = arith.constant 0 : i32
      %dma_start3A_575 = arith.constant 0 : i32
      %dma_start3A_576 = arith.constant 0 : i32
      %dma_start3A_577 = tpu.memref_slice %arg6[%dma_start3A_574, %dma_start3A_575, %dma_start3A_576] : memref<4x32x128xf32, #tpu.memory_space<vmem>> -> memref<1x32x128xf32, #tpu.memory_space<vmem>>
      %dma_start3A_578 = tpu.memref_squeeze %dma_start3A_577 : memref<1x32x128xf32, #tpu.memory_space<vmem>> -> memref<32x128xf32, #tpu.memory_space<vmem>>
      %dma_start3A_579 = arith.constant 0 : i32
      %dma_start3A_580 = tpu.memref_slice %arg4[%mul3A_573, %dma_start3A_579] : memref<250000x128xf32, #tpu.memory_space<hbm>> -> memref<32x128xf32, #tpu.memory_space<hbm>>
      %dma_start3A_581 = arith.constant 0 : i32
      %dma_start3A_582 = tpu.memref_slice %arg4[%mul3A_573, %dma_start3A_581] : memref<250000x128xf32, #tpu.memory_space<hbm>> -> memref<32x128xf32, #tpu.memory_space<hbm>>
      %dma_start3A_583 = arith.constant 0 : i32
      %dma_start3A_584 = arith.constant 0 : i32
      %dma_start3A_585 = tpu.memref_slice %arg6[%dma_start3A_574, %dma_start3A_583, %dma_start3A_584] : memref<4x32x128xf32, #tpu.memory_space<vmem>> -> memref<1x32x128xf32, #tpu.memory_space<vmem>>
      %dma_start3A_586 = tpu.memref_squeeze %dma_start3A_585 : memref<1x32x128xf32, #tpu.memory_space<vmem>> -> memref<32x128xf32, #tpu.memory_space<vmem>>
      tpu.enqueue_dma source(%dma_start3A_586 : memref<32x128xf32, #tpu.memory_space<vmem>>) target(%dma_start3A_582 : memref<32x128xf32, #tpu.memory_space<hbm>>) target_semaphore(%arg12 : memref<!tpu.dma_semaphore, #tpu.memory_space<semaphore_mem>>)
      %mul3A_587 = arith.constant 32 : i32
      %mul3A_588 = arith.muli %mul3A_587, %add3A_417 : i32
      %dma_wait3A_589 = arith.constant 0 : i32
      %dma_wait3A_590 = arith.constant 0 : i32
      %dma_wait3A_591 = arith.constant 0 : i32
      %dma_wait3A_592 = tpu.memref_slice %arg6[%dma_wait3A_589, %dma_wait3A_590, %dma_wait3A_591] : memref<4x32x128xf32, #tpu.memory_space<vmem>> -> memref<1x32x128xf32, #tpu.memory_space<vmem>>
      %dma_wait3A_593 = tpu.memref_squeeze %dma_wait3A_592 : memref<1x32x128xf32, #tpu.memory_space<vmem>> -> memref<32x128xf32, #tpu.memory_space<vmem>>
      %dma_wait3A_594 = arith.constant 0 : i32
      %dma_wait3A_595 = tpu.memref_slice %arg4[%mul3A_588, %dma_wait3A_594] : memref<250000x128xf32, #tpu.memory_space<hbm>> -> memref<32x128xf32, #tpu.memory_space<hbm>>
      %dma_wait3A_596 = arith.constant 0 : i32
      %dma_wait3A_597 = tpu.memref_slice %arg4[%mul3A_588, %dma_wait3A_596] : memref<250000x128xf32, #tpu.memory_space<hbm>> -> memref<32x128xf32, #tpu.memory_space<hbm>>
      %dma_wait3A_598 = arith.constant 0 : i32
      %dma_wait3A_599 = arith.constant 0 : i32
      %dma_wait3A_600 = tpu.memref_slice %arg6[%dma_wait3A_589, %dma_wait3A_598, %dma_wait3A_599] : memref<4x32x128xf32, #tpu.memory_space<vmem>> -> memref<1x32x128xf32, #tpu.memory_space<vmem>>
      %dma_wait3A_601 = tpu.memref_squeeze %dma_wait3A_600 : memref<1x32x128xf32, #tpu.memory_space<vmem>> -> memref<32x128xf32, #tpu.memory_space<vmem>>
      tpu.wait_dma2 semaphore(%arg12 : memref<!tpu.dma_semaphore, #tpu.memory_space<semaphore_mem>>) src(%dma_wait3A_601 : memref<32x128xf32, #tpu.memory_space<vmem>>) dst(%dma_wait3A_597 : memref<32x128xf32, #tpu.memory_space<hbm>>)
    } else {
    }
    %eq3A = arith.constant 4 : i32
    %eq3A_412 = arith.cmpi eq, %add3A, %eq3A : i32
    %convert_element_type3A_413 = arith.extui %eq3A_412 : i1 to i32
    %cond3A_414 = arith.constant 0 : i32
    %cond3A_415 = arith.cmpi ne, %convert_element_type3A_413, %cond3A_414 : i32
    scf.if %cond3A_415 {
      "tpu.region"() ({
        %run_scoped3A = tpu.sem_alloc : memref<!tpu.dma_semaphore, #tpu.memory_space<semaphore_mem>>
        tpu.enqueue_dma source(%arg3 : memref<16x128xf32, #tpu.memory_space<hbm>>) target(%arg7 : memref<16x128xf32, #tpu.memory_space<vmem>>) target_semaphore(%run_scoped3A : memref<!tpu.dma_semaphore, #tpu.memory_space<semaphore_mem>>)
        tpu.wait_dma2 semaphore(%run_scoped3A : memref<!tpu.dma_semaphore, #tpu.memory_space<semaphore_mem>>) src(%arg3 : memref<16x128xf32, #tpu.memory_space<hbm>>) dst(%arg7 : memref<16x128xf32, #tpu.memory_space<vmem>>)
        tpu.yield
      }) : () -> ()
      "tpu.region"() ({
        %run_scoped3A = tpu.sem_alloc : memref<!tpu.dma_semaphore, #tpu.memory_space<semaphore_mem>>
        %dma_start3A_416 = arith.constant 249984 : i32
        %dma_start3A_417 = arith.constant 0 : i32
        %dma_start3A_418 = tpu.memref_slice %arg4[%dma_start3A_416, %dma_start3A_417] : memref<250000x128xf32, #tpu.memory_space<hbm>> -> memref<16x128xf32, #tpu.memory_space<hbm>>
        %dma_start3A_419 = arith.constant 249984 : i32
        %dma_start3A_420 = arith.constant 0 : i32
        %dma_start3A_421 = tpu.memref_slice %arg4[%dma_start3A_419, %dma_start3A_420] : memref<250000x128xf32, #tpu.memory_space<hbm>> -> memref<16x128xf32, #tpu.memory_space<hbm>>
        tpu.enqueue_dma source(%arg7 : memref<16x128xf32, #tpu.memory_space<vmem>>) target(%dma_start3A_421 : memref<16x128xf32, #tpu.memory_space<hbm>>) target_semaphore(%run_scoped3A : memref<!tpu.dma_semaphore, #tpu.memory_space<semaphore_mem>>)
        %dma_wait3A_422 = arith.constant 249984 : i32
        %dma_wait3A_423 = arith.constant 0 : i32
        %dma_wait3A_424 = tpu.memref_slice %arg4[%dma_wait3A_422, %dma_wait3A_423] : memref<250000x128xf32, #tpu.memory_space<hbm>> -> memref<16x128xf32, #tpu.memory_space<hbm>>
        %dma_wait3A_425 = arith.constant 249984 : i32
        %dma_wait3A_426 = arith.constant 0 : i32
        %dma_wait3A_427 = tpu.memref_slice %arg4[%dma_wait3A_425, %dma_wait3A_426] : memref<250000x128xf32, #tpu.memory_space<hbm>> -> memref<16x128xf32, #tpu.memory_space<hbm>>
        tpu.wait_dma2 semaphore(%run_scoped3A : memref<!tpu.dma_semaphore, #tpu.memory_space<semaphore_mem>>) src(%arg7 : memref<16x128xf32, #tpu.memory_space<vmem>>) dst(%dma_wait3A_427 : memref<16x128xf32, #tpu.memory_space<hbm>>)
        tpu.yield
      }) : () -> ()
    } else {
    }
    return
  }
}

</mosaic_0001>

<sc_bundles>
// kernel: _run.4.cloned.1.call-start
scs
__scs_entry_jumppad:
0x0: {  	(pc) =	sbr.rel $0x88, $3  }
0x1: {  	(tag) =	ssettag $0x0;
	lr =	simm.s32 $0x1  }
0x2: {  	[smem:$0x3F9F] =	sst lr;
	_ =	strace $0xD0000000  }
0x3: {  	_ = 	snop  }
0x4: {  	_ = 	snop  }
0x5: {  	_ = 	snop  }
0x6: {  	_ = 	snop  }
0x7: {  	_ = 	snop  }
__scs_overlays_trampoline_lowered:
0x8: {  	[smem:$0x3FAE] =	sst s0  }
0x9: {  	[smem:$0x3FAF] =	sst s1  }
0xa: {  	[smem:$0x3FB0] =	sst s2  }
0xb: {  	[smem:$0x3FB1] =	sst s3  }
0xc: {  	[smem:$0x3FB2] =	sst s4  }
0xd: {  	[smem:$0x3FB3] =	sst s5  }
0xe: {  	[smem:$0x3FB4] =	sst s6  }
0xf: {  	[smem:$0x3FB5] =	sst s7  }
0x10: {  	[smem:$0x3FB6] =	sst s8  }
0x11: {  	[smem:$0x3FB7] =	sst s9;
	s0 =	simm.s32 @!p0 $0x0  }
0x12: {  	s1 =	sld [smem:$0x3F9D];
	s0 =	simm.s32 @p0 $0x1  }
0x13: {  	[smem:$0x3FB8] =	sst s0;
	s0 =	simm.s32 @!p1 $0x0  }
0x14: {  	s2 =	sld [smem:$0x3F9C];
	s0 =	simm.s32 @p1 $0x1  }
0x15: {  	[smem:$0x3FB9] =	sst s0;
	s0 =	simm.s32 @!p2 $0x0  }
0x16: {  	s3 =	sld [smem:$0x3FDB];
	s0 =	simm.s32 @p2 $0x1  }
0x17: {  	s4 =	simm.s32 $0x1BF5;
	[smem:$0x3FBB] =	sst s0  }
0x18: {  	s0 =	sld [smem:$0x3F9E];
	_ =	swait.ge [sflag:s4], $0x0  }
0x19: {  	s7 =	sld [smem:$0x3F9F]  }
0x1a: {  	s8 =	sadd.s32 $0xFFFFE003, lr  }
0x1b: {  	s9 =	sadd.s32 $0xFFFFFEF7, lr;
	s5 =	simm.s32 $0xFFFFFFFF;
	p2 =	slt.u32 s8, $0xFFFFF086  }
0x1c: {  	p1 =	slt.u32 s9, $0xF7A;
	s5 =	simm.s32 @!p2 $0x0  }
0x1d: {  	s5 =	simm.s32 @p1 $0x1;
	p0 =	seq.s32 s7, s2  }
0x1e: {  	s7 =	smul.u32 @!p0 $0xF7A, s2;
	p2 =	seq.s32 @!p0 s5, $0x0  }
0x1f: {  	s9 =	smul.u32 $0xF7A, s1;
	s8 =	simm.s32 @!p0 $0x1BF5;
	p2 =	por !p2, p0  }
0x20: {  	[sflag:s8] =	ssyncset.s32 @!p0 $0xFFFFF086;
	s6 =	sadd.s32 @!p0 s3, s7;
	s7 =	simm.s32 @!p0 $0x108  }
0x21: {  	s3 =	sadd.s32 s3, s9;
	s6 =	sadd.s32 @!p0 $0x88, s6;
	s7 =	simm.s32 @p2 $0x1082  }
0x22: {  	[simem:s7], [sflag:s8] =	dma.local @!p0 [hbm:s6], $0xF7A  }
0x23: {  	s9 =	sor.u32 $0xD0000000, s2;
	s6 =	simm.s32 $0x108;
	_ =	swait.ge @!p0 [sflag:s8], $0x0  }
0x24: {  	s3 =	sadd.s32 $0x88, s3;
	s6 =	simm.s32 @!p1 $0x1082;
	[sflag:s4] =	ssyncset.s32 $0xFFFFF086  }
0x25: {  	[simem:s6], [sflag:s4] =	dma.local [hbm:s3], $0xF7A  }
0x26: {  	[smem:$0x3F9F] =	sst s1;
	(tag) =	ssettag s2;
	_ =	strace s9  }
0x27: {  	s1 =	sld [smem:$0x3FAF]  }
0x28: {  	s2 =	sld [smem:$0x3FB0]  }
0x29: {  	s4 =	sld [smem:$0x3FB2]  }
0x2a: {  	p0 =	seq.s32 s5, $0x0;
	s5 =	sld [smem:$0x3FB3]  }
0x2b: {  	s6 =	sld [smem:$0x3FB4]  }
0x2c: {  	s7 =	sld [smem:$0x3FB5]  }
0x2d: {  	s3 =	simm.s32 $0x108;
	s8 =	sld [smem:$0x3FB6]  }
0x2e: {  	s3 =	simm.s32 @!p0 $0x1082;
	s9 =	sld [smem:$0x3FB7]  }
0x2f: {  	lr =	sadd.s32 s0, s3;
	s0 =	sld [smem:$0x3FAE]  }
0x30: {  	s3 =	sld [smem:$0x3FB1]  }
0x31: {  	[smem:$0x3FBA] =	sst s10  }
0x32: {  	s10 =	sld [smem:$0x3FB8];
	_ =	sdelay $0x3  }
0x33: {  	p0 =	seq.s32 s10, $0x1;
	s10 =	sld [smem:$0x3FBA];
	_ =	sdelay $0x3  }
0x34: {  	[smem:$0x3FBA] =	sst s10  }
0x35: {  	s10 =	sld [smem:$0x3FB9];
	_ =	sdelay $0x3  }
0x36: {  	p1 =	seq.s32 s10, $0x1;
	s10 =	sld [smem:$0x3FBA];
	_ =	sdelay $0x3  }
0x37: {  	[smem:$0x3FBA] =	sst s10  }
0x38: {  	s10 =	sld [smem:$0x3FBB]  }
0x39: {  	_ = 	snop;
	(pc) =	sbr.ind lr, $3  }
0x3a: {  	_ = 	snop  }
0x3b: {  	_ = 	snop  }
0x3c: {  	p2 =	seq.s32 s10, $0x1;
	s10 =	sld [smem:$0x3FBA]  }
0x3d: {  	_ =	shalt  }
0x3e: {  	_ =	shalt  }
0x3f: {  	_ =	shalt  }
0x40: {  	_ =	shalt  }
0x41: {  	_ =	shalt  }
0x42: {  	_ =	shalt  }
0x43: {  	_ =	shalt  }
0x44: {  	_ =	shalt  }
0x45: {  	_ =	shalt  }
0x46: {  	_ =	shalt  }
0x47: {  	_ =	shalt  }
0x48: {  	_ =	shalt  }
0x49: {  	_ =	shalt  }
0x4a: {  	_ =	shalt  }
0x4b: {  	_ =	shalt  }
0x4c: {  	_ =	shalt  }
0x4d: {  	_ =	shalt  }
0x4e: {  	_ =	shalt  }
0x4f: {  	_ =	shalt  }
0x50: {  	_ =	shalt  }
0x51: {  	_ =	shalt  }
0x52: {  	_ =	shalt  }
0x53: {  	_ =	shalt  }
0x54: {  	_ =	shalt  }
0x55: {  	_ =	shalt  }
0x56: {  	_ =	shalt  }
0x57: {  	_ =	shalt  }
0x58: {  	_ =	shalt  }
0x59: {  	_ =	shalt  }
0x5a: {  	_ =	shalt  }
0x5b: {  	_ =	shalt  }
0x5c: {  	_ =	shalt  }
0x5d: {  	_ =	shalt  }
0x5e: {  	_ =	shalt  }
0x5f: {  	_ =	shalt  }
0x60: {  	_ =	shalt  }
0x61: {  	_ =	shalt  }
0x62: {  	_ =	shalt  }
0x63: {  	_ =	shalt  }
0x64: {  	_ =	shalt  }
0x65: {  	_ =	shalt  }
0x66: {  	_ =	shalt  }
0x67: {  	_ =	shalt  }
0x68: {  	_ =	shalt  }
0x69: {  	_ =	shalt  }
0x6a: {  	_ =	shalt  }
0x6b: {  	_ =	shalt  }
0x6c: {  	_ =	shalt  }
0x6d: {  	_ =	shalt  }
0x6e: {  	_ =	shalt  }
0x6f: {  	_ =	shalt  }
0x70: {  	_ =	shalt  }
0x71: {  	_ =	shalt  }
0x72: {  	_ =	shalt  }
0x73: {  	_ =	shalt  }
0x74: {  	_ =	shalt  }
0x75: {  	_ =	shalt  }
0x76: {  	_ =	shalt  }
0x77: {  	_ =	shalt  }
0x78: {  	_ =	shalt  }
0x79: {  	_ =	shalt  }
0x7a: {  	_ =	shalt  }
0x7b: {  	_ =	shalt  }
0x7c: {  	_ =	shalt  }
0x7d: {  	_ =	shalt  }
0x7e: {  	_ =	shalt  }
0x7f: {  	_ =	shalt  }
0x80: {  	_ =	shalt  }
0x81: {  	_ =	shalt  }
0x82: {  	_ =	shalt  }
0x83: {  	_ =	shalt  }
0x84: {  	_ =	shalt  }
0x85: {  	_ =	shalt  }
0x86: {  	_ =	shalt  }
0x87: {  	_ =	shalt  }
.Lfunc_end0:
.L_simem_size_0:
called_computation_lowered:
.L_overlay_start_0:
0x88: {  	s2 =	sld [smem:$0x3FD9]  }
0x89: {  	s3 =	sld [smem:$0x3FFE];
	_ =	sdelay $0x1  }
0x8a: {  	s1 =	srdreg.scid  }
0x8b: {  	s0 =	sand.u32 $0x1, s1  }
0x8c: {  	s17 =	sshll.u32 s0, $0xA;
	s2 =	sadd.s32 s3, s2  }
0x8d: {  	s2 =	sadd.s32 s2, s17  }
0x8e: {  	[smem:$0x3FC6] =	sst s2  }
0x8f: {  	_ = 	snop  }
0x90: {  	s2 =	sld [smem:$0x3FC8]  }
0x91: {  	s18 =	sld [smem:$0x3FD0];
	(tm) =	ssettm $0x1  }
0x92: {  	s4 =	sld [smem:$0x3FFB];
	_ =	sdelay $0x3  }
0x93: {  	_ =	strace s4  }
0x94: {  	s4 =	sld [smem:$0x3FFC];
	_ =	sdelay $0x3  }
0x95: {  	_ =	strace s4  }
0x96: {  	s4 =	sld [smem:$0x3FFD];
	_ =	sdelay $0x3  }
0x97: {  	_ =	strace s4  }
0x98: {  	_ =	strace $0x8FFFFFFF  }
0x99: {  	s19 =	sld [smem:$0x3FDB];
	_ =	sdelay $0x1  }
0x9a: {  	s5 =	simm.s32 $_scs_section_size  }
0x9b: {  	s6 =	simm.s32 $_size__tile_overlayer_lowered;
	s7 =	simm.s32 $_tile_overlayer_lowered  }
0x9c: {  	s22 =	simm.s32 $0x1BFF;
	s21 =	sshll.u32 s7, $0x1;
	s4 =	sadd.s32 s5, s19  }
0x9d: {  	s8 =	simm.s32 $0x0;
	s20 =	sshll.u32 s6, $0x1;
	s6 =	sadd.s32 s21, s4  }
0x9e: {  	[timem:s8], [sflag:s22] =	dma.local [hbm:s6], s20  }
0x9f: {  	_ =	swait.ge [sflag:s22], s20  }
0xa0: {  	s5 =	ssub.s32 $0x0, s20;
	[sflag:s22] =	ssyncset.done $0x0  }
0xa1: {  	[sflag:s22] =	ssyncadd.s32 s5;
	_ =	sdelay $0x1  }
0xa2: {  	s23 =	simm.s32 $0x1B8B  }
0xa3: {  	_ =	swait.ge [sflag:s23], $0x1  }
0xa4: {  	[sflag:s23] =	ssyncset.done $0x0  }
0xa5: {  	s25 =	simm.s32 $0x1B8E;
	s24 =	sld [smem:$0x3FFE];
	[sflag:s23] =	ssyncadd.s32 $0xFFFFFFFF  }
0xa6: {  	s26 =	simm.s32 $execute0_lowered;
	[smem:$0x3FD2] =	sst s25  }
0xa7: {  	s6 =	sshll.u32 s26, $0x1;
	_ =	strace $0x80000046;
	[dreg:$0x1] =	wrdreg $0xFFFFFFFF  }
0xa8: {  	s28 =	simm.s32 $_size_execute0_lowered;
	s4 =	sadd.s32 s4, s6;
	[dreg:$0x0] =	wrdreg $0x0  }
0xa9: {  	s6 =	sshll.u32 s28, $0x1;
	[dreg:$0x2] =	wrdreg s4  }
0xaa: {  	[dreg:$0x3] =	wrdreg s6  }
0xab: {  	[dreg:$0x4] =	wrdreg $0xC0  }
0xac: {  	_ =	task [dreg:s8], $0x5FFFF  }
0xad: {  	[dreg:$0x1] =	wrdreg $0xFFFFFFFF  }
0xae: {  	[dreg:$0x0] =	wrdreg $0x60  }
0xaf: {  	[dreg:$0x2] =	wrdreg s2  }
0xb0: {  	[dreg:$0x3] =	wrdreg s18  }
0xb1: {  	[dreg:$0x4] =	wrdreg s24  }
0xb2: {  	[dreg:$0x5] =	wrdreg $0x9  }
0xb3: {  	_ =	task.clear_ibuf [dreg:s8], $0x6FFFF;
	_ =	strace $0x90000046  }
0xb4: {  	s29 =	simm.s32 $0x9;
	_ =	strace $0x80000048  }
0xb5: {  	_ =	swait.ge [sflag:s29], $0x1  }
0xb6: {  	[sflag:s29] =	ssyncadd.s32 $0xFFFFFFFF  }
0xb7: {  	_ =	strace $0x90000048  }
0xb8: {  	_ =	sfence  }
0xb9: {  	s30 =	sld [smem:$0x0];
	_ =	sdelay $0x2  }
0xba: {  	s31 =	sshll.u32 s1, $0xD;
	s1 =	sshrl.u32 s1, $0x2  }
0xbb: {  	s3 =	sand.u32 $0x4000, s31;
	s1 =	sadd.s32 s1, s30  }
0xbc: {  	s0 =	sor.u32 s3, s0;
	s1 =	sshll.u32 s1, $0x11  }
0xbd: {  	s0 =	sor.u32 s1, s0  }
0xbe: {  	s0 =	sadd.s32 $0x8F2B, s0  }
0xbf: {  	[sflag:s0] =	ssyncadd.remote.s32 $0x1  }
0xc0: {  	_ =	sfence.sel $0xFFFF  }
0xc1: {  	[dreg:$0x0] =	wrdreg $0xFFFFFFFF;
	(pc) =	sbr.abs _section_cstart, $3  }
0xc2: {  	[dreg:$0x1] =	wrdreg $0xFFFFFFFF  }
0xc3: {  	_ =	task.clear_ibuf [dreg:s8], $0x2FFFF;
	_ =	strace $0x9FFFFFFF  }
0xc4: {  	(tm) =	ssettm $0x7FFFFFFF  }
0xc5: {  	_ =	shalt  }
tec
execute0_lowered:
.L_overlay_start_1:
0x0: {  	(tag) =	ssettag $0x1  }
0x1: {  	s1 =	rddreg [dreg:$0x0];
	s0 =	srdreg.scid  }
0x2: {  	s9 =	stileid.u32;
	s3 =	rddreg [dreg:$0x2]  }
0x3: {  	s4 =	simm.s32 $0x0;
	s0 =	sand.u32 $0x1, s0;
	s2 =	sshll.u32 s9, $0x1  }
0x4: {  	[smem:$0x7FF] =	sst s4;
	s23 =	sadd.s32 $0x3D1200, s3;
	s2 =	sor.u32 s0, s2  }
0x5: {  	_ =	strace $0x80000047;
	s0 =	ssub.s32 $0x2, s0;
	[dreg:$0x12] =	wrdreg s23  }
0x6: {  	s5 =	smul.u32 $0x3D000, s2;
	s8 =	sshrl.u32 s0, $0x1;
	s17 =	sor.u32 $0x1E80, s2  }
0x7: {  	s7 =	smul.u32 $0xF4, s2;
	s0 =	ssub.s32 s0, s8;
	s22 =	sshll.u32 s17, $0x9  }
0x8: {  	s6 =	sshrl.u32 s5, $0x3;
	s5 =	sadd.s32 $0xA00, s3;
	s0 =	smax.u32 s0, $0x1  }
0x9: {  	p0 =	sne.s32 s2, $0x4;
	s2 =	sadd.s32 s5, s22;
	[dreg:$0x13] =	wrdreg s0  }
0xa: {  	s10 =	sadd.s32 s1, s6;
	[dreg:$0x11] =	wrdreg s2  }
0xb: {  	s6 =	sadd.s32 $0xF4280, s10;
	[dreg:$0x4] =	wrdreg s10  }
0xc: {  	s29 =	sadd.s32 $0x1E8500, s10;
	[dreg:$0x5] =	wrdreg s6  }
0xd: {  	s30 =	sadd.s32 $0x2DC780, s10;
	[dreg:$0x6] =	wrdreg s29  }
0xe: {  	s31 =	sadd.s32 $0x1E8580, s10;
	[dreg:$0x7] =	wrdreg s30  }
0xf: {  	v0 =	vimm.s32 $0xB80;
	vm0 =	vcmask $0x300;
	v1 =	vimm.s32 $0x1B80;
	s8 =	sadd.s32 $0xF4300, s10;
	[dreg:$0x8] =	wrdreg s31  }
0x10: {  	vm1 =	vcmask $0x704;
	v0 =	vsel vm0, $0x0, v0;
	v1 =	vsel vm0, $0x1000, v1;
	s11 =	sadd.s32 $0x2DC800, s10;
	[dreg:$0x9] =	wrdreg s8  }
0x11: {  	vm2 =	vcmask $0xB08;
	s19 =	sadd.s32 $0xC00, s3;
	v0 =	vsel vm1, $0x80, v0;
	v1 =	vsel vm1, $0x1080, v1;
	s12 =	sadd.s32 $0xF4380, s10;
	[dreg:$0xa] =	wrdreg s11  }
0x12: {  	vm4 =	vcmask $0xF0C;
	s20 =	sadd.s32 $0xE00, s3;
	v0 =	vsel vm2, $0x100, v0;
	v1 =	vsel vm2, $0x1100, v1;
	s13 =	sadd.s32 $0x80, s10;
	[dreg:$0xb] =	wrdreg s12  }
0x13: {  	vm5 =	vcmask $0x1310;
	s21 =	sadd.s32 $0x1000, s3;
	v0 =	vsel vm4, $0x180, v0;
	v1 =	vsel vm4, $0x1180, v1;
	s14 =	sadd.s32 $0x1E8600, s10;
	[dreg:$0xc] =	wrdreg s13  }
0x14: {  	vm6 =	vcmask $0x1714;
	p1 =	sgt.u32 s9, $0x1;
	v0 =	vsel vm5, $0x200, v0;
	v1 =	vsel vm5, $0x1200, v1;
	s15 =	sadd.s32 $0x2DC880, s10;
	[dreg:$0xd] =	wrdreg s14  }
0x15: {  	vm7 =	vcmask $0x1B18;
	s9 =	simm.s32 $0x8000;
	v0 =	vsel vm6, $0x280, v0;
	v1 =	vsel vm6, $0x1280, v1;
	s16 =	sadd.s32 $0x180, s10;
	[dreg:$0xe] =	wrdreg s15  }
0x16: {  	vm8 =	vcmask $0x1F1C;
	s18 =	sshll.u32 s17, $0x7;
	s24 =	sadd.s32 $0xF4400, s10;
	v0 =	vsel vm7, $0x300, v0;
	v1 =	vsel vm7, $0x1300, v1;
	[dreg:$0xf] =	wrdreg s16  }
0x17: {  	vm9 =	vcmask $0x2320;
	s0 =	simm.s32 $0x4000;
	s25 =	sadd.s32 $0x1E8680, s10;
	[dreg:$0x14] =	wrdreg s24;
	v0 =	vsel vm8, $0x380, v0;
	v1 =	vsel vm8, $0x1380, v1  }
0x18: {  	vm10 =	vcmask $0x2724;
	s22 =	simm.s32 $0x6000;
	s26 =	sadd.s32 $0x100, s10;
	[dreg:$0x15] =	wrdreg s25;
	v0 =	vsel vm9, $0x800, v0;
	v1 =	vsel vm9, $0x1800, v1  }
0x19: {  	vm11 =	vcmask $0x2B28;
	s28 =	sadd.s32 $0x2DC900, s10;
	s2 =	simm.s32 $0x2000;
	[dreg:$0x16] =	wrdreg s26;
	v0 =	vsel vm10, $0x880, v0;
	v1 =	vsel vm10, $0x1880, v1  }
.Ltmp0:
0x1a: {  	vm12 =	vcmask $0x2F2C;
	s8 =	sadd.s32 s1, s18;
	[dreg:$0x17] =	wrdreg s28;
	v0 =	vsel vm11, $0x900, v0;
	v1 =	vsel vm11, $0x1900, v1;
	(pc) =	sbr.rel .LBB2_1-.Ltmp0, $4  }
0x1b: {  	vm13 =	vcmask $0x3330;
	s10 =	simm.s32 $0x2;
	s29 =	sadd.s32 $0x1E8500, s8;
	[dreg:$0x10] =	wrdreg s8;
	v0 =	vsel vm12, $0x980, v0;
	v1 =	vsel vm12, $0x1980, v1  }
0x1c: {  	vm14 =	vcmask $0x3734;
	s12 =	simm.s32 $0x3;
	s30 =	sadd.s32 $0xF4280, s8;
	[dreg:$0x18] =	wrdreg s29;
	v0 =	vsel vm13, $0xA00, v0;
	v1 =	vsel vm13, $0x1A00, v1  }
0x1d: {  	vm15 =	vcmask $0x3B38;
	s14 =	simm.s32 $0x4;
	s31 =	sadd.s32 $0x2DC780, s8;
	[dreg:$0x19] =	wrdreg s30;
	v0 =	vsel vm14, $0xA80, v0;
	v1 =	vsel vm14, $0x1A80, v1  }
0x1e: {  	s15 =	simm.s32 $0x0;
	s8 =	simm.s32 $0x1;
	[dreg:$0x1a] =	wrdreg s31;
	v0 =	vsel vm15, $0xB00, v0;
	v1 =	vsel vm15, $0x1B00, v1  }
.LBB2_16:
0x1f: {  	s3 =	simm.s32 @!p0 $0x0;
	s6 =	simm.s32 @!p0 $0xC000;
	s11 =	rddreg [dreg:$0x1]  }
0x20: {  	[tilespmem:s6], [sflag:$0x9] =	stream.linear.gather @!p0 [hbm4b:s11+s3], $0x800, $0x38;
	[tilespmem:$0xC800] =	vst v63  }
0x21: {  	s11 =	simm.s32 @!p0 $0x9  }
0x22: {  	_ =	swait.ge @!p0 [sflag:s11], $0x800  }
0x23: {  	[sflag:s11] =	ssyncset.done @!p0 $0x0  }
0x24: {  	s13 =	rddreg [dreg:$0x12];
	[sflag:s11] =	ssyncadd.s32 @!p0 $0xFFFFF800  }
0x25: {  	[hbm4b:s13+s3] =	stream.linear.scatter @!p0 [tilespmem:s6], [sflag:$0x9], $0x800, $0x38;
	[tilespmem:$0xC800] =	vst v63  }
0x26: {  	_ =	swait.ge @!p0 [sflag:s11], $0x800  }
0x27: {  	s15 =	sadd.s32 $0x1, s15;
	s31 =	rddreg [dreg:$0x13]  }
0x28: {  	p2 =	sne.s32 s15, s31  }
.Ltmp1:
0x29: {  	_ = 	snop;
	(pc) =	sbr.rel @!p2 .LBB2_17-.Ltmp1, $3  }
0x2a: {  	_ =	sdelay $0x1  }
0x2b: {  	[sflag:s11] =	ssyncset.done @!p0 $0x0  }
0x2c: {  	[sflag:s11] =	ssyncadd.s32 @!p0 $0xFFFFF800  }
.LBB2_1:
0x2d: {  	[dreg:$0x1b] =	wrdreg s15  }
0x2e: {  	s3 =	rddreg [dreg:$0x4]  }
0x2f: {  	[tilespmem:s4], [sflag:$0x1] =	stream.linear.gather [hbm4b:s3+s4], $0x400, $0x38;
	[tilespmem:$0xC800] =	vst v63  }
0x30: {  	s15 =	rddreg [dreg:$0x5];
	s6 =	simm.s32 $0x800  }
0x31: {  	[tilespmem:s6], [sflag:$0x1] =	stream.linear.gather [hbm4b:s15+s4], $0x400, $0x38;
	[tilespmem:$0xC800] =	vst v63  }
0x32: {  	s16 =	rddreg [dreg:$0x6];
	s17 =	simm.s32 $0x1000  }
0x33: {  	[tilespmem:s17], [sflag:$0x1] =	stream.linear.gather [hbm4b:s16+s4], $0x400, $0x38;
	[tilespmem:$0xC800] =	vst v63  }
0x34: {  	s18 =	rddreg [dreg:$0x7];
	s23 =	simm.s32 $0x1800  }
0x35: {  	[tilespmem:s23], [sflag:$0x1] =	stream.linear.gather [hbm4b:s18+s4], $0x400, $0x38;
	[tilespmem:$0xC800] =	vst v63  }
0x36: {  	s24 =	rddreg [dreg:$0xc]  }
0x37: {  	[tilespmem:s2], [sflag:$0x2] =	stream.linear.gather [hbm4b:s24+s4], $0x400, $0x38;
	[tilespmem:$0xC800] =	vst v63  }
0x38: {  	s25 =	rddreg [dreg:$0x9];
	s26 =	simm.s32 $0x2800  }
0x39: {  	[tilespmem:s26], [sflag:$0x2] =	stream.linear.gather [hbm4b:s25+s4], $0x400, $0x38;
	[tilespmem:$0xC800] =	vst v63  }
0x3a: {  	s28 =	rddreg [dreg:$0x8];
	s29 =	simm.s32 $0x3000  }
0x3b: {  	[tilespmem:s29], [sflag:$0x2] =	stream.linear.gather [hbm4b:s28+s4], $0x400, $0x38;
	[tilespmem:$0xC800] =	vst v63  }
0x3c: {  	s30 =	rddreg [dreg:$0xa];
	s31 =	simm.s32 $0x3800  }
0x3d: {  	[tilespmem:s31], [sflag:$0x2] =	stream.linear.gather [hbm4b:s30+s4], $0x400, $0x38;
	[tilespmem:$0xC800] =	vst v63  }
0x3e: {  	s11 =	rddreg [dreg:$0x16]  }
0x3f: {  	[tilespmem:s0], [sflag:$0x3] =	stream.linear.gather [hbm4b:s11+s4], $0x400, $0x38;
	[tilespmem:$0xC800] =	vst v63  }
0x40: {  	s13 =	rddreg [dreg:$0xb];
	s15 =	simm.s32 $0x4800  }
0x41: {  	[tilespmem:s15], [sflag:$0x3] =	stream.linear.gather [hbm4b:s13+s4], $0x400, $0x38;
	[tilespmem:$0xC800] =	vst v63  }
0x42: {  	s16 =	rddreg [dreg:$0xd];
	s17 =	simm.s32 $0x5000  }
0x43: {  	[tilespmem:s17], [sflag:$0x3] =	stream.linear.gather [hbm4b:s16+s4], $0x400, $0x38;
	[tilespmem:$0xC800] =	vst v63  }
0x44: {  	s18 =	rddreg [dreg:$0xe];
	s23 =	simm.s32 $0x5800  }
0x45: {  	[tilespmem:s23], [sflag:$0x3] =	stream.linear.gather [hbm4b:s18+s4], $0x400, $0x38;
	[tilespmem:$0xC800] =	vst v63  }
0x46: {  	s24 =	rddreg [dreg:$0xf]  }
0x47: {  	[tilespmem:s22], [sflag:$0x4] =	stream.linear.gather [hbm4b:s24+s4], $0x400, $0x38;
	[tilespmem:$0xC800] =	vst v63  }
0x48: {  	s25 =	rddreg [dreg:$0x14];
	s26 =	simm.s32 $0x6800  }
0x49: {  	[tilespmem:s26], [sflag:$0x4] =	stream.linear.gather [hbm4b:s25+s4], $0x400, $0x38;
	[tilespmem:$0xC800] =	vst v63  }
0x4a: {  	s28 =	rddreg [dreg:$0x15];
	s29 =	simm.s32 $0x7000  }
0x4b: {  	[tilespmem:s29], [sflag:$0x4] =	stream.linear.gather [hbm4b:s28+s4], $0x400, $0x38;
	[tilespmem:$0xC800] =	vst v63  }
0x4c: {  	s30 =	rddreg [dreg:$0x17];
	s31 =	simm.s32 $0x7800;
	s26 =	simm.s32 $0x0  }
0x4d: {  	[tilespmem:s31], [sflag:$0x4] =	stream.linear.gather [hbm4b:s30+s4], $0x400, $0x38;
	[tilespmem:$0xC800] =	vst v63  }
.LBB2_2:
0x4e: {  	_ =	swait.ge [sflag:s8], $0x400  }
0x4f: {  	[sflag:s8] =	ssyncset.done $0x0  }
0x50: {  	[sflag:s8] =	ssyncadd.s32 $0xFFFFFC00  }
0x51: {  	_ =	swait.ge [sflag:s8], $0x400  }
0x52: {  	[sflag:s8] =	ssyncset.done $0x0  }
0x53: {  	[sflag:s8] =	ssyncadd.s32 $0xFFFFFC00  }
0x54: {  	_ =	swait.ge [sflag:s8], $0x400  }
0x55: {  	[sflag:s8] =	ssyncset.done $0x0  }
0x56: {  	[sflag:s8] =	ssyncadd.s32 $0xFFFFFC00  }
0x57: {  	s17 =	simm.s32 $0x0;
	_ =	swait.ge [sflag:s8], $0x400  }
0x58: {  	p2 =	seq.s32 s26, $0x0;
	s6 =	simm.s32 $0x7;
	v2 =	vor.u32 s17, v0;
	[sflag:s8] =	ssyncset.done $0x0  }
0x59: {  	s18 =	simm.s32 $0x1;
	s16 =	simm.s32 @!p2 $0x5;
	v3 =	vor.u32 s6, v0;
	[sflag:s8] =	ssyncadd.s32 $0xFFFFFC00  }
0x5a: {  	s24 =	simm.s32 $0x2;
	v4 =	vor.u32 s18, v0;
	_ =	swait.ge @!p2 [sflag:s16], $0x1000  }
0x5b: {  	s28 =	simm.s32 $0x3;
	v5 =	vor.u32 s24, v0;
	[sflag:s16] =	ssyncset.done @!p2 $0x0  }
0x5c: {  	s29 =	simm.s32 $0x5;
	v6 =	vor.u32 s28, v0;
	[sflag:s16] =	ssyncadd.s32 @!p2 $0xFFFFF000  }
0x5d: {  	s30 =	simm.s32 $0x6;
	v8 =	vor.u32 s29, v0;
	v7 =	vld.idx.msk [tilespmem:v2+s4+$0x0], $0xffff  }
0x5e: {  	s23 =	simm.s32 $0x4;
	v9 =	vor.u32 s30, v0;
	v3 =	vld.idx.msk [tilespmem:v3+s4+$0x0], $0xffff  }
0x5f: {  	v2 =	vor.u32 s23, v0;
	v4 =	vld.idx.msk [tilespmem:v4+s4+$0x0], $0xffff  }
0x60: {  	v10 =	vor.u32 s6, v1;
	v5 =	vld.idx.msk [tilespmem:v5+s4+$0x0], $0xffff  }
0x61: {  	v11 =	vor.u32 s18, v1;
	v6 =	vld.idx.msk [tilespmem:v6+s4+$0x0], $0xffff  }
0x62: {  	v12 =	vor.u32 s24, v1;
	s6 =	simm.s32 $0x8070;
	v8 =	vld.idx.msk [tilespmem:v8+s4+$0x0], $0xffff  }
0x63: {  	v13 =	vor.u32 s28, v1;
	v9 =	vld.idx.msk [tilespmem:v9+s4+$0x0], $0xffff;
	[tilespmem:s6+$0x70] =	vst v3  }
0x64: {  	v2 =	vld.idx.msk [tilespmem:v2+s4+$0x0], $0xffff;
	[tilespmem:s6+$0xFFFFFFB0] =	vst v4;
	v3 =	vor.u32 s29, v1  }
0x65: {  	[tilespmem:s6+$0xFFFFFFD0] =	vst v5;
	v5 =	vor.u32 s30, v1;
	v4 =	vld.idx.msk [tilespmem:v10+s4+$0x0], $0xffff  }
0x66: {  	[tilespmem:s6+$0xFFFFFFF0] =	vst v6;
	v6 =	vor.u32 s17, v1;
	v10 =	vld.idx.msk [tilespmem:v11+s4+$0x0], $0xffff  }
0x67: {  	v14 =	vor.u32 s23, v1;
	s16 =	simm.s32 $0x8;
	v12 =	vld.idx.msk [tilespmem:v12+s4+$0x0], $0xffff  }
0x68: {  	s24 =	simm.s32 $0xF;
	[tilespmem:s6+$0x30] =	vst v8;
	v11 =	vor.u32 s16, v0;
	v13 =	vld.idx.msk [tilespmem:v13+s4+$0x0], $0xffff  }
0x69: {  	s11 =	simm.s32 $0x9;
	v15 =	vor.u32 s24, v0;
	[tilespmem:s6+$0x50] =	vst v9;
	v3 =	vld.idx.msk [tilespmem:v3+s4+$0x0], $0xffff  }
0x6a: {  	s13 =	simm.s32 $0xA;
	s30 =	simm.s32 $0xE0;
	v8 =	vor.u32 s11, v0;
	[tilespmem:s6+$0xFFFFFF90] =	vst v7;
	v5 =	vld.idx.msk [tilespmem:v5+s4+$0x0], $0xffff  }
0x6b: {  	v9 =	vor.u32 s13, v0;
	s29 =	simm.s32 $0xB;
	s28 =	sor.u32 $0x70, s30;
	[tilespmem:s6+$0x10] =	vst v2;
	v6 =	vld.idx.msk [tilespmem:v6+s4+$0x0], $0xffff  }
0x6c: {  	s25 =	simm.s32 $0xD;
	v14 =	vld.idx.msk [tilespmem:v14+s4+$0x0], $0xffff;
	[tilespmem:s28+$0x8000] =	vst v4;
	v4 =	vor.u32 s29, v0  }
0x6d: {  	v2 =	vld.idx.msk [tilespmem:v11+s4+$0x0], $0xffff;
	s28 =	simm.s32 $0xC;
	[tilespmem:s6+$0xFFFFFFC0] =	vst v10;
	v10 =	vor.u32 s25, v0  }
0x6e: {  	s3 =	simm.s32 $0xE;
	s23 =	simm.s32 $0xA0;
	v11 =	vld.idx.msk [tilespmem:v15+s4+$0x0], $0xffff;
	[tilespmem:s6+$0xFFFFFFE0] =	vst v12;
	v7 =	vor.u32 s28, v0  }
0x6f: {  	s23 =	sor.u32 $0x30, s23;
	v12 =	vld.idx.msk [tilespmem:v8+s4+$0x0], $0xffff;
	v8 =	vor.u32 s3, v0;
	[tilespmem:s6+$0x0] =	vst v13  }
0x70: {  	v9 =	vld.idx.msk [tilespmem:v9+s4+$0x0], $0xffff;
	v13 =	vor.u32 s24, v1;
	[tilespmem:s23+$0x8000] =	vst v3  }
0x71: {  	v3 =	vor.u32 s13, v1;
	[tilespmem:s6+$0xFFFFFFA0] =	vst v6;
	v15 =	vld.idx.msk [tilespmem:v4+s4+$0x0], $0xffff  }
0x72: {  	[tilespmem:s6+$0x20] =	vst v14;
	v14 =	vor.u32 s11, v1;
	v10 =	vld.idx.msk [tilespmem:v10+s4+$0x0], $0xffff;
	s6 =	simm.s32 $0x8170  }
0x73: {  	v17 =	vor.u32 s29, v1;
	v16 =	vld.idx.msk [tilespmem:v7+s4+$0x0], $0xffff;
	[tilespmem:s6+$0x70] =	vst v11  }
0x74: {  	s31 =	simm.s32 $0xC0;
	v8 =	vld.idx.msk [tilespmem:v8+s4+$0x0], $0xffff;
	[tilespmem:s6+$0xFFFFFFB0] =	vst v12;
	v12 =	vor.u32 s28, v1  }
0x75: {  	s15 =	sor.u32 $0x50, s31;
	[tilespmem:s6+$0xFFFFFFD0] =	vst v9;
	v7 =	vld.idx.msk [tilespmem:v13+s4+$0x0], $0xffff;
	v13 =	vor.u32 s25, v1  }
0x76: {  	s29 =	simm.s32 $0x10;
	[tilespmem:s15+$0x8000] =	vst v5;
	v11 =	vor.u32 s3, v1;
	v5 =	vld.idx.msk [tilespmem:v3+s4+$0x0], $0xffff  }
0x77: {  	s31 =	sshll.u32 s26, $0x2;
	s18 =	simm.s32 $0x17;
	v3 =	vor.u32 s29, v0;
	v4 =	vld.idx.msk [tilespmem:v14+s4+$0x0], $0xffff;
	[tilespmem:s6+$0xFFFFFFF0] =	vst v15  }
0x78: {  	s17 =	simm.s32 $0x11;
	s24 =	simm.s32 $0x18;
	s28 =	sadd.s32 s7, s31;
	v9 =	vor.u32 s16, v1;
	v6 =	vld.idx.msk [tilespmem:v17+s4+$0x0], $0xffff;
	[tilespmem:s6+$0x10] =	vst v16  }
.LBB2_3:
0x79: {  	p3 =	slt.u32 s24, $0x78;
	s3 =	sadd.s32 $0x2, s29;
	v14 =	vor.u32 s18, v0;
	v12 =	vld.idx.msk [tilespmem:v12+s4+$0x0], $0xffff;
	[tilespmem:s6+$0x30] =	vst v10;
	s30 =	sadd.s32 $0x100, s30  }
0x7a: {  	v10 =	vor.u32 s17, v0;
	s16 =	sadd.s32 $0xFFFFFFC0, s30;
	v13 =	vld.idx.msk [tilespmem:v13+s4+$0x0], $0xffff;
	s23 =	sadd.s32 $0xFFFFFFE0, s30;
	[tilespmem:s6+$0x50] =	vst v8;
	s25 =	sor.u32 $0x70, s30  }
0x7b: {  	s31 =	sadd.s32 $0x3, s29;
	v8 =	vor.u32 s3, v0;
	s16 =	sor.u32 $0x30, s16;
	v11 =	vld.idx.msk [tilespmem:v11+s4+$0x0], $0xffff;
	s23 =	sor.u32 $0x50, s23;
	[tilespmem:s25+$0x8000] =	vst v7  }
0x7c: {  	s11 =	smov.u32 s29;
	v7 =	vor.u32 s31, v0;
	s25 =	sadd.s32 $0x4, s29;
	s29 =	smov.u32 s24;
	[tilespmem:s6+$0xFFFFFF90] =	vst v2;
	v2 =	vld.idx.msk [tilespmem:v3+s4+$0x0], $0xffff  }
0x7d: {  	s13 =	sadd.s32 $0x5, s11;
	v3 =	vor.u32 s25, v0;
	v9 =	vld.idx.msk [tilespmem:v9+s4+$0x0], $0xffff;
	[tilespmem:s6+$0xFFFFFFC0] =	vst v4  }
0x7e: {  	s15 =	sadd.s32 $0x6, s11;
	v4 =	vor.u32 s13, v0;
	v14 =	vld.idx.msk [tilespmem:v14+s4+$0x0], $0xffff;
	[tilespmem:s6+$0xFFFFFFE0] =	vst v5  }
0x7f: {  	v15 =	vor.u32 s15, v0;
	v5 =	vld.idx.msk [tilespmem:v10+s4+$0x0], $0xffff;
	[tilespmem:s6+$0x0] =	vst v6  }
0x80: {  	v16 =	vor.u32 s18, v1;
	v6 =	vld.idx.msk [tilespmem:v8+s4+$0x0], $0xffff;
	[tilespmem:s6+$0x20] =	vst v12  }
0x81: {  	v17 =	vor.u32 s17, v1;
	v18 =	vld.idx.msk [tilespmem:v7+s4+$0x0], $0xffff;
	[tilespmem:s16+$0x8000] =	vst v13  }
0x82: {  	v19 =	vor.u32 s3, v1;
	v20 =	vld.idx.msk [tilespmem:v3+s4+$0x0], $0xffff;
	[tilespmem:s23+$0x8000] =	vst v11  }
0x83: {  	v21 =	vor.u32 s31, v1;
	v10 =	vld.idx.msk [tilespmem:v4+s4+$0x0], $0xffff;
	[tilespmem:s6+$0xFFFFFFA0] =	vst v9;
	s6 =	sadd.s32 $0x100, s6  }
.Ltmp2:
0x84: {  	v12 =	vor.u32 s25, v1;
	v8 =	vld.idx.msk [tilespmem:v15+s4+$0x0], $0xffff;
	[tilespmem:s6+$0x70] =	vst v14;
	(pc) =	sbr.rel @p3 .LBB2_3-.Ltmp2, $4  }
0x85: {  	v13 =	vor.u32 s13, v1;
	[tilespmem:s6+$0xFFFFFFB0] =	vst v5;
	v7 =	vld.idx.msk [tilespmem:v16+s4+$0x0], $0xffff  }
0x86: {  	v11 =	vor.u32 s15, v1;
	v4 =	vld.idx.msk [tilespmem:v17+s4+$0x0], $0xffff;
	[tilespmem:s6+$0xFFFFFFD0] =	vst v6  }
0x87: {  	v3 =	vor.u32 s24, v0;
	v5 =	vld.idx.msk [tilespmem:v19+s4+$0x0], $0xffff;
	[tilespmem:s6+$0xFFFFFFF0] =	vst v18  }
0x88: {  	s17 =	sadd.s32 $0x1, s29;
	s18 =	sadd.s32 $0x7, s29;
	s24 =	sadd.s32 $0x8, s24;
	v9 =	vor.u32 s11, v1;
	v6 =	vld.idx.msk [tilespmem:v21+s4+$0x0], $0xffff;
	[tilespmem:s6+$0x10] =	vst v20  }
0x89: {  	_ =	sdelay $0x2  }
0x8a: {  	[tilespmem:s6+$0x30] =	vst v10  }
0x8b: {  	s3 =	sadd.s32 $0x100, s30;
	[tilespmem:s6+$0x50] =	vst v8;
	v8 =	vld.idx.msk [tilespmem:v12+s4+$0x0], $0xffff  }
0x8c: {  	v10 =	vor.u32 s18, v0;
	[tilespmem:s6+$0xFFFFFF90] =	vst v2;
	s11 =	sor.u32 $0x70, s3;
	v2 =	vld.idx.msk [tilespmem:v11+s4+$0x0], $0xffff  }
0x8d: {  	s13 =	sadd.s32 $0x2, s29;
	v12 =	vor.u32 s17, v0;
	v9 =	vld.idx.msk [tilespmem:v9+s4+$0x0], $0xffff;
	[tilespmem:s11+$0x8000] =	vst v7  }
0x8e: {  	s31 =	sadd.s32 $0x3, s29;
	v7 =	vld.idx.msk [tilespmem:v13+s4+$0x0], $0xffff;
	v13 =	vor.u32 s13, v0;
	[tilespmem:s6+$0xFFFFFFC0] =	vst v4  }
0x8f: {  	s15 =	sadd.s32 $0x4, s29;
	v11 =	vor.u32 s31, v0;
	[tilespmem:s6+$0xFFFFFFE0] =	vst v5  }
0x90: {  	s16 =	sadd.s32 $0x5, s29;
	v3 =	vld.idx.msk [tilespmem:v3+s4+$0x0], $0xffff;
	s25 =	sadd.s32 $0xFFFFFFE0, s3;
	v4 =	vor.u32 s15, v0;
	[tilespmem:s6+$0x0] =	vst v6  }
0x91: {  	s24 =	sadd.s32 $0x6, s29;
	s25 =	sor.u32 $0x50, s25;
	v5 =	vor.u32 s16, v0;
	v10 =	vld.idx.msk [tilespmem:v10+s4+$0x0], $0xffff;
	[tilespmem:s6+$0x20] =	vst v8  }
0x92: {  	s23 =	sadd.s32 $0xFFFFFFC0, s3;
	v6 =	vld.idx.msk [tilespmem:v12+s4+$0x0], $0xffff;
	v12 =	vor.u32 s24, v0;
	[tilespmem:s25+$0x8000] =	vst v2  }
0x93: {  	s23 =	sor.u32 $0x30, s23;
	v2 =	vor.u32 s17, v1;
	[tilespmem:s6+$0xFFFFFFA0] =	vst v9;
	v8 =	vld.idx.msk [tilespmem:v13+s4+$0x0], $0xffff  }
0x94: {  	s25 =	sadd.s32 $0x100, s6;
	v13 =	vor.u32 s18, v1;
	[tilespmem:s23+$0x8000] =	vst v7;
	v7 =	vld.idx.msk [tilespmem:v11+s4+$0x0], $0xffff  }
0x95: {  	v9 =	vor.u32 s13, v1;
	v4 =	vld.idx.msk [tilespmem:v4+s4+$0x0], $0xffff;
	[tilespmem:s25+$0xFFFFFF90] =	vst v3  }
0x96: {  	v5 =	vld.idx.msk [tilespmem:v5+s4+$0x0], $0xffff;
	[tilespmem:s25+$0x70] =	vst v10;
	v10 =	vor.u32 s31, v1  }
0x97: {  	v11 =	vld.idx.msk [tilespmem:v12+s4+$0x0], $0xffff;
	[tilespmem:s25+$0xFFFFFFB0] =	vst v6;
	v6 =	vor.u32 s15, v1  }
0x98: {  	v2 =	vld.idx.msk [tilespmem:v2+s4+$0x0], $0xffff;
	[tilespmem:s25+$0xFFFFFFD0] =	vst v8;
	v8 =	vor.u32 s16, v1  }
0x99: {  	v12 =	vld.idx.msk [tilespmem:v13+s4+$0x0], $0xffff;
	[tilespmem:s25+$0xFFFFFFF0] =	vst v7;
	v7 =	vor.u32 s24, v1  }
0x9a: {  	[tilespmem:s25+$0x10] =	vst v4;
	v4 =	vld.idx.msk [tilespmem:v9+s4+$0x0], $0xffff;
	v9 =	vor.u32 s29, v1  }
0x9b: {  	[tilespmem:s25+$0x30] =	vst v5;
	v5 =	vld.idx.msk [tilespmem:v10+s4+$0x0], $0xffff  }
0x9c: {  	s3 =	sadd.s32 $0x100, s3;
	[tilespmem:s25+$0x50] =	vst v11;
	v6 =	vld.idx.msk [tilespmem:v6+s4+$0x0], $0xffff  }
0x9d: {  	s31 =	sor.u32 $0x70, s3;
	[tilespmem:s25+$0xFFFFFFC0] =	vst v2;
	v8 =	vld.idx.msk [tilespmem:v8+s4+$0x0], $0xffff  }
0x9e: {  	[tilespmem:s31+$0x8000] =	vst v12;
	v3 =	vld.idx.msk [tilespmem:v7+s4+$0x0], $0xffff  }
0x9f: {  	v2 =	vld.idx.msk [tilespmem:v9+s4+$0x0], $0xffff;
	[tilespmem:s25+$0xFFFFFFE0] =	vst v4  }
0xa0: {  	s13 =	sadd.s32 $0xFFFFFFC0, s3;
	[tilespmem:s25+$0x0] =	vst v5  }
0xa1: {  	s11 =	sor.u32 $0x30, s13;
	s3 =	sadd.s32 $0xFFFFFFE0, s3;
	[tilespmem:s25+$0x20] =	vst v6  }
0xa2: {  	p3 =	seq.s32 s26, $0x3C;
	s3 =	sor.u32 $0x50, s3;
	[tilespmem:s11+$0x8000] =	vst v8  }
0xa3: {  	s29 =	sshll.u32 s28, $0x9;
	[tilespmem:s3+$0x8000] =	vst v3;
	s3 =	sshll.u32 @!p3 s28, $0x7  }
0xa4: {  	s15 =	sadd.s32 s5, s29;
	[tilespmem:s25+$0xFFFFFFA0] =	vst v2;
	s3 =	sand.u32 @!p3 $0x1FFFFF80, s3  }
0xa5: {  	[hbm4b:s15+s4] =	stream.linear.scatter [tilespmem:s9], [sflag:$0x5], $0x1000, $0x38;
	[tilespmem:$0xC800] =	vst v63  }
0xa6: {  	s30 =	sadd.s32 @!p3 s1, s3  }
0xa7: {  	s6 =	simm.s32 @!p3 $0x0;
	s3 =	sadd.s32 @!p3 $0x200, s30  }
0xa8: {  	[tilespmem:s6], [sflag:$0x1] =	stream.linear.gather @!p3 [hbm4b:s3+s6], $0x400, $0x38;
	[tilespmem:$0xC800] =	vst v63  }
0xa9: {  	s11 =	simm.s32 @!p3 $0x800;
	s3 =	sadd.s32 @!p3 $0xF4480, s30  }
0xaa: {  	[tilespmem:s11], [sflag:$0x1] =	stream.linear.gather @!p3 [hbm4b:s3+s6], $0x400, $0x38;
	[tilespmem:$0xC800] =	vst v63  }
0xab: {  	s3 =	sadd.s32 @!p3 $0x1E8700, s30;
	s11 =	simm.s32 @!p3 $0x1000  }
0xac: {  	[tilespmem:s11], [sflag:$0x1] =	stream.linear.gather @!p3 [hbm4b:s3+s6], $0x400, $0x38;
	[tilespmem:$0xC800] =	vst v63  }
0xad: {  	s3 =	sadd.s32 @!p3 $0x2DC980, s30;
	s11 =	simm.s32 @!p3 $0x1800  }
0xae: {  	[tilespmem:s11], [sflag:$0x1] =	stream.linear.gather @!p3 [hbm4b:s3+s6], $0x400, $0x38;
	[tilespmem:$0xC800] =	vst v63  }
0xaf: {  	_ =	swait.ge [sflag:s10], $0x400  }
0xb0: {  	[sflag:s10] =	ssyncset.done $0x0  }
0xb1: {  	[sflag:s10] =	ssyncadd.s32 $0xFFFFFC00  }
0xb2: {  	_ =	swait.ge [sflag:s10], $0x400  }
0xb3: {  	[sflag:s10] =	ssyncset.done $0x0  }
0xb4: {  	[sflag:s10] =	ssyncadd.s32 $0xFFFFFC00  }
0xb5: {  	_ =	swait.ge [sflag:s10], $0x400  }
0xb6: {  	[sflag:s10] =	ssyncset.done $0x0  }
0xb7: {  	[sflag:s10] =	ssyncadd.s32 $0xFFFFFC00  }
0xb8: {  	s3 =	simm.s32 $0x0;
	_ =	swait.ge [sflag:s10], $0x400  }
0xb9: {  	s16 =	simm.s32 $0x7;
	v2 =	vor.u32 s3, v0;
	[sflag:s10] =	ssyncset.done $0x0  }
0xba: {  	s17 =	simm.s32 $0x1;
	v3 =	vor.u32 s16, v0;
	s11 =	simm.s32 @!p2 $0x6;
	[sflag:s10] =	ssyncadd.s32 $0xFFFFFC00  }
0xbb: {  	s18 =	simm.s32 $0x2;
	v4 =	vor.u32 s17, v0;
	_ =	swait.ge @!p2 [sflag:s11], $0x1000  }
0xbc: {  	s23 =	simm.s32 $0x3;
	v5 =	vor.u32 s18, v0;
	[sflag:s11] =	ssyncset.done @!p2 $0x0  }
0xbd: {  	s24 =	simm.s32 $0x4;
	v6 =	vor.u32 s23, v0;
	[sflag:s11] =	ssyncadd.s32 @!p2 $0xFFFFF000  }
0xbe: {  	v7 =	vor.u32 s24, v0;
	s25 =	simm.s32 $0x5;
	v2 =	vld.idx.msk [tilespmem:v2+s2+$0x0], $0xffff  }
0xbf: {  	s31 =	simm.s32 $0x6;
	v8 =	vor.u32 s25, v0;
	v3 =	vld.idx.msk [tilespmem:v3+s2+$0x0], $0xffff  }
0xc0: {  	v10 =	vor.u32 s31, v0;
	v4 =	vld.idx.msk [tilespmem:v4+s2+$0x0], $0xffff  }
0xc1: {  	v13 =	vor.u32 s17, v1;
	v5 =	vld.idx.msk [tilespmem:v5+s2+$0x0], $0xffff  }
0xc2: {  	v11 =	vor.u32 s16, v1;
	v6 =	vld.idx.msk [tilespmem:v6+s2+$0x0], $0xffff  }
0xc3: {  	v14 =	vor.u32 s18, v1;
	v15 =	vld.idx.msk [tilespmem:v7+s2+$0x0], $0xffff  }
0xc4: {  	v16 =	vor.u32 s23, v1;
	s17 =	simm.s32 $0x90F0;
	v9 =	vld.idx.msk [tilespmem:v8+s2+$0x0], $0xffff  }
0xc5: {  	v12 =	vor.u32 s24, v1;
	v8 =	vld.idx.msk [tilespmem:v10+s2+$0x0], $0xffff;
	[tilespmem:s17+$0xFFFFFF30] =	vst v4  }
0xc6: {  	[tilespmem:s17+$0xFFFFFFF0] =	vst v3;
	v4 =	vld.idx.msk [tilespmem:v13+s2+$0x0], $0xffff;
	v13 =	vor.u32 s25, v1  }
0xc7: {  	s6 =	simm.s32 $0x8;
	[tilespmem:s17+$0xFFFFFF50] =	vst v5;
	v7 =	vld.idx.msk [tilespmem:v11+s2+$0x0], $0xffff;
	v11 =	vor.u32 s31, v1  }
0xc8: {  	[tilespmem:s17+$0xFFFFFF70] =	vst v6;
	v3 =	vor.u32 s6, v0;
	v5 =	vld.idx.msk [tilespmem:v14+s2+$0x0], $0xffff  }
0xc9: {  	s24 =	simm.s32 $0xF;
	s18 =	simm.s32 $0x10;
	v10 =	vor.u32 s3, v1;
	[tilespmem:s17+$0xFFFFFF90] =	vst v15;
	v6 =	vld.idx.msk [tilespmem:v16+s2+$0x0], $0xffff  }
.LBB2_5:
0xca: {  	p4 =	slt.u32 s18, $0x78;
	s3 =	sadd.s32 $0x1, s6;
	v14 =	vor.u32 s24, v0;
	v12 =	vld.idx.msk [tilespmem:v12+s2+$0x0], $0xffff;
	[tilespmem:s17+$0xFFFFFFB0] =	vst v9  }
0xcb: {  	s11 =	sadd.s32 $0x2, s6;
	v9 =	vor.u32 s3, v0;
	v13 =	vld.idx.msk [tilespmem:v13+s2+$0x0], $0xffff;
	[tilespmem:s17+$0xFFFFFFD0] =	vst v8  }
0xcc: {  	s13 =	sadd.s32 $0x3, s6;
	v8 =	vor.u32 s11, v0;
	v11 =	vld.idx.msk [tilespmem:v11+s2+$0x0], $0xffff;
	[tilespmem:s17+$0x0] =	vst v7  }
0xcd: {  	s15 =	sadd.s32 $0x4, s6;
	v7 =	vor.u32 s13, v0;
	[tilespmem:s17+$0xFFFFFF10] =	vst v2;
	v2 =	vld.idx.msk [tilespmem:v3+s2+$0x0], $0xffff  }
0xce: {  	s16 =	sadd.s32 $0x5, s6;
	v3 =	vor.u32 s15, v0;
	v10 =	vld.idx.msk [tilespmem:v10+s2+$0x0], $0xffff;
	[tilespmem:s17+$0xFFFFFF40] =	vst v4  }
0xcf: {  	s23 =	sadd.s32 $0x6, s6;
	v4 =	vor.u32 s16, v0;
	v14 =	vld.idx.msk [tilespmem:v14+s2+$0x0], $0xffff;
	[tilespmem:s17+$0xFFFFFF60] =	vst v5  }
0xd0: {  	v15 =	vor.u32 s23, v0;
	v5 =	vld.idx.msk [tilespmem:v9+s2+$0x0], $0xffff;
	[tilespmem:s17+$0xFFFFFF80] =	vst v6  }
0xd1: {  	v16 =	vor.u32 s24, v1;
	v6 =	vld.idx.msk [tilespmem:v8+s2+$0x0], $0xffff;
	[tilespmem:s17+$0xFFFFFFA0] =	vst v12  }
0xd2: {  	v17 =	vor.u32 s3, v1;
	v18 =	vld.idx.msk [tilespmem:v7+s2+$0x0], $0xffff;
	[tilespmem:s17+$0xFFFFFFC0] =	vst v13  }
0xd3: {  	v19 =	vor.u32 s11, v1;
	v20 =	vld.idx.msk [tilespmem:v3+s2+$0x0], $0xffff;
	[tilespmem:s17+$0xFFFFFFE0] =	vst v11  }
0xd4: {  	v21 =	vor.u32 s13, v1;
	v9 =	vld.idx.msk [tilespmem:v4+s2+$0x0], $0xffff;
	[tilespmem:s17+$0xFFFFFF20] =	vst v10;
	s17 =	sadd.s32 $0x100, s17  }
.Ltmp3:
0xd5: {  	v12 =	vor.u32 s15, v1;
	v8 =	vld.idx.msk [tilespmem:v15+s2+$0x0], $0xffff;
	[tilespmem:s17+$0xFFFFFFF0] =	vst v14;
	(pc) =	sbr.rel @p4 .LBB2_5-.Ltmp3, $4  }
0xd6: {  	v13 =	vor.u32 s16, v1;
	[tilespmem:s17+$0xFFFFFF30] =	vst v5;
	v7 =	vld.idx.msk [tilespmem:v16+s2+$0x0], $0xffff  }
0xd7: {  	v11 =	vor.u32 s23, v1;
	v4 =	vld.idx.msk [tilespmem:v17+s2+$0x0], $0xffff;
	[tilespmem:s17+$0xFFFFFF50] =	vst v6  }
0xd8: {  	v3 =	vor.u32 s18, v0;
	v5 =	vld.idx.msk [tilespmem:v19+s2+$0x0], $0xffff;
	[tilespmem:s17+$0xFFFFFF70] =	vst v18  }
0xd9: {  	s24 =	sadd.s32 $0x7, s18;
	v10 =	vor.u32 s6, v1;
	s6 =	smov.u32 s18;
	s18 =	sadd.s32 $0x8, s18;
	v6 =	vld.idx.msk [tilespmem:v21+s2+$0x0], $0xffff;
	[tilespmem:s17+$0xFFFFFF90] =	vst v20  }
0xda: {  	_ =	sdelay $0x1  }
0xdb: {  	[tilespmem:s17+$0xFFFFFFB0] =	vst v9  }
0xdc: {  	[tilespmem:s17+$0xFFFFFFD0] =	vst v8  }
0xdd: {  	s3 =	sadd.s32 $0x1, s6;
	v9 =	vor.u32 s24, v0;
	v8 =	vld.idx.msk [tilespmem:v12+s2+$0x0], $0xffff;
	[tilespmem:s17+$0xFFFFFF10] =	vst v2  }
0xde: {  	s11 =	sadd.s32 $0x2, s6;
	v3 =	vld.idx.msk [tilespmem:v3+s2+$0x0], $0xffff;
	v12 =	vor.u32 s3, v0;
	[tilespmem:s17+$0x0] =	vst v7  }
0xdf: {  	s13 =	sadd.s32 $0x3, s6;
	v7 =	vld.idx.msk [tilespmem:v13+s2+$0x0], $0xffff;
	v13 =	vor.u32 s11, v0;
	[tilespmem:s17+$0xFFFFFF40] =	vst v4  }
0xe0: {  	s15 =	sadd.s32 $0x4, s6;
	v2 =	vld.idx.msk [tilespmem:v11+s2+$0x0], $0xffff;
	v11 =	vor.u32 s13, v0;
	[tilespmem:s17+$0xFFFFFF60] =	vst v5  }
0xe1: {  	s16 =	sadd.s32 $0x5, s6;
	v10 =	vld.idx.msk [tilespmem:v10+s2+$0x0], $0xffff;
	v4 =	vor.u32 s15, v0;
	[tilespmem:s17+$0xFFFFFF80] =	vst v6  }
0xe2: {  	s18 =	sadd.s32 $0x6, s6;
	s31 =	sadd.s32 $0x100, s17;
	v5 =	vor.u32 s16, v0;
	v9 =	vld.idx.msk [tilespmem:v9+s2+$0x0], $0xffff;
	[tilespmem:s17+$0xFFFFFFA0] =	vst v8  }
0xe3: {  	[tilespmem:s31+$0xFFFFFF10] =	vst v3;
	v6 =	vld.idx.msk [tilespmem:v12+s2+$0x0], $0xffff;
	v12 =	vor.u32 s18, v0  }
0xe4: {  	v8 =	vld.idx.msk [tilespmem:v13+s2+$0x0], $0xffff;
	v13 =	vor.u32 s24, v1;
	[tilespmem:s17+$0xFFFFFFC0] =	vst v7  }
0xe5: {  	v7 =	vld.idx.msk [tilespmem:v11+s2+$0x0], $0xffff;
	[tilespmem:s17+$0xFFFFFFE0] =	vst v2;
	v2 =	vor.u32 s3, v1  }
0xe6: {  	[tilespmem:s17+$0xFFFFFF20] =	vst v10;
	v10 =	vor.u32 s11, v1;
	v4 =	vld.idx.msk [tilespmem:v4+s2+$0x0], $0xffff  }
0xe7: {  	v5 =	vld.idx.msk [tilespmem:v5+s2+$0x0], $0xffff;
	[tilespmem:s31+$0xFFFFFFF0] =	vst v9;
	v9 =	vor.u32 s13, v1  }
0xe8: {  	v11 =	vld.idx.msk [tilespmem:v12+s2+$0x0], $0xffff;
	[tilespmem:s31+$0xFFFFFF30] =	vst v6;
	v6 =	vor.u32 s15, v1  }
0xe9: {  	v12 =	vld.idx.msk [tilespmem:v13+s2+$0x0], $0xffff;
	[tilespmem:s31+$0xFFFFFF50] =	vst v8;
	v8 =	vor.u32 s16, v1  }
0xea: {  	[tilespmem:s31+$0xFFFFFF70] =	vst v7;
	v7 =	vor.u32 s18, v1;
	v2 =	vld.idx.msk [tilespmem:v2+s2+$0x0], $0xffff  }
0xeb: {  	[tilespmem:s31+$0xFFFFFF90] =	vst v4;
	v4 =	vld.idx.msk [tilespmem:v10+s2+$0x0], $0xffff;
	v10 =	vor.u32 s6, v1  }
0xec: {  	[tilespmem:s31+$0xFFFFFFB0] =	vst v5;
	v5 =	vld.idx.msk [tilespmem:v9+s2+$0x0], $0xffff  }
0xed: {  	[tilespmem:s31+$0xFFFFFFD0] =	vst v11;
	v6 =	vld.idx.msk [tilespmem:v6+s2+$0x0], $0xffff  }
0xee: {  	[tilespmem:s31+$0x0] =	vst v12;
	v8 =	vld.idx.msk [tilespmem:v8+s2+$0x0], $0xffff  }
0xef: {  	v3 =	vld.idx.msk [tilespmem:v7+s2+$0x0], $0xffff;
	[tilespmem:s31+$0xFFFFFF40] =	vst v2  }
0xf0: {  	v2 =	vld.idx.msk [tilespmem:v10+s2+$0x0], $0xffff;
	[tilespmem:s31+$0xFFFFFF60] =	vst v4  }
0xf1: {  	[tilespmem:s31+$0xFFFFFF80] =	vst v5  }
0xf2: {  	[tilespmem:s31+$0xFFFFFFA0] =	vst v6  }
0xf3: {  	[tilespmem:s31+$0xFFFFFFC0] =	vst v8  }
0xf4: {  	[tilespmem:s31+$0xFFFFFFE0] =	vst v3  }
0xf5: {  	s13 =	sadd.s32 s29, s19;
	s15 =	simm.s32 $0x9000;
	[tilespmem:s31+$0xFFFFFF20] =	vst v2  }
0xf6: {  	[hbm4b:s13+s4] =	stream.linear.scatter [tilespmem:s15], [sflag:$0x6], $0x1000, $0x38;
	[tilespmem:$0xC800] =	vst v63  }
0xf7: {  	s3 =	sadd.s32 @!p3 $0x280, s30;
	s11 =	simm.s32 @!p3 $0x2000;
	s6 =	simm.s32 @!p3 $0x0  }
0xf8: {  	[tilespmem:s11], [sflag:$0x2] =	stream.linear.gather @!p3 [hbm4b:s3+s6], $0x400, $0x38;
	[tilespmem:$0xC800] =	vst v63  }
0xf9: {  	s3 =	sadd.s32 @!p3 $0xF4500, s30;
	s11 =	simm.s32 @!p3 $0x2800  }
0xfa: {  	[tilespmem:s11], [sflag:$0x2] =	stream.linear.gather @!p3 [hbm4b:s3+s6], $0x400, $0x38;
	[tilespmem:$0xC800] =	vst v63  }
0xfb: {  	s3 =	sadd.s32 @!p3 $0x1E8780, s30;
	s11 =	simm.s32 @!p3 $0x3000  }
0xfc: {  	[tilespmem:s11], [sflag:$0x2] =	stream.linear.gather @!p3 [hbm4b:s3+s6], $0x400, $0x38;
	[tilespmem:$0xC800] =	vst v63  }
0xfd: {  	s3 =	sadd.s32 @!p3 $0x2DCA00, s30;
	s11 =	simm.s32 @!p3 $0x3800  }
0xfe: {  	[tilespmem:s11], [sflag:$0x2] =	stream.linear.gather @!p3 [hbm4b:s3+s6], $0x400, $0x38;
	[tilespmem:$0xC800] =	vst v63  }
0xff: {  	_ =	swait.ge [sflag:s12], $0x400  }
0x100: {  	[sflag:s12] =	ssyncset.done $0x0  }
0x101: {  	[sflag:s12] =	ssyncadd.s32 $0xFFFFFC00  }
0x102: {  	_ =	swait.ge [sflag:s12], $0x400  }
0x103: {  	[sflag:s12] =	ssyncset.done $0x0  }
0x104: {  	[sflag:s12] =	ssyncadd.s32 $0xFFFFFC00  }
0x105: {  	_ =	swait.ge [sflag:s12], $0x400  }
0x106: {  	[sflag:s12] =	ssyncset.done $0x0  }
0x107: {  	[sflag:s12] =	ssyncadd.s32 $0xFFFFFC00  }
0x108: {  	s3 =	simm.s32 $0x0;
	_ =	swait.ge [sflag:s12], $0x400  }
0x109: {  	s16 =	simm.s32 $0x7;
	v2 =	vor.u32 s3, v0;
	[sflag:s12] =	ssyncset.done $0x0  }
0x10a: {  	s17 =	simm.s32 $0x1;
	v3 =	vor.u32 s16, v0;
	s11 =	simm.s32 @!p2 $0x7;
	[sflag:s12] =	ssyncadd.s32 $0xFFFFFC00  }
0x10b: {  	s18 =	simm.s32 $0x2;
	v4 =	vor.u32 s17, v0;
	_ =	swait.ge @!p2 [sflag:s11], $0x1000  }
0x10c: {  	s24 =	simm.s32 $0x3;
	v5 =	vor.u32 s18, v0;
	[sflag:s11] =	ssyncset.done @!p2 $0x0  }
0x10d: {  	s25 =	simm.s32 $0x4;
	v6 =	vor.u32 s24, v0;
	[sflag:s11] =	ssyncadd.s32 @!p2 $0xFFFFF000  }
0x10e: {  	v7 =	vor.u32 s25, v0;
	s31 =	simm.s32 $0x5;
	v2 =	vld.idx.msk [tilespmem:v2+s0+$0x0], $0xffff  }
0x10f: {  	s23 =	simm.s32 $0x6;
	v8 =	vor.u32 s31, v0;
	v3 =	vld.idx.msk [tilespmem:v3+s0+$0x0], $0xffff  }
0x110: {  	v10 =	vor.u32 s23, v0;
	v4 =	vld.idx.msk [tilespmem:v4+s0+$0x0], $0xffff  }
0x111: {  	v13 =	vor.u32 s17, v1;
	v5 =	vld.idx.msk [tilespmem:v5+s0+$0x0], $0xffff  }
0x112: {  	v11 =	vor.u32 s16, v1;
	v6 =	vld.idx.msk [tilespmem:v6+s0+$0x0], $0xffff  }
0x113: {  	v14 =	vor.u32 s18, v1;
	v15 =	vld.idx.msk [tilespmem:v7+s0+$0x0], $0xffff  }
0x114: {  	v16 =	vor.u32 s24, v1;
	s17 =	simm.s32 $0xA0F0;
	v9 =	vld.idx.msk [tilespmem:v8+s0+$0x0], $0xffff  }
0x115: {  	v12 =	vor.u32 s25, v1;
	v8 =	vld.idx.msk [tilespmem:v10+s0+$0x0], $0xffff;
	[tilespmem:s17+$0xFFFFFF30] =	vst v4  }
0x116: {  	[tilespmem:s17+$0xFFFFFFF0] =	vst v3;
	v4 =	vld.idx.msk [tilespmem:v13+s0+$0x0], $0xffff;
	v13 =	vor.u32 s31, v1  }
0x117: {  	s6 =	simm.s32 $0x8;
	[tilespmem:s17+$0xFFFFFF50] =	vst v5;
	v7 =	vld.idx.msk [tilespmem:v11+s0+$0x0], $0xffff;
	v11 =	vor.u32 s23, v1  }
0x118: {  	[tilespmem:s17+$0xFFFFFF70] =	vst v6;
	v3 =	vor.u32 s6, v0;
	v5 =	vld.idx.msk [tilespmem:v14+s0+$0x0], $0xffff  }
0x119: {  	s18 =	simm.s32 $0x10;
	s24 =	simm.s32 $0xF;
	v10 =	vor.u32 s3, v1;
	[tilespmem:s17+$0xFFFFFF90] =	vst v15;
	v6 =	vld.idx.msk [tilespmem:v16+s0+$0x0], $0xffff  }
.LBB2_7:
0x11a: {  	p4 =	slt.u32 s18, $0x78;
	s3 =	sadd.s32 $0x1, s6;
	v14 =	vor.u32 s24, v0;
	v12 =	vld.idx.msk [tilespmem:v12+s0+$0x0], $0xffff;
	[tilespmem:s17+$0xFFFFFFB0] =	vst v9  }
0x11b: {  	s11 =	sadd.s32 $0x2, s6;
	v9 =	vor.u32 s3, v0;
	v13 =	vld.idx.msk [tilespmem:v13+s0+$0x0], $0xffff;
	[tilespmem:s17+$0xFFFFFFD0] =	vst v8  }
0x11c: {  	s13 =	sadd.s32 $0x3, s6;
	v8 =	vor.u32 s11, v0;
	v11 =	vld.idx.msk [tilespmem:v11+s0+$0x0], $0xffff;
	[tilespmem:s17+$0x0] =	vst v7  }
0x11d: {  	s15 =	sadd.s32 $0x4, s6;
	v7 =	vor.u32 s13, v0;
	[tilespmem:s17+$0xFFFFFF10] =	vst v2;
	v2 =	vld.idx.msk [tilespmem:v3+s0+$0x0], $0xffff  }
0x11e: {  	s16 =	sadd.s32 $0x5, s6;
	v3 =	vor.u32 s15, v0;
	v10 =	vld.idx.msk [tilespmem:v10+s0+$0x0], $0xffff;
	[tilespmem:s17+$0xFFFFFF40] =	vst v4  }
0x11f: {  	s23 =	sadd.s32 $0x6, s6;
	v4 =	vor.u32 s16, v0;
	v14 =	vld.idx.msk [tilespmem:v14+s0+$0x0], $0xffff;
	[tilespmem:s17+$0xFFFFFF60] =	vst v5  }
0x120: {  	v15 =	vor.u32 s23, v0;
	v5 =	vld.idx.msk [tilespmem:v9+s0+$0x0], $0xffff;
	[tilespmem:s17+$0xFFFFFF80] =	vst v6  }
0x121: {  	v16 =	vor.u32 s24, v1;
	v6 =	vld.idx.msk [tilespmem:v8+s0+$0x0], $0xffff;
	[tilespmem:s17+$0xFFFFFFA0] =	vst v12  }
0x122: {  	v17 =	vor.u32 s3, v1;
	v18 =	vld.idx.msk [tilespmem:v7+s0+$0x0], $0xffff;
	[tilespmem:s17+$0xFFFFFFC0] =	vst v13  }
0x123: {  	v19 =	vor.u32 s11, v1;
	v20 =	vld.idx.msk [tilespmem:v3+s0+$0x0], $0xffff;
	[tilespmem:s17+$0xFFFFFFE0] =	vst v11  }
0x124: {  	v21 =	vor.u32 s13, v1;
	v9 =	vld.idx.msk [tilespmem:v4+s0+$0x0], $0xffff;
	[tilespmem:s17+$0xFFFFFF20] =	vst v10;
	s17 =	sadd.s32 $0x100, s17  }
.Ltmp4:
0x125: {  	v12 =	vor.u32 s15, v1;
	v8 =	vld.idx.msk [tilespmem:v15+s0+$0x0], $0xffff;
	[tilespmem:s17+$0xFFFFFFF0] =	vst v14;
	(pc) =	sbr.rel @p4 .LBB2_7-.Ltmp4, $4  }
0x126: {  	v13 =	vor.u32 s16, v1;
	[tilespmem:s17+$0xFFFFFF30] =	vst v5;
	v7 =	vld.idx.msk [tilespmem:v16+s0+$0x0], $0xffff  }
0x127: {  	v11 =	vor.u32 s23, v1;
	v4 =	vld.idx.msk [tilespmem:v17+s0+$0x0], $0xffff;
	[tilespmem:s17+$0xFFFFFF50] =	vst v6  }
0x128: {  	v3 =	vor.u32 s18, v0;
	v5 =	vld.idx.msk [tilespmem:v19+s0+$0x0], $0xffff;
	[tilespmem:s17+$0xFFFFFF70] =	vst v18  }
0x129: {  	s24 =	sadd.s32 $0x7, s18;
	v10 =	vor.u32 s6, v1;
	s6 =	smov.u32 s18;
	s18 =	sadd.s32 $0x8, s18;
	v6 =	vld.idx.msk [tilespmem:v21+s0+$0x0], $0xffff;
	[tilespmem:s17+$0xFFFFFF90] =	vst v20  }
0x12a: {  	_ =	sdelay $0x1  }
0x12b: {  	[tilespmem:s17+$0xFFFFFFB0] =	vst v9  }
0x12c: {  	[tilespmem:s17+$0xFFFFFFD0] =	vst v8  }
0x12d: {  	s3 =	sadd.s32 $0x1, s6;
	v9 =	vor.u32 s24, v0;
	v8 =	vld.idx.msk [tilespmem:v12+s0+$0x0], $0xffff;
	[tilespmem:s17+$0xFFFFFF10] =	vst v2  }
0x12e: {  	s11 =	sadd.s32 $0x2, s6;
	v3 =	vld.idx.msk [tilespmem:v3+s0+$0x0], $0xffff;
	v12 =	vor.u32 s3, v0;
	[tilespmem:s17+$0x0] =	vst v7  }
0x12f: {  	s13 =	sadd.s32 $0x3, s6;
	v7 =	vld.idx.msk [tilespmem:v13+s0+$0x0], $0xffff;
	v13 =	vor.u32 s11, v0;
	[tilespmem:s17+$0xFFFFFF40] =	vst v4  }
0x130: {  	s15 =	sadd.s32 $0x4, s6;
	v2 =	vld.idx.msk [tilespmem:v11+s0+$0x0], $0xffff;
	v11 =	vor.u32 s13, v0;
	[tilespmem:s17+$0xFFFFFF60] =	vst v5  }
0x131: {  	s16 =	sadd.s32 $0x5, s6;
	v10 =	vld.idx.msk [tilespmem:v10+s0+$0x0], $0xffff;
	v4 =	vor.u32 s15, v0;
	[tilespmem:s17+$0xFFFFFF80] =	vst v6  }
0x132: {  	s18 =	sadd.s32 $0x6, s6;
	s31 =	sadd.s32 $0x100, s17;
	v5 =	vor.u32 s16, v0;
	v9 =	vld.idx.msk [tilespmem:v9+s0+$0x0], $0xffff;
	[tilespmem:s17+$0xFFFFFFA0] =	vst v8  }
0x133: {  	[tilespmem:s31+$0xFFFFFF10] =	vst v3;
	v6 =	vld.idx.msk [tilespmem:v12+s0+$0x0], $0xffff;
	v12 =	vor.u32 s18, v0  }
0x134: {  	v8 =	vld.idx.msk [tilespmem:v13+s0+$0x0], $0xffff;
	v13 =	vor.u32 s24, v1;
	[tilespmem:s17+$0xFFFFFFC0] =	vst v7  }
0x135: {  	v7 =	vld.idx.msk [tilespmem:v11+s0+$0x0], $0xffff;
	[tilespmem:s17+$0xFFFFFFE0] =	vst v2;
	v2 =	vor.u32 s3, v1  }
0x136: {  	[tilespmem:s17+$0xFFFFFF20] =	vst v10;
	v10 =	vor.u32 s11, v1;
	v4 =	vld.idx.msk [tilespmem:v4+s0+$0x0], $0xffff  }
0x137: {  	v5 =	vld.idx.msk [tilespmem:v5+s0+$0x0], $0xffff;
	[tilespmem:s31+$0xFFFFFFF0] =	vst v9;
	v9 =	vor.u32 s13, v1  }
0x138: {  	v11 =	vld.idx.msk [tilespmem:v12+s0+$0x0], $0xffff;
	[tilespmem:s31+$0xFFFFFF30] =	vst v6;
	v6 =	vor.u32 s15, v1  }
0x139: {  	v12 =	vld.idx.msk [tilespmem:v13+s0+$0x0], $0xffff;
	[tilespmem:s31+$0xFFFFFF50] =	vst v8;
	v8 =	vor.u32 s16, v1  }
0x13a: {  	[tilespmem:s31+$0xFFFFFF70] =	vst v7;
	v7 =	vor.u32 s18, v1;
	v2 =	vld.idx.msk [tilespmem:v2+s0+$0x0], $0xffff  }
0x13b: {  	[tilespmem:s31+$0xFFFFFF90] =	vst v4;
	v4 =	vld.idx.msk [tilespmem:v10+s0+$0x0], $0xffff;
	v10 =	vor.u32 s6, v1  }
0x13c: {  	[tilespmem:s31+$0xFFFFFFB0] =	vst v5;
	v5 =	vld.idx.msk [tilespmem:v9+s0+$0x0], $0xffff  }
0x13d: {  	[tilespmem:s31+$0xFFFFFFD0] =	vst v11;
	v6 =	vld.idx.msk [tilespmem:v6+s0+$0x0], $0xffff  }
0x13e: {  	[tilespmem:s31+$0x0] =	vst v12;
	v8 =	vld.idx.msk [tilespmem:v8+s0+$0x0], $0xffff  }
0x13f: {  	v3 =	vld.idx.msk [tilespmem:v7+s0+$0x0], $0xffff;
	[tilespmem:s31+$0xFFFFFF40] =	vst v2  }
0x140: {  	v2 =	vld.idx.msk [tilespmem:v10+s0+$0x0], $0xffff;
	[tilespmem:s31+$0xFFFFFF60] =	vst v4  }
0x141: {  	[tilespmem:s31+$0xFFFFFF80] =	vst v5  }
0x142: {  	[tilespmem:s31+$0xFFFFFFA0] =	vst v6  }
0x143: {  	[tilespmem:s31+$0xFFFFFFC0] =	vst v8  }
0x144: {  	[tilespmem:s31+$0xFFFFFFE0] =	vst v3  }
0x145: {  	s15 =	sadd.s32 s29, s20;
	s16 =	simm.s32 $0xA000;
	[tilespmem:s31+$0xFFFFFF20] =	vst v2  }
0x146: {  	[hbm4b:s15+s4] =	stream.linear.scatter [tilespmem:s16], [sflag:$0x7], $0x1000, $0x38;
	[tilespmem:$0xC800] =	vst v63  }
0x147: {  	s3 =	sadd.s32 @!p3 $0x300, s30;
	s11 =	simm.s32 @!p3 $0x4000;
	s6 =	simm.s32 @!p3 $0x0  }
0x148: {  	[tilespmem:s11], [sflag:$0x3] =	stream.linear.gather @!p3 [hbm4b:s3+s6], $0x400, $0x38;
	[tilespmem:$0xC800] =	vst v63  }
0x149: {  	s3 =	sadd.s32 @!p3 $0xF4580, s30;
	s11 =	simm.s32 @!p3 $0x4800  }
0x14a: {  	[tilespmem:s11], [sflag:$0x3] =	stream.linear.gather @!p3 [hbm4b:s3+s6], $0x400, $0x38;
	[tilespmem:$0xC800] =	vst v63  }
0x14b: {  	s3 =	sadd.s32 @!p3 $0x1E8800, s30;
	s11 =	simm.s32 @!p3 $0x5000  }
0x14c: {  	[tilespmem:s11], [sflag:$0x3] =	stream.linear.gather @!p3 [hbm4b:s3+s6], $0x400, $0x38;
	[tilespmem:$0xC800] =	vst v63  }
0x14d: {  	s3 =	sadd.s32 @!p3 $0x2DCA80, s30;
	s11 =	simm.s32 @!p3 $0x5800  }
0x14e: {  	[tilespmem:s11], [sflag:$0x3] =	stream.linear.gather @!p3 [hbm4b:s3+s6], $0x400, $0x38;
	[tilespmem:$0xC800] =	vst v63  }
0x14f: {  	_ =	swait.ge [sflag:s14], $0x400  }
0x150: {  	[sflag:s14] =	ssyncset.done $0x0  }
0x151: {  	[sflag:s14] =	ssyncadd.s32 $0xFFFFFC00  }
0x152: {  	_ =	swait.ge [sflag:s14], $0x400  }
0x153: {  	[sflag:s14] =	ssyncset.done $0x0  }
0x154: {  	[sflag:s14] =	ssyncadd.s32 $0xFFFFFC00  }
0x155: {  	_ =	swait.ge [sflag:s14], $0x400  }
0x156: {  	[sflag:s14] =	ssyncset.done $0x0  }
0x157: {  	[sflag:s14] =	ssyncadd.s32 $0xFFFFFC00  }
0x158: {  	s3 =	simm.s32 $0x0;
	_ =	swait.ge [sflag:s14], $0x400  }
0x159: {  	s17 =	simm.s32 $0x7;
	v2 =	vor.u32 s3, v0;
	[sflag:s14] =	ssyncset.done $0x0  }
0x15a: {  	s18 =	simm.s32 $0x1;
	v3 =	vor.u32 s17, v0;
	s11 =	simm.s32 @!p2 $0x8;
	[sflag:s14] =	ssyncadd.s32 $0xFFFFFC00  }
0x15b: {  	s24 =	simm.s32 $0x2;
	v4 =	vor.u32 s18, v0;
	_ =	swait.ge @!p2 [sflag:s11], $0x1000  }
0x15c: {  	s25 =	simm.s32 $0x3;
	v5 =	vor.u32 s24, v0;
	[sflag:s11] =	ssyncset.done @!p2 $0x0  }
0x15d: {  	v6 =	vor.u32 s25, v0;
	s30 =	simm.s32 $0x4;
	[sflag:s11] =	ssyncadd.s32 @!p2 $0xFFFFF000  }
0x15e: {  	s31 =	simm.s32 $0x5;
	v7 =	vor.u32 s30, v0;
	v2 =	vld.idx.msk [tilespmem:v2+s22+$0x0], $0xffff  }
0x15f: {  	s23 =	simm.s32 $0x6;
	v8 =	vor.u32 s31, v0;
	v3 =	vld.idx.msk [tilespmem:v3+s22+$0x0], $0xffff  }
0x160: {  	v10 =	vor.u32 s23, v0;
	v4 =	vld.idx.msk [tilespmem:v4+s22+$0x0], $0xffff  }
0x161: {  	v13 =	vor.u32 s18, v1;
	v5 =	vld.idx.msk [tilespmem:v5+s22+$0x0], $0xffff  }
0x162: {  	v11 =	vor.u32 s17, v1;
	v6 =	vld.idx.msk [tilespmem:v6+s22+$0x0], $0xffff  }
0x163: {  	v14 =	vor.u32 s24, v1;
	v15 =	vld.idx.msk [tilespmem:v7+s22+$0x0], $0xffff  }
0x164: {  	v16 =	vor.u32 s25, v1;
	s17 =	simm.s32 $0xB0F0;
	v9 =	vld.idx.msk [tilespmem:v8+s22+$0x0], $0xffff  }
0x165: {  	v12 =	vor.u32 s30, v1;
	v8 =	vld.idx.msk [tilespmem:v10+s22+$0x0], $0xffff;
	[tilespmem:s17+$0xFFFFFF30] =	vst v4  }
0x166: {  	[tilespmem:s17+$0xFFFFFFF0] =	vst v3;
	v4 =	vld.idx.msk [tilespmem:v13+s22+$0x0], $0xffff;
	v13 =	vor.u32 s31, v1  }
0x167: {  	s6 =	simm.s32 $0x8;
	[tilespmem:s17+$0xFFFFFF50] =	vst v5;
	v7 =	vld.idx.msk [tilespmem:v11+s22+$0x0], $0xffff;
	v11 =	vor.u32 s23, v1  }
0x168: {  	[tilespmem:s17+$0xFFFFFF70] =	vst v6;
	v3 =	vor.u32 s6, v0;
	v5 =	vld.idx.msk [tilespmem:v14+s22+$0x0], $0xffff  }
0x169: {  	s18 =	simm.s32 $0x10;
	s24 =	simm.s32 $0xF;
	v10 =	vor.u32 s3, v1;
	[tilespmem:s17+$0xFFFFFF90] =	vst v15;
	v6 =	vld.idx.msk [tilespmem:v16+s22+$0x0], $0xffff  }
.LBB2_9:
0x16a: {  	p2 =	slt.u32 s18, $0x78;
	s3 =	sadd.s32 $0x1, s6;
	v14 =	vor.u32 s24, v0;
	v12 =	vld.idx.msk [tilespmem:v12+s22+$0x0], $0xffff;
	[tilespmem:s17+$0xFFFFFFB0] =	vst v9  }
0x16b: {  	s11 =	sadd.s32 $0x2, s6;
	v9 =	vor.u32 s3, v0;
	v13 =	vld.idx.msk [tilespmem:v13+s22+$0x0], $0xffff;
	[tilespmem:s17+$0xFFFFFFD0] =	vst v8  }
0x16c: {  	s13 =	sadd.s32 $0x3, s6;
	v8 =	vor.u32 s11, v0;
	v11 =	vld.idx.msk [tilespmem:v11+s22+$0x0], $0xffff;
	[tilespmem:s17+$0x0] =	vst v7  }
0x16d: {  	s15 =	sadd.s32 $0x4, s6;
	v7 =	vor.u32 s13, v0;
	[tilespmem:s17+$0xFFFFFF10] =	vst v2;
	v2 =	vld.idx.msk [tilespmem:v3+s22+$0x0], $0xffff  }
0x16e: {  	s16 =	sadd.s32 $0x5, s6;
	v3 =	vor.u32 s15, v0;
	v10 =	vld.idx.msk [tilespmem:v10+s22+$0x0], $0xffff;
	[tilespmem:s17+$0xFFFFFF40] =	vst v4  }
0x16f: {  	s23 =	sadd.s32 $0x6, s6;
	v4 =	vor.u32 s16, v0;
	v14 =	vld.idx.msk [tilespmem:v14+s22+$0x0], $0xffff;
	[tilespmem:s17+$0xFFFFFF60] =	vst v5  }
0x170: {  	v15 =	vor.u32 s23, v0;
	v5 =	vld.idx.msk [tilespmem:v9+s22+$0x0], $0xffff;
	[tilespmem:s17+$0xFFFFFF80] =	vst v6  }
0x171: {  	v16 =	vor.u32 s24, v1;
	v6 =	vld.idx.msk [tilespmem:v8+s22+$0x0], $0xffff;
	[tilespmem:s17+$0xFFFFFFA0] =	vst v12  }
0x172: {  	v17 =	vor.u32 s3, v1;
	v18 =	vld.idx.msk [tilespmem:v7+s22+$0x0], $0xffff;
	[tilespmem:s17+$0xFFFFFFC0] =	vst v13  }
0x173: {  	v19 =	vor.u32 s11, v1;
	v20 =	vld.idx.msk [tilespmem:v3+s22+$0x0], $0xffff;
	[tilespmem:s17+$0xFFFFFFE0] =	vst v11  }
0x174: {  	v21 =	vor.u32 s13, v1;
	v9 =	vld.idx.msk [tilespmem:v4+s22+$0x0], $0xffff;
	[tilespmem:s17+$0xFFFFFF20] =	vst v10;
	s17 =	sadd.s32 $0x100, s17  }
.Ltmp5:
0x175: {  	v12 =	vor.u32 s15, v1;
	v8 =	vld.idx.msk [tilespmem:v15+s22+$0x0], $0xffff;
	[tilespmem:s17+$0xFFFFFFF0] =	vst v14;
	(pc) =	sbr.rel @p2 .LBB2_9-.Ltmp5, $4  }
0x176: {  	v13 =	vor.u32 s16, v1;
	[tilespmem:s17+$0xFFFFFF30] =	vst v5;
	v7 =	vld.idx.msk [tilespmem:v16+s22+$0x0], $0xffff  }
0x177: {  	v11 =	vor.u32 s23, v1;
	v4 =	vld.idx.msk [tilespmem:v17+s22+$0x0], $0xffff;
	[tilespmem:s17+$0xFFFFFF50] =	vst v6  }
0x178: {  	v3 =	vor.u32 s18, v0;
	v5 =	vld.idx.msk [tilespmem:v19+s22+$0x0], $0xffff;
	[tilespmem:s17+$0xFFFFFF70] =	vst v18  }
0x179: {  	s24 =	sadd.s32 $0x7, s18;
	v10 =	vor.u32 s6, v1;
	s6 =	smov.u32 s18;
	s18 =	sadd.s32 $0x8, s18;
	v6 =	vld.idx.msk [tilespmem:v21+s22+$0x0], $0xffff;
	[tilespmem:s17+$0xFFFFFF90] =	vst v20  }
0x17a: {  	_ =	sdelay $0x1  }
0x17b: {  	[tilespmem:s17+$0xFFFFFFB0] =	vst v9  }
0x17c: {  	[tilespmem:s17+$0xFFFFFFD0] =	vst v8  }
0x17d: {  	s3 =	sadd.s32 $0x1, s6;
	v41 =	vor.u32 s24, v0;
	v42 =	vld.idx.msk [tilespmem:v12+s22+$0x0], $0xffff;
	[tilespmem:s17+$0xFFFFFF10] =	vst v2  }
0x17e: {  	s11 =	sadd.s32 $0x2, s6;
	v3 =	vld.idx.msk [tilespmem:v3+s22+$0x0], $0xffff;
	v43 =	vor.u32 s3, v0;
	[tilespmem:s17+$0x0] =	vst v7  }
0x17f: {  	s13 =	sadd.s32 $0x3, s6;
	v44 =	vld.idx.msk [tilespmem:v13+s22+$0x0], $0xffff;
	v45 =	vor.u32 s11, v0;
	[tilespmem:s17+$0xFFFFFF40] =	vst v4  }
0x180: {  	s15 =	sadd.s32 $0x4, s6;
	v2 =	vld.idx.msk [tilespmem:v11+s22+$0x0], $0xffff;
	v46 =	vor.u32 s13, v0;
	[tilespmem:s17+$0xFFFFFF60] =	vst v5  }
0x181: {  	s16 =	sadd.s32 $0x5, s6;
	v47 =	vor.u32 s15, v0;
	v10 =	vld.idx.msk [tilespmem:v10+s22+$0x0], $0xffff;
	[tilespmem:s17+$0xFFFFFF80] =	vst v6  }
0x182: {  	s18 =	sadd.s32 $0x6, s6;
	s25 =	sadd.s32 $0x100, s17;
	v48 =	vor.u32 s16, v0;
	v9 =	vld.idx.msk [tilespmem:v41+s22+$0x0], $0xffff;
	[tilespmem:s17+$0xFFFFFFA0] =	vst v42  }
0x183: {  	v50 =	vor.u32 s18, v0;
	[tilespmem:s25+$0xFFFFFF10] =	vst v3;
	v49 =	vld.idx.msk [tilespmem:v43+s22+$0x0], $0xffff  }
0x184: {  	v52 =	vor.u32 s24, v1;
	v51 =	vld.idx.msk [tilespmem:v45+s22+$0x0], $0xffff;
	[tilespmem:s17+$0xFFFFFFC0] =	vst v44  }
0x185: {  	v53 =	vld.idx.msk [tilespmem:v46+s22+$0x0], $0xffff;
	[tilespmem:s17+$0xFFFFFFE0] =	vst v2;
	v2 =	vor.u32 s3, v1  }
0x186: {  	v54 =	vor.u32 s11, v1;
	v4 =	vld.idx.msk [tilespmem:v47+s22+$0x0], $0xffff;
	[tilespmem:s17+$0xFFFFFF20] =	vst v10  }
0x187: {  	v55 =	vor.u32 s13, v1;
	v5 =	vld.idx.msk [tilespmem:v48+s22+$0x0], $0xffff;
	[tilespmem:s25+$0xFFFFFFF0] =	vst v9  }
0x188: {  	v57 =	vor.u32 s15, v1;
	v56 =	vld.idx.msk [tilespmem:v50+s22+$0x0], $0xffff;
	[tilespmem:s25+$0xFFFFFF30] =	vst v49  }
0x189: {  	v59 =	vor.u32 s16, v1;
	v58 =	vld.idx.msk [tilespmem:v52+s22+$0x0], $0xffff;
	[tilespmem:s25+$0xFFFFFF50] =	vst v51  }
0x18a: {  	v60 =	vor.u32 s18, v1;
	[tilespmem:s25+$0xFFFFFF70] =	vst v53;
	v2 =	vld.idx.msk [tilespmem:v2+s22+$0x0], $0xffff  }
0x18b: {  	v62 =	vor.u32 s6, v1;
	[tilespmem:s25+$0xFFFFFF90] =	vst v4;
	v61 =	vld.idx.msk [tilespmem:v54+s22+$0x0], $0xffff  }
0x18c: {  	[tilespmem:s25+$0xFFFFFFB0] =	vst v5;
	v63 =	vld.idx.msk [tilespmem:v55+s22+$0x0], $0xffff  }
0x18d: {  	[tilespmem:s25+$0xFFFFFFD0] =	vst v56;
	v6 =	vld.idx.msk [tilespmem:v57+s22+$0x0], $0xffff  }
0x18e: {  	v8 =	vld.idx.msk [tilespmem:v59+s22+$0x0], $0xffff;
	[tilespmem:s25+$0x0] =	vst v58  }
0x18f: {  	v3 =	vld.idx.msk [tilespmem:v60+s22+$0x0], $0xffff;
	[tilespmem:s25+$0xFFFFFF40] =	vst v2  }
0x190: {  	v2 =	vld.idx.msk [tilespmem:v62+s22+$0x0], $0xffff;
	[tilespmem:s25+$0xFFFFFF60] =	vst v61  }
0x191: {  	[tilespmem:s25+$0xFFFFFF80] =	vst v63  }
.Ltmp6:
0x192: {  	[tilespmem:s25+$0xFFFFFFA0] =	vst v6;
	(pc) =	sbr.rel @p3 .LBB2_12-.Ltmp6, $4  }
0x193: {  	[tilespmem:s25+$0xFFFFFFC0] =	vst v8  }
0x194: {  	[tilespmem:s25+$0xFFFFFFE0] =	vst v3  }
0x195: {  	s30 =	sadd.s32 s29, s21;
	s31 =	simm.s32 $0xB000;
	[tilespmem:s25+$0xFFFFFF20] =	vst v2  }
0x196: {  	[hbm4b:s30+s4] =	stream.linear.scatter [tilespmem:s31], [sflag:$0x8], $0x1000, $0x38;
	[tilespmem:$0xC800] =	vst v63  }
0x197: {  	s3 =	sshll.u32 s28, $0x7  }
0x198: {  	s3 =	sand.u32 $0x1FFFFF80, s3  }
0x199: {  	s3 =	sadd.s32 s1, s3  }
0x19a: {  	s6 =	sadd.s32 $0x380, s3  }
0x19b: {  	[tilespmem:s22], [sflag:$0x4] =	stream.linear.gather [hbm4b:s6+s4], $0x400, $0x38;
	[tilespmem:$0xC800] =	vst v63  }
0x19c: {  	s11 =	simm.s32 $0x6800;
	s28 =	sadd.s32 $0xF4600, s3  }
0x19d: {  	[tilespmem:s11], [sflag:$0x4] =	stream.linear.gather [hbm4b:s28+s4], $0x400, $0x38;
	[tilespmem:$0xC800] =	vst v63  }
.Ltmp7:
0x19e: {  	_ = 	snop;
	(pc) =	sbr.rel .LBB2_2-.Ltmp7, $4  }
0x19f: {  	s30 =	simm.s32 $0x7000;
	s29 =	sadd.s32 $0x1E8880, s3  }
0x1a0: {  	[tilespmem:s30], [sflag:$0x4] =	stream.linear.gather [hbm4b:s29+s4], $0x400, $0x38;
	[tilespmem:$0xC800] =	vst v63  }
0x1a1: {  	s31 =	simm.s32 $0x7800;
	s26 =	sadd.s32 $0x1, s26;
	s3 =	sadd.s32 $0x2DCB00, s3  }
0x1a2: {  	[tilespmem:s31], [sflag:$0x4] =	stream.linear.gather [hbm4b:s3+s4], $0x400, $0x38;
	[tilespmem:$0xC800] =	vst v63  }
.LBB2_12:
0x1a3: {  	s3 =	simm.s32 $0x5  }
0x1a4: {  	_ =	swait.ge [sflag:s3], $0x1000  }
0x1a5: {  	[sflag:s3] =	ssyncset.done $0x0  }
0x1a6: {  	s29 =	simm.s32 $0x6;
	[sflag:s3] =	ssyncadd.s32 $0xFFFFF000  }
0x1a7: {  	_ =	swait.ge [sflag:s29], $0x1000  }
0x1a8: {  	[sflag:s29] =	ssyncset.done $0x0  }
0x1a9: {  	s30 =	simm.s32 $0x7;
	[sflag:s29] =	ssyncadd.s32 $0xFFFFF000  }
0x1aa: {  	_ =	swait.ge [sflag:s30], $0x1000  }
.Ltmp8:
0x1ab: {  	[sflag:s30] =	ssyncset.done $0x0;
	(pc) =	sbr.rel @p1 .LBB2_16-.Ltmp8, $4  }
0x1ac: {  	s31 =	simm.s32 $0x8;
	[sflag:s30] =	ssyncadd.s32 $0xFFFFF000  }
0x1ad: {  	_ =	swait.ge [sflag:s31], $0x1000  }
0x1ae: {  	[sflag:s31] =	ssyncset.done $0x0  }
0x1af: {  	s15 =	rddreg [dreg:$0x1b];
	[sflag:s31] =	ssyncadd.s32 $0xFFFFF000  }
0x1b0: {  	s3 =	simm.s32 $0x0;
	s6 =	rddreg [dreg:$0x10]  }
0x1b1: {  	[tilespmem:s3], [sflag:$0x1] =	stream.linear.gather [hbm4b:s6+s3], $0x400, $0x38;
	[tilespmem:$0xC800] =	vst v63  }
0x1b2: {  	s23 =	rddreg [dreg:$0x19];
	s11 =	simm.s32 $0x800  }
0x1b3: {  	[tilespmem:s11], [sflag:$0x1] =	stream.linear.gather [hbm4b:s23+s3], $0x400, $0x38;
	[tilespmem:$0xC800] =	vst v63  }
0x1b4: {  	s24 =	rddreg [dreg:$0x18];
	s25 =	simm.s32 $0x1000  }
0x1b5: {  	[tilespmem:s25], [sflag:$0x1] =	stream.linear.gather [hbm4b:s24+s3], $0x400, $0x38;
	[tilespmem:$0xC800] =	vst v63  }
0x1b6: {  	s26 =	rddreg [dreg:$0x1a];
	s29 =	simm.s32 $0x1800  }
0x1b7: {  	[tilespmem:s29], [sflag:$0x1] =	stream.linear.gather [hbm4b:s26+s3], $0x400, $0x38;
	[tilespmem:$0xC800] =	vst v63  }
0x1b8: {  	_ =	swait.ge [sflag:s8], $0x400  }
0x1b9: {  	[sflag:s8] =	ssyncset.done $0x0  }
0x1ba: {  	[sflag:s8] =	ssyncadd.s32 $0xFFFFFC00  }
0x1bb: {  	_ =	swait.ge [sflag:s8], $0x400  }
0x1bc: {  	[sflag:s8] =	ssyncset.done $0x0  }
0x1bd: {  	[sflag:s8] =	ssyncadd.s32 $0xFFFFFC00  }
0x1be: {  	_ =	swait.ge [sflag:s8], $0x400  }
0x1bf: {  	s30 =	simm.s32 $0x7;
	v2 =	vor.u32 s3, v0;
	[sflag:s8] =	ssyncset.done $0x0  }
0x1c0: {  	s31 =	simm.s32 $0x1;
	v3 =	vor.u32 s30, v0;
	[sflag:s8] =	ssyncadd.s32 $0xFFFFFC00  }
0x1c1: {  	s13 =	simm.s32 $0x2;
	v4 =	vor.u32 s31, v0;
	_ =	swait.ge [sflag:s8], $0x400  }
0x1c2: {  	s15 =	simm.s32 $0x3;
	v5 =	vor.u32 s13, v0;
	[sflag:s8] =	ssyncset.done $0x0  }
0x1c3: {  	s17 =	simm.s32 $0x5;
	v6 =	vor.u32 s15, v0;
	[sflag:s8] =	ssyncadd.s32 $0xFFFFFC00  }
0x1c4: {  	s18 =	simm.s32 $0x6;
	v8 =	vor.u32 s17, v0;
	v7 =	vld.idx.msk [tilespmem:v2+s4+$0x0], $0xffff  }
0x1c5: {  	s16 =	simm.s32 $0x4;
	v9 =	vor.u32 s18, v0;
	v3 =	vld.idx.msk [tilespmem:v3+s4+$0x0], $0xffff  }
0x1c6: {  	v2 =	vor.u32 s16, v0;
	v4 =	vld.idx.msk [tilespmem:v4+s4+$0x0], $0xffff  }
0x1c7: {  	v10 =	vor.u32 s30, v1;
	v5 =	vld.idx.msk [tilespmem:v5+s4+$0x0], $0xffff  }
0x1c8: {  	v11 =	vor.u32 s31, v1;
	v6 =	vld.idx.msk [tilespmem:v6+s4+$0x0], $0xffff  }
0x1c9: {  	v12 =	vor.u32 s13, v1;
	s6 =	simm.s32 $0x8070;
	v8 =	vld.idx.msk [tilespmem:v8+s4+$0x0], $0xffff  }
0x1ca: {  	v13 =	vor.u32 s15, v1;
	v9 =	vld.idx.msk [tilespmem:v9+s4+$0x0], $0xffff;
	[tilespmem:s6+$0x70] =	vst v3  }
0x1cb: {  	v2 =	vld.idx.msk [tilespmem:v2+s4+$0x0], $0xffff;
	[tilespmem:s6+$0xFFFFFFB0] =	vst v4;
	v3 =	vor.u32 s17, v1  }
0x1cc: {  	[tilespmem:s6+$0xFFFFFFD0] =	vst v5;
	v5 =	vor.u32 s18, v1;
	v4 =	vld.idx.msk [tilespmem:v10+s4+$0x0], $0xffff  }
0x1cd: {  	s29 =	simm.s32 $0xC;
	[tilespmem:s6+$0xFFFFFFF0] =	vst v6;
	v6 =	vor.u32 s3, v1;
	v10 =	vld.idx.msk [tilespmem:v11+s4+$0x0], $0xffff  }
0x1ce: {  	[tilespmem:s6+$0xFFFFFF90] =	vst v7;
	v7 =	vor.u32 s29, v0;
	v12 =	vld.idx.msk [tilespmem:v12+s4+$0x0], $0xffff  }
0x1cf: {  	v14 =	vor.u32 s16, v1;
	s16 =	simm.s32 $0x8;
	[tilespmem:s6+$0x30] =	vst v8;
	v13 =	vld.idx.msk [tilespmem:v13+s4+$0x0], $0xffff  }
0x1d0: {  	s13 =	simm.s32 $0xF;
	[tilespmem:s6+$0x50] =	vst v9;
	v11 =	vor.u32 s16, v0;
	v3 =	vld.idx.msk [tilespmem:v3+s4+$0x0], $0xffff  }
0x1d1: {  	s28 =	simm.s32 $0xE0;
	v15 =	vor.u32 s13, v0;
	s18 =	simm.s32 $0xA;
	v5 =	vld.idx.msk [tilespmem:v5+s4+$0x0], $0xffff  }
0x1d2: {  	s25 =	sor.u32 $0x70, s28;
	s17 =	simm.s32 $0x9;
	v9 =	vor.u32 s18, v0;
	[tilespmem:s6+$0x10] =	vst v2;
	v6 =	vld.idx.msk [tilespmem:v6+s4+$0x0], $0xffff  }
0x1d3: {  	s26 =	simm.s32 $0xB;
	v8 =	vor.u32 s17, v0;
	v17 =	vld.idx.msk [tilespmem:v7+s4+$0x0], $0xffff;
	[tilespmem:s25+$0x8000] =	vst v4  }
0x1d4: {  	s30 =	simm.s32 $0xD;
	v14 =	vld.idx.msk [tilespmem:v14+s4+$0x0], $0xffff;
	v4 =	vor.u32 s26, v0;
	[tilespmem:s6+$0xFFFFFFC0] =	vst v10  }
0x1d5: {  	s23 =	simm.s32 $0xE;
	s24 =	simm.s32 $0xA0;
	v2 =	vld.idx.msk [tilespmem:v11+s4+$0x0], $0xffff;
	v10 =	vor.u32 s30, v0;
	[tilespmem:s6+$0xFFFFFFE0] =	vst v12  }
0x1d6: {  	s24 =	sor.u32 $0x30, s24;
	v11 =	vld.idx.msk [tilespmem:v15+s4+$0x0], $0xffff;
	v12 =	vor.u32 s23, v0;
	[tilespmem:s6+$0x0] =	vst v13;
	s25 =	simm.s32 $0xC0  }
0x1d7: {  	v13 =	vld.idx.msk [tilespmem:v9+s4+$0x0], $0xffff;
	v15 =	vor.u32 s13, v1;
	s31 =	sor.u32 $0x50, s25;
	[tilespmem:s24+$0x8000] =	vst v3  }
0x1d8: {  	v8 =	vld.idx.msk [tilespmem:v8+s4+$0x0], $0xffff;
	v3 =	vor.u32 s18, v1;
	[tilespmem:s31+$0x8000] =	vst v5  }
0x1d9: {  	[tilespmem:s6+$0x20] =	vst v14;
	v14 =	vor.u32 s17, v1;
	v16 =	vld.idx.msk [tilespmem:v4+s4+$0x0], $0xffff  }
0x1da: {  	v18 =	vor.u32 s26, v1;
	[tilespmem:s6+$0xFFFFFFA0] =	vst v6;
	v10 =	vld.idx.msk [tilespmem:v10+s4+$0x0], $0xffff;
	s6 =	simm.s32 $0x8170  }
0x1db: {  	v9 =	vld.idx.msk [tilespmem:v12+s4+$0x0], $0xffff;
	v12 =	vor.u32 s29, v1;
	[tilespmem:s6+$0x70] =	vst v11  }
0x1dc: {  	[tilespmem:s6+$0xFFFFFFD0] =	vst v13;
	v13 =	vor.u32 s30, v1;
	v7 =	vld.idx.msk [tilespmem:v15+s4+$0x0], $0xffff  }
0x1dd: {  	s26 =	simm.s32 $0x10;
	[tilespmem:s6+$0xFFFFFFB0] =	vst v8;
	v11 =	vor.u32 s23, v1;
	v5 =	vld.idx.msk [tilespmem:v3+s4+$0x0], $0xffff  }
0x1de: {  	v3 =	vor.u32 s26, v0;
	v4 =	vld.idx.msk [tilespmem:v14+s4+$0x0], $0xffff;
	[tilespmem:s6+$0xFFFFFFF0] =	vst v16  }
0x1df: {  	s18 =	simm.s32 $0x17;
	s24 =	simm.s32 $0x18;
	s17 =	simm.s32 $0x11;
	v8 =	vor.u32 s16, v1;
	[tilespmem:s6+$0x10] =	vst v17;
	v6 =	vld.idx.msk [tilespmem:v18+s4+$0x0], $0xffff  }
.LBB2_14:
0x1e0: {  	p2 =	slt.u32 s24, $0x78;
	s3 =	sadd.s32 $0x2, s26;
	v14 =	vor.u32 s18, v0;
	v12 =	vld.idx.msk [tilespmem:v12+s4+$0x0], $0xffff;
	[tilespmem:s6+$0x30] =	vst v10;
	s28 =	sadd.s32 $0x100, s28  }
0x1e1: {  	v10 =	vor.u32 s17, v0;
	s11 =	sadd.s32 $0xFFFFFFC0, s28;
	v13 =	vld.idx.msk [tilespmem:v13+s4+$0x0], $0xffff;
	s13 =	sadd.s32 $0xFFFFFFE0, s28;
	[tilespmem:s6+$0x50] =	vst v9;
	s15 =	sor.u32 $0x70, s28  }
0x1e2: {  	s16 =	sadd.s32 $0x3, s26;
	v9 =	vor.u32 s3, v0;
	s11 =	sor.u32 $0x30, s11;
	v11 =	vld.idx.msk [tilespmem:v11+s4+$0x0], $0xffff;
	s13 =	sor.u32 $0x50, s13;
	[tilespmem:s15+$0x8000] =	vst v7  }
0x1e3: {  	s23 =	smov.u32 s26;
	v7 =	vor.u32 s16, v0;
	s15 =	sadd.s32 $0x4, s26;
	s26 =	smov.u32 s24;
	[tilespmem:s6+$0xFFFFFF90] =	vst v2;
	v2 =	vld.idx.msk [tilespmem:v3+s4+$0x0], $0xffff  }
0x1e4: {  	s25 =	sadd.s32 $0x5, s23;
	v3 =	vor.u32 s15, v0;
	v8 =	vld.idx.msk [tilespmem:v8+s4+$0x0], $0xffff;
	[tilespmem:s6+$0xFFFFFFC0] =	vst v4  }
0x1e5: {  	s29 =	sadd.s32 $0x6, s23;
	v4 =	vor.u32 s25, v0;
	v14 =	vld.idx.msk [tilespmem:v14+s4+$0x0], $0xffff;
	[tilespmem:s6+$0xFFFFFFE0] =	vst v5  }
0x1e6: {  	v15 =	vor.u32 s29, v0;
	v5 =	vld.idx.msk [tilespmem:v10+s4+$0x0], $0xffff;
	[tilespmem:s6+$0x0] =	vst v6  }
0x1e7: {  	v16 =	vor.u32 s18, v1;
	v6 =	vld.idx.msk [tilespmem:v9+s4+$0x0], $0xffff;
	[tilespmem:s6+$0x20] =	vst v12  }
0x1e8: {  	v17 =	vor.u32 s17, v1;
	v18 =	vld.idx.msk [tilespmem:v7+s4+$0x0], $0xffff;
	[tilespmem:s11+$0x8000] =	vst v13  }
0x1e9: {  	v19 =	vor.u32 s3, v1;
	v20 =	vld.idx.msk [tilespmem:v3+s4+$0x0], $0xffff;
	[tilespmem:s13+$0x8000] =	vst v11  }
0x1ea: {  	v21 =	vor.u32 s16, v1;
	v10 =	vld.idx.msk [tilespmem:v4+s4+$0x0], $0xffff;
	[tilespmem:s6+$0xFFFFFFA0] =	vst v8;
	s6 =	sadd.s32 $0x100, s6  }
.Ltmp9:
0x1eb: {  	v12 =	vor.u32 s15, v1;
	v9 =	vld.idx.msk [tilespmem:v15+s4+$0x0], $0xffff;
	[tilespmem:s6+$0x70] =	vst v14;
	(pc) =	sbr.rel @p2 .LBB2_14-.Ltmp9, $4  }
0x1ec: {  	v13 =	vor.u32 s25, v1;
	[tilespmem:s6+$0xFFFFFFB0] =	vst v5;
	v7 =	vld.idx.msk [tilespmem:v16+s4+$0x0], $0xffff  }
0x1ed: {  	v11 =	vor.u32 s29, v1;
	v4 =	vld.idx.msk [tilespmem:v17+s4+$0x0], $0xffff;
	[tilespmem:s6+$0xFFFFFFD0] =	vst v6  }
0x1ee: {  	v3 =	vor.u32 s24, v0;
	v5 =	vld.idx.msk [tilespmem:v19+s4+$0x0], $0xffff;
	[tilespmem:s6+$0xFFFFFFF0] =	vst v18  }
0x1ef: {  	s17 =	sadd.s32 $0x1, s26;
	s18 =	sadd.s32 $0x7, s26;
	s24 =	sadd.s32 $0x8, s24;
	v8 =	vor.u32 s23, v1;
	v6 =	vld.idx.msk [tilespmem:v21+s4+$0x0], $0xffff;
	[tilespmem:s6+$0x10] =	vst v20  }
0x1f0: {  	_ =	sdelay $0x1  }
0x1f1: {  	[tilespmem:s6+$0x30] =	vst v10  }
0x1f2: {  	s3 =	sadd.s32 $0x100, s28;
	[tilespmem:s6+$0x50] =	vst v9  }
0x1f3: {  	v41 =	vor.u32 s18, v0;
	v42 =	vld.idx.msk [tilespmem:v12+s4+$0x0], $0xffff;
	[tilespmem:s6+$0xFFFFFF90] =	vst v2;
	s11 =	sor.u32 $0x70, s3  }
0x1f4: {  	s13 =	sadd.s32 $0x2, s26;
	v43 =	vor.u32 s17, v0;
	v3 =	vld.idx.msk [tilespmem:v3+s4+$0x0], $0xffff;
	[tilespmem:s11+$0x8000] =	vst v7  }
0x1f5: {  	s31 =	sadd.s32 $0x3, s26;
	v44 =	vld.idx.msk [tilespmem:v13+s4+$0x0], $0xffff;
	v45 =	vor.u32 s13, v0;
	[tilespmem:s6+$0xFFFFFFC0] =	vst v4  }
0x1f6: {  	s15 =	sadd.s32 $0x4, s26;
	v2 =	vld.idx.msk [tilespmem:v11+s4+$0x0], $0xffff;
	v46 =	vor.u32 s31, v0;
	[tilespmem:s6+$0xFFFFFFE0] =	vst v5  }
0x1f7: {  	s16 =	sadd.s32 $0x5, s26;
	v47 =	vor.u32 s15, v0;
	v8 =	vld.idx.msk [tilespmem:v8+s4+$0x0], $0xffff;
	[tilespmem:s6+$0x0] =	vst v6  }
0x1f8: {  	s24 =	sadd.s32 $0x6, s26;
	s28 =	sadd.s32 $0x100, s6;
	s23 =	sadd.s32 $0xFFFFFFC0, s3;
	v48 =	vor.u32 s16, v0;
	v10 =	vld.idx.msk [tilespmem:v41+s4+$0x0], $0xffff;
	[tilespmem:s6+$0x20] =	vst v42  }
0x1f9: {  	s25 =	sadd.s32 $0xFFFFFFE0, s3;
	v50 =	vor.u32 s24, v0;
	s23 =	sor.u32 $0x30, s23;
	v49 =	vld.idx.msk [tilespmem:v43+s4+$0x0], $0xffff;
	[tilespmem:s28+$0xFFFFFF90] =	vst v3  }
0x1fa: {  	v52 =	vor.u32 s18, v1;
	s25 =	sor.u32 $0x50, s25;
	v51 =	vld.idx.msk [tilespmem:v45+s4+$0x0], $0xffff;
	[tilespmem:s23+$0x8000] =	vst v44  }
0x1fb: {  	v53 =	vld.idx.msk [tilespmem:v46+s4+$0x0], $0xffff;
	[tilespmem:s25+$0x8000] =	vst v2;
	v2 =	vor.u32 s17, v1  }
0x1fc: {  	v54 =	vor.u32 s13, v1;
	v4 =	vld.idx.msk [tilespmem:v47+s4+$0x0], $0xffff;
	[tilespmem:s6+$0xFFFFFFA0] =	vst v8  }
0x1fd: {  	v55 =	vor.u32 s31, v1;
	v5 =	vld.idx.msk [tilespmem:v48+s4+$0x0], $0xffff;
	[tilespmem:s28+$0x70] =	vst v10  }
0x1fe: {  	v57 =	vor.u32 s15, v1;
	v56 =	vld.idx.msk [tilespmem:v50+s4+$0x0], $0xffff;
	[tilespmem:s28+$0xFFFFFFB0] =	vst v49  }
0x1ff: {  	v59 =	vor.u32 s16, v1;
	v58 =	vld.idx.msk [tilespmem:v52+s4+$0x0], $0xffff;
	[tilespmem:s28+$0xFFFFFFD0] =	vst v51  }
0x200: {  	v60 =	vor.u32 s24, v1;
	[tilespmem:s28+$0xFFFFFFF0] =	vst v53;
	v2 =	vld.idx.msk [tilespmem:v2+s4+$0x0], $0xffff  }
0x201: {  	v62 =	vor.u32 s26, v1;
	[tilespmem:s28+$0x10] =	vst v4;
	v61 =	vld.idx.msk [tilespmem:v54+s4+$0x0], $0xffff  }
0x202: {  	s3 =	sadd.s32 $0x100, s3;
	[tilespmem:s28+$0x30] =	vst v5;
	v63 =	vld.idx.msk [tilespmem:v55+s4+$0x0], $0xffff  }
0x203: {  	s29 =	sor.u32 $0x70, s3;
	[tilespmem:s28+$0x50] =	vst v56;
	v6 =	vld.idx.msk [tilespmem:v57+s4+$0x0], $0xffff  }
0x204: {  	v9 =	vld.idx.msk [tilespmem:v59+s4+$0x0], $0xffff;
	[tilespmem:s29+$0x8000] =	vst v58  }
0x205: {  	v3 =	vld.idx.msk [tilespmem:v60+s4+$0x0], $0xffff;
	[tilespmem:s28+$0xFFFFFFC0] =	vst v2  }
0x206: {  	v2 =	vld.idx.msk [tilespmem:v62+s4+$0x0], $0xffff;
	[tilespmem:s28+$0xFFFFFFE0] =	vst v61  }
0x207: {  	s30 =	sadd.s32 $0xFFFFFFC0, s3;
	[tilespmem:s28+$0x0] =	vst v63  }
0x208: {  	s3 =	sadd.s32 $0xFFFFFFE0, s3;
	s11 =	sor.u32 $0x30, s30;
	[tilespmem:s28+$0x20] =	vst v6  }
0x209: {  	s3 =	sor.u32 $0x50, s3;
	[tilespmem:s11+$0x8000] =	vst v9  }
0x20a: {  	[tilespmem:s3+$0x8000] =	vst v3  }
0x20b: {  	[tilespmem:s28+$0xFFFFFFA0] =	vst v2  }
.Ltmp10:
0x20c: {  	s31 =	simm.s32 $0x5;
	s3 =	rddreg [dreg:$0x11];
	(pc) =	sbr.rel .LBB2_16-.Ltmp10, $4  }
0x20d: {  	[hbm4b:s3+s4] =	stream.linear.scatter [tilespmem:s9], [sflag:$0x5], $0x1000, $0x38;
	[tilespmem:$0xC800] =	vst v63  }
0x20e: {  	_ =	swait.ge [sflag:s31], $0x1000  }
0x20f: {  	[sflag:s31] =	ssyncset.done $0x0  }
0x210: {  	s15 =	rddreg [dreg:$0x1b];
	[sflag:s31] =	ssyncadd.s32 $0xFFFFF000  }
.LBB2_17:
0x211: {  	_ =	sfence.sel $0x180000  }
0x212: {  	[bflag:$0x0] =	sbarrier.arrive $0xFFFF  }
0x213: {  	_ =	strace $0x90000047  }
0x214: {  	s0 =	stileid.u32;
	[bflag:$0x2] =	sbarrier.arrive $0xFFFF  }
0x215: {  	p0 =	sne.s32 s0, $0x0;
	s0 =	rddreg [dreg:$0x3]  }
0x216: {  	s0 =	sadd.s32 @!p0 $0x100000, s0  }
0x217: {  	[sflag:s0] =	ssyncadd.tile.s32 @!p0 $0x1;
	_ =	shalt  }
.Lfunc_end2:
_tile_overlayer_lowered:
.L_overlay_start_2:
0x218: {  	(tag) =	ssettag $0x2  }
0x219: {  	s0 =	rddreg [dreg:$0x0];
	s2 =	stileid.u32  }
0x21a: {  	s1 =	rddreg [dreg:$0x1];
	p0 =	sne.s32 s2, $0x0  }
0x21b: {  	s3 =	rddreg [dreg:$0x2];
	[bflag:$0x3] =	sbarrier.arrive $0xFFFF;
	s2 =	simm.s32 @!p0 $0x1C09  }
0x21c: {  	[timem:s3], [sflag:s2] =	dma.local @!p0 [hbm:s0], s1  }
0x21d: {  	s0 =	simm.s32 @!p0 $0x9  }
0x21e: {  	_ =	swait.ge @!p0 [sflag:s0], s1  }
0x21f: {  	s1 =	ssub.s32 @!p0 $0x0, s1;
	[sflag:s0] =	ssyncset.done @!p0 $0x0  }
0x220: {  	[sflag:s0] =	ssyncadd.s32 @!p0 s1  }
0x221: {  	[bflag:$0x3] =	sbarrier.arrive $0xFFFF  }
0x222: {  	_ =	shalt  }

// kernel: _run.7.cloned.1.call-start
scs
__scs_entry_jumppad:
0x0: {  	(pc) =	sbr.rel $0x88, $3  }
0x1: {  	(tag) =	ssettag $0x0;
	lr =	simm.s32 $0x1  }
0x2: {  	[smem:$0x3F9F] =	sst lr;
	_ =	strace $0xD0000000  }
0x3: {  	_ = 	snop  }
0x4: {  	_ = 	snop  }
0x5: {  	_ = 	snop  }
0x6: {  	_ = 	snop  }
0x7: {  	_ = 	snop  }
__scs_overlays_trampoline_lowered:
0x8: {  	[smem:$0x3FAE] =	sst s0  }
0x9: {  	[smem:$0x3FAF] =	sst s1  }
0xa: {  	[smem:$0x3FB0] =	sst s2  }
0xb: {  	[smem:$0x3FB1] =	sst s3  }
0xc: {  	[smem:$0x3FB2] =	sst s4  }
0xd: {  	[smem:$0x3FB3] =	sst s5  }
0xe: {  	[smem:$0x3FB4] =	sst s6  }
0xf: {  	[smem:$0x3FB5] =	sst s7  }
0x10: {  	[smem:$0x3FB6] =	sst s8  }
0x11: {  	[smem:$0x3FB7] =	sst s9;
	s0 =	simm.s32 @!p0 $0x0  }
0x12: {  	s1 =	sld [smem:$0x3F9D];
	s0 =	simm.s32 @p0 $0x1  }
0x13: {  	[smem:$0x3FB8] =	sst s0;
	s0 =	simm.s32 @!p1 $0x0  }
0x14: {  	s2 =	sld [smem:$0x3F9C];
	s0 =	simm.s32 @p1 $0x1  }
0x15: {  	[smem:$0x3FB9] =	sst s0;
	s0 =	simm.s32 @!p2 $0x0  }
0x16: {  	s3 =	sld [smem:$0x3FDB];
	s0 =	simm.s32 @p2 $0x1  }
0x17: {  	s4 =	simm.s32 $0x1BF5;
	[smem:$0x3FBB] =	sst s0  }
0x18: {  	s0 =	sld [smem:$0x3F9E];
	_ =	swait.ge [sflag:s4], $0x0  }
0x19: {  	s7 =	sld [smem:$0x3F9F]  }
0x1a: {  	s8 =	sadd.s32 $0xFFFFE003, lr  }
0x1b: {  	s9 =	sadd.s32 $0xFFFFFEF7, lr;
	s5 =	simm.s32 $0xFFFFFFFF;
	p2 =	slt.u32 s8, $0xFFFFF086  }
0x1c: {  	p1 =	slt.u32 s9, $0xF7A;
	s5 =	simm.s32 @!p2 $0x0  }
0x1d: {  	s5 =	simm.s32 @p1 $0x1;
	p0 =	seq.s32 s7, s2  }
0x1e: {  	s7 =	smul.u32 @!p0 $0xF7A, s2;
	p2 =	seq.s32 @!p0 s5, $0x0  }
0x1f: {  	s9 =	smul.u32 $0xF7A, s1;
	s8 =	simm.s32 @!p0 $0x1BF5;
	p2 =	por !p2, p0  }
0x20: {  	[sflag:s8] =	ssyncset.s32 @!p0 $0xFFFFF086;
	s6 =	sadd.s32 @!p0 s3, s7;
	s7 =	simm.s32 @!p0 $0x108  }
0x21: {  	s3 =	sadd.s32 s3, s9;
	s6 =	sadd.s32 @!p0 $0x88, s6;
	s7 =	simm.s32 @p2 $0x1082  }
0x22: {  	[simem:s7], [sflag:s8] =	dma.local @!p0 [hbm:s6], $0xF7A  }
0x23: {  	s9 =	sor.u32 $0xD0000000, s2;
	s6 =	simm.s32 $0x108;
	_ =	swait.ge @!p0 [sflag:s8], $0x0  }
0x24: {  	s3 =	sadd.s32 $0x88, s3;
	s6 =	simm.s32 @!p1 $0x1082;
	[sflag:s4] =	ssyncset.s32 $0xFFFFF086  }
0x25: {  	[simem:s6], [sflag:s4] =	dma.local [hbm:s3], $0xF7A  }
0x26: {  	[smem:$0x3F9F] =	sst s1;
	(tag) =	ssettag s2;
	_ =	strace s9  }
0x27: {  	s1 =	sld [smem:$0x3FAF]  }
0x28: {  	s2 =	sld [smem:$0x3FB0]  }
0x29: {  	s4 =	sld [smem:$0x3FB2]  }
0x2a: {  	p0 =	seq.s32 s5, $0x0;
	s5 =	sld [smem:$0x3FB3]  }
0x2b: {  	s6 =	sld [smem:$0x3FB4]  }
0x2c: {  	s7 =	sld [smem:$0x3FB5]  }
0x2d: {  	s3 =	simm.s32 $0x108;
	s8 =	sld [smem:$0x3FB6]  }
0x2e: {  	s3 =	simm.s32 @!p0 $0x1082;
	s9 =	sld [smem:$0x3FB7]  }
0x2f: {  	lr =	sadd.s32 s0, s3;
	s0 =	sld [smem:$0x3FAE]  }
0x30: {  	s3 =	sld [smem:$0x3FB1]  }
0x31: {  	[smem:$0x3FBA] =	sst s10  }
0x32: {  	s10 =	sld [smem:$0x3FB8];
	_ =	sdelay $0x3  }
0x33: {  	p0 =	seq.s32 s10, $0x1;
	s10 =	sld [smem:$0x3FBA];
	_ =	sdelay $0x3  }
0x34: {  	[smem:$0x3FBA] =	sst s10  }
0x35: {  	s10 =	sld [smem:$0x3FB9];
	_ =	sdelay $0x3  }
0x36: {  	p1 =	seq.s32 s10, $0x1;
	s10 =	sld [smem:$0x3FBA];
	_ =	sdelay $0x3  }
0x37: {  	[smem:$0x3FBA] =	sst s10  }
0x38: {  	s10 =	sld [smem:$0x3FBB]  }
0x39: {  	_ = 	snop;
	(pc) =	sbr.ind lr, $3  }
0x3a: {  	_ = 	snop  }
0x3b: {  	_ = 	snop  }
0x3c: {  	p2 =	seq.s32 s10, $0x1;
	s10 =	sld [smem:$0x3FBA]  }
0x3d: {  	_ =	shalt  }
0x3e: {  	_ =	shalt  }
0x3f: {  	_ =	shalt  }
0x40: {  	_ =	shalt  }
0x41: {  	_ =	shalt  }
0x42: {  	_ =	shalt  }
0x43: {  	_ =	shalt  }
0x44: {  	_ =	shalt  }
0x45: {  	_ =	shalt  }
0x46: {  	_ =	shalt  }
0x47: {  	_ =	shalt  }
0x48: {  	_ =	shalt  }
0x49: {  	_ =	shalt  }
0x4a: {  	_ =	shalt  }
0x4b: {  	_ =	shalt  }
0x4c: {  	_ =	shalt  }
0x4d: {  	_ =	shalt  }
0x4e: {  	_ =	shalt  }
0x4f: {  	_ =	shalt  }
0x50: {  	_ =	shalt  }
0x51: {  	_ =	shalt  }
0x52: {  	_ =	shalt  }
0x53: {  	_ =	shalt  }
0x54: {  	_ =	shalt  }
0x55: {  	_ =	shalt  }
0x56: {  	_ =	shalt  }
0x57: {  	_ =	shalt  }
0x58: {  	_ =	shalt  }
0x59: {  	_ =	shalt  }
0x5a: {  	_ =	shalt  }
0x5b: {  	_ =	shalt  }
0x5c: {  	_ =	shalt  }
0x5d: {  	_ =	shalt  }
0x5e: {  	_ =	shalt  }
0x5f: {  	_ =	shalt  }
0x60: {  	_ =	shalt  }
0x61: {  	_ =	shalt  }
0x62: {  	_ =	shalt  }
0x63: {  	_ =	shalt  }
0x64: {  	_ =	shalt  }
0x65: {  	_ =	shalt  }
0x66: {  	_ =	shalt  }
0x67: {  	_ =	shalt  }
0x68: {  	_ =	shalt  }
0x69: {  	_ =	shalt  }
0x6a: {  	_ =	shalt  }
0x6b: {  	_ =	shalt  }
0x6c: {  	_ =	shalt  }
0x6d: {  	_ =	shalt  }
0x6e: {  	_ =	shalt  }
0x6f: {  	_ =	shalt  }
0x70: {  	_ =	shalt  }
0x71: {  	_ =	shalt  }
0x72: {  	_ =	shalt  }
0x73: {  	_ =	shalt  }
0x74: {  	_ =	shalt  }
0x75: {  	_ =	shalt  }
0x76: {  	_ =	shalt  }
0x77: {  	_ =	shalt  }
0x78: {  	_ =	shalt  }
0x79: {  	_ =	shalt  }
0x7a: {  	_ =	shalt  }
0x7b: {  	_ =	shalt  }
0x7c: {  	_ =	shalt  }
0x7d: {  	_ =	shalt  }
0x7e: {  	_ =	shalt  }
0x7f: {  	_ =	shalt  }
0x80: {  	_ =	shalt  }
0x81: {  	_ =	shalt  }
0x82: {  	_ =	shalt  }
0x83: {  	_ =	shalt  }
0x84: {  	_ =	shalt  }
0x85: {  	_ =	shalt  }
0x86: {  	_ =	shalt  }
0x87: {  	_ =	shalt  }
.Lfunc_end0:
.L_simem_size_0:
called_computation.1_lowered:
.L_overlay_start_0:
0x88: {  	s2 =	sld [smem:$0x3FD9]  }
0x89: {  	s3 =	sld [smem:$0x3FFE];
	_ =	sdelay $0x1  }
0x8a: {  	s1 =	srdreg.scid  }
0x8b: {  	s0 =	sand.u32 $0x1, s1  }
0x8c: {  	s17 =	sshll.u32 s0, $0xA;
	s2 =	sadd.s32 s3, s2  }
0x8d: {  	s2 =	sadd.s32 s2, s17  }
0x8e: {  	[smem:$0x3FC6] =	sst s2  }
0x8f: {  	_ = 	snop  }
0x90: {  	s2 =	sld [smem:$0x3FD0];
	(tm) =	ssettm $0x1  }
0x91: {  	s18 =	sld [smem:$0x3FFB];
	_ =	sdelay $0x3  }
0x92: {  	_ =	strace s18  }
0x93: {  	s3 =	sld [smem:$0x3FFC];
	_ =	sdelay $0x3  }
0x94: {  	_ =	strace s3  }
0x95: {  	s3 =	sld [smem:$0x3FFD];
	_ =	sdelay $0x3  }
0x96: {  	_ =	strace s3  }
0x97: {  	_ =	strace $0x8FFFFFFF  }
0x98: {  	s19 =	sld [smem:$0x3FDB];
	_ =	sdelay $0x1  }
0x99: {  	s4 =	simm.s32 $_scs_section_size  }
0x9a: {  	s5 =	simm.s32 $_size__tile_overlayer_lowered;
	s6 =	simm.s32 $_tile_overlayer_lowered  }
0x9b: {  	s22 =	simm.s32 $0x1BFF;
	s21 =	sshll.u32 s6, $0x1;
	s3 =	sadd.s32 s4, s19  }
0x9c: {  	s7 =	simm.s32 $0x0;
	s20 =	sshll.u32 s5, $0x1;
	s5 =	sadd.s32 s21, s3  }
0x9d: {  	[timem:s7], [sflag:s22] =	dma.local [hbm:s5], s20  }
0x9e: {  	_ =	swait.ge [sflag:s22], s20  }
0x9f: {  	s4 =	ssub.s32 $0x0, s20;
	[sflag:s22] =	ssyncset.done $0x0  }
0xa0: {  	[sflag:s22] =	ssyncadd.s32 s4;
	_ =	sdelay $0x1  }
0xa1: {  	s23 =	simm.s32 $0x1B8B  }
0xa2: {  	_ =	swait.ge [sflag:s23], $0x1  }
0xa3: {  	[sflag:s23] =	ssyncset.done $0x0  }
0xa4: {  	s25 =	simm.s32 $0x1B8E;
	s24 =	sld [smem:$0x3FFE];
	[sflag:s23] =	ssyncadd.s32 $0xFFFFFFFF  }
0xa5: {  	s26 =	simm.s32 $execute0_lowered;
	[smem:$0x3FD2] =	sst s25  }
0xa6: {  	s5 =	sshll.u32 s26, $0x1;
	_ =	strace $0x80000049;
	[dreg:$0x1] =	wrdreg $0xFFFFFFFF  }
0xa7: {  	s28 =	simm.s32 $_size_execute0_lowered;
	s3 =	sadd.s32 s3, s5;
	[dreg:$0x0] =	wrdreg $0x0  }
0xa8: {  	s5 =	sshll.u32 s28, $0x1;
	[dreg:$0x2] =	wrdreg s3  }
0xa9: {  	[dreg:$0x3] =	wrdreg s5  }
0xaa: {  	[dreg:$0x4] =	wrdreg $0xC0  }
0xab: {  	_ =	task [dreg:s7], $0x5FFFF  }
0xac: {  	[dreg:$0x1] =	wrdreg $0xFFFFFFFF  }
0xad: {  	[dreg:$0x0] =	wrdreg $0x60  }
0xae: {  	[dreg:$0x2] =	wrdreg s24  }
0xaf: {  	[dreg:$0x3] =	wrdreg s2  }
0xb0: {  	[dreg:$0x4] =	wrdreg $0x9  }
0xb1: {  	_ =	task.clear_ibuf [dreg:s7], $0x5FFFF;
	_ =	strace $0x90000049  }
0xb2: {  	s29 =	simm.s32 $0x9;
	_ =	strace $0x8000004B  }
0xb3: {  	_ =	swait.ge [sflag:s29], $0x1  }
0xb4: {  	[sflag:s29] =	ssyncadd.s32 $0xFFFFFFFF  }
0xb5: {  	_ =	strace $0x9000004B  }
0xb6: {  	_ =	sfence  }
0xb7: {  	s30 =	sld [smem:$0x0];
	_ =	sdelay $0x2  }
0xb8: {  	s31 =	sshll.u32 s1, $0xD;
	s1 =	sshrl.u32 s1, $0x2  }
0xb9: {  	s3 =	sand.u32 $0x4000, s31;
	s1 =	sadd.s32 s1, s30  }
0xba: {  	s0 =	sor.u32 s3, s0;
	s1 =	sshll.u32 s1, $0x11  }
0xbb: {  	s0 =	sor.u32 s1, s0  }
0xbc: {  	s0 =	sadd.s32 $0x8F2B, s0  }
0xbd: {  	[sflag:s0] =	ssyncadd.remote.s32 $0x1  }
0xbe: {  	_ =	sfence.sel $0xFFFF  }
0xbf: {  	[dreg:$0x0] =	wrdreg $0xFFFFFFFF;
	(pc) =	sbr.abs _section_cstart, $3  }
0xc0: {  	[dreg:$0x1] =	wrdreg $0xFFFFFFFF  }
0xc1: {  	_ =	task.clear_ibuf [dreg:s7], $0x2FFFF;
	_ =	strace $0x9FFFFFFF  }
0xc2: {  	(tm) =	ssettm $0x7FFFFFFF  }
0xc3: {  	_ =	shalt  }
tec
execute0_lowered:
.L_overlay_start_1:
0x0: {  	(tag) =	ssettag $0x1  }
0x1: {  	s0 =	rddreg [dreg:$0x0]  }
0x2: {  	s7 =	rddreg [dreg:$0x1]  }
0x3: {  	s1 =	srdreg.scid;
	s2 =	stileid.u32;
	s3 =	simm.s32 $0x0  }
0x4: {  	s9 =	simm.s32 $0x80;
	s14 =	simm.s32 $0x1;
	s15 =	simm.s32 $0x8400  }
0x5: {  	s23 =	simm.s32 $0x2;
	s24 =	simm.s32 $0x4;
	s19 =	simm.s32 $0x9E90  }
0x6: {  	s20 =	simm.s32 $0x9F18;
	s21 =	simm.s32 $0x9FA0;
	s22 =	simm.s32 $0xA028  }
0x7: {  	s28 =	simm.s32 $0xA138;
	s29 =	simm.s32 $0xA1C0;
	s30 =	simm.s32 $0xA248  }
0x8: {  	s31 =	simm.s32 $0xA2D0;
	s10 =	simm.s32 $0xA468;
	s8 =	simm.s32 $0xA578  }
0x9: {  	v0 =	vlaneseq.u32;
	s11 =	simm.s32 $0x0;
	s1 =	sand.u32 $0x1, s1;
	s2 =	sshll.u32 s2, $0x1  }
0xa: {  	v1 =	vimm.s32 $0x0;
	vm0 =	vcmask $0x300;
	[smem:$0x7FF] =	sst s3;
	s7 =	sadd.s32 $0x4000, s7;
	v0 =	vmul.u32 $0x88, v0;
	s2 =	sor.u32 s1, s2  }
0xb: {  	v1 =	vsel vm0, $0x3, v1;
	s1 =	ssub.s32 $0x2, s1;
	_ =	strace $0x8000004A;
	s4 =	sshll.u32 s2, $0x4  }
.Ltmp0:
0xc: {  	s5 =	sshrl.u32 s1, $0x1;
	v2 =	vadd.s32 $0x880, v0;
	v3 =	vor.u32 $0x1, v0;
	v4 =	vadd.s32 $0x881, v0;
	s6 =	sadd.s32 s4, s0;
	(pc) =	sbr.rel .LBB2_1-.Ltmp0, $4  }
0xd: {  	v5 =	vor.u32 $0x2, v0;
	v6 =	vadd.s32 $0x882, v0;
	v7 =	vor.u32 $0x3, v0;
	s4 =	sadd.s32 $0xA00, s0;
	s25 =	ssub.s32 s1, s5;
	s1 =	simm.s32 $0xA3E0  }
0xe: {  	v8 =	vadd.s32 $0x883, v0;
	v9 =	vor.u32 $0x4, v0;
	v10 =	vadd.s32 $0x884, v0;
	s5 =	simm.s32 $0xA4F0;
	s26 =	sadd.s32 $0x3D1400, s6;
	s6 =	sshll.u32 s2, $0x7  }
0xf: {  	v11 =	vor.u32 $0x5, v0;
	v12 =	vadd.s32 $0x885, v0;
	v13 =	vor.u32 $0x6, v0;
	s0 =	smax.u32 s25, $0x1;
	s25 =	simm.s32 $0x9500;
	[dreg:$0x3] =	wrdreg s26  }
0x10: {  	v14 =	vadd.s32 $0x886, v0;
	v15 =	vor.u32 $0x7, v0;
	v16 =	vadd.s32 $0x887, v0;
	[dreg:$0x4] =	wrdreg s0;
	s26 =	simm.s32 $0xA0B0;
	s0 =	simm.s32 $0xA358  }
.LBB2_12:
0x11: {  	s2 =	simm.s32 $0x3  }
0x12: {  	_ =	swait.ge [sflag:s2], $0x1000  }
0x13: {  	[sflag:s2] =	ssyncset.done $0x0  }
0x14: {  	[sflag:s2] =	ssyncadd.s32 $0xFFFFF000  }
0x15: {  	_ =	swait.ge [sflag:s24], $0x1000  }
0x16: {  	s11 =	rddreg [dreg:$0x5]  }
0x17: {  	s18 =	rddreg [dreg:$0x4];
	s11 =	sadd.s32 $0x1, s11  }
0x18: {  	p0 =	sne.s32 s11, s18  }
.Ltmp1:
0x19: {  	_ = 	snop;
	(pc) =	sbr.rel @!p0 .LBB2_13-.Ltmp1, $3  }
0x1a: {  	_ =	sdelay $0x1  }
0x1b: {  	[sflag:s24] =	ssyncset.done $0x0  }
0x1c: {  	[sflag:s24] =	ssyncadd.s32 $0xFFFFF000  }
.LBB2_1:
0x1d: {  	[dreg:$0x5] =	wrdreg s11  }
0x1e: {  	s2 =	rddreg [dreg:$0x3];
	s13 =	simm.s32 $0x1000;
	s16 =	simm.s32 $0x5  }
0x1f: {  	[tilespmem:s3], [sflag:$0x5] =	stream.strided.gather [hbm4b:s2+s9], $0x6400, s13, s9, $0x38;
	[tilespmem:$0xA600] =	vst v63  }
0x20: {  	_ =	swait.ge [sflag:s16], $0x6400  }
0x21: {  	[sflag:s16] =	ssyncset.done $0x0  }
0x22: {  	s17 =	simm.s32 $0x6400;
	[sflag:s16] =	ssyncadd.s32 $0xFFFF9C00  }
0x23: {  	[tilespmem:s17], [sflag:$0x1] =	stream.indirect.gather [hbm4b:s4+s9], $0x20, s3, s9, $0xb8;
	[tilespmem:$0xA600] =	vst v63  }
0x24: {  	s18 =	simm.s32 $0x7400;
	s11 =	simm.s32 $0x0  }
0x25: {  	[tilespmem:s18], [sflag:$0x2] =	stream.indirect.gather [hbm4b:s4+s9], $0x20, s9, s9, $0xb8;
	[tilespmem:$0xA600] =	vst v63  }
.LBB2_2:
0x26: {  	s2 =	simm.s32 $0x0;
	_ =	swait.ge [sflag:s14], $0x1000  }
0x27: {  	s17 =	simm.s32 $0x1;
	s12 =	simm.s32 $0x2;
	s18 =	simm.s32 $0x3;
	v17 =	vmov s2  }
0x28: {  	s16 =	simm.s32 $0x4;
	s13 =	simm.s32 $0x7;
	p0 =	seq.s32 s11, $0x0;
	v18 =	vmov s17;
	v19 =	vmov s12;
	v20 =	vmov s18  }
0x29: {  	[sflag:s14] =	ssyncset.done $0x0;
	s17 =	simm.s32 $0x5;
	v21 =	vmov s16;
	v22 =	vmov s13;
	s18 =	simm.s32 $0x6;
	v17 =	vshrl.u32 v17, $0x3  }
0x2a: {  	s12 =	simm.s32 @!p0 $0x3;
	[sflag:s14] =	ssyncadd.s32 $0xFFFFF000;
	v23 =	vmov s17;
	v22 =	vshrl.u32 v22, $0x3;
	v24 =	vmov s18  }
0x2b: {  	v18 =	vshrl.u32 v18, $0x3;
	v19 =	vshrl.u32 v19, $0x3;
	_ =	swait.ge @!p0 [sflag:s12], $0x1000;
	v22 =	vshll.u32 v22, v1  }
0x2c: {  	v20 =	vshrl.u32 v20, $0x3;
	v17 =	vshll.u32 v17, v1;
	[sflag:s12] =	ssyncset.done @!p0 $0x0;
	v25 =	vbroadcast v22, $0x0  }
0x2d: {  	s2 =	simm.s32 $0x6480;
	v18 =	vshll.u32 v18, v1;
	v22 =	vshrl.u32 v21, $0x3;
	v17 =	vbroadcast v17, $0x0;
	[sflag:s12] =	ssyncadd.s32 @!p0 $0xFFFFF000  }
0x2e: {  	v32 =	vbroadcast v18, $0x0;
	v18 =	vshll.u32 v19, v1;
	v19 =	vld [tilespmem:s2+$0x60];
	v26 =	vadd.s32 v15, v25  }
0x2f: {  	v37 =	vbroadcast v18, $0x0;
	v18 =	vshll.u32 v20, v1;
	v27 =	vld [tilespmem:s2+$0xFFFFFF80];
	v28 =	vadd.s32 v0, v17  }
0x30: {  	v29 =	vld [tilespmem:s2+$0xFFFFFFA0];
	v30 =	vadd.s32 v3, v32;
	v21 =	vbroadcast v18, $0x0;
	v18 =	vshll.u32 v22, v1  }
0x31: {  	v31 =	vld [tilespmem:s2+$0xFFFFFFC0];
	v33 =	vadd.s32 v5, v37;
	v20 =	vbroadcast v18, $0x0;
	v18 =	vshrl.u32 v23, $0x3  }
0x32: {  	v34 =	vld [tilespmem:s2+$0xFFFFFFE0];
	v23 =	vshrl.u32 v24, $0x3;
	v39 =	vadd.s32 v7, v21;
	v18 =	vshll.u32 v18, v1  }
0x33: {  	s16 =	simm.s32 $0x9;
	v40 =	vld [tilespmem:s2+$0x0];
	v41 =	vadd.s32 v9, v20;
	v22 =	vbroadcast v18, $0x0;
	v18 =	vshll.u32 v23, v1;
	[tilespmem:v26+s15+$0x0] =	vst.idx.msk $0xffff, v19  }
0x34: {  	v36 =	vmov s16;
	s17 =	simm.s32 $0xA;
	v25 =	vadd.s32 v16, v25;
	v23 =	vbroadcast v18, $0x0;
	[tilespmem:v28+s15+$0x0] =	vst.idx.msk $0xffff, v27;
	v24 =	vld [tilespmem:s2+$0x70]  }
0x35: {  	s13 =	simm.s32 $0x8;
	v38 =	vmov s17;
	v35 =	vadd.s32 v4, v32;
	[tilespmem:v30+s15+$0x0] =	vst.idx.msk $0xffff, v29;
	v26 =	vld [tilespmem:s2+$0x20];
	v27 =	vadd.s32 v11, v22  }
0x36: {  	s18 =	simm.s32 $0xB;
	s17 =	simm.s32 $0xD;
	v37 =	vadd.s32 v6, v37;
	v19 =	vmov s13;
	v29 =	vld [tilespmem:s2+$0x40];
	[tilespmem:v33+s15+$0x0] =	vst.idx.msk $0xffff, v31;
	v30 =	vadd.s32 v13, v23  }
0x37: {  	s16 =	simm.s32 $0xC;
	v18 =	vmov s17;
	v28 =	vmov s18;
	s18 =	simm.s32 $0xE;
	v19 =	vshrl.u32 v19, $0x3;
	v33 =	vld [tilespmem:s2+$0xFFFFFFB0];
	[tilespmem:v39+s15+$0x0] =	vst.idx.msk $0xffff, v34  }
0x38: {  	s12 =	sshll.u32 s11, $0xA;
	s13 =	simm.s32 $0x10;
	v31 =	vmov s16;
	s16 =	simm.s32 $0xF;
	v32 =	vshll.u32 v19, v1;
	v19 =	vmov s18;
	v34 =	vld [tilespmem:s2+$0xFFFFFFD0];
	[tilespmem:v41+s15+$0x0] =	vst.idx.msk $0xffff, v40  }
.LBB2_3:
0x39: {  	p1 =	slt.u32 s13, $0x78;
	v36 =	vshrl.u32 v36, $0x3;
	v39 =	vmov s16;
	v40 =	vld [tilespmem:s2+$0xFFFFFFF0];
	v21 =	vadd.s32 v8, v21;
	[tilespmem:v25+s15+$0x0] =	vst.idx.msk $0xffff, v24  }
0x3a: {  	v24 =	vshrl.u32 v38, $0x3;
	v20 =	vadd.s32 v10, v20;
	v25 =	vshrl.u32 v39, $0x3;
	v38 =	vld [tilespmem:s2+$0x10];
	[tilespmem:v27+s15+$0x0] =	vst.idx.msk $0xffff, v26  }
0x3b: {  	v22 =	vadd.s32 v12, v22;
	v26 =	vshrl.u32 v28, $0x3;
	v25 =	vshll.u32 v25, v1;
	v27 =	vld [tilespmem:s2+$0x30];
	[tilespmem:v30+s15+$0x0] =	vst.idx.msk $0xffff, v29  }
0x3c: {  	v23 =	vadd.s32 v14, v23;
	v28 =	vshrl.u32 v31, $0x3;
	v25 =	vbroadcast v25, $0x0;
	[tilespmem:v35+s15+$0x0] =	vst.idx.msk $0xffff, v33;
	v29 =	vld [tilespmem:s2+$0x50]  }
0x3d: {  	v30 =	vshll.u32 v36, v1;
	v33 =	vadd.s32 v2, v17;
	v17 =	vbroadcast v32, $0x0;
	v31 =	vld [tilespmem:s2+$0xFFFFFF90];
	[tilespmem:v37+s15+$0x0] =	vst.idx.msk $0xffff, v34;
	s2 =	sadd.s32 $0x100, s2  }
0x3e: {  	v24 =	vshll.u32 v24, v1;
	v32 =	vbroadcast v30, $0x0;
	v30 =	vld [tilespmem:s2+$0x60];
	v34 =	vadd.s32 v15, v25;
	[tilespmem:v21+s15+$0x0] =	vst.idx.msk $0xffff, v40  }
0x3f: {  	v37 =	vbroadcast v24, $0x0;
	v36 =	vadd.s32 v0, v17;
	v21 =	vshll.u32 v26, v1;
	v35 =	vld [tilespmem:s2+$0xFFFFFF80];
	[tilespmem:v20+s15+$0x0] =	vst.idx.msk $0xffff, v38  }
0x40: {  	v38 =	vadd.s32 v3, v32;
	v21 =	vbroadcast v21, $0x0;
	v20 =	vshll.u32 v28, v1;
	v26 =	vld [tilespmem:s2+$0xFFFFFFA0];
	[tilespmem:v22+s15+$0x0] =	vst.idx.msk $0xffff, v27  }
0x41: {  	v18 =	vshrl.u32 v18, $0x3;
	v40 =	vadd.s32 v5, v37;
	v20 =	vbroadcast v20, $0x0;
	v39 =	vld [tilespmem:s2+$0xFFFFFFC0];
	[tilespmem:v23+s15+$0x0] =	vst.idx.msk $0xffff, v29  }
0x42: {  	v19 =	vshrl.u32 v19, $0x3;
	v18 =	vshll.u32 v18, v1;
	v42 =	vadd.s32 v7, v21;
	v41 =	vld [tilespmem:s2+$0xFFFFFFE0];
	[tilespmem:v33+s15+$0x0] =	vst.idx.msk $0xffff, v31  }
0x43: {  	v22 =	vbroadcast v18, $0x0;
	v18 =	vshll.u32 v19, v1;
	v44 =	vadd.s32 v9, v20;
	v43 =	vld [tilespmem:s2+$0x0];
	[tilespmem:v34+s15+$0x0] =	vst.idx.msk $0xffff, v30  }
.Ltmp2:
0x44: {  	s16 =	sadd.s32 $0x1, s13;
	v25 =	vadd.s32 v16, v25;
	v19 =	vmov s13;
	v23 =	vbroadcast v18, $0x0;
	[tilespmem:v36+s15+$0x0] =	vst.idx.msk $0xffff, v35;
	v24 =	vld [tilespmem:s2+$0x70];
	(pc) =	sbr.rel @p1 .LBB2_3-.Ltmp2, $4  }
0x45: {  	s17 =	sadd.s32 $0x3, s13;
	v19 =	vshrl.u32 v19, $0x3;
	v27 =	vadd.s32 v11, v22;
	v36 =	vmov s16;
	s16 =	sadd.s32 $0x2, s13;
	[tilespmem:v38+s15+$0x0] =	vst.idx.msk $0xffff, v26;
	v26 =	vld [tilespmem:s2+$0x20]  }
0x46: {  	v28 =	vmov s17;
	s17 =	sadd.s32 $0x5, s13;
	v30 =	vadd.s32 v13, v23;
	v38 =	vmov s16;
	s16 =	sadd.s32 $0x4, s13;
	[tilespmem:v40+s15+$0x0] =	vst.idx.msk $0xffff, v39;
	v29 =	vld [tilespmem:s2+$0x40]  }
0x47: {  	v18 =	vmov s17;
	v35 =	vadd.s32 v4, v32;
	v31 =	vmov s16;
	s16 =	sadd.s32 $0x6, s13;
	v33 =	vld [tilespmem:s2+$0xFFFFFFB0];
	[tilespmem:v42+s15+$0x0] =	vst.idx.msk $0xffff, v41  }
0x48: {  	v37 =	vadd.s32 v6, v37;
	v32 =	vshll.u32 v19, v1;
	v19 =	vmov s16;
	s16 =	sadd.s32 $0x7, s13;
	s13 =	sadd.s32 $0x8, s13;
	v34 =	vld [tilespmem:s2+$0xFFFFFFD0];
	[tilespmem:v44+s15+$0x0] =	vst.idx.msk $0xffff, v43  }
0x49: {  	_ =	sdelay $0x2  }
0x4a: {  	v36 =	vshrl.u32 v36, $0x3;
	v39 =	vmov s16  }
0x4b: {  	v40 =	vld [tilespmem:s2+$0xFFFFFFF0];
	v21 =	vadd.s32 v8, v21;
	[tilespmem:v25+s15+$0x0] =	vst.idx.msk $0xffff, v24;
	v58 =	vshrl.u32 v38, $0x3;
	v20 =	vadd.s32 v10, v20  }
0x4c: {  	v60 =	vld [tilespmem:s2+$0x10];
	v61 =	vshrl.u32 v28, $0x3;
	v22 =	vadd.s32 v12, v22;
	v62 =	vshrl.u32 v31, $0x3;
	[tilespmem:v27+s15+$0x0] =	vst.idx.msk $0xffff, v26  }
0x4d: {  	v23 =	vadd.s32 v14, v23;
	v63 =	vbroadcast v32, $0x0;
	v41 =	vld [tilespmem:s2+$0xFFFFFF90];
	v17 =	vadd.s32 v2, v17;
	[tilespmem:v30+s15+$0x0] =	vst.idx.msk $0xffff, v29  }
0x4e: {  	s16 =	sadd.s32 $0x100, s2;
	v18 =	vshrl.u32 v18, $0x3;
	v59 =	vshrl.u32 v39, $0x3;
	v39 =	vshll.u32 v36, v1;
	v27 =	vld [tilespmem:s2+$0x30];
	[tilespmem:v35+s15+$0x0] =	vst.idx.msk $0xffff, v33  }
0x4f: {  	v24 =	vshll.u32 v58, v1;
	v44 =	vld [tilespmem:s16+$0xFFFFFF80];
	v31 =	vbroadcast v39, $0x0;
	v45 =	vadd.s32 v0, v63;
	[tilespmem:v37+s15+$0x0] =	vst.idx.msk $0xffff, v34  }
0x50: {  	v19 =	vshrl.u32 v19, $0x3;
	v26 =	vshll.u32 v61, v1;
	v24 =	vbroadcast v24, $0x0;
	v29 =	vld [tilespmem:s2+$0x50];
	[tilespmem:v21+s15+$0x0] =	vst.idx.msk $0xffff, v40  }
0x51: {  	v46 =	vld [tilespmem:s16+$0xFFFFFFA0];
	v18 =	vshll.u32 v18, v1;
	v26 =	vbroadcast v26, $0x0;
	v47 =	vadd.s32 v3, v31;
	[tilespmem:v20+s15+$0x0] =	vst.idx.msk $0xffff, v60  }
0x52: {  	v48 =	vld [tilespmem:s16+$0xFFFFFFC0];
	v19 =	vshll.u32 v19, v1;
	v18 =	vbroadcast v18, $0x0;
	v49 =	vadd.s32 v5, v24;
	[tilespmem:v17+s15+$0x0] =	vst.idx.msk $0xffff, v41  }
0x53: {  	v28 =	vshll.u32 v62, v1;
	v50 =	vld [tilespmem:s16+$0xFFFFFFE0];
	v19 =	vbroadcast v19, $0x0;
	v51 =	vadd.s32 v7, v26;
	[tilespmem:v22+s15+$0x0] =	vst.idx.msk $0xffff, v27  }
0x54: {  	v54 =	vld [tilespmem:s16+$0x20];
	v25 =	vshll.u32 v59, v1;
	v28 =	vbroadcast v28, $0x0;
	v55 =	vadd.s32 v11, v18;
	[tilespmem:v45+s15+$0x0] =	vst.idx.msk $0xffff, v44  }
0x55: {  	v56 =	vld [tilespmem:s16+$0x40];
	v25 =	vbroadcast v25, $0x0;
	v57 =	vadd.s32 v13, v19;
	[tilespmem:v23+s15+$0x0] =	vst.idx.msk $0xffff, v29  }
0x56: {  	v52 =	vadd.s32 v9, v28;
	v17 =	vld [tilespmem:s16+$0x0];
	[tilespmem:v47+s15+$0x0] =	vst.idx.msk $0xffff, v46  }
0x57: {  	v42 =	vld [tilespmem:s16+$0x60];
	v43 =	vadd.s32 v15, v25;
	[tilespmem:v49+s15+$0x0] =	vst.idx.msk $0xffff, v48  }
0x58: {  	v63 =	vadd.s32 v2, v63;
	v62 =	vld [tilespmem:s16+$0xFFFFFF90];
	[tilespmem:v51+s15+$0x0] =	vst.idx.msk $0xffff, v50  }
0x59: {  	v31 =	vadd.s32 v4, v31;
	[tilespmem:v55+s15+$0x0] =	vst.idx.msk $0xffff, v54;
	v58 =	vld [tilespmem:s16+$0xFFFFFFB0]  }
0x5a: {  	v24 =	vadd.s32 v6, v24;
	[tilespmem:v57+s15+$0x0] =	vst.idx.msk $0xffff, v56;
	v59 =	vld [tilespmem:s16+$0xFFFFFFD0]  }
0x5b: {  	v26 =	vadd.s32 v8, v26;
	[tilespmem:v52+s15+$0x0] =	vst.idx.msk $0xffff, v17;
	v17 =	vld [tilespmem:s16+$0xFFFFFFF0]  }
0x5c: {  	v18 =	vadd.s32 v12, v18;
	[tilespmem:v43+s15+$0x0] =	vst.idx.msk $0xffff, v42;
	v20 =	vld [tilespmem:s16+$0x30]  }
0x5d: {  	v19 =	vadd.s32 v14, v19;
	v22 =	vld [tilespmem:s16+$0x50];
	[tilespmem:v63+s15+$0x0] =	vst.idx.msk $0xffff, v62  }
0x5e: {  	v25 =	vadd.s32 v16, v25;
	v53 =	vld [tilespmem:s16+$0x70];
	[tilespmem:v31+s15+$0x0] =	vst.idx.msk $0xffff, v58  }
0x5f: {  	v61 =	vadd.s32 v10, v28;
	v60 =	vld [tilespmem:s16+$0x10];
	[tilespmem:v24+s15+$0x0] =	vst.idx.msk $0xffff, v59  }
0x60: {  	[tilespmem:v26+s15+$0x0] =	vst.idx.msk $0xffff, v17  }
0x61: {  	[tilespmem:v18+s15+$0x0] =	vst.idx.msk $0xffff, v20  }
0x62: {  	s17 =	sshll.u32 s11, $0xF;
	[tilespmem:v19+s15+$0x0] =	vst.idx.msk $0xffff, v22  }
0x63: {  	s13 =	rddreg [dreg:$0x1];
	s2 =	sor.u32 s6, s17;
	[tilespmem:v25+s15+$0x0] =	vst.idx.msk $0xffff, v53  }
0x64: {  	s13 =	sadd.s32 s13, s2;
	[tilespmem:v61+s15+$0x0] =	vst.idx.msk $0xffff, v60  }
0x65: {  	[hbm4b:s13+s3] =	stream.linear.scatter [tilespmem:s15], [sflag:$0x3], $0x80, $0x38;
	[tilespmem:$0xA600] =	vst v63  }
0x66: {  	s17 =	simm.s32 $0x8488;
	s18 =	sadd.s32 $0x10, s13  }
0x67: {  	[hbm4b:s18+s3] =	stream.linear.scatter [tilespmem:s17], [sflag:$0x3], $0x80, $0x38;
	[tilespmem:$0xA600] =	vst v63  }
0x68: {  	s17 =	sadd.s32 $0x20, s13;
	s18 =	simm.s32 $0x8510  }
0x69: {  	[hbm4b:s17+s3] =	stream.linear.scatter [tilespmem:s18], [sflag:$0x3], $0x80, $0x38;
	[tilespmem:$0xA600] =	vst v63  }
0x6a: {  	s17 =	sadd.s32 $0x30, s13;
	s18 =	simm.s32 $0x8598  }
0x6b: {  	[hbm4b:s17+s3] =	stream.linear.scatter [tilespmem:s18], [sflag:$0x3], $0x80, $0x38;
	[tilespmem:$0xA600] =	vst v63  }
0x6c: {  	s17 =	sadd.s32 $0x40, s13;
	s18 =	simm.s32 $0x8620  }
0x6d: {  	[hbm4b:s17+s3] =	stream.linear.scatter [tilespmem:s18], [sflag:$0x3], $0x80, $0x38;
	[tilespmem:$0xA600] =	vst v63  }
0x6e: {  	s17 =	sadd.s32 $0x50, s13;
	s18 =	simm.s32 $0x86A8  }
0x6f: {  	[hbm4b:s17+s3] =	stream.linear.scatter [tilespmem:s18], [sflag:$0x3], $0x80, $0x38;
	[tilespmem:$0xA600] =	vst v63  }
0x70: {  	s17 =	sadd.s32 $0x60, s13;
	s18 =	simm.s32 $0x8730  }
0x71: {  	[hbm4b:s17+s3] =	stream.linear.scatter [tilespmem:s18], [sflag:$0x3], $0x80, $0x38;
	[tilespmem:$0xA600] =	vst v63  }
0x72: {  	s17 =	sadd.s32 $0x70, s13;
	s18 =	simm.s32 $0x87B8  }
0x73: {  	[hbm4b:s17+s3] =	stream.linear.scatter [tilespmem:s18], [sflag:$0x3], $0x80, $0x38;
	[tilespmem:$0xA600] =	vst v63  }
0x74: {  	s17 =	sadd.s32 $0x1000, s13;
	s18 =	simm.s32 $0x8840  }
0x75: {  	[hbm4b:s17+s3] =	stream.linear.scatter [tilespmem:s18], [sflag:$0x3], $0x80, $0x38;
	[tilespmem:$0xA600] =	vst v63  }
0x76: {  	s17 =	sadd.s32 $0x1010, s13;
	s18 =	simm.s32 $0x88C8  }
0x77: {  	[hbm4b:s17+s3] =	stream.linear.scatter [tilespmem:s18], [sflag:$0x3], $0x80, $0x38;
	[tilespmem:$0xA600] =	vst v63  }
0x78: {  	s17 =	sadd.s32 $0x1020, s13;
	s18 =	simm.s32 $0x8950  }
0x79: {  	[hbm4b:s17+s3] =	stream.linear.scatter [tilespmem:s18], [sflag:$0x3], $0x80, $0x38;
	[tilespmem:$0xA600] =	vst v63  }
0x7a: {  	s17 =	sadd.s32 $0x1030, s13;
	s18 =	simm.s32 $0x89D8  }
0x7b: {  	[hbm4b:s17+s3] =	stream.linear.scatter [tilespmem:s18], [sflag:$0x3], $0x80, $0x38;
	[tilespmem:$0xA600] =	vst v63  }
0x7c: {  	s17 =	sadd.s32 $0x1040, s13;
	s18 =	simm.s32 $0x8A60  }
0x7d: {  	[hbm4b:s17+s3] =	stream.linear.scatter [tilespmem:s18], [sflag:$0x3], $0x80, $0x38;
	[tilespmem:$0xA600] =	vst v63  }
0x7e: {  	s17 =	sadd.s32 $0x1050, s13;
	s18 =	simm.s32 $0x8AE8  }
0x7f: {  	[hbm4b:s17+s3] =	stream.linear.scatter [tilespmem:s18], [sflag:$0x3], $0x80, $0x38;
	[tilespmem:$0xA600] =	vst v63  }
0x80: {  	s17 =	sadd.s32 $0x1060, s13;
	s18 =	simm.s32 $0x8B70  }
0x81: {  	[hbm4b:s17+s3] =	stream.linear.scatter [tilespmem:s18], [sflag:$0x3], $0x80, $0x38;
	[tilespmem:$0xA600] =	vst v63  }
0x82: {  	s17 =	sadd.s32 $0x1070, s13;
	s18 =	simm.s32 $0x8BF8  }
0x83: {  	[hbm4b:s17+s3] =	stream.linear.scatter [tilespmem:s18], [sflag:$0x3], $0x80, $0x38;
	[tilespmem:$0xA600] =	vst v63  }
0x84: {  	s17 =	sadd.s32 $0x2000, s13;
	s18 =	simm.s32 $0x8C80  }
0x85: {  	[hbm4b:s17+s3] =	stream.linear.scatter [tilespmem:s18], [sflag:$0x3], $0x80, $0x38;
	[tilespmem:$0xA600] =	vst v63  }
0x86: {  	s17 =	sadd.s32 $0x2010, s13;
	s18 =	simm.s32 $0x8D08  }
0x87: {  	[hbm4b:s17+s3] =	stream.linear.scatter [tilespmem:s18], [sflag:$0x3], $0x80, $0x38;
	[tilespmem:$0xA600] =	vst v63  }
0x88: {  	s17 =	sadd.s32 $0x2020, s13;
	s18 =	simm.s32 $0x8D90  }
0x89: {  	[hbm4b:s17+s3] =	stream.linear.scatter [tilespmem:s18], [sflag:$0x3], $0x80, $0x38;
	[tilespmem:$0xA600] =	vst v63  }
0x8a: {  	s17 =	sadd.s32 $0x2030, s13;
	s18 =	simm.s32 $0x8E18  }
0x8b: {  	[hbm4b:s17+s3] =	stream.linear.scatter [tilespmem:s18], [sflag:$0x3], $0x80, $0x38;
	[tilespmem:$0xA600] =	vst v63  }
0x8c: {  	s17 =	sadd.s32 $0x2040, s13;
	s18 =	simm.s32 $0x8EA0  }
0x8d: {  	[hbm4b:s17+s3] =	stream.linear.scatter [tilespmem:s18], [sflag:$0x3], $0x80, $0x38;
	[tilespmem:$0xA600] =	vst v63  }
0x8e: {  	s17 =	sadd.s32 $0x2050, s13;
	s18 =	simm.s32 $0x8F28  }
0x8f: {  	[hbm4b:s17+s3] =	stream.linear.scatter [tilespmem:s18], [sflag:$0x3], $0x80, $0x38;
	[tilespmem:$0xA600] =	vst v63  }
0x90: {  	s17 =	sadd.s32 $0x2060, s13;
	s18 =	simm.s32 $0x8FB0  }
0x91: {  	[hbm4b:s17+s3] =	stream.linear.scatter [tilespmem:s18], [sflag:$0x3], $0x80, $0x38;
	[tilespmem:$0xA600] =	vst v63  }
0x92: {  	s17 =	sadd.s32 $0x2070, s13;
	s18 =	simm.s32 $0x9038  }
0x93: {  	[hbm4b:s17+s3] =	stream.linear.scatter [tilespmem:s18], [sflag:$0x3], $0x80, $0x38;
	[tilespmem:$0xA600] =	vst v63  }
0x94: {  	s17 =	sadd.s32 $0x3000, s13;
	s18 =	simm.s32 $0x90C0  }
0x95: {  	[hbm4b:s17+s3] =	stream.linear.scatter [tilespmem:s18], [sflag:$0x3], $0x80, $0x38;
	[tilespmem:$0xA600] =	vst v63  }
0x96: {  	s17 =	sadd.s32 $0x3010, s13;
	s18 =	simm.s32 $0x9148  }
0x97: {  	[hbm4b:s17+s3] =	stream.linear.scatter [tilespmem:s18], [sflag:$0x3], $0x80, $0x38;
	[tilespmem:$0xA600] =	vst v63  }
0x98: {  	s17 =	sadd.s32 $0x3020, s13;
	s18 =	simm.s32 $0x91D0  }
0x99: {  	[hbm4b:s17+s3] =	stream.linear.scatter [tilespmem:s18], [sflag:$0x3], $0x80, $0x38;
	[tilespmem:$0xA600] =	vst v63  }
0x9a: {  	s17 =	sadd.s32 $0x3030, s13;
	s18 =	simm.s32 $0x9258  }
0x9b: {  	[hbm4b:s17+s3] =	stream.linear.scatter [tilespmem:s18], [sflag:$0x3], $0x80, $0x38;
	[tilespmem:$0xA600] =	vst v63  }
0x9c: {  	s17 =	sadd.s32 $0x3040, s13;
	s18 =	simm.s32 $0x92E0  }
0x9d: {  	[hbm4b:s17+s3] =	stream.linear.scatter [tilespmem:s18], [sflag:$0x3], $0x80, $0x38;
	[tilespmem:$0xA600] =	vst v63  }
0x9e: {  	p1 =	sne.s32 s11, $0x63;
	s17 =	sadd.s32 $0x3050, s13;
	s18 =	simm.s32 $0x9368  }
0x9f: {  	[hbm4b:s17+s3] =	stream.linear.scatter [tilespmem:s18], [sflag:$0x3], $0x80, $0x38;
	[tilespmem:$0xA600] =	vst v63  }
.Ltmp3:
0xa0: {  	_ = 	snop;
	(pc) =	sbr.rel @p1 .LBB2_6-.Ltmp3, $4  }
0xa1: {  	s17 =	sadd.s32 $0x3060, s13;
	s18 =	simm.s32 $0x93F0  }
0xa2: {  	[hbm4b:s17+s3] =	stream.linear.scatter [tilespmem:s18], [sflag:$0x3], $0x80, $0x38;
	[tilespmem:$0xA600] =	vst v63  }
0xa3: {  	s13 =	sadd.s32 $0x3070, s13;
	s18 =	simm.s32 $0x9478  }
0xa4: {  	[hbm4b:s13+s3] =	stream.linear.scatter [tilespmem:s18], [sflag:$0x3], $0x80, $0x38;
	[tilespmem:$0xA600] =	vst v63  }
.Ltmp4:
0xa5: {  	(pc) =	sbr.rel .LBB2_7-.Ltmp4, $4  }
0xa6: {  	_ = 	snop  }
0xa7: {  	_ =	swait.ge [sflag:s23], $0x1000  }
0xa8: {  	[sflag:s23] =	ssyncset.done $0x0  }
0xa9: {  	[sflag:s23] =	ssyncadd.s32 $0xFFFFF000  }
.LBB2_6:
0xaa: {  	s13 =	sshrl.u32 s12, $0x2  }
.Ltmp5:
0xab: {  	s16 =	simm.s32 $0x6400;
	s13 =	sadd.s32 $0x100, s13;
	(pc) =	sbr.rel @p0 .LBB2_8-.Ltmp5, $4  }
0xac: {  	[tilespmem:s16], [sflag:$0x1] =	stream.indirect.gather [hbm4b:s4+s9], $0x20, s13, s9, $0xb8;
	[tilespmem:$0xA600] =	vst v63  }
0xad: {  	_ =	swait.ge [sflag:s23], $0x1000  }
0xae: {  	[sflag:s23] =	ssyncset.done $0x0  }
0xaf: {  	[sflag:s23] =	ssyncadd.s32 $0xFFFFF000  }
.LBB2_7:
0xb0: {  	_ =	swait.ge [sflag:s24], $0x1000  }
0xb1: {  	[sflag:s24] =	ssyncset.done $0x0  }
0xb2: {  	[sflag:s24] =	ssyncadd.s32 $0xFFFFF000  }
.LBB2_8:
0xb3: {  	s13 =	simm.s32 $0x0  }
0xb4: {  	s17 =	simm.s32 $0x1;
	s16 =	simm.s32 $0x2;
	s18 =	simm.s32 $0x3;
	v17 =	vmov s13  }
0xb5: {  	v18 =	vmov s17;
	v19 =	vmov s16;
	s16 =	simm.s32 $0x4;
	s17 =	simm.s32 $0x7;
	v20 =	vmov s18  }
0xb6: {  	s18 =	simm.s32 $0x5;
	v17 =	vshrl.u32 v17, $0x3;
	v21 =	vmov s16;
	v22 =	vmov s17  }
0xb7: {  	v23 =	vmov s18;
	v18 =	vshrl.u32 v18, $0x3;
	v22 =	vshrl.u32 v22, $0x3  }
0xb8: {  	v19 =	vshrl.u32 v19, $0x3;
	v20 =	vshrl.u32 v20, $0x3;
	v22 =	vshll.u32 v22, v1  }
0xb9: {  	s16 =	simm.s32 $0x6;
	v17 =	vshll.u32 v17, v1;
	v18 =	vshll.u32 v18, v1;
	v25 =	vbroadcast v22, $0x0  }
0xba: {  	s13 =	simm.s32 $0x74F0;
	v24 =	vmov s16;
	v17 =	vbroadcast v17, $0x0;
	v30 =	vbroadcast v18, $0x0  }
0xbb: {  	v18 =	vshll.u32 v19, v1;
	v19 =	vld [tilespmem:s13+$0xFFFFFFF0];
	v22 =	vshrl.u32 v21, $0x3;
	v26 =	vadd.s32 v15, v25  }
0xbc: {  	v27 =	vld [tilespmem:s13+$0xFFFFFF10];
	v37 =	vbroadcast v18, $0x0;
	v18 =	vshll.u32 v20, v1;
	v28 =	vadd.s32 v0, v17  }
0xbd: {  	v29 =	vld [tilespmem:s13+$0xFFFFFF30];
	v31 =	vadd.s32 v3, v30;
	v21 =	vbroadcast v18, $0x0;
	v18 =	vshll.u32 v22, v1  }
0xbe: {  	v32 =	vld [tilespmem:s13+$0xFFFFFF50];
	v33 =	vadd.s32 v5, v37;
	v20 =	vbroadcast v18, $0x0;
	v18 =	vshrl.u32 v23, $0x3  }
0xbf: {  	v34 =	vld [tilespmem:s13+$0xFFFFFF70];
	v23 =	vshrl.u32 v24, $0x3;
	v39 =	vadd.s32 v7, v21;
	v18 =	vshll.u32 v18, v1  }
0xc0: {  	v40 =	vld [tilespmem:s13+$0xFFFFFF90];
	v41 =	vadd.s32 v9, v20;
	v22 =	vbroadcast v18, $0x0;
	v18 =	vshll.u32 v23, v1;
	[tilespmem:v26+s25+$0x0] =	vst.idx.msk $0xffff, v19  }
0xc1: {  	s18 =	simm.s32 $0x9;
	v36 =	vadd.s32 v4, v30;
	v25 =	vadd.s32 v16, v25;
	v23 =	vbroadcast v18, $0x0;
	[tilespmem:v28+s25+$0x0] =	vst.idx.msk $0xffff, v27;
	v24 =	vld [tilespmem:s13+$0x0]  }
0xc2: {  	s17 =	simm.s32 $0x8;
	v35 =	vmov s18;
	s18 =	simm.s32 $0xB;
	v37 =	vadd.s32 v6, v37;
	[tilespmem:v31+s25+$0x0] =	vst.idx.msk $0xffff, v29;
	v27 =	vadd.s32 v11, v22;
	v26 =	vld [tilespmem:s13+$0xFFFFFFB0]  }
0xc3: {  	v28 =	vmov s18;
	s18 =	simm.s32 $0xD;
	v29 =	vld [tilespmem:s13+$0xFFFFFFD0];
	v19 =	vmov s17;
	s17 =	simm.s32 $0xA;
	[tilespmem:v33+s25+$0x0] =	vst.idx.msk $0xffff, v32;
	v31 =	vadd.s32 v13, v23  }
0xc4: {  	v18 =	vmov s18;
	s18 =	simm.s32 $0xE;
	v33 =	vld [tilespmem:s13+$0xFFFFFF40];
	v19 =	vshrl.u32 v19, $0x3;
	v38 =	vmov s17;
	s17 =	simm.s32 $0xC;
	[tilespmem:v39+s25+$0x0] =	vst.idx.msk $0xffff, v34  }
0xc5: {  	s16 =	simm.s32 $0x10;
	v34 =	vld [tilespmem:s13+$0xFFFFFF60];
	v32 =	vmov s17;
	v30 =	vshll.u32 v19, v1;
	v19 =	vmov s18;
	s17 =	simm.s32 $0xF;
	[tilespmem:v41+s25+$0x0] =	vst.idx.msk $0xffff, v40  }
.LBB2_9:
0xc6: {  	p0 =	slt.u32 s16, $0x78;
	v35 =	vshrl.u32 v35, $0x3;
	v39 =	vmov s17;
	v40 =	vld [tilespmem:s13+$0xFFFFFF80];
	v21 =	vadd.s32 v8, v21;
	[tilespmem:v25+s25+$0x0] =	vst.idx.msk $0xffff, v24  }
0xc7: {  	v24 =	vshrl.u32 v38, $0x3;
	v20 =	vadd.s32 v10, v20;
	v25 =	vshrl.u32 v39, $0x3;
	v38 =	vld [tilespmem:s13+$0xFFFFFFA0];
	[tilespmem:v27+s25+$0x0] =	vst.idx.msk $0xffff, v26  }
0xc8: {  	v22 =	vadd.s32 v12, v22;
	v26 =	vshrl.u32 v28, $0x3;
	v25 =	vshll.u32 v25, v1;
	v27 =	vld [tilespmem:s13+$0xFFFFFFC0];
	[tilespmem:v31+s25+$0x0] =	vst.idx.msk $0xffff, v29  }
0xc9: {  	v23 =	vadd.s32 v14, v23;
	v28 =	vshrl.u32 v32, $0x3;
	v25 =	vbroadcast v25, $0x0;
	[tilespmem:v36+s25+$0x0] =	vst.idx.msk $0xffff, v33;
	v29 =	vld [tilespmem:s13+$0xFFFFFFE0]  }
0xca: {  	v31 =	vshll.u32 v35, v1;
	v33 =	vadd.s32 v2, v17;
	v17 =	vbroadcast v30, $0x0;
	v32 =	vld [tilespmem:s13+$0xFFFFFF20];
	[tilespmem:v37+s25+$0x0] =	vst.idx.msk $0xffff, v34;
	s13 =	sadd.s32 $0x100, s13  }
0xcb: {  	v24 =	vshll.u32 v24, v1;
	v30 =	vbroadcast v31, $0x0;
	v31 =	vld [tilespmem:s13+$0xFFFFFFF0];
	v34 =	vadd.s32 v15, v25;
	[tilespmem:v21+s25+$0x0] =	vst.idx.msk $0xffff, v40  }
0xcc: {  	v37 =	vbroadcast v24, $0x0;
	v36 =	vadd.s32 v0, v17;
	v21 =	vshll.u32 v26, v1;
	v35 =	vld [tilespmem:s13+$0xFFFFFF10];
	[tilespmem:v20+s25+$0x0] =	vst.idx.msk $0xffff, v38  }
0xcd: {  	v38 =	vadd.s32 v3, v30;
	v21 =	vbroadcast v21, $0x0;
	v20 =	vshll.u32 v28, v1;
	v26 =	vld [tilespmem:s13+$0xFFFFFF30];
	[tilespmem:v22+s25+$0x0] =	vst.idx.msk $0xffff, v27  }
0xce: {  	v18 =	vshrl.u32 v18, $0x3;
	v40 =	vadd.s32 v5, v37;
	v20 =	vbroadcast v20, $0x0;
	v39 =	vld [tilespmem:s13+$0xFFFFFF50];
	[tilespmem:v23+s25+$0x0] =	vst.idx.msk $0xffff, v29  }
0xcf: {  	v19 =	vshrl.u32 v19, $0x3;
	v18 =	vshll.u32 v18, v1;
	v42 =	vadd.s32 v7, v21;
	v41 =	vld [tilespmem:s13+$0xFFFFFF70];
	[tilespmem:v33+s25+$0x0] =	vst.idx.msk $0xffff, v32  }
0xd0: {  	v22 =	vbroadcast v18, $0x0;
	v18 =	vshll.u32 v19, v1;
	v44 =	vadd.s32 v9, v20;
	v43 =	vld [tilespmem:s13+$0xFFFFFF90];
	[tilespmem:v34+s25+$0x0] =	vst.idx.msk $0xffff, v31  }
.Ltmp6:
0xd1: {  	s17 =	sadd.s32 $0x1, s16;
	v25 =	vadd.s32 v16, v25;
	v19 =	vmov s16;
	v23 =	vbroadcast v18, $0x0;
	[tilespmem:v36+s25+$0x0] =	vst.idx.msk $0xffff, v35;
	v24 =	vld [tilespmem:s13+$0x0];
	(pc) =	sbr.rel @p0 .LBB2_9-.Ltmp6, $4  }
0xd2: {  	s18 =	sadd.s32 $0x3, s16;
	v19 =	vshrl.u32 v19, $0x3;
	v27 =	vadd.s32 v11, v22;
	v35 =	vmov s17;
	s17 =	sadd.s32 $0x2, s16;
	[tilespmem:v38+s25+$0x0] =	vst.idx.msk $0xffff, v26;
	v26 =	vld [tilespmem:s13+$0xFFFFFFB0]  }
0xd3: {  	v28 =	vmov s18;
	s18 =	sadd.s32 $0x5, s16;
	v31 =	vadd.s32 v13, v23;
	v38 =	vmov s17;
	s17 =	sadd.s32 $0x4, s16;
	[tilespmem:v40+s25+$0x0] =	vst.idx.msk $0xffff, v39;
	v29 =	vld [tilespmem:s13+$0xFFFFFFD0]  }
0xd4: {  	v18 =	vmov s18;
	v36 =	vadd.s32 v4, v30;
	v32 =	vmov s17;
	s17 =	sadd.s32 $0x6, s16;
	v33 =	vld [tilespmem:s13+$0xFFFFFF40];
	[tilespmem:v42+s25+$0x0] =	vst.idx.msk $0xffff, v41  }
0xd5: {  	v37 =	vadd.s32 v6, v37;
	v30 =	vshll.u32 v19, v1;
	v19 =	vmov s17;
	s17 =	sadd.s32 $0x7, s16;
	s16 =	sadd.s32 $0x8, s16;
	v34 =	vld [tilespmem:s13+$0xFFFFFF60];
	[tilespmem:v44+s25+$0x0] =	vst.idx.msk $0xffff, v43  }
0xd6: {  	_ =	sdelay $0x2  }
0xd7: {  	v39 =	vmov s17;
	v35 =	vshrl.u32 v35, $0x3  }
0xd8: {  	v40 =	vld [tilespmem:s13+$0xFFFFFF80];
	v21 =	vadd.s32 v8, v21;
	[tilespmem:v25+s25+$0x0] =	vst.idx.msk $0xffff, v24;
	v59 =	vshrl.u32 v38, $0x3;
	v20 =	vadd.s32 v10, v20  }
0xd9: {  	v61 =	vld [tilespmem:s13+$0xFFFFFFA0];
	v62 =	vshrl.u32 v28, $0x3;
	v22 =	vadd.s32 v12, v22;
	v63 =	vshrl.u32 v32, $0x3;
	[tilespmem:v27+s25+$0x0] =	vst.idx.msk $0xffff, v26  }
0xda: {  	v23 =	vadd.s32 v14, v23;
	v30 =	vbroadcast v30, $0x0;
	v41 =	vld [tilespmem:s13+$0xFFFFFF20];
	v17 =	vadd.s32 v2, v17;
	[tilespmem:v31+s25+$0x0] =	vst.idx.msk $0xffff, v29  }
0xdb: {  	s17 =	sadd.s32 $0x100, s13;
	v18 =	vshrl.u32 v18, $0x3;
	v60 =	vshrl.u32 v39, $0x3;
	v39 =	vshll.u32 v35, v1;
	v27 =	vld [tilespmem:s13+$0xFFFFFFC0];
	[tilespmem:v36+s25+$0x0] =	vst.idx.msk $0xffff, v33  }
0xdc: {  	v24 =	vshll.u32 v59, v1;
	v44 =	vld [tilespmem:s17+$0xFFFFFF10];
	v31 =	vbroadcast v39, $0x0;
	v45 =	vadd.s32 v0, v30;
	[tilespmem:v37+s25+$0x0] =	vst.idx.msk $0xffff, v34  }
0xdd: {  	v19 =	vshrl.u32 v19, $0x3;
	v26 =	vshll.u32 v62, v1;
	v24 =	vbroadcast v24, $0x0;
	v29 =	vld [tilespmem:s13+$0xFFFFFFE0];
	[tilespmem:v21+s25+$0x0] =	vst.idx.msk $0xffff, v40  }
0xde: {  	v46 =	vld [tilespmem:s17+$0xFFFFFF30];
	v18 =	vshll.u32 v18, v1;
	v26 =	vbroadcast v26, $0x0;
	v47 =	vadd.s32 v3, v31;
	[tilespmem:v20+s25+$0x0] =	vst.idx.msk $0xffff, v61  }
0xdf: {  	v48 =	vld [tilespmem:s17+$0xFFFFFF50];
	v19 =	vshll.u32 v19, v1;
	v18 =	vbroadcast v18, $0x0;
	v49 =	vadd.s32 v5, v24;
	[tilespmem:v17+s25+$0x0] =	vst.idx.msk $0xffff, v41  }
0xe0: {  	v28 =	vshll.u32 v63, v1;
	v50 =	vld [tilespmem:s17+$0xFFFFFF70];
	v19 =	vbroadcast v19, $0x0;
	v51 =	vadd.s32 v7, v26;
	[tilespmem:v22+s25+$0x0] =	vst.idx.msk $0xffff, v27  }
0xe1: {  	v54 =	vld [tilespmem:s17+$0xFFFFFFB0];
	v25 =	vshll.u32 v60, v1;
	v28 =	vbroadcast v28, $0x0;
	v55 =	vadd.s32 v11, v18;
	[tilespmem:v45+s25+$0x0] =	vst.idx.msk $0xffff, v44  }
0xe2: {  	v56 =	vld [tilespmem:s17+$0xFFFFFFD0];
	v25 =	vbroadcast v25, $0x0;
	v57 =	vadd.s32 v13, v19;
	[tilespmem:v23+s25+$0x0] =	vst.idx.msk $0xffff, v29  }
0xe3: {  	v52 =	vadd.s32 v9, v28;
	v17 =	vld [tilespmem:s17+$0xFFFFFF90];
	[tilespmem:v47+s25+$0x0] =	vst.idx.msk $0xffff, v46  }
0xe4: {  	v42 =	vld [tilespmem:s17+$0xFFFFFFF0];
	v43 =	vadd.s32 v15, v25;
	[tilespmem:v49+s25+$0x0] =	vst.idx.msk $0xffff, v48  }
0xe5: {  	v63 =	vadd.s32 v2, v30;
	v62 =	vld [tilespmem:s17+$0xFFFFFF20];
	[tilespmem:v51+s25+$0x0] =	vst.idx.msk $0xffff, v50  }
0xe6: {  	v31 =	vadd.s32 v4, v31;
	[tilespmem:v55+s25+$0x0] =	vst.idx.msk $0xffff, v54;
	v58 =	vld [tilespmem:s17+$0xFFFFFF40]  }
0xe7: {  	v24 =	vadd.s32 v6, v24;
	[tilespmem:v57+s25+$0x0] =	vst.idx.msk $0xffff, v56;
	v59 =	vld [tilespmem:s17+$0xFFFFFF60]  }
0xe8: {  	v26 =	vadd.s32 v8, v26;
	[tilespmem:v52+s25+$0x0] =	vst.idx.msk $0xffff, v17;
	v17 =	vld [tilespmem:s17+$0xFFFFFF80]  }
0xe9: {  	v18 =	vadd.s32 v12, v18;
	[tilespmem:v43+s25+$0x0] =	vst.idx.msk $0xffff, v42;
	v20 =	vld [tilespmem:s17+$0xFFFFFFC0]  }
0xea: {  	v19 =	vadd.s32 v14, v19;
	v22 =	vld [tilespmem:s17+$0xFFFFFFE0];
	[tilespmem:v63+s25+$0x0] =	vst.idx.msk $0xffff, v62  }
0xeb: {  	v25 =	vadd.s32 v16, v25;
	v53 =	vld [tilespmem:s17+$0x0];
	[tilespmem:v31+s25+$0x0] =	vst.idx.msk $0xffff, v58  }
0xec: {  	v61 =	vadd.s32 v10, v28;
	v60 =	vld [tilespmem:s17+$0xFFFFFFA0];
	[tilespmem:v24+s25+$0x0] =	vst.idx.msk $0xffff, v59  }
0xed: {  	[tilespmem:v26+s25+$0x0] =	vst.idx.msk $0xffff, v17  }
0xee: {  	[tilespmem:v18+s25+$0x0] =	vst.idx.msk $0xffff, v20  }
0xef: {  	[tilespmem:v19+s25+$0x0] =	vst.idx.msk $0xffff, v22  }
0xf0: {  	[tilespmem:v25+s25+$0x0] =	vst.idx.msk $0xffff, v53  }
0xf1: {  	s2 =	sadd.s32 s2, s7;
	[tilespmem:v61+s25+$0x0] =	vst.idx.msk $0xffff, v60  }
0xf2: {  	[hbm4b:s2+s3] =	stream.linear.scatter [tilespmem:s25], [sflag:$0x4], $0x80, $0x38;
	[tilespmem:$0xA600] =	vst v63  }
0xf3: {  	s16 =	simm.s32 $0x9588;
	s18 =	sadd.s32 $0x10, s2  }
0xf4: {  	[hbm4b:s18+s3] =	stream.linear.scatter [tilespmem:s16], [sflag:$0x4], $0x80, $0x38;
	[tilespmem:$0xA600] =	vst v63  }
0xf5: {  	s17 =	sadd.s32 $0x20, s2;
	s18 =	simm.s32 $0x9610  }
0xf6: {  	[hbm4b:s17+s3] =	stream.linear.scatter [tilespmem:s18], [sflag:$0x4], $0x80, $0x38;
	[tilespmem:$0xA600] =	vst v63  }
0xf7: {  	s17 =	sadd.s32 $0x30, s2;
	s18 =	simm.s32 $0x9698  }
0xf8: {  	[hbm4b:s17+s3] =	stream.linear.scatter [tilespmem:s18], [sflag:$0x4], $0x80, $0x38;
	[tilespmem:$0xA600] =	vst v63  }
0xf9: {  	s17 =	sadd.s32 $0x40, s2;
	s18 =	simm.s32 $0x9720  }
0xfa: {  	[hbm4b:s17+s3] =	stream.linear.scatter [tilespmem:s18], [sflag:$0x4], $0x80, $0x38;
	[tilespmem:$0xA600] =	vst v63  }
0xfb: {  	s17 =	sadd.s32 $0x50, s2;
	s18 =	simm.s32 $0x97A8  }
0xfc: {  	[hbm4b:s17+s3] =	stream.linear.scatter [tilespmem:s18], [sflag:$0x4], $0x80, $0x38;
	[tilespmem:$0xA600] =	vst v63  }
0xfd: {  	s17 =	sadd.s32 $0x60, s2;
	s18 =	simm.s32 $0x9830  }
0xfe: {  	[hbm4b:s17+s3] =	stream.linear.scatter [tilespmem:s18], [sflag:$0x4], $0x80, $0x38;
	[tilespmem:$0xA600] =	vst v63  }
0xff: {  	s17 =	sadd.s32 $0x70, s2;
	s18 =	simm.s32 $0x98B8  }
0x100: {  	[hbm4b:s17+s3] =	stream.linear.scatter [tilespmem:s18], [sflag:$0x4], $0x80, $0x38;
	[tilespmem:$0xA600] =	vst v63  }
0x101: {  	s17 =	sadd.s32 $0x1000, s2;
	s18 =	simm.s32 $0x9940  }
0x102: {  	[hbm4b:s17+s3] =	stream.linear.scatter [tilespmem:s18], [sflag:$0x4], $0x80, $0x38;
	[tilespmem:$0xA600] =	vst v63  }
0x103: {  	s17 =	sadd.s32 $0x1010, s2;
	s18 =	simm.s32 $0x99C8  }
0x104: {  	[hbm4b:s17+s3] =	stream.linear.scatter [tilespmem:s18], [sflag:$0x4], $0x80, $0x38;
	[tilespmem:$0xA600] =	vst v63  }
0x105: {  	s17 =	sadd.s32 $0x1020, s2;
	s18 =	simm.s32 $0x9A50  }
0x106: {  	[hbm4b:s17+s3] =	stream.linear.scatter [tilespmem:s18], [sflag:$0x4], $0x80, $0x38;
	[tilespmem:$0xA600] =	vst v63  }
0x107: {  	s17 =	sadd.s32 $0x1030, s2;
	s18 =	simm.s32 $0x9AD8  }
0x108: {  	[hbm4b:s17+s3] =	stream.linear.scatter [tilespmem:s18], [sflag:$0x4], $0x80, $0x38;
	[tilespmem:$0xA600] =	vst v63  }
0x109: {  	s17 =	sadd.s32 $0x1040, s2;
	s18 =	simm.s32 $0x9B60  }
0x10a: {  	[hbm4b:s17+s3] =	stream.linear.scatter [tilespmem:s18], [sflag:$0x4], $0x80, $0x38;
	[tilespmem:$0xA600] =	vst v63  }
0x10b: {  	s17 =	sadd.s32 $0x1050, s2;
	s18 =	simm.s32 $0x9BE8  }
0x10c: {  	[hbm4b:s17+s3] =	stream.linear.scatter [tilespmem:s18], [sflag:$0x4], $0x80, $0x38;
	[tilespmem:$0xA600] =	vst v63  }
0x10d: {  	s17 =	sadd.s32 $0x1060, s2;
	s18 =	simm.s32 $0x9C70  }
0x10e: {  	[hbm4b:s17+s3] =	stream.linear.scatter [tilespmem:s18], [sflag:$0x4], $0x80, $0x38;
	[tilespmem:$0xA600] =	vst v63  }
0x10f: {  	s17 =	sadd.s32 $0x1070, s2;
	s18 =	simm.s32 $0x9CF8  }
0x110: {  	[hbm4b:s17+s3] =	stream.linear.scatter [tilespmem:s18], [sflag:$0x4], $0x80, $0x38;
	[tilespmem:$0xA600] =	vst v63  }
0x111: {  	s17 =	sadd.s32 $0x2000, s2;
	s18 =	simm.s32 $0x9D80  }
0x112: {  	[hbm4b:s17+s3] =	stream.linear.scatter [tilespmem:s18], [sflag:$0x4], $0x80, $0x38;
	[tilespmem:$0xA600] =	vst v63  }
0x113: {  	s16 =	sadd.s32 $0x2010, s2;
	s17 =	simm.s32 $0x9E08  }
0x114: {  	[hbm4b:s16+s3] =	stream.linear.scatter [tilespmem:s17], [sflag:$0x4], $0x80, $0x38;
	[tilespmem:$0xA600] =	vst v63  }
0x115: {  	s18 =	sadd.s32 $0x2020, s2  }
0x116: {  	[hbm4b:s18+s3] =	stream.linear.scatter [tilespmem:s19], [sflag:$0x4], $0x80, $0x38;
	[tilespmem:$0xA600] =	vst v63  }
0x117: {  	s16 =	sadd.s32 $0x2030, s2  }
0x118: {  	[hbm4b:s16+s3] =	stream.linear.scatter [tilespmem:s20], [sflag:$0x4], $0x80, $0x38;
	[tilespmem:$0xA600] =	vst v63  }
0x119: {  	s17 =	sadd.s32 $0x2040, s2  }
0x11a: {  	[hbm4b:s17+s3] =	stream.linear.scatter [tilespmem:s21], [sflag:$0x4], $0x80, $0x38;
	[tilespmem:$0xA600] =	vst v63  }
0x11b: {  	s18 =	sadd.s32 $0x2050, s2  }
0x11c: {  	[hbm4b:s18+s3] =	stream.linear.scatter [tilespmem:s22], [sflag:$0x4], $0x80, $0x38;
	[tilespmem:$0xA600] =	vst v63  }
0x11d: {  	s16 =	sadd.s32 $0x2060, s2  }
0x11e: {  	[hbm4b:s16+s3] =	stream.linear.scatter [tilespmem:s26], [sflag:$0x4], $0x80, $0x38;
	[tilespmem:$0xA600] =	vst v63  }
0x11f: {  	s17 =	sadd.s32 $0x2070, s2  }
0x120: {  	[hbm4b:s17+s3] =	stream.linear.scatter [tilespmem:s28], [sflag:$0x4], $0x80, $0x38;
	[tilespmem:$0xA600] =	vst v63  }
0x121: {  	s18 =	sadd.s32 $0x3000, s2  }
0x122: {  	[hbm4b:s18+s3] =	stream.linear.scatter [tilespmem:s29], [sflag:$0x4], $0x80, $0x38;
	[tilespmem:$0xA600] =	vst v63  }
0x123: {  	s16 =	sadd.s32 $0x3010, s2  }
0x124: {  	[hbm4b:s16+s3] =	stream.linear.scatter [tilespmem:s30], [sflag:$0x4], $0x80, $0x38;
	[tilespmem:$0xA600] =	vst v63  }
0x125: {  	s17 =	sadd.s32 $0x3020, s2  }
0x126: {  	[hbm4b:s17+s3] =	stream.linear.scatter [tilespmem:s31], [sflag:$0x4], $0x80, $0x38;
	[tilespmem:$0xA600] =	vst v63  }
0x127: {  	s18 =	sadd.s32 $0x3030, s2  }
0x128: {  	[hbm4b:s18+s3] =	stream.linear.scatter [tilespmem:s0], [sflag:$0x4], $0x80, $0x38;
	[tilespmem:$0xA600] =	vst v63  }
0x129: {  	s16 =	sadd.s32 $0x3040, s2  }
0x12a: {  	[hbm4b:s16+s3] =	stream.linear.scatter [tilespmem:s1], [sflag:$0x4], $0x80, $0x38;
	[tilespmem:$0xA600] =	vst v63  }
0x12b: {  	p0 =	seq.s32 s11, $0x63;
	s17 =	sadd.s32 $0x3050, s2  }
0x12c: {  	[hbm4b:s17+s3] =	stream.linear.scatter [tilespmem:s10], [sflag:$0x4], $0x80, $0x38;
	[tilespmem:$0xA600] =	vst v63  }
.Ltmp7:
0x12d: {  	_ = 	snop;
	(pc) =	sbr.rel @p0 .LBB2_12-.Ltmp7, $4  }
0x12e: {  	s18 =	sadd.s32 $0x3060, s2  }
0x12f: {  	[hbm4b:s18+s3] =	stream.linear.scatter [tilespmem:s5], [sflag:$0x4], $0x80, $0x38;
	[tilespmem:$0xA600] =	vst v63  }
0x130: {  	s2 =	sadd.s32 $0x3070, s2  }
0x131: {  	[hbm4b:s2+s3] =	stream.linear.scatter [tilespmem:s8], [sflag:$0x4], $0x80, $0x38;
	[tilespmem:$0xA600] =	vst v63  }
.Ltmp8:
0x132: {  	(pc) =	sbr.rel .LBB2_2-.Ltmp8, $4  }
0x133: {  	_ = 	snop  }
0x134: {  	s2 =	sshrl.u32 s12, $0x2  }
0x135: {  	s18 =	simm.s32 $0x7400;
	s11 =	sadd.s32 $0x1, s11;
	s2 =	sadd.s32 $0x180, s2  }
0x136: {  	[tilespmem:s18], [sflag:$0x2] =	stream.indirect.gather [hbm4b:s4+s9], $0x20, s2, s9, $0xb8;
	[tilespmem:$0xA600] =	vst v63  }
.LBB2_13:
0x137: {  	_ =	sfence.sel $0x180000  }
0x138: {  	[bflag:$0x0] =	sbarrier.arrive $0xFFFF  }
0x139: {  	_ =	strace $0x9000004A  }
0x13a: {  	s0 =	stileid.u32;
	[bflag:$0x2] =	sbarrier.arrive $0xFFFF  }
0x13b: {  	p0 =	sne.s32 s0, $0x0;
	s0 =	rddreg [dreg:$0x2]  }
0x13c: {  	s0 =	sadd.s32 @!p0 $0x100000, s0  }
0x13d: {  	[sflag:s0] =	ssyncadd.tile.s32 @!p0 $0x1;
	_ =	shalt  }
.Lfunc_end2:
_tile_overlayer_lowered:
.L_overlay_start_2:
0x13e: {  	(tag) =	ssettag $0x2  }
0x13f: {  	s0 =	rddreg [dreg:$0x0];
	s2 =	stileid.u32  }
0x140: {  	s1 =	rddreg [dreg:$0x1];
	p0 =	sne.s32 s2, $0x0  }
0x141: {  	s3 =	rddreg [dreg:$0x2];
	[bflag:$0x3] =	sbarrier.arrive $0xFFFF;
	s2 =	simm.s32 @!p0 $0x1C05  }
0x142: {  	[timem:s3], [sflag:s2] =	dma.local @!p0 [hbm:s0], s1  }
0x143: {  	s0 =	simm.s32 @!p0 $0x5  }
0x144: {  	_ =	swait.ge @!p0 [sflag:s0], s1  }
0x145: {  	s1 =	ssub.s32 @!p0 $0x0, s1;
	[sflag:s0] =	ssyncset.done @!p0 $0x0  }
0x146: {  	[sflag:s0] =	ssyncadd.s32 @!p0 s1  }
0x147: {  	[bflag:$0x3] =	sbarrier.arrive $0xFFFF  }
0x148: {  	_ =	shalt  }

</sc_bundles>
